<compile_context>
chip_gen: v7x
topology: tpu7x:2x2x1
jax: 0.10.2.dev20260603
libtpu: 0.0.44.dev20260713+nightly
codegen_flags: <defaults>
</compile_context>

<pallas_src>
import functools

import jax
import jax.numpy as jnp
from jax import lax
from jax.experimental import pallas as pl
from jax.experimental.pallas import tpu as pltpu
from jax.experimental.pallas import tpu_sc as plsc

_E = 800000
_C_IN = 16
_C_HID = 64
_NW = 32
_CHUNK = 800
_GSLICE = 128
_NR = _CHUNK // _GSLICE
_NSTEP = 32
_PER_W = _CHUNK * _NSTEP
_E_PAD = _PER_W * _NW


def _gather_body(nf_hbm, src_hbm, dst_hbm, out_hbm,
                 sidx0, sidx1, didx0, didx1, srows0, srows1, drows0, drows1,
                 tbuf0, tbuf1, shared_nf, si0, si1, sg0, sg1, sw0, sw1,
                 *, h, nstep, e_span):
    SIDX, DIDX = [sidx0, sidx1], [didx0, didx1]
    SROWS, DROWS = [srows0, srows1], [drows0, drows1]
    TBUF, SI, SG, SW = [tbuf0, tbuf1], [si0, si1], [sg0, sg1], [sw0, sw1]

    per_w = _CHUNK * nstep
    wid = lax.axis_index("s") * 2 + lax.axis_index("c")
    base = wid * per_w
    feat16 = jnp.arange(_C_IN, dtype=jnp.int32)
    half = nstep // 2

    def issue_idx(c, b):
        off = h * e_span + base + c * _CHUNK
        pltpu.async_copy(src_hbm.at[pl.ds(off, _CHUNK)], SIDX[b], SI[b])
        pltpu.async_copy(dst_hbm.at[pl.ds(off, _CHUNK)], DIDX[b], SI[b])

    def wait_idx(b):
        pltpu.make_async_copy(src_hbm.at[pl.ds(0, _CHUNK)], SIDX[b], SI[b]).wait()
        pltpu.make_async_copy(dst_hbm.at[pl.ds(0, _CHUNK)], DIDX[b], SI[b]).wait()

    def issue_gather(b):
        pltpu.async_copy(shared_nf.at[SIDX[b]], SROWS[b], SG[b])
        pltpu.async_copy(shared_nf.at[DIDX[b]], DROWS[b], SG[b])

    def wait_gather(b):
        pltpu.make_async_copy(nf_hbm.at[pl.ds(0, _CHUNK)], SROWS[b], SG[b]).wait()
        pltpu.make_async_copy(nf_hbm.at[pl.ds(0, _CHUNK)], DROWS[b], SG[b]).wait()

    def compute(b):
        @plsc.parallel_loop(0, _CHUNK, 1, unroll=8)
        def _(i):
            s = SROWS[b][i] + DROWS[b][i]
            plsc.store_scatter(TBUF[b], [feat16, jnp.full((_C_IN,), i, jnp.int32)], s)

    def issue_write(c, b):
        off = base + c * _CHUNK
        pltpu.async_copy(TBUF[b],
                         out_hbm.at[:, pl.ds(off, _CHUNK)], SW[b])

    def wait_write(b):
        pltpu.make_async_copy(TBUF[b],
                              out_hbm.at[:, pl.ds(0, _CHUNK)], SW[b]).wait()

    @pl.when(lax.axis_index("s") == 0)
    def _():
        pltpu.sync_copy(nf_hbm, shared_nf)
    plsc.subcore_barrier()

    issue_idx(0, 0)
    wait_idx(0)
    issue_gather(0)
    issue_idx(1, 1)

    def iter_g(g, carry):
        for b in (0, 1):
            c = 2 * g + b
            nb = 1 - b

            def stage_next():
                wait_idx(nb)
                issue_gather(nb)
            if b == 0:
                stage_next()
            else:
                pl.when(g < half - 1)(stage_next)

            wait_gather(b)
            pl.when(g >= 1)(lambda: wait_write(b))
            compute(b)
            issue_write(c, b)
            pl.when(g < half - 1)(lambda: issue_idx(c + 2, b))
        return carry

    lax.fori_loop(0, half, iter_g, 0)
    wait_write(0)
    wait_write(1)


def _sc_gather(node_features, src1d, dst1d, h, nsplit):
    e_span = _E_PAD // nsplit
    nstep = _NSTEP // nsplit
    mesh = plsc.VectorSubcoreMesh(core_axis_name="c", subcore_axis_name="s")
    f = pl.kernel(
        functools.partial(_gather_body, h=h, nstep=nstep, e_span=e_span),
        out_type=jax.ShapeDtypeStruct((_C_IN, e_span), jnp.float32),
        mesh=mesh,
        compiler_params=pltpu.CompilerParams(use_tc_tiling_on_sc=False,
                                             needs_layout_passes=False),
        scratch_types=(
            [pltpu.VMEM((_CHUNK,), jnp.int32) for _ in range(4)]
            + [pltpu.VMEM((_CHUNK, _C_IN), jnp.float32) for _ in range(4)]
            + [pltpu.VMEM((_C_IN, _CHUNK), jnp.float32) for _ in range(2)]
            + [pltpu.VMEM_SHARED((50000, _C_IN), jnp.float32)]
            + [pltpu.SemaphoreType.DMA for _ in range(6)]
        ),
    )
    return f(node_features, src1d, dst1d)


def _dense_body(sum3, eft, w1, b1, w2, b2, out_ref):
    ns = sum3[...].reshape(_C_IN, -1)
    x = jnp.concatenate([ns, eft[...]], axis=0)
    h = jnp.maximum(
        jnp.dot(w1[...], x, preferred_element_type=jnp.float32) + b1[...], 0.0)
    t = jnp.dot(w2[...], h, preferred_element_type=jnp.float32) + b2[...]
    mean = jnp.mean(t, axis=0, keepdims=True)
    var = jnp.mean((t - mean) ** 2, axis=0, keepdims=True)
    tn = (t - mean) * lax.rsqrt(var + 1e-5)
    out_ref[...] = eft[...] + jnp.maximum(tn, 0.0)


def _dense_half(sum3, eft, w1, b1, w2, b2, prev, block0, nblk, block_e=4096):
    body = _dense_body
    in_specs = [
        pl.BlockSpec((_C_IN, block_e // 128, 128), lambda i: (0, i, 0)),
        pl.BlockSpec((_C_IN, block_e), lambda i: (0, i + block0)),
        pl.BlockSpec((2 * _C_HID, 2 * _C_IN), lambda i: (0, 0)),
        pl.BlockSpec((2 * _C_HID, 1), lambda i: (0, 0)),
        pl.BlockSpec((_C_IN, 2 * _C_HID), lambda i: (0, 0)),
        pl.BlockSpec((_C_IN, 1), lambda i: (0, 0)),
    ]
    args = [sum3, eft, w1, b1, w2, b2]
    kwargs = {}
    if prev is not None:
        def body(sum3, eft, w1, b1, w2, b2, prev_ref, out_ref):
            _dense_body(sum3, eft, w1, b1, w2, b2, out_ref)
        in_specs.append(pl.BlockSpec(memory_space=pl.ANY))
        args.append(prev)
        kwargs["input_output_aliases"] = {6: 0}
    return pl.pallas_call(
        body,
        grid=(nblk,),
        in_specs=in_specs,
        out_specs=pl.BlockSpec((_C_IN, block_e), lambda i: (0, i + block0)),
        out_shape=jax.ShapeDtypeStruct((_C_IN, _E), jnp.float32),
        **kwargs,
    )(*args)


def kernel(node_features, edge_index, edge_features,
           W1a, b1a, W2a, b2a, W1b, b1b, W2b, b2b):
    pad = _E_PAD - _E
    src1d = jnp.concatenate([edge_index[0], jnp.zeros((pad,), jnp.int32)])
    dst1d = jnp.concatenate([edge_index[1], jnp.zeros((pad,), jnp.int32)])

    nsplit = 4
    e_span = _E_PAD // nsplit
    sums = [_sc_gather(node_features, src1d, dst1d, h, nsplit)
            .reshape(_C_IN, e_span // 128, 128) for h in range(nsplit)]

    w1 = jnp.zeros((2 * _C_HID, 2 * _C_IN), jnp.float32)
    w1 = w1.at[0:_C_HID, 0:_C_IN].set(W1a)
    w1 = w1.at[_C_HID:, _C_IN:].set(W1b)
    b1 = jnp.concatenate([b1a, b1b]).reshape(2 * _C_HID, 1)
    w2 = jnp.concatenate([W2a, W2b], axis=1)
    b2 = (b2a + b2b).reshape(_C_IN, 1)

    eft = edge_features.T
    block_e = 4096
    blocks_per_half = e_span // block_e
    total_blocks = pl.cdiv(_E, block_e)
    out = None
    for h in range(nsplit):
        block0 = h * blocks_per_half
        nblk = min(blocks_per_half, total_blocks - block0)
        out = _dense_half(sums[h], eft, w1, b1, w2, b2, out,
                          block0, nblk, block_e)
    return out.T

# --- scband reference (transcript-rebuilt; emitter-appended) ---
"""Pipeline reference for scband-edge-features-81484119539777 (READ-ONLY COPY).

The authoritative reference and input builder live on the scoring server;
editing this copy changes nothing except your own understanding.
"""

import jax, jax.numpy as jnp
import numpy as np

N_NODES = 50000
N_EDGES = 800000
C_IN = 16
C_HID = 64
C_OUT = 16


def setup_inputs(seed: int = 0) -> dict:
    key = jax.random.key(seed)
    ks = jax.random.split(key, 12)
    node_features = jax.random.normal(ks[0], (N_NODES, C_IN), dtype=jnp.float32)
    edge_index = jax.random.randint(ks[1], (2, N_EDGES), 0, N_NODES, dtype=jnp.int64 if jax.config.jax_enable_x64 else jnp.int32).astype(jnp.int32)
    edge_features = jax.random.normal(ks[2], (N_EDGES, C_IN), dtype=jnp.float32)
    s1 = 1.0 / np.sqrt(C_IN)
    s2 = 1.0 / np.sqrt(C_HID)
    # FCNN_one params
    W1a = jax.random.uniform(ks[3], (C_HID, C_IN), minval=-s1, maxval=s1, dtype=jnp.float32)
    b1a = jax.random.uniform(ks[4], (C_HID,), minval=-s1, maxval=s1, dtype=jnp.float32)
    W2a = jax.random.uniform(ks[5], (C_OUT, C_HID), minval=-s2, maxval=s2, dtype=jnp.float32)
    b2a = jax.random.uniform(ks[6], (C_OUT,), minval=-s2, maxval=s2, dtype=jnp.float32)
    # FCNN_two params
    W1b = jax.random.uniform(ks[7], (C_HID, C_IN), minval=-s1, maxval=s1, dtype=jnp.float32)
    b1b = jax.random.uniform(ks[8], (C_HID,), minval=-s1, maxval=s1, dtype=jnp.float32)
    W2b = jax.random.uniform(ks[9], (C_OUT, C_HID), minval=-s2, maxval=s2, dtype=jnp.float32)
    b2b = jax.random.uniform(ks[10], (C_OUT,), minval=-s2, maxval=s2, dtype=jnp.float32)
    return {
        'node_features': node_features,
        'edge_index': edge_index,
        'edge_features': edge_features,
        'W1a': W1a, 'b1a': b1a, 'W2a': W2a, 'b2a': b2a,
        'W1b': W1b, 'b1b': b1b, 'W2b': W2b, 'b2b': b2b,
    }


def _fcnn(x, W1, b1, W2, b2):
    h = jnp.maximum(x @ W1.T + b1, 0.0)
    return h @ W2.T + b2


def reference(node_features, edge_index, edge_features,
              W1a, b1a, W2a, b2a, W1b, b1b, W2b, b2b):
    # Vectorized, mathematically faithful version of the per-edge python loop.
    # Note: FCNN_two reads the ORIGINAL edge_features[i] (each edge is updated
    # only after its own computation), and the residual uses the detached clone
    # of the original edge features -> fully parallel over edges.
    src = edge_index[0]
    dst = edge_index[1]
    node_sum = node_features[src] + node_features[dst]          # gather + add, [E, C_IN]
    h_n = _fcnn(node_sum, W1a, b1a, W2a, b2a)                   # [E, C_OUT]
    h_e = _fcnn(edge_features, W1b, b1b, W2b, b2b)              # [E, C_OUT]
    t = h_n + h_e
    # InstanceNorm1d (affine=False, track_running_stats=False) applied to the
    # (1, C_OUT) reshape: normalizes over the feature dimension, biased variance, eps=1e-5.
    mean = jnp.mean(t, axis=1, keepdims=True)
    var = jnp.mean((t - mean) ** 2, axis=1, keepdims=True)
    t = (t - mean) / jnp.sqrt(var + 1e-5)
    # Dropout(p=0.1) treated as identity (eval-mode determinism).
    inter = jnp.maximum(t, 0.0)
    out = edge_features + inter                                 # residual with original edge feats
    return out

if __name__ == "__main__":
    import jax
    _d = setup_inputs()
    print(jax.jit(kernel)(*tuple(_d.values())))

</pallas_src>

<mosaic_0001>
#map = affine_map<(d0, d1) -> (0, 0)>
#map1 = affine_map<(d0, d1) -> (0)>
module attributes {stable_mosaic.version = 14 : i64} {
  func.func @_gather_body(%arg0: i32, %arg1: i32, %arg2: memref<50000x16xf32, #tpu.memory_space<hbm>>, %arg3: memref<819200xi32, #tpu.memory_space<hbm>>, %arg4: memref<819200xi32, #tpu.memory_space<hbm>>, %arg5: memref<16x204800xf32, #tpu.memory_space<hbm>>, %arg6: memref<800xi32, #tpu.memory_space<vmem>>, %arg7: memref<800xi32, #tpu.memory_space<vmem>>, %arg8: memref<800xi32, #tpu.memory_space<vmem>>, %arg9: memref<800xi32, #tpu.memory_space<vmem>>, %arg10: memref<800x16xf32, #tpu.memory_space<vmem>>, %arg11: memref<800x16xf32, #tpu.memory_space<vmem>>, %arg12: memref<800x16xf32, #tpu.memory_space<vmem>>, %arg13: memref<800x16xf32, #tpu.memory_space<vmem>>, %arg14: memref<16x800xf32, #tpu.memory_space<vmem>>, %arg15: memref<16x800xf32, #tpu.memory_space<vmem>>, %arg16: memref<50000x16xf32, #tpu.memory_space<vmem_shared>>, %arg17: memref<!tpu.dma_semaphore, #tpu.memory_space<semaphore_mem>>, %arg18: memref<!tpu.dma_semaphore, #tpu.memory_space<semaphore_mem>>, %arg19: memref<!tpu.dma_semaphore, #tpu.memory_space<semaphore_mem>>, %arg20: memref<!tpu.dma_semaphore, #tpu.memory_space<semaphore_mem>>, %arg21: memref<!tpu.dma_semaphore, #tpu.memory_space<semaphore_mem>>, %arg22: memref<!tpu.dma_semaphore, #tpu.memory_space<semaphore_mem>>) attributes {dimension_semantics = [#tpu.dimension_semantics<core_parallel>, #tpu.dimension_semantics<subcore_parallel>], iteration_bounds = array<i64: 2, 16>, scalar_prefetch = 0 : i64, scratch_operands = 17 : i64, tpu.core_type = #tpu.core_type<sc_vector_subcore>, window_params = [{transform_indices = #map}, {transform_indices = #map1}, {transform_indices = #map1}, {transform_indices = #map}]} {
    %mul3A = arith.constant 2 : i32
    %mul3A_0 = arith.muli %arg1, %mul3A : i32
    %add3A = arith.addi %mul3A_0, %arg0 : i32
    %mul3A_1 = arith.constant 6400 : i32
    %mul3A_2 = arith.muli %add3A, %mul3A_1 : i32
    %iota3A = tpu.iota {dimensions = array<i32: 0>} : vector<16xi32>
    %eq3A = arith.constant 0 : i32
    %eq3A_3 = arith.cmpi eq, %arg1, %eq3A : i32
    %convert_element_type3A = arith.extui %eq3A_3 : i1 to i32
    %cond3A = arith.constant 0 : i32
    %cond3A_4 = arith.cmpi ne, %convert_element_type3A, %cond3A : i32
    scf.if %cond3A_4 {
      "tpu.region"() ({
        %run_scoped3A = tpu.sem_alloc : memref<!tpu.dma_semaphore, #tpu.memory_space<semaphore_mem>>
        tpu.enqueue_dma source(%arg2 : memref<50000x16xf32, #tpu.memory_space<hbm>>) target(%arg16 : memref<50000x16xf32, #tpu.memory_space<vmem_shared>>) target_semaphore(%run_scoped3A : memref<!tpu.dma_semaphore, #tpu.memory_space<semaphore_mem>>)
        tpu.wait_dma2 semaphore(%run_scoped3A : memref<!tpu.dma_semaphore, #tpu.memory_space<semaphore_mem>>) src(%arg2 : memref<50000x16xf32, #tpu.memory_space<hbm>>) dst(%arg16 : memref<50000x16xf32, #tpu.memory_space<vmem_shared>>)
        tpu.yield
      }) : () -> ()
    } else {
    }
    %barrier3A = arith.constant 0 : index
    tpu.barrier barrier_id(%barrier3A)
    %add3A_5 = arith.constant 409600 : i32
    %add3A_6 = arith.addi %add3A_5, %mul3A_2 : i32
    %add3A_7 = arith.constant 0 : i32
    %add3A_8 = arith.addi %add3A_6, %add3A_7 : i32
    %dma_start3A = tpu.memref_slice %arg3[%add3A_8] : memref<819200xi32, #tpu.memory_space<hbm>> -> memref<800xi32, #tpu.memory_space<hbm>>
    %dma_start3A_9 = tpu.memref_slice %arg3[%add3A_8] : memref<819200xi32, #tpu.memory_space<hbm>> -> memref<800xi32, #tpu.memory_space<hbm>>
    tpu.enqueue_dma source(%dma_start3A_9 : memref<800xi32, #tpu.memory_space<hbm>>) target(%arg6 : memref<800xi32, #tpu.memory_space<vmem>>) target_semaphore(%arg17 : memref<!tpu.dma_semaphore, #tpu.memory_space<semaphore_mem>>)
    %dma_start3A_10 = tpu.memref_slice %arg4[%add3A_8] : memref<819200xi32, #tpu.memory_space<hbm>> -> memref<800xi32, #tpu.memory_space<hbm>>
    %dma_start3A_11 = tpu.memref_slice %arg4[%add3A_8] : memref<819200xi32, #tpu.memory_space<hbm>> -> memref<800xi32, #tpu.memory_space<hbm>>
    tpu.enqueue_dma source(%dma_start3A_11 : memref<800xi32, #tpu.memory_space<hbm>>) target(%arg8 : memref<800xi32, #tpu.memory_space<vmem>>) target_semaphore(%arg17 : memref<!tpu.dma_semaphore, #tpu.memory_space<semaphore_mem>>)
    %dma_wait3A = arith.constant 0 : i32
    %dma_wait3A_12 = tpu.memref_slice %arg3[%dma_wait3A] : memref<819200xi32, #tpu.memory_space<hbm>> -> memref<800xi32, #tpu.memory_space<hbm>>
    %dma_wait3A_13 = arith.constant 0 : i32
    %dma_wait3A_14 = tpu.memref_slice %arg3[%dma_wait3A_13] : memref<819200xi32, #tpu.memory_space<hbm>> -> memref<800xi32, #tpu.memory_space<hbm>>
    tpu.wait_dma2 semaphore(%arg17 : memref<!tpu.dma_semaphore, #tpu.memory_space<semaphore_mem>>) src(%dma_wait3A_14 : memref<800xi32, #tpu.memory_space<hbm>>) dst(%arg6 : memref<800xi32, #tpu.memory_space<vmem>>)
    %dma_wait3A_15 = arith.constant 0 : i32
    %dma_wait3A_16 = tpu.memref_slice %arg4[%dma_wait3A_15] : memref<819200xi32, #tpu.memory_space<hbm>> -> memref<800xi32, #tpu.memory_space<hbm>>
    %dma_wait3A_17 = arith.constant 0 : i32
    %dma_wait3A_18 = tpu.memref_slice %arg4[%dma_wait3A_17] : memref<819200xi32, #tpu.memory_space<hbm>> -> memref<800xi32, #tpu.memory_space<hbm>>
    tpu.wait_dma2 semaphore(%arg17 : memref<!tpu.dma_semaphore, #tpu.memory_space<semaphore_mem>>) src(%dma_wait3A_18 : memref<800xi32, #tpu.memory_space<hbm>>) dst(%arg8 : memref<800xi32, #tpu.memory_space<vmem>>)
    %dma_start3A_19 = arith.constant 0 : i32
    %dma_start3A_20 = arith.constant 0 : i32
    %dma_start3A_21 = tpu.memref_slice %arg16[%dma_start3A_19, %dma_start3A_20] : memref<50000x16xf32, #tpu.memory_space<vmem_shared>> -> memref<50000x16xf32, #tpu.memory_space<vmem_shared>>
    tpu.enqueue_indirect_dma source(%dma_start3A_21 : memref<50000x16xf32, #tpu.memory_space<vmem_shared>>) target(%arg10 : memref<800x16xf32, #tpu.memory_space<vmem>>) offsets(%arg6 : memref<800xi32, #tpu.memory_space<vmem>>) semaphore(%arg19 : memref<!tpu.dma_semaphore, #tpu.memory_space<semaphore_mem>>)
    %dma_start3A_22 = arith.constant 0 : i32
    %dma_start3A_23 = arith.constant 0 : i32
    %dma_start3A_24 = tpu.memref_slice %arg16[%dma_start3A_22, %dma_start3A_23] : memref<50000x16xf32, #tpu.memory_space<vmem_shared>> -> memref<50000x16xf32, #tpu.memory_space<vmem_shared>>
    tpu.enqueue_indirect_dma source(%dma_start3A_24 : memref<50000x16xf32, #tpu.memory_space<vmem_shared>>) target(%arg12 : memref<800x16xf32, #tpu.memory_space<vmem>>) offsets(%arg8 : memref<800xi32, #tpu.memory_space<vmem>>) semaphore(%arg19 : memref<!tpu.dma_semaphore, #tpu.memory_space<semaphore_mem>>)
    %add3A_25 = arith.constant 409600 : i32
    %add3A_26 = arith.addi %add3A_25, %mul3A_2 : i32
    %add3A_27 = arith.constant 800 : i32
    %add3A_28 = arith.addi %add3A_26, %add3A_27 : i32
    %dma_start3A_29 = tpu.memref_slice %arg3[%add3A_28] : memref<819200xi32, #tpu.memory_space<hbm>> -> memref<800xi32, #tpu.memory_space<hbm>>
    %dma_start3A_30 = tpu.memref_slice %arg3[%add3A_28] : memref<819200xi32, #tpu.memory_space<hbm>> -> memref<800xi32, #tpu.memory_space<hbm>>
    tpu.enqueue_dma source(%dma_start3A_30 : memref<800xi32, #tpu.memory_space<hbm>>) target(%arg7 : memref<800xi32, #tpu.memory_space<vmem>>) target_semaphore(%arg18 : memref<!tpu.dma_semaphore, #tpu.memory_space<semaphore_mem>>)
    %dma_start3A_31 = tpu.memref_slice %arg4[%add3A_28] : memref<819200xi32, #tpu.memory_space<hbm>> -> memref<800xi32, #tpu.memory_space<hbm>>
    %dma_start3A_32 = tpu.memref_slice %arg4[%add3A_28] : memref<819200xi32, #tpu.memory_space<hbm>> -> memref<800xi32, #tpu.memory_space<hbm>>
    tpu.enqueue_dma source(%dma_start3A_32 : memref<800xi32, #tpu.memory_space<hbm>>) target(%arg9 : memref<800xi32, #tpu.memory_space<vmem>>) target_semaphore(%arg18 : memref<!tpu.dma_semaphore, #tpu.memory_space<semaphore_mem>>)
    %scan3A = arith.constant 0 : i32
    %scan3A_33 = arith.constant 0 : i32
    %scan3A_34 = arith.constant 4 : i32
    %scan3A_35 = arith.addi %scan3A_33, %scan3A_34 : i32
    %scan3A_36 = arith.constant 1 : i32
    scf.for %scan3A_50 = %scan3A_33 to %scan3A_35 step %scan3A_36  : i32 {
      %mul3A_51 = arith.constant 2 : i32
      %mul3A_52 = arith.muli %mul3A_51, %scan3A_50 : i32
      %add3A_53 = arith.constant 0 : i32
      %add3A_54 = arith.addi %mul3A_52, %add3A_53 : i32
      %dma_wait3A_55 = arith.constant 0 : i32
      %dma_wait3A_56 = tpu.memref_slice %arg3[%dma_wait3A_55] : memref<819200xi32, #tpu.memory_space<hbm>> -> memref<800xi32, #tpu.memory_space<hbm>>
      %dma_wait3A_57 = arith.constant 0 : i32
      %dma_wait3A_58 = tpu.memref_slice %arg3[%dma_wait3A_57] : memref<819200xi32, #tpu.memory_space<hbm>> -> memref<800xi32, #tpu.memory_space<hbm>>
      tpu.wait_dma2 semaphore(%arg18 : memref<!tpu.dma_semaphore, #tpu.memory_space<semaphore_mem>>) src(%dma_wait3A_58 : memref<800xi32, #tpu.memory_space<hbm>>) dst(%arg7 : memref<800xi32, #tpu.memory_space<vmem>>)
      %dma_wait3A_59 = arith.constant 0 : i32
      %dma_wait3A_60 = tpu.memref_slice %arg4[%dma_wait3A_59] : memref<819200xi32, #tpu.memory_space<hbm>> -> memref<800xi32, #tpu.memory_space<hbm>>
      %dma_wait3A_61 = arith.constant 0 : i32
      %dma_wait3A_62 = tpu.memref_slice %arg4[%dma_wait3A_61] : memref<819200xi32, #tpu.memory_space<hbm>> -> memref<800xi32, #tpu.memory_space<hbm>>
      tpu.wait_dma2 semaphore(%arg18 : memref<!tpu.dma_semaphore, #tpu.memory_space<semaphore_mem>>) src(%dma_wait3A_62 : memref<800xi32, #tpu.memory_space<hbm>>) dst(%arg9 : memref<800xi32, #tpu.memory_space<vmem>>)
      %dma_start3A_63 = arith.constant 0 : i32
      %dma_start3A_64 = arith.constant 0 : i32
      %dma_start3A_65 = tpu.memref_slice %arg16[%dma_start3A_63, %dma_start3A_64] : memref<50000x16xf32, #tpu.memory_space<vmem_shared>> -> memref<50000x16xf32, #tpu.memory_space<vmem_shared>>
      tpu.enqueue_indirect_dma source(%dma_start3A_65 : memref<50000x16xf32, #tpu.memory_space<vmem_shared>>) target(%arg11 : memref<800x16xf32, #tpu.memory_space<vmem>>) offsets(%arg7 : memref<800xi32, #tpu.memory_space<vmem>>) semaphore(%arg20 : memref<!tpu.dma_semaphore, #tpu.memory_space<semaphore_mem>>)
      %dma_start3A_66 = arith.constant 0 : i32
      %dma_start3A_67 = arith.constant 0 : i32
      %dma_start3A_68 = tpu.memref_slice %arg16[%dma_start3A_66, %dma_start3A_67] : memref<50000x16xf32, #tpu.memory_space<vmem_shared>> -> memref<50000x16xf32, #tpu.memory_space<vmem_shared>>
      tpu.enqueue_indirect_dma source(%dma_start3A_68 : memref<50000x16xf32, #tpu.memory_space<vmem_shared>>) target(%arg13 : memref<800x16xf32, #tpu.memory_space<vmem>>) offsets(%arg9 : memref<800xi32, #tpu.memory_space<vmem>>) semaphore(%arg20 : memref<!tpu.dma_semaphore, #tpu.memory_space<semaphore_mem>>)
      %dma_wait3A_69 = arith.constant 0 : i32
      %dma_wait3A_70 = arith.constant 0 : i32
      %dma_wait3A_71 = tpu.memref_slice %arg2[%dma_wait3A_69, %dma_wait3A_70] : memref<50000x16xf32, #tpu.memory_space<hbm>> -> memref<800x16xf32, #tpu.memory_space<hbm>>
      %dma_wait3A_72 = arith.constant 0 : i32
      %dma_wait3A_73 = arith.constant 0 : i32
      %dma_wait3A_74 = tpu.memref_slice %arg2[%dma_wait3A_72, %dma_wait3A_73] : memref<50000x16xf32, #tpu.memory_space<hbm>> -> memref<800x16xf32, #tpu.memory_space<hbm>>
      tpu.wait_dma2 semaphore(%arg19 : memref<!tpu.dma_semaphore, #tpu.memory_space<semaphore_mem>>) src(%dma_wait3A_74 : memref<800x16xf32, #tpu.memory_space<hbm>>) dst(%arg10 : memref<800x16xf32, #tpu.memory_space<vmem>>)
      %dma_wait3A_75 = arith.constant 0 : i32
      %dma_wait3A_76 = arith.constant 0 : i32
      %dma_wait3A_77 = tpu.memref_slice %arg2[%dma_wait3A_75, %dma_wait3A_76] : memref<50000x16xf32, #tpu.memory_space<hbm>> -> memref<800x16xf32, #tpu.memory_space<hbm>>
      %dma_wait3A_78 = arith.constant 0 : i32
      %dma_wait3A_79 = arith.constant 0 : i32
      %dma_wait3A_80 = tpu.memref_slice %arg2[%dma_wait3A_78, %dma_wait3A_79] : memref<50000x16xf32, #tpu.memory_space<hbm>> -> memref<800x16xf32, #tpu.memory_space<hbm>>
      tpu.wait_dma2 semaphore(%arg19 : memref<!tpu.dma_semaphore, #tpu.memory_space<semaphore_mem>>) src(%dma_wait3A_80 : memref<800x16xf32, #tpu.memory_space<hbm>>) dst(%arg12 : memref<800x16xf32, #tpu.memory_space<vmem>>)
      %ge3A = arith.constant 1 : i32
      %ge3A_81 = arith.cmpi sge, %scan3A_50, %ge3A : i32
      %convert_element_type3A_82 = arith.extui %ge3A_81 : i1 to i32
      %cond3A_83 = arith.constant 0 : i32
      %cond3A_84 = arith.cmpi ne, %convert_element_type3A_82, %cond3A_83 : i32
      scf.if %cond3A_84 {
        %dma_wait3A_139 = arith.constant 0 : i32
        %dma_wait3A_140 = arith.constant 0 : i32
        %dma_wait3A_141 = tpu.memref_slice %arg5[%dma_wait3A_139, %dma_wait3A_140] : memref<16x204800xf32, #tpu.memory_space<hbm>> -> memref<16x800xf32, #tpu.memory_space<hbm>>
        %dma_wait3A_142 = arith.constant 0 : i32
        %dma_wait3A_143 = arith.constant 0 : i32
        %dma_wait3A_144 = tpu.memref_slice %arg5[%dma_wait3A_142, %dma_wait3A_143] : memref<16x204800xf32, #tpu.memory_space<hbm>> -> memref<16x800xf32, #tpu.memory_space<hbm>>
        tpu.wait_dma2 semaphore(%arg21 : memref<!tpu.dma_semaphore, #tpu.memory_space<semaphore_mem>>) src(%arg14 : memref<16x800xf32, #tpu.memory_space<vmem>>) dst(%dma_wait3A_144 : memref<16x800xf32, #tpu.memory_space<hbm>>)
      } else {
      }
      %parallel_loop3A = arith.constant 0 : i32
      %parallel_loop3A_85 = arith.constant 800 : i32
      %parallel_loop3A_86 = arith.constant 1 : i32
      scf.for %parallel_loop3A_139 = %parallel_loop3A to %parallel_loop3A_85 step %parallel_loop3A_86  : i32 {
        %parallel_loop3A_140 = arith.index_cast %parallel_loop3A_139 : i32 to index
        %parallel_loop3A_141 = arith.constant 0 : index
        %parallel_loop3A_142 = tpu.vector_load %arg10[%parallel_loop3A_140, %parallel_loop3A_141] {strides = array<i32>} : memref<800x16xf32, #tpu.memory_space<vmem>>, vector<16xf32>,
        %parallel_loop3A_143 = arith.index_cast %parallel_loop3A_139 : i32 to index
        %parallel_loop3A_144 = arith.constant 0 : index
        %parallel_loop3A_145 = tpu.vector_load %arg12[%parallel_loop3A_143, %parallel_loop3A_144] {strides = array<i32>} : memref<800x16xf32, #tpu.memory_space<vmem>>, vector<16xf32>,
        %parallel_loop3A_146 = arith.addf %parallel_loop3A_142, %parallel_loop3A_145 : vector<16xf32>
        %parallel_loop3A_147 = vector.broadcast %parallel_loop3A_139 : i32 to vector<16xi32>
        tpu.vector_store_idx %arg14[%iota3A, %parallel_loop3A_147], %parallel_loop3A_146 : memref<16x800xf32, #tpu.memory_space<vmem>>[vector<16xi32>, vector<16xi32>], vector<16xf32>,
      } {sc.loop_unroll_factor = 8 : i64, sc.parallel_access}
      %mul3A_87 = arith.constant 800 : i32
      %mul3A_88 = arith.muli %add3A_54, %mul3A_87 : i32
      %add3A_89 = arith.addi %mul3A_2, %mul3A_88 : i32
      %dma_start3A_90 = arith.constant 0 : i32
      %dma_start3A_91 = tpu.memref_slice %arg5[%dma_start3A_90, %add3A_89] : memref<16x204800xf32, #tpu.memory_space<hbm>> -> memref<16x800xf32, #tpu.memory_space<hbm>>
      %dma_start3A_92 = arith.constant 0 : i32
      %dma_start3A_93 = tpu.memref_slice %arg5[%dma_start3A_92, %add3A_89] : memref<16x204800xf32, #tpu.memory_space<hbm>> -> memref<16x800xf32, #tpu.memory_space<hbm>>
      tpu.enqueue_dma source(%arg14 : memref<16x800xf32, #tpu.memory_space<vmem>>) target(%dma_start3A_93 : memref<16x800xf32, #tpu.memory_space<hbm>>) target_semaphore(%arg21 : memref<!tpu.dma_semaphore, #tpu.memory_space<semaphore_mem>>)
      %lt3A = arith.constant 3 : i32
      %lt3A_94 = arith.cmpi slt, %scan3A_50, %lt3A : i32
      %convert_element_type3A_95 = arith.extui %lt3A_94 : i1 to i32
      %cond3A_96 = arith.constant 0 : i32
      %cond3A_97 = arith.cmpi ne, %convert_element_type3A_95, %cond3A_96 : i32
      scf.if %cond3A_97 {
        %add3A_139 = arith.constant 2 : i32
        %add3A_140 = arith.addi %add3A_54, %add3A_139 : i32
        %add3A_141 = arith.constant 409600 : i32
        %add3A_142 = arith.addi %add3A_141, %mul3A_2 : i32
        %mul3A_143 = arith.constant 800 : i32
        %mul3A_144 = arith.muli %add3A_140, %mul3A_143 : i32
        %add3A_145 = arith.addi %add3A_142, %mul3A_144 : i32
        %dma_start3A_146 = tpu.memref_slice %arg3[%add3A_145] : memref<819200xi32, #tpu.memory_space<hbm>> -> memref<800xi32, #tpu.memory_space<hbm>>
        %dma_start3A_147 = tpu.memref_slice %arg3[%add3A_145] : memref<819200xi32, #tpu.memory_space<hbm>> -> memref<800xi32, #tpu.memory_space<hbm>>
        tpu.enqueue_dma source(%dma_start3A_147 : memref<800xi32, #tpu.memory_space<hbm>>) target(%arg6 : memref<800xi32, #tpu.memory_space<vmem>>) target_semaphore(%arg17 : memref<!tpu.dma_semaphore, #tpu.memory_space<semaphore_mem>>)
        %dma_start3A_148 = tpu.memref_slice %arg4[%add3A_145] : memref<819200xi32, #tpu.memory_space<hbm>> -> memref<800xi32, #tpu.memory_space<hbm>>
        %dma_start3A_149 = tpu.memref_slice %arg4[%add3A_145] : memref<819200xi32, #tpu.memory_space<hbm>> -> memref<800xi32, #tpu.memory_space<hbm>>
        tpu.enqueue_dma source(%dma_start3A_149 : memref<800xi32, #tpu.memory_space<hbm>>) target(%arg8 : memref<800xi32, #tpu.memory_space<vmem>>) target_semaphore(%arg17 : memref<!tpu.dma_semaphore, #tpu.memory_space<semaphore_mem>>)
      } else {
      }
      %mul3A_98 = arith.constant 2 : i32
      %mul3A_99 = arith.muli %mul3A_98, %scan3A_50 : i32
      %add3A_100 = arith.constant 1 : i32
      %add3A_101 = arith.addi %mul3A_99, %add3A_100 : i32
      %lt3A_102 = arith.constant 3 : i32
      %lt3A_103 = arith.cmpi slt, %scan3A_50, %lt3A_102 : i32
      %convert_element_type3A_104 = arith.extui %lt3A_103 : i1 to i32
      %cond3A_105 = arith.constant 0 : i32
      %cond3A_106 = arith.cmpi ne, %convert_element_type3A_104, %cond3A_105 : i32
      scf.if %cond3A_106 {
        %dma_wait3A_139 = arith.constant 0 : i32
        %dma_wait3A_140 = tpu.memref_slice %arg3[%dma_wait3A_139] : memref<819200xi32, #tpu.memory_space<hbm>> -> memref<800xi32, #tpu.memory_space<hbm>>
        %dma_wait3A_141 = arith.constant 0 : i32
        %dma_wait3A_142 = tpu.memref_slice %arg3[%dma_wait3A_141] : memref<819200xi32, #tpu.memory_space<hbm>> -> memref<800xi32, #tpu.memory_space<hbm>>
        tpu.wait_dma2 semaphore(%arg17 : memref<!tpu.dma_semaphore, #tpu.memory_space<semaphore_mem>>) src(%dma_wait3A_142 : memref<800xi32, #tpu.memory_space<hbm>>) dst(%arg6 : memref<800xi32, #tpu.memory_space<vmem>>)
        %dma_wait3A_143 = arith.constant 0 : i32
        %dma_wait3A_144 = tpu.memref_slice %arg4[%dma_wait3A_143] : memref<819200xi32, #tpu.memory_space<hbm>> -> memref<800xi32, #tpu.memory_space<hbm>>
        %dma_wait3A_145 = arith.constant 0 : i32
        %dma_wait3A_146 = tpu.memref_slice %arg4[%dma_wait3A_145] : memref<819200xi32, #tpu.memory_space<hbm>> -> memref<800xi32, #tpu.memory_space<hbm>>
        tpu.wait_dma2 semaphore(%arg17 : memref<!tpu.dma_semaphore, #tpu.memory_space<semaphore_mem>>) src(%dma_wait3A_146 : memref<800xi32, #tpu.memory_space<hbm>>) dst(%arg8 : memref<800xi32, #tpu.memory_space<vmem>>)
        %dma_start3A_147 = arith.constant 0 : i32
        %dma_start3A_148 = arith.constant 0 : i32
        %dma_start3A_149 = tpu.memref_slice %arg16[%dma_start3A_147, %dma_start3A_148] : memref<50000x16xf32, #tpu.memory_space<vmem_shared>> -> memref<50000x16xf32, #tpu.memory_space<vmem_shared>>
        tpu.enqueue_indirect_dma source(%dma_start3A_149 : memref<50000x16xf32, #tpu.memory_space<vmem_shared>>) target(%arg10 : memref<800x16xf32, #tpu.memory_space<vmem>>) offsets(%arg6 : memref<800xi32, #tpu.memory_space<vmem>>) semaphore(%arg19 : memref<!tpu.dma_semaphore, #tpu.memory_space<semaphore_mem>>)
        %dma_start3A_150 = arith.constant 0 : i32
        %dma_start3A_151 = arith.constant 0 : i32
        %dma_start3A_152 = tpu.memref_slice %arg16[%dma_start3A_150, %dma_start3A_151] : memref<50000x16xf32, #tpu.memory_space<vmem_shared>> -> memref<50000x16xf32, #tpu.memory_space<vmem_shared>>
        tpu.enqueue_indirect_dma source(%dma_start3A_152 : memref<50000x16xf32, #tpu.memory_space<vmem_shared>>) target(%arg12 : memref<800x16xf32, #tpu.memory_space<vmem>>) offsets(%arg8 : memref<800xi32, #tpu.memory_space<vmem>>) semaphore(%arg19 : memref<!tpu.dma_semaphore, #tpu.memory_space<semaphore_mem>>)
      } else {
      }
      %dma_wait3A_107 = arith.constant 0 : i32
      %dma_wait3A_108 = arith.constant 0 : i32
      %dma_wait3A_109 = tpu.memref_slice %arg2[%dma_wait3A_107, %dma_wait3A_108] : memref<50000x16xf32, #tpu.memory_space<hbm>> -> memref<800x16xf32, #tpu.memory_space<hbm>>
      %dma_wait3A_110 = arith.constant 0 : i32
      %dma_wait3A_111 = arith.constant 0 : i32
      %dma_wait3A_112 = tpu.memref_slice %arg2[%dma_wait3A_110, %dma_wait3A_111] : memref<50000x16xf32, #tpu.memory_space<hbm>> -> memref<800x16xf32, #tpu.memory_space<hbm>>
      tpu.wait_dma2 semaphore(%arg20 : memref<!tpu.dma_semaphore, #tpu.memory_space<semaphore_mem>>) src(%dma_wait3A_112 : memref<800x16xf32, #tpu.memory_space<hbm>>) dst(%arg11 : memref<800x16xf32, #tpu.memory_space<vmem>>)
      %dma_wait3A_113 = arith.constant 0 : i32
      %dma_wait3A_114 = arith.constant 0 : i32
      %dma_wait3A_115 = tpu.memref_slice %arg2[%dma_wait3A_113, %dma_wait3A_114] : memref<50000x16xf32, #tpu.memory_space<hbm>> -> memref<800x16xf32, #tpu.memory_space<hbm>>
      %dma_wait3A_116 = arith.constant 0 : i32
      %dma_wait3A_117 = arith.constant 0 : i32
      %dma_wait3A_118 = tpu.memref_slice %arg2[%dma_wait3A_116, %dma_wait3A_117] : memref<50000x16xf32, #tpu.memory_space<hbm>> -> memref<800x16xf32, #tpu.memory_space<hbm>>
      tpu.wait_dma2 semaphore(%arg20 : memref<!tpu.dma_semaphore, #tpu.memory_space<semaphore_mem>>) src(%dma_wait3A_118 : memref<800x16xf32, #tpu.memory_space<hbm>>) dst(%arg13 : memref<800x16xf32, #tpu.memory_space<vmem>>)
      %ge3A_119 = arith.constant 1 : i32
      %ge3A_120 = arith.cmpi sge, %scan3A_50, %ge3A_119 : i32
      %convert_element_type3A_121 = arith.extui %ge3A_120 : i1 to i32
      %cond3A_122 = arith.constant 0 : i32
      %cond3A_123 = arith.cmpi ne, %convert_element_type3A_121, %cond3A_122 : i32
      scf.if %cond3A_123 {
        %dma_wait3A_139 = arith.constant 0 : i32
        %dma_wait3A_140 = arith.constant 0 : i32
        %dma_wait3A_141 = tpu.memref_slice %arg5[%dma_wait3A_139, %dma_wait3A_140] : memref<16x204800xf32, #tpu.memory_space<hbm>> -> memref<16x800xf32, #tpu.memory_space<hbm>>
        %dma_wait3A_142 = arith.constant 0 : i32
        %dma_wait3A_143 = arith.constant 0 : i32
        %dma_wait3A_144 = tpu.memref_slice %arg5[%dma_wait3A_142, %dma_wait3A_143] : memref<16x204800xf32, #tpu.memory_space<hbm>> -> memref<16x800xf32, #tpu.memory_space<hbm>>
        tpu.wait_dma2 semaphore(%arg22 : memref<!tpu.dma_semaphore, #tpu.memory_space<semaphore_mem>>) src(%arg15 : memref<16x800xf32, #tpu.memory_space<vmem>>) dst(%dma_wait3A_144 : memref<16x800xf32, #tpu.memory_space<hbm>>)
      } else {
      }
      %parallel_loop3A_124 = arith.constant 0 : i32
      %parallel_loop3A_125 = arith.constant 800 : i32
      %parallel_loop3A_126 = arith.constant 1 : i32
      scf.for %parallel_loop3A_139 = %parallel_loop3A_124 to %parallel_loop3A_125 step %parallel_loop3A_126  : i32 {
        %parallel_loop3A_140 = arith.index_cast %parallel_loop3A_139 : i32 to index
        %parallel_loop3A_141 = arith.constant 0 : index
        %parallel_loop3A_142 = tpu.vector_load %arg11[%parallel_loop3A_140, %parallel_loop3A_141] {strides = array<i32>} : memref<800x16xf32, #tpu.memory_space<vmem>>, vector<16xf32>,
        %parallel_loop3A_143 = arith.index_cast %parallel_loop3A_139 : i32 to index
        %parallel_loop3A_144 = arith.constant 0 : index
        %parallel_loop3A_145 = tpu.vector_load %arg13[%parallel_loop3A_143, %parallel_loop3A_144] {strides = array<i32>} : memref<800x16xf32, #tpu.memory_space<vmem>>, vector<16xf32>,
        %parallel_loop3A_146 = arith.addf %parallel_loop3A_142, %parallel_loop3A_145 : vector<16xf32>
        %parallel_loop3A_147 = vector.broadcast %parallel_loop3A_139 : i32 to vector<16xi32>
        tpu.vector_store_idx %arg15[%iota3A, %parallel_loop3A_147], %parallel_loop3A_146 : memref<16x800xf32, #tpu.memory_space<vmem>>[vector<16xi32>, vector<16xi32>], vector<16xf32>,
      } {sc.loop_unroll_factor = 8 : i64, sc.parallel_access}
      %mul3A_127 = arith.constant 800 : i32
      %mul3A_128 = arith.muli %add3A_101, %mul3A_127 : i32
      %add3A_129 = arith.addi %mul3A_2, %mul3A_128 : i32
      %dma_start3A_130 = arith.constant 0 : i32
      %dma_start3A_131 = tpu.memref_slice %arg5[%dma_start3A_130, %add3A_129] : memref<16x204800xf32, #tpu.memory_space<hbm>> -> memref<16x800xf32, #tpu.memory_space<hbm>>
      %dma_start3A_132 = arith.constant 0 : i32
      %dma_start3A_133 = tpu.memref_slice %arg5[%dma_start3A_132, %add3A_129] : memref<16x204800xf32, #tpu.memory_space<hbm>> -> memref<16x800xf32, #tpu.memory_space<hbm>>
      tpu.enqueue_dma source(%arg15 : memref<16x800xf32, #tpu.memory_space<vmem>>) target(%dma_start3A_133 : memref<16x800xf32, #tpu.memory_space<hbm>>) target_semaphore(%arg22 : memref<!tpu.dma_semaphore, #tpu.memory_space<semaphore_mem>>)
      %lt3A_134 = arith.constant 3 : i32
      %lt3A_135 = arith.cmpi slt, %scan3A_50, %lt3A_134 : i32
      %convert_element_type3A_136 = arith.extui %lt3A_135 : i1 to i32
      %cond3A_137 = arith.constant 0 : i32
      %cond3A_138 = arith.cmpi ne, %convert_element_type3A_136, %cond3A_137 : i32
      scf.if %cond3A_138 {
        %add3A_139 = arith.constant 2 : i32
        %add3A_140 = arith.addi %add3A_101, %add3A_139 : i32
        %add3A_141 = arith.constant 409600 : i32
        %add3A_142 = arith.addi %add3A_141, %mul3A_2 : i32
        %mul3A_143 = arith.constant 800 : i32
        %mul3A_144 = arith.muli %add3A_140, %mul3A_143 : i32
        %add3A_145 = arith.addi %add3A_142, %mul3A_144 : i32
        %dma_start3A_146 = tpu.memref_slice %arg3[%add3A_145] : memref<819200xi32, #tpu.memory_space<hbm>> -> memref<800xi32, #tpu.memory_space<hbm>>
        %dma_start3A_147 = tpu.memref_slice %arg3[%add3A_145] : memref<819200xi32, #tpu.memory_space<hbm>> -> memref<800xi32, #tpu.memory_space<hbm>>
        tpu.enqueue_dma source(%dma_start3A_147 : memref<800xi32, #tpu.memory_space<hbm>>) target(%arg7 : memref<800xi32, #tpu.memory_space<vmem>>) target_semaphore(%arg18 : memref<!tpu.dma_semaphore, #tpu.memory_space<semaphore_mem>>)
        %dma_start3A_148 = tpu.memref_slice %arg4[%add3A_145] : memref<819200xi32, #tpu.memory_space<hbm>> -> memref<800xi32, #tpu.memory_space<hbm>>
        %dma_start3A_149 = tpu.memref_slice %arg4[%add3A_145] : memref<819200xi32, #tpu.memory_space<hbm>> -> memref<800xi32, #tpu.memory_space<hbm>>
        tpu.enqueue_dma source(%dma_start3A_149 : memref<800xi32, #tpu.memory_space<hbm>>) target(%arg9 : memref<800xi32, #tpu.memory_space<vmem>>) target_semaphore(%arg18 : memref<!tpu.dma_semaphore, #tpu.memory_space<semaphore_mem>>)
      } else {
      }
    }
    %scan3A_37 = arith.constant 4 : i32
    %dma_wait3A_38 = arith.constant 0 : i32
    %dma_wait3A_39 = arith.constant 0 : i32
    %dma_wait3A_40 = tpu.memref_slice %arg5[%dma_wait3A_38, %dma_wait3A_39] : memref<16x204800xf32, #tpu.memory_space<hbm>> -> memref<16x800xf32, #tpu.memory_space<hbm>>
    %dma_wait3A_41 = arith.constant 0 : i32
    %dma_wait3A_42 = arith.constant 0 : i32
    %dma_wait3A_43 = tpu.memref_slice %arg5[%dma_wait3A_41, %dma_wait3A_42] : memref<16x204800xf32, #tpu.memory_space<hbm>> -> memref<16x800xf32, #tpu.memory_space<hbm>>
    tpu.wait_dma2 semaphore(%arg21 : memref<!tpu.dma_semaphore, #tpu.memory_space<semaphore_mem>>) src(%arg14 : memref<16x800xf32, #tpu.memory_space<vmem>>) dst(%dma_wait3A_43 : memref<16x800xf32, #tpu.memory_space<hbm>>)
    %dma_wait3A_44 = arith.constant 0 : i32
    %dma_wait3A_45 = arith.constant 0 : i32
    %dma_wait3A_46 = tpu.memref_slice %arg5[%dma_wait3A_44, %dma_wait3A_45] : memref<16x204800xf32, #tpu.memory_space<hbm>> -> memref<16x800xf32, #tpu.memory_space<hbm>>
    %dma_wait3A_47 = arith.constant 0 : i32
    %dma_wait3A_48 = arith.constant 0 : i32
    %dma_wait3A_49 = tpu.memref_slice %arg5[%dma_wait3A_47, %dma_wait3A_48] : memref<16x204800xf32, #tpu.memory_space<hbm>> -> memref<16x800xf32, #tpu.memory_space<hbm>>
    tpu.wait_dma2 semaphore(%arg22 : memref<!tpu.dma_semaphore, #tpu.memory_space<semaphore_mem>>) src(%arg15 : memref<16x800xf32, #tpu.memory_space<vmem>>) dst(%dma_wait3A_49 : memref<16x800xf32, #tpu.memory_space<hbm>>)
    return
  }
}

#map = affine_map<(d0, d1) -> (0, 0)>
#map1 = affine_map<(d0, d1) -> (0)>
module attributes {stable_mosaic.version = 14 : i64} {
  func.func @_gather_body(%arg0: i32, %arg1: i32, %arg2: memref<50000x16xf32, #tpu.memory_space<hbm>>, %arg3: memref<819200xi32, #tpu.memory_space<hbm>>, %arg4: memref<819200xi32, #tpu.memory_space<hbm>>, %arg5: memref<16x204800xf32, #tpu.memory_space<hbm>>, %arg6: memref<800xi32, #tpu.memory_space<vmem>>, %arg7: memref<800xi32, #tpu.memory_space<vmem>>, %arg8: memref<800xi32, #tpu.memory_space<vmem>>, %arg9: memref<800xi32, #tpu.memory_space<vmem>>, %arg10: memref<800x16xf32, #tpu.memory_space<vmem>>, %arg11: memref<800x16xf32, #tpu.memory_space<vmem>>, %arg12: memref<800x16xf32, #tpu.memory_space<vmem>>, %arg13: memref<800x16xf32, #tpu.memory_space<vmem>>, %arg14: memref<16x800xf32, #tpu.memory_space<vmem>>, %arg15: memref<16x800xf32, #tpu.memory_space<vmem>>, %arg16: memref<50000x16xf32, #tpu.memory_space<vmem_shared>>, %arg17: memref<!tpu.dma_semaphore, #tpu.memory_space<semaphore_mem>>, %arg18: memref<!tpu.dma_semaphore, #tpu.memory_space<semaphore_mem>>, %arg19: memref<!tpu.dma_semaphore, #tpu.memory_space<semaphore_mem>>, %arg20: memref<!tpu.dma_semaphore, #tpu.memory_space<semaphore_mem>>, %arg21: memref<!tpu.dma_semaphore, #tpu.memory_space<semaphore_mem>>, %arg22: memref<!tpu.dma_semaphore, #tpu.memory_space<semaphore_mem>>) attributes {dimension_semantics = [#tpu.dimension_semantics<core_parallel>, #tpu.dimension_semantics<subcore_parallel>], iteration_bounds = array<i64: 2, 16>, scalar_prefetch = 0 : i64, scratch_operands = 17 : i64, tpu.core_type = #tpu.core_type<sc_vector_subcore>, window_params = [{transform_indices = #map}, {transform_indices = #map1}, {transform_indices = #map1}, {transform_indices = #map}]} {
    %mul3A = arith.constant 2 : i32
    %mul3A_0 = arith.muli %arg1, %mul3A : i32
    %add3A = arith.addi %mul3A_0, %arg0 : i32
    %mul3A_1 = arith.constant 6400 : i32
    %mul3A_2 = arith.muli %add3A, %mul3A_1 : i32
    %iota3A = tpu.iota {dimensions = array<i32: 0>} : vector<16xi32>
    %eq3A = arith.constant 0 : i32
    %eq3A_3 = arith.cmpi eq, %arg1, %eq3A : i32
    %convert_element_type3A = arith.extui %eq3A_3 : i1 to i32
    %cond3A = arith.constant 0 : i32
    %cond3A_4 = arith.cmpi ne, %convert_element_type3A, %cond3A : i32
    scf.if %cond3A_4 {
      "tpu.region"() ({
        %run_scoped3A = tpu.sem_alloc : memref<!tpu.dma_semaphore, #tpu.memory_space<semaphore_mem>>
        tpu.enqueue_dma source(%arg2 : memref<50000x16xf32, #tpu.memory_space<hbm>>) target(%arg16 : memref<50000x16xf32, #tpu.memory_space<vmem_shared>>) target_semaphore(%run_scoped3A : memref<!tpu.dma_semaphore, #tpu.memory_space<semaphore_mem>>)
        tpu.wait_dma2 semaphore(%run_scoped3A : memref<!tpu.dma_semaphore, #tpu.memory_space<semaphore_mem>>) src(%arg2 : memref<50000x16xf32, #tpu.memory_space<hbm>>) dst(%arg16 : memref<50000x16xf32, #tpu.memory_space<vmem_shared>>)
        tpu.yield
      }) : () -> ()
    } else {
    }
    %barrier3A = arith.constant 0 : index
    tpu.barrier barrier_id(%barrier3A)
    %add3A_5 = arith.constant 0 : i32
    %add3A_6 = arith.addi %add3A_5, %mul3A_2 : i32
    %add3A_7 = arith.constant 0 : i32
    %add3A_8 = arith.addi %add3A_6, %add3A_7 : i32
    %dma_start3A = tpu.memref_slice %arg3[%add3A_8] : memref<819200xi32, #tpu.memory_space<hbm>> -> memref<800xi32, #tpu.memory_space<hbm>>
    %dma_start3A_9 = tpu.memref_slice %arg3[%add3A_8] : memref<819200xi32, #tpu.memory_space<hbm>> -> memref<800xi32, #tpu.memory_space<hbm>>
    tpu.enqueue_dma source(%dma_start3A_9 : memref<800xi32, #tpu.memory_space<hbm>>) target(%arg6 : memref<800xi32, #tpu.memory_space<vmem>>) target_semaphore(%arg17 : memref<!tpu.dma_semaphore, #tpu.memory_space<semaphore_mem>>)
    %dma_start3A_10 = tpu.memref_slice %arg4[%add3A_8] : memref<819200xi32, #tpu.memory_space<hbm>> -> memref<800xi32, #tpu.memory_space<hbm>>
    %dma_start3A_11 = tpu.memref_slice %arg4[%add3A_8] : memref<819200xi32, #tpu.memory_space<hbm>> -> memref<800xi32, #tpu.memory_space<hbm>>
    tpu.enqueue_dma source(%dma_start3A_11 : memref<800xi32, #tpu.memory_space<hbm>>) target(%arg8 : memref<800xi32, #tpu.memory_space<vmem>>) target_semaphore(%arg17 : memref<!tpu.dma_semaphore, #tpu.memory_space<semaphore_mem>>)
    %dma_wait3A = arith.constant 0 : i32
    %dma_wait3A_12 = tpu.memref_slice %arg3[%dma_wait3A] : memref<819200xi32, #tpu.memory_space<hbm>> -> memref<800xi32, #tpu.memory_space<hbm>>
    %dma_wait3A_13 = arith.constant 0 : i32
    %dma_wait3A_14 = tpu.memref_slice %arg3[%dma_wait3A_13] : memref<819200xi32, #tpu.memory_space<hbm>> -> memref<800xi32, #tpu.memory_space<hbm>>
    tpu.wait_dma2 semaphore(%arg17 : memref<!tpu.dma_semaphore, #tpu.memory_space<semaphore_mem>>) src(%dma_wait3A_14 : memref<800xi32, #tpu.memory_space<hbm>>) dst(%arg6 : memref<800xi32, #tpu.memory_space<vmem>>)
    %dma_wait3A_15 = arith.constant 0 : i32
    %dma_wait3A_16 = tpu.memref_slice %arg4[%dma_wait3A_15] : memref<819200xi32, #tpu.memory_space<hbm>> -> memref<800xi32, #tpu.memory_space<hbm>>
    %dma_wait3A_17 = arith.constant 0 : i32
    %dma_wait3A_18 = tpu.memref_slice %arg4[%dma_wait3A_17] : memref<819200xi32, #tpu.memory_space<hbm>> -> memref<800xi32, #tpu.memory_space<hbm>>
    tpu.wait_dma2 semaphore(%arg17 : memref<!tpu.dma_semaphore, #tpu.memory_space<semaphore_mem>>) src(%dma_wait3A_18 : memref<800xi32, #tpu.memory_space<hbm>>) dst(%arg8 : memref<800xi32, #tpu.memory_space<vmem>>)
    %dma_start3A_19 = arith.constant 0 : i32
    %dma_start3A_20 = arith.constant 0 : i32
    %dma_start3A_21 = tpu.memref_slice %arg16[%dma_start3A_19, %dma_start3A_20] : memref<50000x16xf32, #tpu.memory_space<vmem_shared>> -> memref<50000x16xf32, #tpu.memory_space<vmem_shared>>
    tpu.enqueue_indirect_dma source(%dma_start3A_21 : memref<50000x16xf32, #tpu.memory_space<vmem_shared>>) target(%arg10 : memref<800x16xf32, #tpu.memory_space<vmem>>) offsets(%arg6 : memref<800xi32, #tpu.memory_space<vmem>>) semaphore(%arg19 : memref<!tpu.dma_semaphore, #tpu.memory_space<semaphore_mem>>)
    %dma_start3A_22 = arith.constant 0 : i32
    %dma_start3A_23 = arith.constant 0 : i32
    %dma_start3A_24 = tpu.memref_slice %arg16[%dma_start3A_22, %dma_start3A_23] : memref<50000x16xf32, #tpu.memory_space<vmem_shared>> -> memref<50000x16xf32, #tpu.memory_space<vmem_shared>>
    tpu.enqueue_indirect_dma source(%dma_start3A_24 : memref<50000x16xf32, #tpu.memory_space<vmem_shared>>) target(%arg12 : memref<800x16xf32, #tpu.memory_space<vmem>>) offsets(%arg8 : memref<800xi32, #tpu.memory_space<vmem>>) semaphore(%arg19 : memref<!tpu.dma_semaphore, #tpu.memory_space<semaphore_mem>>)
    %add3A_25 = arith.constant 0 : i32
    %add3A_26 = arith.addi %add3A_25, %mul3A_2 : i32
    %add3A_27 = arith.constant 800 : i32
    %add3A_28 = arith.addi %add3A_26, %add3A_27 : i32
    %dma_start3A_29 = tpu.memref_slice %arg3[%add3A_28] : memref<819200xi32, #tpu.memory_space<hbm>> -> memref<800xi32, #tpu.memory_space<hbm>>
    %dma_start3A_30 = tpu.memref_slice %arg3[%add3A_28] : memref<819200xi32, #tpu.memory_space<hbm>> -> memref<800xi32, #tpu.memory_space<hbm>>
    tpu.enqueue_dma source(%dma_start3A_30 : memref<800xi32, #tpu.memory_space<hbm>>) target(%arg7 : memref<800xi32, #tpu.memory_space<vmem>>) target_semaphore(%arg18 : memref<!tpu.dma_semaphore, #tpu.memory_space<semaphore_mem>>)
    %dma_start3A_31 = tpu.memref_slice %arg4[%add3A_28] : memref<819200xi32, #tpu.memory_space<hbm>> -> memref<800xi32, #tpu.memory_space<hbm>>
    %dma_start3A_32 = tpu.memref_slice %arg4[%add3A_28] : memref<819200xi32, #tpu.memory_space<hbm>> -> memref<800xi32, #tpu.memory_space<hbm>>
    tpu.enqueue_dma source(%dma_start3A_32 : memref<800xi32, #tpu.memory_space<hbm>>) target(%arg9 : memref<800xi32, #tpu.memory_space<vmem>>) target_semaphore(%arg18 : memref<!tpu.dma_semaphore, #tpu.memory_space<semaphore_mem>>)
    %scan3A = arith.constant 0 : i32
    %scan3A_33 = arith.constant 0 : i32
    %scan3A_34 = arith.constant 4 : i32
    %scan3A_35 = arith.addi %scan3A_33, %scan3A_34 : i32
    %scan3A_36 = arith.constant 1 : i32
    scf.for %scan3A_50 = %scan3A_33 to %scan3A_35 step %scan3A_36  : i32 {
      %mul3A_51 = arith.constant 2 : i32
      %mul3A_52 = arith.muli %mul3A_51, %scan3A_50 : i32
      %add3A_53 = arith.constant 0 : i32
      %add3A_54 = arith.addi %mul3A_52, %add3A_53 : i32
      %dma_wait3A_55 = arith.constant 0 : i32
      %dma_wait3A_56 = tpu.memref_slice %arg3[%dma_wait3A_55] : memref<819200xi32, #tpu.memory_space<hbm>> -> memref<800xi32, #tpu.memory_space<hbm>>
      %dma_wait3A_57 = arith.constant 0 : i32
      %dma_wait3A_58 = tpu.memref_slice %arg3[%dma_wait3A_57] : memref<819200xi32, #tpu.memory_space<hbm>> -> memref<800xi32, #tpu.memory_space<hbm>>
      tpu.wait_dma2 semaphore(%arg18 : memref<!tpu.dma_semaphore, #tpu.memory_space<semaphore_mem>>) src(%dma_wait3A_58 : memref<800xi32, #tpu.memory_space<hbm>>) dst(%arg7 : memref<800xi32, #tpu.memory_space<vmem>>)
      %dma_wait3A_59 = arith.constant 0 : i32
      %dma_wait3A_60 = tpu.memref_slice %arg4[%dma_wait3A_59] : memref<819200xi32, #tpu.memory_space<hbm>> -> memref<800xi32, #tpu.memory_space<hbm>>
      %dma_wait3A_61 = arith.constant 0 : i32
      %dma_wait3A_62 = tpu.memref_slice %arg4[%dma_wait3A_61] : memref<819200xi32, #tpu.memory_space<hbm>> -> memref<800xi32, #tpu.memory_space<hbm>>
      tpu.wait_dma2 semaphore(%arg18 : memref<!tpu.dma_semaphore, #tpu.memory_space<semaphore_mem>>) src(%dma_wait3A_62 : memref<800xi32, #tpu.memory_space<hbm>>) dst(%arg9 : memref<800xi32, #tpu.memory_space<vmem>>)
      %dma_start3A_63 = arith.constant 0 : i32
      %dma_start3A_64 = arith.constant 0 : i32
      %dma_start3A_65 = tpu.memref_slice %arg16[%dma_start3A_63, %dma_start3A_64] : memref<50000x16xf32, #tpu.memory_space<vmem_shared>> -> memref<50000x16xf32, #tpu.memory_space<vmem_shared>>
      tpu.enqueue_indirect_dma source(%dma_start3A_65 : memref<50000x16xf32, #tpu.memory_space<vmem_shared>>) target(%arg11 : memref<800x16xf32, #tpu.memory_space<vmem>>) offsets(%arg7 : memref<800xi32, #tpu.memory_space<vmem>>) semaphore(%arg20 : memref<!tpu.dma_semaphore, #tpu.memory_space<semaphore_mem>>)
      %dma_start3A_66 = arith.constant 0 : i32
      %dma_start3A_67 = arith.constant 0 : i32
      %dma_start3A_68 = tpu.memref_slice %arg16[%dma_start3A_66, %dma_start3A_67] : memref<50000x16xf32, #tpu.memory_space<vmem_shared>> -> memref<50000x16xf32, #tpu.memory_space<vmem_shared>>
      tpu.enqueue_indirect_dma source(%dma_start3A_68 : memref<50000x16xf32, #tpu.memory_space<vmem_shared>>) target(%arg13 : memref<800x16xf32, #tpu.memory_space<vmem>>) offsets(%arg9 : memref<800xi32, #tpu.memory_space<vmem>>) semaphore(%arg20 : memref<!tpu.dma_semaphore, #tpu.memory_space<semaphore_mem>>)
      %dma_wait3A_69 = arith.constant 0 : i32
      %dma_wait3A_70 = arith.constant 0 : i32
      %dma_wait3A_71 = tpu.memref_slice %arg2[%dma_wait3A_69, %dma_wait3A_70] : memref<50000x16xf32, #tpu.memory_space<hbm>> -> memref<800x16xf32, #tpu.memory_space<hbm>>
      %dma_wait3A_72 = arith.constant 0 : i32
      %dma_wait3A_73 = arith.constant 0 : i32
      %dma_wait3A_74 = tpu.memref_slice %arg2[%dma_wait3A_72, %dma_wait3A_73] : memref<50000x16xf32, #tpu.memory_space<hbm>> -> memref<800x16xf32, #tpu.memory_space<hbm>>
      tpu.wait_dma2 semaphore(%arg19 : memref<!tpu.dma_semaphore, #tpu.memory_space<semaphore_mem>>) src(%dma_wait3A_74 : memref<800x16xf32, #tpu.memory_space<hbm>>) dst(%arg10 : memref<800x16xf32, #tpu.memory_space<vmem>>)
      %dma_wait3A_75 = arith.constant 0 : i32
      %dma_wait3A_76 = arith.constant 0 : i32
      %dma_wait3A_77 = tpu.memref_slice %arg2[%dma_wait3A_75, %dma_wait3A_76] : memref<50000x16xf32, #tpu.memory_space<hbm>> -> memref<800x16xf32, #tpu.memory_space<hbm>>
      %dma_wait3A_78 = arith.constant 0 : i32
      %dma_wait3A_79 = arith.constant 0 : i32
      %dma_wait3A_80 = tpu.memref_slice %arg2[%dma_wait3A_78, %dma_wait3A_79] : memref<50000x16xf32, #tpu.memory_space<hbm>> -> memref<800x16xf32, #tpu.memory_space<hbm>>
      tpu.wait_dma2 semaphore(%arg19 : memref<!tpu.dma_semaphore, #tpu.memory_space<semaphore_mem>>) src(%dma_wait3A_80 : memref<800x16xf32, #tpu.memory_space<hbm>>) dst(%arg12 : memref<800x16xf32, #tpu.memory_space<vmem>>)
      %ge3A = arith.constant 1 : i32
      %ge3A_81 = arith.cmpi sge, %scan3A_50, %ge3A : i32
      %convert_element_type3A_82 = arith.extui %ge3A_81 : i1 to i32
      %cond3A_83 = arith.constant 0 : i32
      %cond3A_84 = arith.cmpi ne, %convert_element_type3A_82, %cond3A_83 : i32
      scf.if %cond3A_84 {
        %dma_wait3A_139 = arith.constant 0 : i32
        %dma_wait3A_140 = arith.constant 0 : i32
        %dma_wait3A_141 = tpu.memref_slice %arg5[%dma_wait3A_139, %dma_wait3A_140] : memref<16x204800xf32, #tpu.memory_space<hbm>> -> memref<16x800xf32, #tpu.memory_space<hbm>>
        %dma_wait3A_142 = arith.constant 0 : i32
        %dma_wait3A_143 = arith.constant 0 : i32
        %dma_wait3A_144 = tpu.memref_slice %arg5[%dma_wait3A_142, %dma_wait3A_143] : memref<16x204800xf32, #tpu.memory_space<hbm>> -> memref<16x800xf32, #tpu.memory_space<hbm>>
        tpu.wait_dma2 semaphore(%arg21 : memref<!tpu.dma_semaphore, #tpu.memory_space<semaphore_mem>>) src(%arg14 : memref<16x800xf32, #tpu.memory_space<vmem>>) dst(%dma_wait3A_144 : memref<16x800xf32, #tpu.memory_space<hbm>>)
      } else {
      }
      %parallel_loop3A = arith.constant 0 : i32
      %parallel_loop3A_85 = arith.constant 800 : i32
      %parallel_loop3A_86 = arith.constant 1 : i32
      scf.for %parallel_loop3A_139 = %parallel_loop3A to %parallel_loop3A_85 step %parallel_loop3A_86  : i32 {
        %parallel_loop3A_140 = arith.index_cast %parallel_loop3A_139 : i32 to index
        %parallel_loop3A_141 = arith.constant 0 : index
        %parallel_loop3A_142 = tpu.vector_load %arg10[%parallel_loop3A_140, %parallel_loop3A_141] {strides = array<i32>} : memref<800x16xf32, #tpu.memory_space<vmem>>, vector<16xf32>,
        %parallel_loop3A_143 = arith.index_cast %parallel_loop3A_139 : i32 to index
        %parallel_loop3A_144 = arith.constant 0 : index
        %parallel_loop3A_145 = tpu.vector_load %arg12[%parallel_loop3A_143, %parallel_loop3A_144] {strides = array<i32>} : memref<800x16xf32, #tpu.memory_space<vmem>>, vector<16xf32>,
        %parallel_loop3A_146 = arith.addf %parallel_loop3A_142, %parallel_loop3A_145 : vector<16xf32>
        %parallel_loop3A_147 = vector.broadcast %parallel_loop3A_139 : i32 to vector<16xi32>
        tpu.vector_store_idx %arg14[%iota3A, %parallel_loop3A_147], %parallel_loop3A_146 : memref<16x800xf32, #tpu.memory_space<vmem>>[vector<16xi32>, vector<16xi32>], vector<16xf32>,
      } {sc.loop_unroll_factor = 8 : i64, sc.parallel_access}
      %mul3A_87 = arith.constant 800 : i32
      %mul3A_88 = arith.muli %add3A_54, %mul3A_87 : i32
      %add3A_89 = arith.addi %mul3A_2, %mul3A_88 : i32
      %dma_start3A_90 = arith.constant 0 : i32
      %dma_start3A_91 = tpu.memref_slice %arg5[%dma_start3A_90, %add3A_89] : memref<16x204800xf32, #tpu.memory_space<hbm>> -> memref<16x800xf32, #tpu.memory_space<hbm>>
      %dma_start3A_92 = arith.constant 0 : i32
      %dma_start3A_93 = tpu.memref_slice %arg5[%dma_start3A_92, %add3A_89] : memref<16x204800xf32, #tpu.memory_space<hbm>> -> memref<16x800xf32, #tpu.memory_space<hbm>>
      tpu.enqueue_dma source(%arg14 : memref<16x800xf32, #tpu.memory_space<vmem>>) target(%dma_start3A_93 : memref<16x800xf32, #tpu.memory_space<hbm>>) target_semaphore(%arg21 : memref<!tpu.dma_semaphore, #tpu.memory_space<semaphore_mem>>)
      %lt3A = arith.constant 3 : i32
      %lt3A_94 = arith.cmpi slt, %scan3A_50, %lt3A : i32
      %convert_element_type3A_95 = arith.extui %lt3A_94 : i1 to i32
      %cond3A_96 = arith.constant 0 : i32
      %cond3A_97 = arith.cmpi ne, %convert_element_type3A_95, %cond3A_96 : i32
      scf.if %cond3A_97 {
        %add3A_139 = arith.constant 2 : i32
        %add3A_140 = arith.addi %add3A_54, %add3A_139 : i32
        %add3A_141 = arith.constant 0 : i32
        %add3A_142 = arith.addi %add3A_141, %mul3A_2 : i32
        %mul3A_143 = arith.constant 800 : i32
        %mul3A_144 = arith.muli %add3A_140, %mul3A_143 : i32
        %add3A_145 = arith.addi %add3A_142, %mul3A_144 : i32
        %dma_start3A_146 = tpu.memref_slice %arg3[%add3A_145] : memref<819200xi32, #tpu.memory_space<hbm>> -> memref<800xi32, #tpu.memory_space<hbm>>
        %dma_start3A_147 = tpu.memref_slice %arg3[%add3A_145] : memref<819200xi32, #tpu.memory_space<hbm>> -> memref<800xi32, #tpu.memory_space<hbm>>
        tpu.enqueue_dma source(%dma_start3A_147 : memref<800xi32, #tpu.memory_space<hbm>>) target(%arg6 : memref<800xi32, #tpu.memory_space<vmem>>) target_semaphore(%arg17 : memref<!tpu.dma_semaphore, #tpu.memory_space<semaphore_mem>>)
        %dma_start3A_148 = tpu.memref_slice %arg4[%add3A_145] : memref<819200xi32, #tpu.memory_space<hbm>> -> memref<800xi32, #tpu.memory_space<hbm>>
        %dma_start3A_149 = tpu.memref_slice %arg4[%add3A_145] : memref<819200xi32, #tpu.memory_space<hbm>> -> memref<800xi32, #tpu.memory_space<hbm>>
        tpu.enqueue_dma source(%dma_start3A_149 : memref<800xi32, #tpu.memory_space<hbm>>) target(%arg8 : memref<800xi32, #tpu.memory_space<vmem>>) target_semaphore(%arg17 : memref<!tpu.dma_semaphore, #tpu.memory_space<semaphore_mem>>)
      } else {
      }
      %mul3A_98 = arith.constant 2 : i32
      %mul3A_99 = arith.muli %mul3A_98, %scan3A_50 : i32
      %add3A_100 = arith.constant 1 : i32
      %add3A_101 = arith.addi %mul3A_99, %add3A_100 : i32
      %lt3A_102 = arith.constant 3 : i32
      %lt3A_103 = arith.cmpi slt, %scan3A_50, %lt3A_102 : i32
      %convert_element_type3A_104 = arith.extui %lt3A_103 : i1 to i32
      %cond3A_105 = arith.constant 0 : i32
      %cond3A_106 = arith.cmpi ne, %convert_element_type3A_104, %cond3A_105 : i32
      scf.if %cond3A_106 {
        %dma_wait3A_139 = arith.constant 0 : i32
        %dma_wait3A_140 = tpu.memref_slice %arg3[%dma_wait3A_139] : memref<819200xi32, #tpu.memory_space<hbm>> -> memref<800xi32, #tpu.memory_space<hbm>>
        %dma_wait3A_141 = arith.constant 0 : i32
        %dma_wait3A_142 = tpu.memref_slice %arg3[%dma_wait3A_141] : memref<819200xi32, #tpu.memory_space<hbm>> -> memref<800xi32, #tpu.memory_space<hbm>>
        tpu.wait_dma2 semaphore(%arg17 : memref<!tpu.dma_semaphore, #tpu.memory_space<semaphore_mem>>) src(%dma_wait3A_142 : memref<800xi32, #tpu.memory_space<hbm>>) dst(%arg6 : memref<800xi32, #tpu.memory_space<vmem>>)
        %dma_wait3A_143 = arith.constant 0 : i32
        %dma_wait3A_144 = tpu.memref_slice %arg4[%dma_wait3A_143] : memref<819200xi32, #tpu.memory_space<hbm>> -> memref<800xi32, #tpu.memory_space<hbm>>
        %dma_wait3A_145 = arith.constant 0 : i32
        %dma_wait3A_146 = tpu.memref_slice %arg4[%dma_wait3A_145] : memref<819200xi32, #tpu.memory_space<hbm>> -> memref<800xi32, #tpu.memory_space<hbm>>
        tpu.wait_dma2 semaphore(%arg17 : memref<!tpu.dma_semaphore, #tpu.memory_space<semaphore_mem>>) src(%dma_wait3A_146 : memref<800xi32, #tpu.memory_space<hbm>>) dst(%arg8 : memref<800xi32, #tpu.memory_space<vmem>>)
        %dma_start3A_147 = arith.constant 0 : i32
        %dma_start3A_148 = arith.constant 0 : i32
        %dma_start3A_149 = tpu.memref_slice %arg16[%dma_start3A_147, %dma_start3A_148] : memref<50000x16xf32, #tpu.memory_space<vmem_shared>> -> memref<50000x16xf32, #tpu.memory_space<vmem_shared>>
        tpu.enqueue_indirect_dma source(%dma_start3A_149 : memref<50000x16xf32, #tpu.memory_space<vmem_shared>>) target(%arg10 : memref<800x16xf32, #tpu.memory_space<vmem>>) offsets(%arg6 : memref<800xi32, #tpu.memory_space<vmem>>) semaphore(%arg19 : memref<!tpu.dma_semaphore, #tpu.memory_space<semaphore_mem>>)
        %dma_start3A_150 = arith.constant 0 : i32
        %dma_start3A_151 = arith.constant 0 : i32
        %dma_start3A_152 = tpu.memref_slice %arg16[%dma_start3A_150, %dma_start3A_151] : memref<50000x16xf32, #tpu.memory_space<vmem_shared>> -> memref<50000x16xf32, #tpu.memory_space<vmem_shared>>
        tpu.enqueue_indirect_dma source(%dma_start3A_152 : memref<50000x16xf32, #tpu.memory_space<vmem_shared>>) target(%arg12 : memref<800x16xf32, #tpu.memory_space<vmem>>) offsets(%arg8 : memref<800xi32, #tpu.memory_space<vmem>>) semaphore(%arg19 : memref<!tpu.dma_semaphore, #tpu.memory_space<semaphore_mem>>)
      } else {
      }
      %dma_wait3A_107 = arith.constant 0 : i32
      %dma_wait3A_108 = arith.constant 0 : i32
      %dma_wait3A_109 = tpu.memref_slice %arg2[%dma_wait3A_107, %dma_wait3A_108] : memref<50000x16xf32, #tpu.memory_space<hbm>> -> memref<800x16xf32, #tpu.memory_space<hbm>>
      %dma_wait3A_110 = arith.constant 0 : i32
      %dma_wait3A_111 = arith.constant 0 : i32
      %dma_wait3A_112 = tpu.memref_slice %arg2[%dma_wait3A_110, %dma_wait3A_111] : memref<50000x16xf32, #tpu.memory_space<hbm>> -> memref<800x16xf32, #tpu.memory_space<hbm>>
      tpu.wait_dma2 semaphore(%arg20 : memref<!tpu.dma_semaphore, #tpu.memory_space<semaphore_mem>>) src(%dma_wait3A_112 : memref<800x16xf32, #tpu.memory_space<hbm>>) dst(%arg11 : memref<800x16xf32, #tpu.memory_space<vmem>>)
      %dma_wait3A_113 = arith.constant 0 : i32
      %dma_wait3A_114 = arith.constant 0 : i32
      %dma_wait3A_115 = tpu.memref_slice %arg2[%dma_wait3A_113, %dma_wait3A_114] : memref<50000x16xf32, #tpu.memory_space<hbm>> -> memref<800x16xf32, #tpu.memory_space<hbm>>
      %dma_wait3A_116 = arith.constant 0 : i32
      %dma_wait3A_117 = arith.constant 0 : i32
      %dma_wait3A_118 = tpu.memref_slice %arg2[%dma_wait3A_116, %dma_wait3A_117] : memref<50000x16xf32, #tpu.memory_space<hbm>> -> memref<800x16xf32, #tpu.memory_space<hbm>>
      tpu.wait_dma2 semaphore(%arg20 : memref<!tpu.dma_semaphore, #tpu.memory_space<semaphore_mem>>) src(%dma_wait3A_118 : memref<800x16xf32, #tpu.memory_space<hbm>>) dst(%arg13 : memref<800x16xf32, #tpu.memory_space<vmem>>)
      %ge3A_119 = arith.constant 1 : i32
      %ge3A_120 = arith.cmpi sge, %scan3A_50, %ge3A_119 : i32
      %convert_element_type3A_121 = arith.extui %ge3A_120 : i1 to i32
      %cond3A_122 = arith.constant 0 : i32
      %cond3A_123 = arith.cmpi ne, %convert_element_type3A_121, %cond3A_122 : i32
      scf.if %cond3A_123 {
        %dma_wait3A_139 = arith.constant 0 : i32
        %dma_wait3A_140 = arith.constant 0 : i32
        %dma_wait3A_141 = tpu.memref_slice %arg5[%dma_wait3A_139, %dma_wait3A_140] : memref<16x204800xf32, #tpu.memory_space<hbm>> -> memref<16x800xf32, #tpu.memory_space<hbm>>
        %dma_wait3A_142 = arith.constant 0 : i32
        %dma_wait3A_143 = arith.constant 0 : i32
        %dma_wait3A_144 = tpu.memref_slice %arg5[%dma_wait3A_142, %dma_wait3A_143] : memref<16x204800xf32, #tpu.memory_space<hbm>> -> memref<16x800xf32, #tpu.memory_space<hbm>>
        tpu.wait_dma2 semaphore(%arg22 : memref<!tpu.dma_semaphore, #tpu.memory_space<semaphore_mem>>) src(%arg15 : memref<16x800xf32, #tpu.memory_space<vmem>>) dst(%dma_wait3A_144 : memref<16x800xf32, #tpu.memory_space<hbm>>)
      } else {
      }
      %parallel_loop3A_124 = arith.constant 0 : i32
      %parallel_loop3A_125 = arith.constant 800 : i32
      %parallel_loop3A_126 = arith.constant 1 : i32
      scf.for %parallel_loop3A_139 = %parallel_loop3A_124 to %parallel_loop3A_125 step %parallel_loop3A_126  : i32 {
        %parallel_loop3A_140 = arith.index_cast %parallel_loop3A_139 : i32 to index
        %parallel_loop3A_141 = arith.constant 0 : index
        %parallel_loop3A_142 = tpu.vector_load %arg11[%parallel_loop3A_140, %parallel_loop3A_141] {strides = array<i32>} : memref<800x16xf32, #tpu.memory_space<vmem>>, vector<16xf32>,
        %parallel_loop3A_143 = arith.index_cast %parallel_loop3A_139 : i32 to index
        %parallel_loop3A_144 = arith.constant 0 : index
        %parallel_loop3A_145 = tpu.vector_load %arg13[%parallel_loop3A_143, %parallel_loop3A_144] {strides = array<i32>} : memref<800x16xf32, #tpu.memory_space<vmem>>, vector<16xf32>,
        %parallel_loop3A_146 = arith.addf %parallel_loop3A_142, %parallel_loop3A_145 : vector<16xf32>
        %parallel_loop3A_147 = vector.broadcast %parallel_loop3A_139 : i32 to vector<16xi32>
        tpu.vector_store_idx %arg15[%iota3A, %parallel_loop3A_147], %parallel_loop3A_146 : memref<16x800xf32, #tpu.memory_space<vmem>>[vector<16xi32>, vector<16xi32>], vector<16xf32>,
      } {sc.loop_unroll_factor = 8 : i64, sc.parallel_access}
      %mul3A_127 = arith.constant 800 : i32
      %mul3A_128 = arith.muli %add3A_101, %mul3A_127 : i32
      %add3A_129 = arith.addi %mul3A_2, %mul3A_128 : i32
      %dma_start3A_130 = arith.constant 0 : i32
      %dma_start3A_131 = tpu.memref_slice %arg5[%dma_start3A_130, %add3A_129] : memref<16x204800xf32, #tpu.memory_space<hbm>> -> memref<16x800xf32, #tpu.memory_space<hbm>>
      %dma_start3A_132 = arith.constant 0 : i32
      %dma_start3A_133 = tpu.memref_slice %arg5[%dma_start3A_132, %add3A_129] : memref<16x204800xf32, #tpu.memory_space<hbm>> -> memref<16x800xf32, #tpu.memory_space<hbm>>
      tpu.enqueue_dma source(%arg15 : memref<16x800xf32, #tpu.memory_space<vmem>>) target(%dma_start3A_133 : memref<16x800xf32, #tpu.memory_space<hbm>>) target_semaphore(%arg22 : memref<!tpu.dma_semaphore, #tpu.memory_space<semaphore_mem>>)
      %lt3A_134 = arith.constant 3 : i32
      %lt3A_135 = arith.cmpi slt, %scan3A_50, %lt3A_134 : i32
      %convert_element_type3A_136 = arith.extui %lt3A_135 : i1 to i32
      %cond3A_137 = arith.constant 0 : i32
      %cond3A_138 = arith.cmpi ne, %convert_element_type3A_136, %cond3A_137 : i32
      scf.if %cond3A_138 {
        %add3A_139 = arith.constant 2 : i32
        %add3A_140 = arith.addi %add3A_101, %add3A_139 : i32
        %add3A_141 = arith.constant 0 : i32
        %add3A_142 = arith.addi %add3A_141, %mul3A_2 : i32
        %mul3A_143 = arith.constant 800 : i32
        %mul3A_144 = arith.muli %add3A_140, %mul3A_143 : i32
        %add3A_145 = arith.addi %add3A_142, %mul3A_144 : i32
        %dma_start3A_146 = tpu.memref_slice %arg3[%add3A_145] : memref<819200xi32, #tpu.memory_space<hbm>> -> memref<800xi32, #tpu.memory_space<hbm>>
        %dma_start3A_147 = tpu.memref_slice %arg3[%add3A_145] : memref<819200xi32, #tpu.memory_space<hbm>> -> memref<800xi32, #tpu.memory_space<hbm>>
        tpu.enqueue_dma source(%dma_start3A_147 : memref<800xi32, #tpu.memory_space<hbm>>) target(%arg7 : memref<800xi32, #tpu.memory_space<vmem>>) target_semaphore(%arg18 : memref<!tpu.dma_semaphore, #tpu.memory_space<semaphore_mem>>)
        %dma_start3A_148 = tpu.memref_slice %arg4[%add3A_145] : memref<819200xi32, #tpu.memory_space<hbm>> -> memref<800xi32, #tpu.memory_space<hbm>>
        %dma_start3A_149 = tpu.memref_slice %arg4[%add3A_145] : memref<819200xi32, #tpu.memory_space<hbm>> -> memref<800xi32, #tpu.memory_space<hbm>>
        tpu.enqueue_dma source(%dma_start3A_149 : memref<800xi32, #tpu.memory_space<hbm>>) target(%arg9 : memref<800xi32, #tpu.memory_space<vmem>>) target_semaphore(%arg18 : memref<!tpu.dma_semaphore, #tpu.memory_space<semaphore_mem>>)
      } else {
      }
    }
    %scan3A_37 = arith.constant 4 : i32
    %dma_wait3A_38 = arith.constant 0 : i32
    %dma_wait3A_39 = arith.constant 0 : i32
    %dma_wait3A_40 = tpu.memref_slice %arg5[%dma_wait3A_38, %dma_wait3A_39] : memref<16x204800xf32, #tpu.memory_space<hbm>> -> memref<16x800xf32, #tpu.memory_space<hbm>>
    %dma_wait3A_41 = arith.constant 0 : i32
    %dma_wait3A_42 = arith.constant 0 : i32
    %dma_wait3A_43 = tpu.memref_slice %arg5[%dma_wait3A_41, %dma_wait3A_42] : memref<16x204800xf32, #tpu.memory_space<hbm>> -> memref<16x800xf32, #tpu.memory_space<hbm>>
    tpu.wait_dma2 semaphore(%arg21 : memref<!tpu.dma_semaphore, #tpu.memory_space<semaphore_mem>>) src(%arg14 : memref<16x800xf32, #tpu.memory_space<vmem>>) dst(%dma_wait3A_43 : memref<16x800xf32, #tpu.memory_space<hbm>>)
    %dma_wait3A_44 = arith.constant 0 : i32
    %dma_wait3A_45 = arith.constant 0 : i32
    %dma_wait3A_46 = tpu.memref_slice %arg5[%dma_wait3A_44, %dma_wait3A_45] : memref<16x204800xf32, #tpu.memory_space<hbm>> -> memref<16x800xf32, #tpu.memory_space<hbm>>
    %dma_wait3A_47 = arith.constant 0 : i32
    %dma_wait3A_48 = arith.constant 0 : i32
    %dma_wait3A_49 = tpu.memref_slice %arg5[%dma_wait3A_47, %dma_wait3A_48] : memref<16x204800xf32, #tpu.memory_space<hbm>> -> memref<16x800xf32, #tpu.memory_space<hbm>>
    tpu.wait_dma2 semaphore(%arg22 : memref<!tpu.dma_semaphore, #tpu.memory_space<semaphore_mem>>) src(%arg15 : memref<16x800xf32, #tpu.memory_space<vmem>>) dst(%dma_wait3A_49 : memref<16x800xf32, #tpu.memory_space<hbm>>)
    return
  }
}

#map = affine_map<(d0, d1) -> (0, 0)>
#map1 = affine_map<(d0, d1) -> (0)>
module attributes {stable_mosaic.version = 14 : i64} {
  func.func @_gather_body(%arg0: i32, %arg1: i32, %arg2: memref<50000x16xf32, #tpu.memory_space<hbm>>, %arg3: memref<819200xi32, #tpu.memory_space<hbm>>, %arg4: memref<819200xi32, #tpu.memory_space<hbm>>, %arg5: memref<16x204800xf32, #tpu.memory_space<hbm>>, %arg6: memref<800xi32, #tpu.memory_space<vmem>>, %arg7: memref<800xi32, #tpu.memory_space<vmem>>, %arg8: memref<800xi32, #tpu.memory_space<vmem>>, %arg9: memref<800xi32, #tpu.memory_space<vmem>>, %arg10: memref<800x16xf32, #tpu.memory_space<vmem>>, %arg11: memref<800x16xf32, #tpu.memory_space<vmem>>, %arg12: memref<800x16xf32, #tpu.memory_space<vmem>>, %arg13: memref<800x16xf32, #tpu.memory_space<vmem>>, %arg14: memref<16x800xf32, #tpu.memory_space<vmem>>, %arg15: memref<16x800xf32, #tpu.memory_space<vmem>>, %arg16: memref<50000x16xf32, #tpu.memory_space<vmem_shared>>, %arg17: memref<!tpu.dma_semaphore, #tpu.memory_space<semaphore_mem>>, %arg18: memref<!tpu.dma_semaphore, #tpu.memory_space<semaphore_mem>>, %arg19: memref<!tpu.dma_semaphore, #tpu.memory_space<semaphore_mem>>, %arg20: memref<!tpu.dma_semaphore, #tpu.memory_space<semaphore_mem>>, %arg21: memref<!tpu.dma_semaphore, #tpu.memory_space<semaphore_mem>>, %arg22: memref<!tpu.dma_semaphore, #tpu.memory_space<semaphore_mem>>) attributes {dimension_semantics = [#tpu.dimension_semantics<core_parallel>, #tpu.dimension_semantics<subcore_parallel>], iteration_bounds = array<i64: 2, 16>, scalar_prefetch = 0 : i64, scratch_operands = 17 : i64, tpu.core_type = #tpu.core_type<sc_vector_subcore>, window_params = [{transform_indices = #map}, {transform_indices = #map1}, {transform_indices = #map1}, {transform_indices = #map}]} {
    %mul3A = arith.constant 2 : i32
    %mul3A_0 = arith.muli %arg1, %mul3A : i32
    %add3A = arith.addi %mul3A_0, %arg0 : i32
    %mul3A_1 = arith.constant 6400 : i32
    %mul3A_2 = arith.muli %add3A, %mul3A_1 : i32
    %iota3A = tpu.iota {dimensions = array<i32: 0>} : vector<16xi32>
    %eq3A = arith.constant 0 : i32
    %eq3A_3 = arith.cmpi eq, %arg1, %eq3A : i32
    %convert_element_type3A = arith.extui %eq3A_3 : i1 to i32
    %cond3A = arith.constant 0 : i32
    %cond3A_4 = arith.cmpi ne, %convert_element_type3A, %cond3A : i32
    scf.if %cond3A_4 {
      "tpu.region"() ({
        %run_scoped3A = tpu.sem_alloc : memref<!tpu.dma_semaphore, #tpu.memory_space<semaphore_mem>>
        tpu.enqueue_dma source(%arg2 : memref<50000x16xf32, #tpu.memory_space<hbm>>) target(%arg16 : memref<50000x16xf32, #tpu.memory_space<vmem_shared>>) target_semaphore(%run_scoped3A : memref<!tpu.dma_semaphore, #tpu.memory_space<semaphore_mem>>)
        tpu.wait_dma2 semaphore(%run_scoped3A : memref<!tpu.dma_semaphore, #tpu.memory_space<semaphore_mem>>) src(%arg2 : memref<50000x16xf32, #tpu.memory_space<hbm>>) dst(%arg16 : memref<50000x16xf32, #tpu.memory_space<vmem_shared>>)
        tpu.yield
      }) : () -> ()
    } else {
    }
    %barrier3A = arith.constant 0 : index
    tpu.barrier barrier_id(%barrier3A)
    %add3A_5 = arith.constant 614400 : i32
    %add3A_6 = arith.addi %add3A_5, %mul3A_2 : i32
    %add3A_7 = arith.constant 0 : i32
    %add3A_8 = arith.addi %add3A_6, %add3A_7 : i32
    %dma_start3A = tpu.memref_slice %arg3[%add3A_8] : memref<819200xi32, #tpu.memory_space<hbm>> -> memref<800xi32, #tpu.memory_space<hbm>>
    %dma_start3A_9 = tpu.memref_slice %arg3[%add3A_8] : memref<819200xi32, #tpu.memory_space<hbm>> -> memref<800xi32, #tpu.memory_space<hbm>>
    tpu.enqueue_dma source(%dma_start3A_9 : memref<800xi32, #tpu.memory_space<hbm>>) target(%arg6 : memref<800xi32, #tpu.memory_space<vmem>>) target_semaphore(%arg17 : memref<!tpu.dma_semaphore, #tpu.memory_space<semaphore_mem>>)
    %dma_start3A_10 = tpu.memref_slice %arg4[%add3A_8] : memref<819200xi32, #tpu.memory_space<hbm>> -> memref<800xi32, #tpu.memory_space<hbm>>
    %dma_start3A_11 = tpu.memref_slice %arg4[%add3A_8] : memref<819200xi32, #tpu.memory_space<hbm>> -> memref<800xi32, #tpu.memory_space<hbm>>
    tpu.enqueue_dma source(%dma_start3A_11 : memref<800xi32, #tpu.memory_space<hbm>>) target(%arg8 : memref<800xi32, #tpu.memory_space<vmem>>) target_semaphore(%arg17 : memref<!tpu.dma_semaphore, #tpu.memory_space<semaphore_mem>>)
    %dma_wait3A = arith.constant 0 : i32
    %dma_wait3A_12 = tpu.memref_slice %arg3[%dma_wait3A] : memref<819200xi32, #tpu.memory_space<hbm>> -> memref<800xi32, #tpu.memory_space<hbm>>
    %dma_wait3A_13 = arith.constant 0 : i32
    %dma_wait3A_14 = tpu.memref_slice %arg3[%dma_wait3A_13] : memref<819200xi32, #tpu.memory_space<hbm>> -> memref<800xi32, #tpu.memory_space<hbm>>
    tpu.wait_dma2 semaphore(%arg17 : memref<!tpu.dma_semaphore, #tpu.memory_space<semaphore_mem>>) src(%dma_wait3A_14 : memref<800xi32, #tpu.memory_space<hbm>>) dst(%arg6 : memref<800xi32, #tpu.memory_space<vmem>>)
    %dma_wait3A_15 = arith.constant 0 : i32
    %dma_wait3A_16 = tpu.memref_slice %arg4[%dma_wait3A_15] : memref<819200xi32, #tpu.memory_space<hbm>> -> memref<800xi32, #tpu.memory_space<hbm>>
    %dma_wait3A_17 = arith.constant 0 : i32
    %dma_wait3A_18 = tpu.memref_slice %arg4[%dma_wait3A_17] : memref<819200xi32, #tpu.memory_space<hbm>> -> memref<800xi32, #tpu.memory_space<hbm>>
    tpu.wait_dma2 semaphore(%arg17 : memref<!tpu.dma_semaphore, #tpu.memory_space<semaphore_mem>>) src(%dma_wait3A_18 : memref<800xi32, #tpu.memory_space<hbm>>) dst(%arg8 : memref<800xi32, #tpu.memory_space<vmem>>)
    %dma_start3A_19 = arith.constant 0 : i32
    %dma_start3A_20 = arith.constant 0 : i32
    %dma_start3A_21 = tpu.memref_slice %arg16[%dma_start3A_19, %dma_start3A_20] : memref<50000x16xf32, #tpu.memory_space<vmem_shared>> -> memref<50000x16xf32, #tpu.memory_space<vmem_shared>>
    tpu.enqueue_indirect_dma source(%dma_start3A_21 : memref<50000x16xf32, #tpu.memory_space<vmem_shared>>) target(%arg10 : memref<800x16xf32, #tpu.memory_space<vmem>>) offsets(%arg6 : memref<800xi32, #tpu.memory_space<vmem>>) semaphore(%arg19 : memref<!tpu.dma_semaphore, #tpu.memory_space<semaphore_mem>>)
    %dma_start3A_22 = arith.constant 0 : i32
    %dma_start3A_23 = arith.constant 0 : i32
    %dma_start3A_24 = tpu.memref_slice %arg16[%dma_start3A_22, %dma_start3A_23] : memref<50000x16xf32, #tpu.memory_space<vmem_shared>> -> memref<50000x16xf32, #tpu.memory_space<vmem_shared>>
    tpu.enqueue_indirect_dma source(%dma_start3A_24 : memref<50000x16xf32, #tpu.memory_space<vmem_shared>>) target(%arg12 : memref<800x16xf32, #tpu.memory_space<vmem>>) offsets(%arg8 : memref<800xi32, #tpu.memory_space<vmem>>) semaphore(%arg19 : memref<!tpu.dma_semaphore, #tpu.memory_space<semaphore_mem>>)
    %add3A_25 = arith.constant 614400 : i32
    %add3A_26 = arith.addi %add3A_25, %mul3A_2 : i32
    %add3A_27 = arith.constant 800 : i32
    %add3A_28 = arith.addi %add3A_26, %add3A_27 : i32
    %dma_start3A_29 = tpu.memref_slice %arg3[%add3A_28] : memref<819200xi32, #tpu.memory_space<hbm>> -> memref<800xi32, #tpu.memory_space<hbm>>
    %dma_start3A_30 = tpu.memref_slice %arg3[%add3A_28] : memref<819200xi32, #tpu.memory_space<hbm>> -> memref<800xi32, #tpu.memory_space<hbm>>
    tpu.enqueue_dma source(%dma_start3A_30 : memref<800xi32, #tpu.memory_space<hbm>>) target(%arg7 : memref<800xi32, #tpu.memory_space<vmem>>) target_semaphore(%arg18 : memref<!tpu.dma_semaphore, #tpu.memory_space<semaphore_mem>>)
    %dma_start3A_31 = tpu.memref_slice %arg4[%add3A_28] : memref<819200xi32, #tpu.memory_space<hbm>> -> memref<800xi32, #tpu.memory_space<hbm>>
    %dma_start3A_32 = tpu.memref_slice %arg4[%add3A_28] : memref<819200xi32, #tpu.memory_space<hbm>> -> memref<800xi32, #tpu.memory_space<hbm>>
    tpu.enqueue_dma source(%dma_start3A_32 : memref<800xi32, #tpu.memory_space<hbm>>) target(%arg9 : memref<800xi32, #tpu.memory_space<vmem>>) target_semaphore(%arg18 : memref<!tpu.dma_semaphore, #tpu.memory_space<semaphore_mem>>)
    %scan3A = arith.constant 0 : i32
    %scan3A_33 = arith.constant 0 : i32
    %scan3A_34 = arith.constant 4 : i32
    %scan3A_35 = arith.addi %scan3A_33, %scan3A_34 : i32
    %scan3A_36 = arith.constant 1 : i32
    scf.for %scan3A_50 = %scan3A_33 to %scan3A_35 step %scan3A_36  : i32 {
      %mul3A_51 = arith.constant 2 : i32
      %mul3A_52 = arith.muli %mul3A_51, %scan3A_50 : i32
      %add3A_53 = arith.constant 0 : i32
      %add3A_54 = arith.addi %mul3A_52, %add3A_53 : i32
      %dma_wait3A_55 = arith.constant 0 : i32
      %dma_wait3A_56 = tpu.memref_slice %arg3[%dma_wait3A_55] : memref<819200xi32, #tpu.memory_space<hbm>> -> memref<800xi32, #tpu.memory_space<hbm>>
      %dma_wait3A_57 = arith.constant 0 : i32
      %dma_wait3A_58 = tpu.memref_slice %arg3[%dma_wait3A_57] : memref<819200xi32, #tpu.memory_space<hbm>> -> memref<800xi32, #tpu.memory_space<hbm>>
      tpu.wait_dma2 semaphore(%arg18 : memref<!tpu.dma_semaphore, #tpu.memory_space<semaphore_mem>>) src(%dma_wait3A_58 : memref<800xi32, #tpu.memory_space<hbm>>) dst(%arg7 : memref<800xi32, #tpu.memory_space<vmem>>)
      %dma_wait3A_59 = arith.constant 0 : i32
      %dma_wait3A_60 = tpu.memref_slice %arg4[%dma_wait3A_59] : memref<819200xi32, #tpu.memory_space<hbm>> -> memref<800xi32, #tpu.memory_space<hbm>>
      %dma_wait3A_61 = arith.constant 0 : i32
      %dma_wait3A_62 = tpu.memref_slice %arg4[%dma_wait3A_61] : memref<819200xi32, #tpu.memory_space<hbm>> -> memref<800xi32, #tpu.memory_space<hbm>>
      tpu.wait_dma2 semaphore(%arg18 : memref<!tpu.dma_semaphore, #tpu.memory_space<semaphore_mem>>) src(%dma_wait3A_62 : memref<800xi32, #tpu.memory_space<hbm>>) dst(%arg9 : memref<800xi32, #tpu.memory_space<vmem>>)
      %dma_start3A_63 = arith.constant 0 : i32
      %dma_start3A_64 = arith.constant 0 : i32
      %dma_start3A_65 = tpu.memref_slice %arg16[%dma_start3A_63, %dma_start3A_64] : memref<50000x16xf32, #tpu.memory_space<vmem_shared>> -> memref<50000x16xf32, #tpu.memory_space<vmem_shared>>
      tpu.enqueue_indirect_dma source(%dma_start3A_65 : memref<50000x16xf32, #tpu.memory_space<vmem_shared>>) target(%arg11 : memref<800x16xf32, #tpu.memory_space<vmem>>) offsets(%arg7 : memref<800xi32, #tpu.memory_space<vmem>>) semaphore(%arg20 : memref<!tpu.dma_semaphore, #tpu.memory_space<semaphore_mem>>)
      %dma_start3A_66 = arith.constant 0 : i32
      %dma_start3A_67 = arith.constant 0 : i32
      %dma_start3A_68 = tpu.memref_slice %arg16[%dma_start3A_66, %dma_start3A_67] : memref<50000x16xf32, #tpu.memory_space<vmem_shared>> -> memref<50000x16xf32, #tpu.memory_space<vmem_shared>>
      tpu.enqueue_indirect_dma source(%dma_start3A_68 : memref<50000x16xf32, #tpu.memory_space<vmem_shared>>) target(%arg13 : memref<800x16xf32, #tpu.memory_space<vmem>>) offsets(%arg9 : memref<800xi32, #tpu.memory_space<vmem>>) semaphore(%arg20 : memref<!tpu.dma_semaphore, #tpu.memory_space<semaphore_mem>>)
      %dma_wait3A_69 = arith.constant 0 : i32
      %dma_wait3A_70 = arith.constant 0 : i32
      %dma_wait3A_71 = tpu.memref_slice %arg2[%dma_wait3A_69, %dma_wait3A_70] : memref<50000x16xf32, #tpu.memory_space<hbm>> -> memref<800x16xf32, #tpu.memory_space<hbm>>
      %dma_wait3A_72 = arith.constant 0 : i32
      %dma_wait3A_73 = arith.constant 0 : i32
      %dma_wait3A_74 = tpu.memref_slice %arg2[%dma_wait3A_72, %dma_wait3A_73] : memref<50000x16xf32, #tpu.memory_space<hbm>> -> memref<800x16xf32, #tpu.memory_space<hbm>>
      tpu.wait_dma2 semaphore(%arg19 : memref<!tpu.dma_semaphore, #tpu.memory_space<semaphore_mem>>) src(%dma_wait3A_74 : memref<800x16xf32, #tpu.memory_space<hbm>>) dst(%arg10 : memref<800x16xf32, #tpu.memory_space<vmem>>)
      %dma_wait3A_75 = arith.constant 0 : i32
      %dma_wait3A_76 = arith.constant 0 : i32
      %dma_wait3A_77 = tpu.memref_slice %arg2[%dma_wait3A_75, %dma_wait3A_76] : memref<50000x16xf32, #tpu.memory_space<hbm>> -> memref<800x16xf32, #tpu.memory_space<hbm>>
      %dma_wait3A_78 = arith.constant 0 : i32
      %dma_wait3A_79 = arith.constant 0 : i32
      %dma_wait3A_80 = tpu.memref_slice %arg2[%dma_wait3A_78, %dma_wait3A_79] : memref<50000x16xf32, #tpu.memory_space<hbm>> -> memref<800x16xf32, #tpu.memory_space<hbm>>
      tpu.wait_dma2 semaphore(%arg19 : memref<!tpu.dma_semaphore, #tpu.memory_space<semaphore_mem>>) src(%dma_wait3A_80 : memref<800x16xf32, #tpu.memory_space<hbm>>) dst(%arg12 : memref<800x16xf32, #tpu.memory_space<vmem>>)
      %ge3A = arith.constant 1 : i32
      %ge3A_81 = arith.cmpi sge, %scan3A_50, %ge3A : i32
      %convert_element_type3A_82 = arith.extui %ge3A_81 : i1 to i32
      %cond3A_83 = arith.constant 0 : i32
      %cond3A_84 = arith.cmpi ne, %convert_element_type3A_82, %cond3A_83 : i32
      scf.if %cond3A_84 {
        %dma_wait3A_139 = arith.constant 0 : i32
        %dma_wait3A_140 = arith.constant 0 : i32
        %dma_wait3A_141 = tpu.memref_slice %arg5[%dma_wait3A_139, %dma_wait3A_140] : memref<16x204800xf32, #tpu.memory_space<hbm>> -> memref<16x800xf32, #tpu.memory_space<hbm>>
        %dma_wait3A_142 = arith.constant 0 : i32
        %dma_wait3A_143 = arith.constant 0 : i32
        %dma_wait3A_144 = tpu.memref_slice %arg5[%dma_wait3A_142, %dma_wait3A_143] : memref<16x204800xf32, #tpu.memory_space<hbm>> -> memref<16x800xf32, #tpu.memory_space<hbm>>
        tpu.wait_dma2 semaphore(%arg21 : memref<!tpu.dma_semaphore, #tpu.memory_space<semaphore_mem>>) src(%arg14 : memref<16x800xf32, #tpu.memory_space<vmem>>) dst(%dma_wait3A_144 : memref<16x800xf32, #tpu.memory_space<hbm>>)
      } else {
      }
      %parallel_loop3A = arith.constant 0 : i32
      %parallel_loop3A_85 = arith.constant 800 : i32
      %parallel_loop3A_86 = arith.constant 1 : i32
      scf.for %parallel_loop3A_139 = %parallel_loop3A to %parallel_loop3A_85 step %parallel_loop3A_86  : i32 {
        %parallel_loop3A_140 = arith.index_cast %parallel_loop3A_139 : i32 to index
        %parallel_loop3A_141 = arith.constant 0 : index
        %parallel_loop3A_142 = tpu.vector_load %arg10[%parallel_loop3A_140, %parallel_loop3A_141] {strides = array<i32>} : memref<800x16xf32, #tpu.memory_space<vmem>>, vector<16xf32>,
        %parallel_loop3A_143 = arith.index_cast %parallel_loop3A_139 : i32 to index
        %parallel_loop3A_144 = arith.constant 0 : index
        %parallel_loop3A_145 = tpu.vector_load %arg12[%parallel_loop3A_143, %parallel_loop3A_144] {strides = array<i32>} : memref<800x16xf32, #tpu.memory_space<vmem>>, vector<16xf32>,
        %parallel_loop3A_146 = arith.addf %parallel_loop3A_142, %parallel_loop3A_145 : vector<16xf32>
        %parallel_loop3A_147 = vector.broadcast %parallel_loop3A_139 : i32 to vector<16xi32>
        tpu.vector_store_idx %arg14[%iota3A, %parallel_loop3A_147], %parallel_loop3A_146 : memref<16x800xf32, #tpu.memory_space<vmem>>[vector<16xi32>, vector<16xi32>], vector<16xf32>,
      } {sc.loop_unroll_factor = 8 : i64, sc.parallel_access}
      %mul3A_87 = arith.constant 800 : i32
      %mul3A_88 = arith.muli %add3A_54, %mul3A_87 : i32
      %add3A_89 = arith.addi %mul3A_2, %mul3A_88 : i32
      %dma_start3A_90 = arith.constant 0 : i32
      %dma_start3A_91 = tpu.memref_slice %arg5[%dma_start3A_90, %add3A_89] : memref<16x204800xf32, #tpu.memory_space<hbm>> -> memref<16x800xf32, #tpu.memory_space<hbm>>
      %dma_start3A_92 = arith.constant 0 : i32
      %dma_start3A_93 = tpu.memref_slice %arg5[%dma_start3A_92, %add3A_89] : memref<16x204800xf32, #tpu.memory_space<hbm>> -> memref<16x800xf32, #tpu.memory_space<hbm>>
      tpu.enqueue_dma source(%arg14 : memref<16x800xf32, #tpu.memory_space<vmem>>) target(%dma_start3A_93 : memref<16x800xf32, #tpu.memory_space<hbm>>) target_semaphore(%arg21 : memref<!tpu.dma_semaphore, #tpu.memory_space<semaphore_mem>>)
      %lt3A = arith.constant 3 : i32
      %lt3A_94 = arith.cmpi slt, %scan3A_50, %lt3A : i32
      %convert_element_type3A_95 = arith.extui %lt3A_94 : i1 to i32
      %cond3A_96 = arith.constant 0 : i32
      %cond3A_97 = arith.cmpi ne, %convert_element_type3A_95, %cond3A_96 : i32
      scf.if %cond3A_97 {
        %add3A_139 = arith.constant 2 : i32
        %add3A_140 = arith.addi %add3A_54, %add3A_139 : i32
        %add3A_141 = arith.constant 614400 : i32
        %add3A_142 = arith.addi %add3A_141, %mul3A_2 : i32
        %mul3A_143 = arith.constant 800 : i32
        %mul3A_144 = arith.muli %add3A_140, %mul3A_143 : i32
        %add3A_145 = arith.addi %add3A_142, %mul3A_144 : i32
        %dma_start3A_146 = tpu.memref_slice %arg3[%add3A_145] : memref<819200xi32, #tpu.memory_space<hbm>> -> memref<800xi32, #tpu.memory_space<hbm>>
        %dma_start3A_147 = tpu.memref_slice %arg3[%add3A_145] : memref<819200xi32, #tpu.memory_space<hbm>> -> memref<800xi32, #tpu.memory_space<hbm>>
        tpu.enqueue_dma source(%dma_start3A_147 : memref<800xi32, #tpu.memory_space<hbm>>) target(%arg6 : memref<800xi32, #tpu.memory_space<vmem>>) target_semaphore(%arg17 : memref<!tpu.dma_semaphore, #tpu.memory_space<semaphore_mem>>)
        %dma_start3A_148 = tpu.memref_slice %arg4[%add3A_145] : memref<819200xi32, #tpu.memory_space<hbm>> -> memref<800xi32, #tpu.memory_space<hbm>>
        %dma_start3A_149 = tpu.memref_slice %arg4[%add3A_145] : memref<819200xi32, #tpu.memory_space<hbm>> -> memref<800xi32, #tpu.memory_space<hbm>>
        tpu.enqueue_dma source(%dma_start3A_149 : memref<800xi32, #tpu.memory_space<hbm>>) target(%arg8 : memref<800xi32, #tpu.memory_space<vmem>>) target_semaphore(%arg17 : memref<!tpu.dma_semaphore, #tpu.memory_space<semaphore_mem>>)
      } else {
      }
      %mul3A_98 = arith.constant 2 : i32
      %mul3A_99 = arith.muli %mul3A_98, %scan3A_50 : i32
      %add3A_100 = arith.constant 1 : i32
      %add3A_101 = arith.addi %mul3A_99, %add3A_100 : i32
      %lt3A_102 = arith.constant 3 : i32
      %lt3A_103 = arith.cmpi slt, %scan3A_50, %lt3A_102 : i32
      %convert_element_type3A_104 = arith.extui %lt3A_103 : i1 to i32
      %cond3A_105 = arith.constant 0 : i32
      %cond3A_106 = arith.cmpi ne, %convert_element_type3A_104, %cond3A_105 : i32
      scf.if %cond3A_106 {
        %dma_wait3A_139 = arith.constant 0 : i32
        %dma_wait3A_140 = tpu.memref_slice %arg3[%dma_wait3A_139] : memref<819200xi32, #tpu.memory_space<hbm>> -> memref<800xi32, #tpu.memory_space<hbm>>
        %dma_wait3A_141 = arith.constant 0 : i32
        %dma_wait3A_142 = tpu.memref_slice %arg3[%dma_wait3A_141] : memref<819200xi32, #tpu.memory_space<hbm>> -> memref<800xi32, #tpu.memory_space<hbm>>
        tpu.wait_dma2 semaphore(%arg17 : memref<!tpu.dma_semaphore, #tpu.memory_space<semaphore_mem>>) src(%dma_wait3A_142 : memref<800xi32, #tpu.memory_space<hbm>>) dst(%arg6 : memref<800xi32, #tpu.memory_space<vmem>>)
        %dma_wait3A_143 = arith.constant 0 : i32
        %dma_wait3A_144 = tpu.memref_slice %arg4[%dma_wait3A_143] : memref<819200xi32, #tpu.memory_space<hbm>> -> memref<800xi32, #tpu.memory_space<hbm>>
        %dma_wait3A_145 = arith.constant 0 : i32
        %dma_wait3A_146 = tpu.memref_slice %arg4[%dma_wait3A_145] : memref<819200xi32, #tpu.memory_space<hbm>> -> memref<800xi32, #tpu.memory_space<hbm>>
        tpu.wait_dma2 semaphore(%arg17 : memref<!tpu.dma_semaphore, #tpu.memory_space<semaphore_mem>>) src(%dma_wait3A_146 : memref<800xi32, #tpu.memory_space<hbm>>) dst(%arg8 : memref<800xi32, #tpu.memory_space<vmem>>)
        %dma_start3A_147 = arith.constant 0 : i32
        %dma_start3A_148 = arith.constant 0 : i32
        %dma_start3A_149 = tpu.memref_slice %arg16[%dma_start3A_147, %dma_start3A_148] : memref<50000x16xf32, #tpu.memory_space<vmem_shared>> -> memref<50000x16xf32, #tpu.memory_space<vmem_shared>>
        tpu.enqueue_indirect_dma source(%dma_start3A_149 : memref<50000x16xf32, #tpu.memory_space<vmem_shared>>) target(%arg10 : memref<800x16xf32, #tpu.memory_space<vmem>>) offsets(%arg6 : memref<800xi32, #tpu.memory_space<vmem>>) semaphore(%arg19 : memref<!tpu.dma_semaphore, #tpu.memory_space<semaphore_mem>>)
        %dma_start3A_150 = arith.constant 0 : i32
        %dma_start3A_151 = arith.constant 0 : i32
        %dma_start3A_152 = tpu.memref_slice %arg16[%dma_start3A_150, %dma_start3A_151] : memref<50000x16xf32, #tpu.memory_space<vmem_shared>> -> memref<50000x16xf32, #tpu.memory_space<vmem_shared>>
        tpu.enqueue_indirect_dma source(%dma_start3A_152 : memref<50000x16xf32, #tpu.memory_space<vmem_shared>>) target(%arg12 : memref<800x16xf32, #tpu.memory_space<vmem>>) offsets(%arg8 : memref<800xi32, #tpu.memory_space<vmem>>) semaphore(%arg19 : memref<!tpu.dma_semaphore, #tpu.memory_space<semaphore_mem>>)
      } else {
      }
      %dma_wait3A_107 = arith.constant 0 : i32
      %dma_wait3A_108 = arith.constant 0 : i32
      %dma_wait3A_109 = tpu.memref_slice %arg2[%dma_wait3A_107, %dma_wait3A_108] : memref<50000x16xf32, #tpu.memory_space<hbm>> -> memref<800x16xf32, #tpu.memory_space<hbm>>
      %dma_wait3A_110 = arith.constant 0 : i32
      %dma_wait3A_111 = arith.constant 0 : i32
      %dma_wait3A_112 = tpu.memref_slice %arg2[%dma_wait3A_110, %dma_wait3A_111] : memref<50000x16xf32, #tpu.memory_space<hbm>> -> memref<800x16xf32, #tpu.memory_space<hbm>>
      tpu.wait_dma2 semaphore(%arg20 : memref<!tpu.dma_semaphore, #tpu.memory_space<semaphore_mem>>) src(%dma_wait3A_112 : memref<800x16xf32, #tpu.memory_space<hbm>>) dst(%arg11 : memref<800x16xf32, #tpu.memory_space<vmem>>)
      %dma_wait3A_113 = arith.constant 0 : i32
      %dma_wait3A_114 = arith.constant 0 : i32
      %dma_wait3A_115 = tpu.memref_slice %arg2[%dma_wait3A_113, %dma_wait3A_114] : memref<50000x16xf32, #tpu.memory_space<hbm>> -> memref<800x16xf32, #tpu.memory_space<hbm>>
      %dma_wait3A_116 = arith.constant 0 : i32
      %dma_wait3A_117 = arith.constant 0 : i32
      %dma_wait3A_118 = tpu.memref_slice %arg2[%dma_wait3A_116, %dma_wait3A_117] : memref<50000x16xf32, #tpu.memory_space<hbm>> -> memref<800x16xf32, #tpu.memory_space<hbm>>
      tpu.wait_dma2 semaphore(%arg20 : memref<!tpu.dma_semaphore, #tpu.memory_space<semaphore_mem>>) src(%dma_wait3A_118 : memref<800x16xf32, #tpu.memory_space<hbm>>) dst(%arg13 : memref<800x16xf32, #tpu.memory_space<vmem>>)
      %ge3A_119 = arith.constant 1 : i32
      %ge3A_120 = arith.cmpi sge, %scan3A_50, %ge3A_119 : i32
      %convert_element_type3A_121 = arith.extui %ge3A_120 : i1 to i32
      %cond3A_122 = arith.constant 0 : i32
      %cond3A_123 = arith.cmpi ne, %convert_element_type3A_121, %cond3A_122 : i32
      scf.if %cond3A_123 {
        %dma_wait3A_139 = arith.constant 0 : i32
        %dma_wait3A_140 = arith.constant 0 : i32
        %dma_wait3A_141 = tpu.memref_slice %arg5[%dma_wait3A_139, %dma_wait3A_140] : memref<16x204800xf32, #tpu.memory_space<hbm>> -> memref<16x800xf32, #tpu.memory_space<hbm>>
        %dma_wait3A_142 = arith.constant 0 : i32
        %dma_wait3A_143 = arith.constant 0 : i32
        %dma_wait3A_144 = tpu.memref_slice %arg5[%dma_wait3A_142, %dma_wait3A_143] : memref<16x204800xf32, #tpu.memory_space<hbm>> -> memref<16x800xf32, #tpu.memory_space<hbm>>
        tpu.wait_dma2 semaphore(%arg22 : memref<!tpu.dma_semaphore, #tpu.memory_space<semaphore_mem>>) src(%arg15 : memref<16x800xf32, #tpu.memory_space<vmem>>) dst(%dma_wait3A_144 : memref<16x800xf32, #tpu.memory_space<hbm>>)
      } else {
      }
      %parallel_loop3A_124 = arith.constant 0 : i32
      %parallel_loop3A_125 = arith.constant 800 : i32
      %parallel_loop3A_126 = arith.constant 1 : i32
      scf.for %parallel_loop3A_139 = %parallel_loop3A_124 to %parallel_loop3A_125 step %parallel_loop3A_126  : i32 {
        %parallel_loop3A_140 = arith.index_cast %parallel_loop3A_139 : i32 to index
        %parallel_loop3A_141 = arith.constant 0 : index
        %parallel_loop3A_142 = tpu.vector_load %arg11[%parallel_loop3A_140, %parallel_loop3A_141] {strides = array<i32>} : memref<800x16xf32, #tpu.memory_space<vmem>>, vector<16xf32>,
        %parallel_loop3A_143 = arith.index_cast %parallel_loop3A_139 : i32 to index
        %parallel_loop3A_144 = arith.constant 0 : index
        %parallel_loop3A_145 = tpu.vector_load %arg13[%parallel_loop3A_143, %parallel_loop3A_144] {strides = array<i32>} : memref<800x16xf32, #tpu.memory_space<vmem>>, vector<16xf32>,
        %parallel_loop3A_146 = arith.addf %parallel_loop3A_142, %parallel_loop3A_145 : vector<16xf32>
        %parallel_loop3A_147 = vector.broadcast %parallel_loop3A_139 : i32 to vector<16xi32>
        tpu.vector_store_idx %arg15[%iota3A, %parallel_loop3A_147], %parallel_loop3A_146 : memref<16x800xf32, #tpu.memory_space<vmem>>[vector<16xi32>, vector<16xi32>], vector<16xf32>,
      } {sc.loop_unroll_factor = 8 : i64, sc.parallel_access}
      %mul3A_127 = arith.constant 800 : i32
      %mul3A_128 = arith.muli %add3A_101, %mul3A_127 : i32
      %add3A_129 = arith.addi %mul3A_2, %mul3A_128 : i32
      %dma_start3A_130 = arith.constant 0 : i32
      %dma_start3A_131 = tpu.memref_slice %arg5[%dma_start3A_130, %add3A_129] : memref<16x204800xf32, #tpu.memory_space<hbm>> -> memref<16x800xf32, #tpu.memory_space<hbm>>
      %dma_start3A_132 = arith.constant 0 : i32
      %dma_start3A_133 = tpu.memref_slice %arg5[%dma_start3A_132, %add3A_129] : memref<16x204800xf32, #tpu.memory_space<hbm>> -> memref<16x800xf32, #tpu.memory_space<hbm>>
      tpu.enqueue_dma source(%arg15 : memref<16x800xf32, #tpu.memory_space<vmem>>) target(%dma_start3A_133 : memref<16x800xf32, #tpu.memory_space<hbm>>) target_semaphore(%arg22 : memref<!tpu.dma_semaphore, #tpu.memory_space<semaphore_mem>>)
      %lt3A_134 = arith.constant 3 : i32
      %lt3A_135 = arith.cmpi slt, %scan3A_50, %lt3A_134 : i32
      %convert_element_type3A_136 = arith.extui %lt3A_135 : i1 to i32
      %cond3A_137 = arith.constant 0 : i32
      %cond3A_138 = arith.cmpi ne, %convert_element_type3A_136, %cond3A_137 : i32
      scf.if %cond3A_138 {
        %add3A_139 = arith.constant 2 : i32
        %add3A_140 = arith.addi %add3A_101, %add3A_139 : i32
        %add3A_141 = arith.constant 614400 : i32
        %add3A_142 = arith.addi %add3A_141, %mul3A_2 : i32
        %mul3A_143 = arith.constant 800 : i32
        %mul3A_144 = arith.muli %add3A_140, %mul3A_143 : i32
        %add3A_145 = arith.addi %add3A_142, %mul3A_144 : i32
        %dma_start3A_146 = tpu.memref_slice %arg3[%add3A_145] : memref<819200xi32, #tpu.memory_space<hbm>> -> memref<800xi32, #tpu.memory_space<hbm>>
        %dma_start3A_147 = tpu.memref_slice %arg3[%add3A_145] : memref<819200xi32, #tpu.memory_space<hbm>> -> memref<800xi32, #tpu.memory_space<hbm>>
        tpu.enqueue_dma source(%dma_start3A_147 : memref<800xi32, #tpu.memory_space<hbm>>) target(%arg7 : memref<800xi32, #tpu.memory_space<vmem>>) target_semaphore(%arg18 : memref<!tpu.dma_semaphore, #tpu.memory_space<semaphore_mem>>)
        %dma_start3A_148 = tpu.memref_slice %arg4[%add3A_145] : memref<819200xi32, #tpu.memory_space<hbm>> -> memref<800xi32, #tpu.memory_space<hbm>>
        %dma_start3A_149 = tpu.memref_slice %arg4[%add3A_145] : memref<819200xi32, #tpu.memory_space<hbm>> -> memref<800xi32, #tpu.memory_space<hbm>>
        tpu.enqueue_dma source(%dma_start3A_149 : memref<800xi32, #tpu.memory_space<hbm>>) target(%arg9 : memref<800xi32, #tpu.memory_space<vmem>>) target_semaphore(%arg18 : memref<!tpu.dma_semaphore, #tpu.memory_space<semaphore_mem>>)
      } else {
      }
    }
    %scan3A_37 = arith.constant 4 : i32
    %dma_wait3A_38 = arith.constant 0 : i32
    %dma_wait3A_39 = arith.constant 0 : i32
    %dma_wait3A_40 = tpu.memref_slice %arg5[%dma_wait3A_38, %dma_wait3A_39] : memref<16x204800xf32, #tpu.memory_space<hbm>> -> memref<16x800xf32, #tpu.memory_space<hbm>>
    %dma_wait3A_41 = arith.constant 0 : i32
    %dma_wait3A_42 = arith.constant 0 : i32
    %dma_wait3A_43 = tpu.memref_slice %arg5[%dma_wait3A_41, %dma_wait3A_42] : memref<16x204800xf32, #tpu.memory_space<hbm>> -> memref<16x800xf32, #tpu.memory_space<hbm>>
    tpu.wait_dma2 semaphore(%arg21 : memref<!tpu.dma_semaphore, #tpu.memory_space<semaphore_mem>>) src(%arg14 : memref<16x800xf32, #tpu.memory_space<vmem>>) dst(%dma_wait3A_43 : memref<16x800xf32, #tpu.memory_space<hbm>>)
    %dma_wait3A_44 = arith.constant 0 : i32
    %dma_wait3A_45 = arith.constant 0 : i32
    %dma_wait3A_46 = tpu.memref_slice %arg5[%dma_wait3A_44, %dma_wait3A_45] : memref<16x204800xf32, #tpu.memory_space<hbm>> -> memref<16x800xf32, #tpu.memory_space<hbm>>
    %dma_wait3A_47 = arith.constant 0 : i32
    %dma_wait3A_48 = arith.constant 0 : i32
    %dma_wait3A_49 = tpu.memref_slice %arg5[%dma_wait3A_47, %dma_wait3A_48] : memref<16x204800xf32, #tpu.memory_space<hbm>> -> memref<16x800xf32, #tpu.memory_space<hbm>>
    tpu.wait_dma2 semaphore(%arg22 : memref<!tpu.dma_semaphore, #tpu.memory_space<semaphore_mem>>) src(%arg15 : memref<16x800xf32, #tpu.memory_space<vmem>>) dst(%dma_wait3A_49 : memref<16x800xf32, #tpu.memory_space<hbm>>)
    return
  }
}

#map = affine_map<(d0, d1) -> (0, 0)>
#map1 = affine_map<(d0, d1) -> (0)>
module attributes {stable_mosaic.version = 14 : i64} {
  func.func @_gather_body(%arg0: i32, %arg1: i32, %arg2: memref<50000x16xf32, #tpu.memory_space<hbm>>, %arg3: memref<819200xi32, #tpu.memory_space<hbm>>, %arg4: memref<819200xi32, #tpu.memory_space<hbm>>, %arg5: memref<16x204800xf32, #tpu.memory_space<hbm>>, %arg6: memref<800xi32, #tpu.memory_space<vmem>>, %arg7: memref<800xi32, #tpu.memory_space<vmem>>, %arg8: memref<800xi32, #tpu.memory_space<vmem>>, %arg9: memref<800xi32, #tpu.memory_space<vmem>>, %arg10: memref<800x16xf32, #tpu.memory_space<vmem>>, %arg11: memref<800x16xf32, #tpu.memory_space<vmem>>, %arg12: memref<800x16xf32, #tpu.memory_space<vmem>>, %arg13: memref<800x16xf32, #tpu.memory_space<vmem>>, %arg14: memref<16x800xf32, #tpu.memory_space<vmem>>, %arg15: memref<16x800xf32, #tpu.memory_space<vmem>>, %arg16: memref<50000x16xf32, #tpu.memory_space<vmem_shared>>, %arg17: memref<!tpu.dma_semaphore, #tpu.memory_space<semaphore_mem>>, %arg18: memref<!tpu.dma_semaphore, #tpu.memory_space<semaphore_mem>>, %arg19: memref<!tpu.dma_semaphore, #tpu.memory_space<semaphore_mem>>, %arg20: memref<!tpu.dma_semaphore, #tpu.memory_space<semaphore_mem>>, %arg21: memref<!tpu.dma_semaphore, #tpu.memory_space<semaphore_mem>>, %arg22: memref<!tpu.dma_semaphore, #tpu.memory_space<semaphore_mem>>) attributes {dimension_semantics = [#tpu.dimension_semantics<core_parallel>, #tpu.dimension_semantics<subcore_parallel>], iteration_bounds = array<i64: 2, 16>, scalar_prefetch = 0 : i64, scratch_operands = 17 : i64, tpu.core_type = #tpu.core_type<sc_vector_subcore>, window_params = [{transform_indices = #map}, {transform_indices = #map1}, {transform_indices = #map1}, {transform_indices = #map}]} {
    %mul3A = arith.constant 2 : i32
    %mul3A_0 = arith.muli %arg1, %mul3A : i32
    %add3A = arith.addi %mul3A_0, %arg0 : i32
    %mul3A_1 = arith.constant 6400 : i32
    %mul3A_2 = arith.muli %add3A, %mul3A_1 : i32
    %iota3A = tpu.iota {dimensions = array<i32: 0>} : vector<16xi32>
    %eq3A = arith.constant 0 : i32
    %eq3A_3 = arith.cmpi eq, %arg1, %eq3A : i32
    %convert_element_type3A = arith.extui %eq3A_3 : i1 to i32
    %cond3A = arith.constant 0 : i32
    %cond3A_4 = arith.cmpi ne, %convert_element_type3A, %cond3A : i32
    scf.if %cond3A_4 {
      "tpu.region"() ({
        %run_scoped3A = tpu.sem_alloc : memref<!tpu.dma_semaphore, #tpu.memory_space<semaphore_mem>>
        tpu.enqueue_dma source(%arg2 : memref<50000x16xf32, #tpu.memory_space<hbm>>) target(%arg16 : memref<50000x16xf32, #tpu.memory_space<vmem_shared>>) target_semaphore(%run_scoped3A : memref<!tpu.dma_semaphore, #tpu.memory_space<semaphore_mem>>)
        tpu.wait_dma2 semaphore(%run_scoped3A : memref<!tpu.dma_semaphore, #tpu.memory_space<semaphore_mem>>) src(%arg2 : memref<50000x16xf32, #tpu.memory_space<hbm>>) dst(%arg16 : memref<50000x16xf32, #tpu.memory_space<vmem_shared>>)
        tpu.yield
      }) : () -> ()
    } else {
    }
    %barrier3A = arith.constant 0 : index
    tpu.barrier barrier_id(%barrier3A)
    %add3A_5 = arith.constant 204800 : i32
    %add3A_6 = arith.addi %add3A_5, %mul3A_2 : i32
    %add3A_7 = arith.constant 0 : i32
    %add3A_8 = arith.addi %add3A_6, %add3A_7 : i32
    %dma_start3A = tpu.memref_slice %arg3[%add3A_8] : memref<819200xi32, #tpu.memory_space<hbm>> -> memref<800xi32, #tpu.memory_space<hbm>>
    %dma_start3A_9 = tpu.memref_slice %arg3[%add3A_8] : memref<819200xi32, #tpu.memory_space<hbm>> -> memref<800xi32, #tpu.memory_space<hbm>>
    tpu.enqueue_dma source(%dma_start3A_9 : memref<800xi32, #tpu.memory_space<hbm>>) target(%arg6 : memref<800xi32, #tpu.memory_space<vmem>>) target_semaphore(%arg17 : memref<!tpu.dma_semaphore, #tpu.memory_space<semaphore_mem>>)
    %dma_start3A_10 = tpu.memref_slice %arg4[%add3A_8] : memref<819200xi32, #tpu.memory_space<hbm>> -> memref<800xi32, #tpu.memory_space<hbm>>
    %dma_start3A_11 = tpu.memref_slice %arg4[%add3A_8] : memref<819200xi32, #tpu.memory_space<hbm>> -> memref<800xi32, #tpu.memory_space<hbm>>
    tpu.enqueue_dma source(%dma_start3A_11 : memref<800xi32, #tpu.memory_space<hbm>>) target(%arg8 : memref<800xi32, #tpu.memory_space<vmem>>) target_semaphore(%arg17 : memref<!tpu.dma_semaphore, #tpu.memory_space<semaphore_mem>>)
    %dma_wait3A = arith.constant 0 : i32
    %dma_wait3A_12 = tpu.memref_slice %arg3[%dma_wait3A] : memref<819200xi32, #tpu.memory_space<hbm>> -> memref<800xi32, #tpu.memory_space<hbm>>
    %dma_wait3A_13 = arith.constant 0 : i32
    %dma_wait3A_14 = tpu.memref_slice %arg3[%dma_wait3A_13] : memref<819200xi32, #tpu.memory_space<hbm>> -> memref<800xi32, #tpu.memory_space<hbm>>
    tpu.wait_dma2 semaphore(%arg17 : memref<!tpu.dma_semaphore, #tpu.memory_space<semaphore_mem>>) src(%dma_wait3A_14 : memref<800xi32, #tpu.memory_space<hbm>>) dst(%arg6 : memref<800xi32, #tpu.memory_space<vmem>>)
    %dma_wait3A_15 = arith.constant 0 : i32
    %dma_wait3A_16 = tpu.memref_slice %arg4[%dma_wait3A_15] : memref<819200xi32, #tpu.memory_space<hbm>> -> memref<800xi32, #tpu.memory_space<hbm>>
    %dma_wait3A_17 = arith.constant 0 : i32
    %dma_wait3A_18 = tpu.memref_slice %arg4[%dma_wait3A_17] : memref<819200xi32, #tpu.memory_space<hbm>> -> memref<800xi32, #tpu.memory_space<hbm>>
    tpu.wait_dma2 semaphore(%arg17 : memref<!tpu.dma_semaphore, #tpu.memory_space<semaphore_mem>>) src(%dma_wait3A_18 : memref<800xi32, #tpu.memory_space<hbm>>) dst(%arg8 : memref<800xi32, #tpu.memory_space<vmem>>)
    %dma_start3A_19 = arith.constant 0 : i32
    %dma_start3A_20 = arith.constant 0 : i32
    %dma_start3A_21 = tpu.memref_slice %arg16[%dma_start3A_19, %dma_start3A_20] : memref<50000x16xf32, #tpu.memory_space<vmem_shared>> -> memref<50000x16xf32, #tpu.memory_space<vmem_shared>>
    tpu.enqueue_indirect_dma source(%dma_start3A_21 : memref<50000x16xf32, #tpu.memory_space<vmem_shared>>) target(%arg10 : memref<800x16xf32, #tpu.memory_space<vmem>>) offsets(%arg6 : memref<800xi32, #tpu.memory_space<vmem>>) semaphore(%arg19 : memref<!tpu.dma_semaphore, #tpu.memory_space<semaphore_mem>>)
    %dma_start3A_22 = arith.constant 0 : i32
    %dma_start3A_23 = arith.constant 0 : i32
    %dma_start3A_24 = tpu.memref_slice %arg16[%dma_start3A_22, %dma_start3A_23] : memref<50000x16xf32, #tpu.memory_space<vmem_shared>> -> memref<50000x16xf32, #tpu.memory_space<vmem_shared>>
    tpu.enqueue_indirect_dma source(%dma_start3A_24 : memref<50000x16xf32, #tpu.memory_space<vmem_shared>>) target(%arg12 : memref<800x16xf32, #tpu.memory_space<vmem>>) offsets(%arg8 : memref<800xi32, #tpu.memory_space<vmem>>) semaphore(%arg19 : memref<!tpu.dma_semaphore, #tpu.memory_space<semaphore_mem>>)
    %add3A_25 = arith.constant 204800 : i32
    %add3A_26 = arith.addi %add3A_25, %mul3A_2 : i32
    %add3A_27 = arith.constant 800 : i32
    %add3A_28 = arith.addi %add3A_26, %add3A_27 : i32
    %dma_start3A_29 = tpu.memref_slice %arg3[%add3A_28] : memref<819200xi32, #tpu.memory_space<hbm>> -> memref<800xi32, #tpu.memory_space<hbm>>
    %dma_start3A_30 = tpu.memref_slice %arg3[%add3A_28] : memref<819200xi32, #tpu.memory_space<hbm>> -> memref<800xi32, #tpu.memory_space<hbm>>
    tpu.enqueue_dma source(%dma_start3A_30 : memref<800xi32, #tpu.memory_space<hbm>>) target(%arg7 : memref<800xi32, #tpu.memory_space<vmem>>) target_semaphore(%arg18 : memref<!tpu.dma_semaphore, #tpu.memory_space<semaphore_mem>>)
    %dma_start3A_31 = tpu.memref_slice %arg4[%add3A_28] : memref<819200xi32, #tpu.memory_space<hbm>> -> memref<800xi32, #tpu.memory_space<hbm>>
    %dma_start3A_32 = tpu.memref_slice %arg4[%add3A_28] : memref<819200xi32, #tpu.memory_space<hbm>> -> memref<800xi32, #tpu.memory_space<hbm>>
    tpu.enqueue_dma source(%dma_start3A_32 : memref<800xi32, #tpu.memory_space<hbm>>) target(%arg9 : memref<800xi32, #tpu.memory_space<vmem>>) target_semaphore(%arg18 : memref<!tpu.dma_semaphore, #tpu.memory_space<semaphore_mem>>)
    %scan3A = arith.constant 0 : i32
    %scan3A_33 = arith.constant 0 : i32
    %scan3A_34 = arith.constant 4 : i32
    %scan3A_35 = arith.addi %scan3A_33, %scan3A_34 : i32
    %scan3A_36 = arith.constant 1 : i32
    scf.for %scan3A_50 = %scan3A_33 to %scan3A_35 step %scan3A_36  : i32 {
      %mul3A_51 = arith.constant 2 : i32
      %mul3A_52 = arith.muli %mul3A_51, %scan3A_50 : i32
      %add3A_53 = arith.constant 0 : i32
      %add3A_54 = arith.addi %mul3A_52, %add3A_53 : i32
      %dma_wait3A_55 = arith.constant 0 : i32
      %dma_wait3A_56 = tpu.memref_slice %arg3[%dma_wait3A_55] : memref<819200xi32, #tpu.memory_space<hbm>> -> memref<800xi32, #tpu.memory_space<hbm>>
      %dma_wait3A_57 = arith.constant 0 : i32
      %dma_wait3A_58 = tpu.memref_slice %arg3[%dma_wait3A_57] : memref<819200xi32, #tpu.memory_space<hbm>> -> memref<800xi32, #tpu.memory_space<hbm>>
      tpu.wait_dma2 semaphore(%arg18 : memref<!tpu.dma_semaphore, #tpu.memory_space<semaphore_mem>>) src(%dma_wait3A_58 : memref<800xi32, #tpu.memory_space<hbm>>) dst(%arg7 : memref<800xi32, #tpu.memory_space<vmem>>)
      %dma_wait3A_59 = arith.constant 0 : i32
      %dma_wait3A_60 = tpu.memref_slice %arg4[%dma_wait3A_59] : memref<819200xi32, #tpu.memory_space<hbm>> -> memref<800xi32, #tpu.memory_space<hbm>>
      %dma_wait3A_61 = arith.constant 0 : i32
      %dma_wait3A_62 = tpu.memref_slice %arg4[%dma_wait3A_61] : memref<819200xi32, #tpu.memory_space<hbm>> -> memref<800xi32, #tpu.memory_space<hbm>>
      tpu.wait_dma2 semaphore(%arg18 : memref<!tpu.dma_semaphore, #tpu.memory_space<semaphore_mem>>) src(%dma_wait3A_62 : memref<800xi32, #tpu.memory_space<hbm>>) dst(%arg9 : memref<800xi32, #tpu.memory_space<vmem>>)
      %dma_start3A_63 = arith.constant 0 : i32
      %dma_start3A_64 = arith.constant 0 : i32
      %dma_start3A_65 = tpu.memref_slice %arg16[%dma_start3A_63, %dma_start3A_64] : memref<50000x16xf32, #tpu.memory_space<vmem_shared>> -> memref<50000x16xf32, #tpu.memory_space<vmem_shared>>
      tpu.enqueue_indirect_dma source(%dma_start3A_65 : memref<50000x16xf32, #tpu.memory_space<vmem_shared>>) target(%arg11 : memref<800x16xf32, #tpu.memory_space<vmem>>) offsets(%arg7 : memref<800xi32, #tpu.memory_space<vmem>>) semaphore(%arg20 : memref<!tpu.dma_semaphore, #tpu.memory_space<semaphore_mem>>)
      %dma_start3A_66 = arith.constant 0 : i32
      %dma_start3A_67 = arith.constant 0 : i32
      %dma_start3A_68 = tpu.memref_slice %arg16[%dma_start3A_66, %dma_start3A_67] : memref<50000x16xf32, #tpu.memory_space<vmem_shared>> -> memref<50000x16xf32, #tpu.memory_space<vmem_shared>>
      tpu.enqueue_indirect_dma source(%dma_start3A_68 : memref<50000x16xf32, #tpu.memory_space<vmem_shared>>) target(%arg13 : memref<800x16xf32, #tpu.memory_space<vmem>>) offsets(%arg9 : memref<800xi32, #tpu.memory_space<vmem>>) semaphore(%arg20 : memref<!tpu.dma_semaphore, #tpu.memory_space<semaphore_mem>>)
      %dma_wait3A_69 = arith.constant 0 : i32
      %dma_wait3A_70 = arith.constant 0 : i32
      %dma_wait3A_71 = tpu.memref_slice %arg2[%dma_wait3A_69, %dma_wait3A_70] : memref<50000x16xf32, #tpu.memory_space<hbm>> -> memref<800x16xf32, #tpu.memory_space<hbm>>
      %dma_wait3A_72 = arith.constant 0 : i32
      %dma_wait3A_73 = arith.constant 0 : i32
      %dma_wait3A_74 = tpu.memref_slice %arg2[%dma_wait3A_72, %dma_wait3A_73] : memref<50000x16xf32, #tpu.memory_space<hbm>> -> memref<800x16xf32, #tpu.memory_space<hbm>>
      tpu.wait_dma2 semaphore(%arg19 : memref<!tpu.dma_semaphore, #tpu.memory_space<semaphore_mem>>) src(%dma_wait3A_74 : memref<800x16xf32, #tpu.memory_space<hbm>>) dst(%arg10 : memref<800x16xf32, #tpu.memory_space<vmem>>)
      %dma_wait3A_75 = arith.constant 0 : i32
      %dma_wait3A_76 = arith.constant 0 : i32
      %dma_wait3A_77 = tpu.memref_slice %arg2[%dma_wait3A_75, %dma_wait3A_76] : memref<50000x16xf32, #tpu.memory_space<hbm>> -> memref<800x16xf32, #tpu.memory_space<hbm>>
      %dma_wait3A_78 = arith.constant 0 : i32
      %dma_wait3A_79 = arith.constant 0 : i32
      %dma_wait3A_80 = tpu.memref_slice %arg2[%dma_wait3A_78, %dma_wait3A_79] : memref<50000x16xf32, #tpu.memory_space<hbm>> -> memref<800x16xf32, #tpu.memory_space<hbm>>
      tpu.wait_dma2 semaphore(%arg19 : memref<!tpu.dma_semaphore, #tpu.memory_space<semaphore_mem>>) src(%dma_wait3A_80 : memref<800x16xf32, #tpu.memory_space<hbm>>) dst(%arg12 : memref<800x16xf32, #tpu.memory_space<vmem>>)
      %ge3A = arith.constant 1 : i32
      %ge3A_81 = arith.cmpi sge, %scan3A_50, %ge3A : i32
      %convert_element_type3A_82 = arith.extui %ge3A_81 : i1 to i32
      %cond3A_83 = arith.constant 0 : i32
      %cond3A_84 = arith.cmpi ne, %convert_element_type3A_82, %cond3A_83 : i32
      scf.if %cond3A_84 {
        %dma_wait3A_139 = arith.constant 0 : i32
        %dma_wait3A_140 = arith.constant 0 : i32
        %dma_wait3A_141 = tpu.memref_slice %arg5[%dma_wait3A_139, %dma_wait3A_140] : memref<16x204800xf32, #tpu.memory_space<hbm>> -> memref<16x800xf32, #tpu.memory_space<hbm>>
        %dma_wait3A_142 = arith.constant 0 : i32
        %dma_wait3A_143 = arith.constant 0 : i32
        %dma_wait3A_144 = tpu.memref_slice %arg5[%dma_wait3A_142, %dma_wait3A_143] : memref<16x204800xf32, #tpu.memory_space<hbm>> -> memref<16x800xf32, #tpu.memory_space<hbm>>
        tpu.wait_dma2 semaphore(%arg21 : memref<!tpu.dma_semaphore, #tpu.memory_space<semaphore_mem>>) src(%arg14 : memref<16x800xf32, #tpu.memory_space<vmem>>) dst(%dma_wait3A_144 : memref<16x800xf32, #tpu.memory_space<hbm>>)
      } else {
      }
      %parallel_loop3A = arith.constant 0 : i32
      %parallel_loop3A_85 = arith.constant 800 : i32
      %parallel_loop3A_86 = arith.constant 1 : i32
      scf.for %parallel_loop3A_139 = %parallel_loop3A to %parallel_loop3A_85 step %parallel_loop3A_86  : i32 {
        %parallel_loop3A_140 = arith.index_cast %parallel_loop3A_139 : i32 to index
        %parallel_loop3A_141 = arith.constant 0 : index
        %parallel_loop3A_142 = tpu.vector_load %arg10[%parallel_loop3A_140, %parallel_loop3A_141] {strides = array<i32>} : memref<800x16xf32, #tpu.memory_space<vmem>>, vector<16xf32>,
        %parallel_loop3A_143 = arith.index_cast %parallel_loop3A_139 : i32 to index
        %parallel_loop3A_144 = arith.constant 0 : index
        %parallel_loop3A_145 = tpu.vector_load %arg12[%parallel_loop3A_143, %parallel_loop3A_144] {strides = array<i32>} : memref<800x16xf32, #tpu.memory_space<vmem>>, vector<16xf32>,
        %parallel_loop3A_146 = arith.addf %parallel_loop3A_142, %parallel_loop3A_145 : vector<16xf32>
        %parallel_loop3A_147 = vector.broadcast %parallel_loop3A_139 : i32 to vector<16xi32>
        tpu.vector_store_idx %arg14[%iota3A, %parallel_loop3A_147], %parallel_loop3A_146 : memref<16x800xf32, #tpu.memory_space<vmem>>[vector<16xi32>, vector<16xi32>], vector<16xf32>,
      } {sc.loop_unroll_factor = 8 : i64, sc.parallel_access}
      %mul3A_87 = arith.constant 800 : i32
      %mul3A_88 = arith.muli %add3A_54, %mul3A_87 : i32
      %add3A_89 = arith.addi %mul3A_2, %mul3A_88 : i32
      %dma_start3A_90 = arith.constant 0 : i32
      %dma_start3A_91 = tpu.memref_slice %arg5[%dma_start3A_90, %add3A_89] : memref<16x204800xf32, #tpu.memory_space<hbm>> -> memref<16x800xf32, #tpu.memory_space<hbm>>
      %dma_start3A_92 = arith.constant 0 : i32
      %dma_start3A_93 = tpu.memref_slice %arg5[%dma_start3A_92, %add3A_89] : memref<16x204800xf32, #tpu.memory_space<hbm>> -> memref<16x800xf32, #tpu.memory_space<hbm>>
      tpu.enqueue_dma source(%arg14 : memref<16x800xf32, #tpu.memory_space<vmem>>) target(%dma_start3A_93 : memref<16x800xf32, #tpu.memory_space<hbm>>) target_semaphore(%arg21 : memref<!tpu.dma_semaphore, #tpu.memory_space<semaphore_mem>>)
      %lt3A = arith.constant 3 : i32
      %lt3A_94 = arith.cmpi slt, %scan3A_50, %lt3A : i32
      %convert_element_type3A_95 = arith.extui %lt3A_94 : i1 to i32
      %cond3A_96 = arith.constant 0 : i32
      %cond3A_97 = arith.cmpi ne, %convert_element_type3A_95, %cond3A_96 : i32
      scf.if %cond3A_97 {
        %add3A_139 = arith.constant 2 : i32
        %add3A_140 = arith.addi %add3A_54, %add3A_139 : i32
        %add3A_141 = arith.constant 204800 : i32
        %add3A_142 = arith.addi %add3A_141, %mul3A_2 : i32
        %mul3A_143 = arith.constant 800 : i32
        %mul3A_144 = arith.muli %add3A_140, %mul3A_143 : i32
        %add3A_145 = arith.addi %add3A_142, %mul3A_144 : i32
        %dma_start3A_146 = tpu.memref_slice %arg3[%add3A_145] : memref<819200xi32, #tpu.memory_space<hbm>> -> memref<800xi32, #tpu.memory_space<hbm>>
        %dma_start3A_147 = tpu.memref_slice %arg3[%add3A_145] : memref<819200xi32, #tpu.memory_space<hbm>> -> memref<800xi32, #tpu.memory_space<hbm>>
        tpu.enqueue_dma source(%dma_start3A_147 : memref<800xi32, #tpu.memory_space<hbm>>) target(%arg6 : memref<800xi32, #tpu.memory_space<vmem>>) target_semaphore(%arg17 : memref<!tpu.dma_semaphore, #tpu.memory_space<semaphore_mem>>)
        %dma_start3A_148 = tpu.memref_slice %arg4[%add3A_145] : memref<819200xi32, #tpu.memory_space<hbm>> -> memref<800xi32, #tpu.memory_space<hbm>>
        %dma_start3A_149 = tpu.memref_slice %arg4[%add3A_145] : memref<819200xi32, #tpu.memory_space<hbm>> -> memref<800xi32, #tpu.memory_space<hbm>>
        tpu.enqueue_dma source(%dma_start3A_149 : memref<800xi32, #tpu.memory_space<hbm>>) target(%arg8 : memref<800xi32, #tpu.memory_space<vmem>>) target_semaphore(%arg17 : memref<!tpu.dma_semaphore, #tpu.memory_space<semaphore_mem>>)
      } else {
      }
      %mul3A_98 = arith.constant 2 : i32
      %mul3A_99 = arith.muli %mul3A_98, %scan3A_50 : i32
      %add3A_100 = arith.constant 1 : i32
      %add3A_101 = arith.addi %mul3A_99, %add3A_100 : i32
      %lt3A_102 = arith.constant 3 : i32
      %lt3A_103 = arith.cmpi slt, %scan3A_50, %lt3A_102 : i32
      %convert_element_type3A_104 = arith.extui %lt3A_103 : i1 to i32
      %cond3A_105 = arith.constant 0 : i32
      %cond3A_106 = arith.cmpi ne, %convert_element_type3A_104, %cond3A_105 : i32
      scf.if %cond3A_106 {
        %dma_wait3A_139 = arith.constant 0 : i32
        %dma_wait3A_140 = tpu.memref_slice %arg3[%dma_wait3A_139] : memref<819200xi32, #tpu.memory_space<hbm>> -> memref<800xi32, #tpu.memory_space<hbm>>
        %dma_wait3A_141 = arith.constant 0 : i32
        %dma_wait3A_142 = tpu.memref_slice %arg3[%dma_wait3A_141] : memref<819200xi32, #tpu.memory_space<hbm>> -> memref<800xi32, #tpu.memory_space<hbm>>
        tpu.wait_dma2 semaphore(%arg17 : memref<!tpu.dma_semaphore, #tpu.memory_space<semaphore_mem>>) src(%dma_wait3A_142 : memref<800xi32, #tpu.memory_space<hbm>>) dst(%arg6 : memref<800xi32, #tpu.memory_space<vmem>>)
        %dma_wait3A_143 = arith.constant 0 : i32
        %dma_wait3A_144 = tpu.memref_slice %arg4[%dma_wait3A_143] : memref<819200xi32, #tpu.memory_space<hbm>> -> memref<800xi32, #tpu.memory_space<hbm>>
        %dma_wait3A_145 = arith.constant 0 : i32
        %dma_wait3A_146 = tpu.memref_slice %arg4[%dma_wait3A_145] : memref<819200xi32, #tpu.memory_space<hbm>> -> memref<800xi32, #tpu.memory_space<hbm>>
        tpu.wait_dma2 semaphore(%arg17 : memref<!tpu.dma_semaphore, #tpu.memory_space<semaphore_mem>>) src(%dma_wait3A_146 : memref<800xi32, #tpu.memory_space<hbm>>) dst(%arg8 : memref<800xi32, #tpu.memory_space<vmem>>)
        %dma_start3A_147 = arith.constant 0 : i32
        %dma_start3A_148 = arith.constant 0 : i32
        %dma_start3A_149 = tpu.memref_slice %arg16[%dma_start3A_147, %dma_start3A_148] : memref<50000x16xf32, #tpu.memory_space<vmem_shared>> -> memref<50000x16xf32, #tpu.memory_space<vmem_shared>>
        tpu.enqueue_indirect_dma source(%dma_start3A_149 : memref<50000x16xf32, #tpu.memory_space<vmem_shared>>) target(%arg10 : memref<800x16xf32, #tpu.memory_space<vmem>>) offsets(%arg6 : memref<800xi32, #tpu.memory_space<vmem>>) semaphore(%arg19 : memref<!tpu.dma_semaphore, #tpu.memory_space<semaphore_mem>>)
        %dma_start3A_150 = arith.constant 0 : i32
        %dma_start3A_151 = arith.constant 0 : i32
        %dma_start3A_152 = tpu.memref_slice %arg16[%dma_start3A_150, %dma_start3A_151] : memref<50000x16xf32, #tpu.memory_space<vmem_shared>> -> memref<50000x16xf32, #tpu.memory_space<vmem_shared>>
        tpu.enqueue_indirect_dma source(%dma_start3A_152 : memref<50000x16xf32, #tpu.memory_space<vmem_shared>>) target(%arg12 : memref<800x16xf32, #tpu.memory_space<vmem>>) offsets(%arg8 : memref<800xi32, #tpu.memory_space<vmem>>) semaphore(%arg19 : memref<!tpu.dma_semaphore, #tpu.memory_space<semaphore_mem>>)
      } else {
      }
      %dma_wait3A_107 = arith.constant 0 : i32
      %dma_wait3A_108 = arith.constant 0 : i32
      %dma_wait3A_109 = tpu.memref_slice %arg2[%dma_wait3A_107, %dma_wait3A_108] : memref<50000x16xf32, #tpu.memory_space<hbm>> -> memref<800x16xf32, #tpu.memory_space<hbm>>
      %dma_wait3A_110 = arith.constant 0 : i32
      %dma_wait3A_111 = arith.constant 0 : i32
      %dma_wait3A_112 = tpu.memref_slice %arg2[%dma_wait3A_110, %dma_wait3A_111] : memref<50000x16xf32, #tpu.memory_space<hbm>> -> memref<800x16xf32, #tpu.memory_space<hbm>>
      tpu.wait_dma2 semaphore(%arg20 : memref<!tpu.dma_semaphore, #tpu.memory_space<semaphore_mem>>) src(%dma_wait3A_112 : memref<800x16xf32, #tpu.memory_space<hbm>>) dst(%arg11 : memref<800x16xf32, #tpu.memory_space<vmem>>)
      %dma_wait3A_113 = arith.constant 0 : i32
      %dma_wait3A_114 = arith.constant 0 : i32
      %dma_wait3A_115 = tpu.memref_slice %arg2[%dma_wait3A_113, %dma_wait3A_114] : memref<50000x16xf32, #tpu.memory_space<hbm>> -> memref<800x16xf32, #tpu.memory_space<hbm>>
      %dma_wait3A_116 = arith.constant 0 : i32
      %dma_wait3A_117 = arith.constant 0 : i32
      %dma_wait3A_118 = tpu.memref_slice %arg2[%dma_wait3A_116, %dma_wait3A_117] : memref<50000x16xf32, #tpu.memory_space<hbm>> -> memref<800x16xf32, #tpu.memory_space<hbm>>
      tpu.wait_dma2 semaphore(%arg20 : memref<!tpu.dma_semaphore, #tpu.memory_space<semaphore_mem>>) src(%dma_wait3A_118 : memref<800x16xf32, #tpu.memory_space<hbm>>) dst(%arg13 : memref<800x16xf32, #tpu.memory_space<vmem>>)
      %ge3A_119 = arith.constant 1 : i32
      %ge3A_120 = arith.cmpi sge, %scan3A_50, %ge3A_119 : i32
      %convert_element_type3A_121 = arith.extui %ge3A_120 : i1 to i32
      %cond3A_122 = arith.constant 0 : i32
      %cond3A_123 = arith.cmpi ne, %convert_element_type3A_121, %cond3A_122 : i32
      scf.if %cond3A_123 {
        %dma_wait3A_139 = arith.constant 0 : i32
        %dma_wait3A_140 = arith.constant 0 : i32
        %dma_wait3A_141 = tpu.memref_slice %arg5[%dma_wait3A_139, %dma_wait3A_140] : memref<16x204800xf32, #tpu.memory_space<hbm>> -> memref<16x800xf32, #tpu.memory_space<hbm>>
        %dma_wait3A_142 = arith.constant 0 : i32
        %dma_wait3A_143 = arith.constant 0 : i32
        %dma_wait3A_144 = tpu.memref_slice %arg5[%dma_wait3A_142, %dma_wait3A_143] : memref<16x204800xf32, #tpu.memory_space<hbm>> -> memref<16x800xf32, #tpu.memory_space<hbm>>
        tpu.wait_dma2 semaphore(%arg22 : memref<!tpu.dma_semaphore, #tpu.memory_space<semaphore_mem>>) src(%arg15 : memref<16x800xf32, #tpu.memory_space<vmem>>) dst(%dma_wait3A_144 : memref<16x800xf32, #tpu.memory_space<hbm>>)
      } else {
      }
      %parallel_loop3A_124 = arith.constant 0 : i32
      %parallel_loop3A_125 = arith.constant 800 : i32
      %parallel_loop3A_126 = arith.constant 1 : i32
      scf.for %parallel_loop3A_139 = %parallel_loop3A_124 to %parallel_loop3A_125 step %parallel_loop3A_126  : i32 {
        %parallel_loop3A_140 = arith.index_cast %parallel_loop3A_139 : i32 to index
        %parallel_loop3A_141 = arith.constant 0 : index
        %parallel_loop3A_142 = tpu.vector_load %arg11[%parallel_loop3A_140, %parallel_loop3A_141] {strides = array<i32>} : memref<800x16xf32, #tpu.memory_space<vmem>>, vector<16xf32>,
        %parallel_loop3A_143 = arith.index_cast %parallel_loop3A_139 : i32 to index
        %parallel_loop3A_144 = arith.constant 0 : index
        %parallel_loop3A_145 = tpu.vector_load %arg13[%parallel_loop3A_143, %parallel_loop3A_144] {strides = array<i32>} : memref<800x16xf32, #tpu.memory_space<vmem>>, vector<16xf32>,
        %parallel_loop3A_146 = arith.addf %parallel_loop3A_142, %parallel_loop3A_145 : vector<16xf32>
        %parallel_loop3A_147 = vector.broadcast %parallel_loop3A_139 : i32 to vector<16xi32>
        tpu.vector_store_idx %arg15[%iota3A, %parallel_loop3A_147], %parallel_loop3A_146 : memref<16x800xf32, #tpu.memory_space<vmem>>[vector<16xi32>, vector<16xi32>], vector<16xf32>,
      } {sc.loop_unroll_factor = 8 : i64, sc.parallel_access}
      %mul3A_127 = arith.constant 800 : i32
      %mul3A_128 = arith.muli %add3A_101, %mul3A_127 : i32
      %add3A_129 = arith.addi %mul3A_2, %mul3A_128 : i32
      %dma_start3A_130 = arith.constant 0 : i32
      %dma_start3A_131 = tpu.memref_slice %arg5[%dma_start3A_130, %add3A_129] : memref<16x204800xf32, #tpu.memory_space<hbm>> -> memref<16x800xf32, #tpu.memory_space<hbm>>
      %dma_start3A_132 = arith.constant 0 : i32
      %dma_start3A_133 = tpu.memref_slice %arg5[%dma_start3A_132, %add3A_129] : memref<16x204800xf32, #tpu.memory_space<hbm>> -> memref<16x800xf32, #tpu.memory_space<hbm>>
      tpu.enqueue_dma source(%arg15 : memref<16x800xf32, #tpu.memory_space<vmem>>) target(%dma_start3A_133 : memref<16x800xf32, #tpu.memory_space<hbm>>) target_semaphore(%arg22 : memref<!tpu.dma_semaphore, #tpu.memory_space<semaphore_mem>>)
      %lt3A_134 = arith.constant 3 : i32
      %lt3A_135 = arith.cmpi slt, %scan3A_50, %lt3A_134 : i32
      %convert_element_type3A_136 = arith.extui %lt3A_135 : i1 to i32
      %cond3A_137 = arith.constant 0 : i32
      %cond3A_138 = arith.cmpi ne, %convert_element_type3A_136, %cond3A_137 : i32
      scf.if %cond3A_138 {
        %add3A_139 = arith.constant 2 : i32
        %add3A_140 = arith.addi %add3A_101, %add3A_139 : i32
        %add3A_141 = arith.constant 204800 : i32
        %add3A_142 = arith.addi %add3A_141, %mul3A_2 : i32
        %mul3A_143 = arith.constant 800 : i32
        %mul3A_144 = arith.muli %add3A_140, %mul3A_143 : i32
        %add3A_145 = arith.addi %add3A_142, %mul3A_144 : i32
        %dma_start3A_146 = tpu.memref_slice %arg3[%add3A_145] : memref<819200xi32, #tpu.memory_space<hbm>> -> memref<800xi32, #tpu.memory_space<hbm>>
        %dma_start3A_147 = tpu.memref_slice %arg3[%add3A_145] : memref<819200xi32, #tpu.memory_space<hbm>> -> memref<800xi32, #tpu.memory_space<hbm>>
        tpu.enqueue_dma source(%dma_start3A_147 : memref<800xi32, #tpu.memory_space<hbm>>) target(%arg7 : memref<800xi32, #tpu.memory_space<vmem>>) target_semaphore(%arg18 : memref<!tpu.dma_semaphore, #tpu.memory_space<semaphore_mem>>)
        %dma_start3A_148 = tpu.memref_slice %arg4[%add3A_145] : memref<819200xi32, #tpu.memory_space<hbm>> -> memref<800xi32, #tpu.memory_space<hbm>>
        %dma_start3A_149 = tpu.memref_slice %arg4[%add3A_145] : memref<819200xi32, #tpu.memory_space<hbm>> -> memref<800xi32, #tpu.memory_space<hbm>>
        tpu.enqueue_dma source(%dma_start3A_149 : memref<800xi32, #tpu.memory_space<hbm>>) target(%arg9 : memref<800xi32, #tpu.memory_space<vmem>>) target_semaphore(%arg18 : memref<!tpu.dma_semaphore, #tpu.memory_space<semaphore_mem>>)
      } else {
      }
    }
    %scan3A_37 = arith.constant 4 : i32
    %dma_wait3A_38 = arith.constant 0 : i32
    %dma_wait3A_39 = arith.constant 0 : i32
    %dma_wait3A_40 = tpu.memref_slice %arg5[%dma_wait3A_38, %dma_wait3A_39] : memref<16x204800xf32, #tpu.memory_space<hbm>> -> memref<16x800xf32, #tpu.memory_space<hbm>>
    %dma_wait3A_41 = arith.constant 0 : i32
    %dma_wait3A_42 = arith.constant 0 : i32
    %dma_wait3A_43 = tpu.memref_slice %arg5[%dma_wait3A_41, %dma_wait3A_42] : memref<16x204800xf32, #tpu.memory_space<hbm>> -> memref<16x800xf32, #tpu.memory_space<hbm>>
    tpu.wait_dma2 semaphore(%arg21 : memref<!tpu.dma_semaphore, #tpu.memory_space<semaphore_mem>>) src(%arg14 : memref<16x800xf32, #tpu.memory_space<vmem>>) dst(%dma_wait3A_43 : memref<16x800xf32, #tpu.memory_space<hbm>>)
    %dma_wait3A_44 = arith.constant 0 : i32
    %dma_wait3A_45 = arith.constant 0 : i32
    %dma_wait3A_46 = tpu.memref_slice %arg5[%dma_wait3A_44, %dma_wait3A_45] : memref<16x204800xf32, #tpu.memory_space<hbm>> -> memref<16x800xf32, #tpu.memory_space<hbm>>
    %dma_wait3A_47 = arith.constant 0 : i32
    %dma_wait3A_48 = arith.constant 0 : i32
    %dma_wait3A_49 = tpu.memref_slice %arg5[%dma_wait3A_47, %dma_wait3A_48] : memref<16x204800xf32, #tpu.memory_space<hbm>> -> memref<16x800xf32, #tpu.memory_space<hbm>>
    tpu.wait_dma2 semaphore(%arg22 : memref<!tpu.dma_semaphore, #tpu.memory_space<semaphore_mem>>) src(%arg15 : memref<16x800xf32, #tpu.memory_space<vmem>>) dst(%dma_wait3A_49 : memref<16x800xf32, #tpu.memory_space<hbm>>)
    return
  }
}

module attributes {stable_mosaic.version = 14 : i64} {
  func.func @_dense_body(%arg0: i32, %arg1: memref<16x32x128xf32, #tpu.memory_space<vmem>>, %arg2: memref<16x4096xf32, #tpu.memory_space<vmem>>, %arg3: memref<128x32xf32, #tpu.memory_space<vmem>>, %arg4: memref<128x1xf32, #tpu.memory_space<vmem>>, %arg5: memref<16x128xf32, #tpu.memory_space<vmem>>, %arg6: memref<16x1xf32, #tpu.memory_space<vmem>>, %arg7: memref<16x4096xf32, #tpu.memory_space<vmem>>) attributes {dimension_semantics = [#tpu.dimension_semantics<arbitrary>], iteration_bounds = array<i64: 50>, scalar_prefetch = 0 : i64, scratch_operands = 0 : i64, tpu.core_type = #tpu.core_type<tc>, window_params = [{transform_indices = @transform_0, window_bounds = array<i64: 16, 32, 128>}, {transform_indices = @transform_1, window_bounds = array<i64: 16, 4096>}, {pipeline_mode = #tpu.pipeline_mode<synchronous>, transform_indices = @transform_2, window_bounds = array<i64: 128, 32>}, {pipeline_mode = #tpu.pipeline_mode<synchronous>, transform_indices = @transform_3, window_bounds = array<i64: 128, 1>}, {pipeline_mode = #tpu.pipeline_mode<synchronous>, transform_indices = @transform_4, window_bounds = array<i64: 16, 128>}, {pipeline_mode = #tpu.pipeline_mode<synchronous>, transform_indices = @transform_5, window_bounds = array<i64: 16, 1>}, {transform_indices = @transform_6, window_bounds = array<i64: 16, 4096>}]} {
    %get3A = arith.constant 0 : index
    %get3A_0 = arith.constant 0 : index
    %get3A_1 = arith.constant 0 : index
    %get3A_2 = vector.load %arg1[%get3A, %get3A_0, %get3A_1] : memref<16x32x128xf32, #tpu.memory_space<vmem>>, vector<16x32x128xf32>
    %reshape3A = vector.shape_cast %get3A_2 : vector<16x32x128xf32> to vector<16x4096xf32>
    %get3A_3 = arith.constant 0 : index
    %get3A_4 = arith.constant 0 : index
    %get3A_5 = vector.load %arg2[%get3A_3, %get3A_4] : memref<16x4096xf32, #tpu.memory_space<vmem>>, vector<16x4096xf32>
    %concatenate3A = tpu.concatenate %reshape3A, %get3A_5 in 0 : vector<16x4096xf32>, vector<16x4096xf32> -> vector<32x4096xf32>
    %get3A_6 = arith.constant 0 : index
    %get3A_7 = arith.constant 0 : index
    %get3A_8 = vector.load %arg3[%get3A_6, %get3A_7] : memref<128x32xf32, #tpu.memory_space<vmem>>, vector<128x32xf32>
    %dot_general3A = arith.constant dense<0.000000e+00> : vector<128x4096xf32>
    %dot_general3A_9 = tpu.matmul %get3A_8, %concatenate3A, %dot_general3A {dimension_numbers = #tpu.dot_dimension_numbers<[1], [0], [0], [1], [0, 0, 1, 1], [], []>, transpose_lhs_hint = false} : vector<128x32xf32>, vector<32x4096xf32>, vector<128x4096xf32> -> vector<128x4096xf32>
    %get3A_10 = arith.constant 0 : index
    %get3A_11 = arith.constant 0 : index
    %get3A_12 = vector.load %arg4[%get3A_10, %get3A_11] : memref<128x1xf32, #tpu.memory_space<vmem>>, vector<128x1xf32>
    %add3A = vector.broadcast %get3A_12 : vector<128x1xf32> to vector<128x4096xf32>
    %add3A_13 = arith.addf %dot_general3A_9, %add3A : vector<128x4096xf32>
    %max3A = arith.constant 0.000000e+00 : f32
    %max3A_14 = vector.broadcast %max3A : f32 to vector<128x4096xf32>
    %max3A_15 = arith.maximumf %add3A_13, %max3A_14 : vector<128x4096xf32>
    %get3A_16 = arith.constant 0 : index
    %get3A_17 = arith.constant 0 : index
    %get3A_18 = vector.load %arg5[%get3A_16, %get3A_17] : memref<16x128xf32, #tpu.memory_space<vmem>>, vector<16x128xf32>
    %dot_general3A_19 = arith.constant dense<0.000000e+00> : vector<16x4096xf32>
    %dot_general3A_20 = tpu.matmul %get3A_18, %max3A_15, %dot_general3A_19 {dimension_numbers = #tpu.dot_dimension_numbers<[1], [0], [0], [1], [0, 0, 1, 1], [], []>, transpose_lhs_hint = false} : vector<16x128xf32>, vector<128x4096xf32>, vector<16x4096xf32> -> vector<16x4096xf32>
    %get3A_21 = arith.constant 0 : index
    %get3A_22 = arith.constant 0 : index
    %get3A_23 = vector.load %arg6[%get3A_21, %get3A_22] : memref<16x1xf32, #tpu.memory_space<vmem>>, vector<16x1xf32>
    %add3A_24 = vector.broadcast %get3A_23 : vector<16x1xf32> to vector<16x4096xf32>
    %add3A_25 = arith.addf %dot_general3A_20, %add3A_24 : vector<16x4096xf32>
    %reduce_sum3A = arith.constant dense<0.000000e+00> : vector<4096xf32>
    %reduce_sum3A_26 = vector.multi_reduction <add>, %add3A_25, %reduce_sum3A [0] : vector<16x4096xf32> to vector<4096xf32>
    %broadcast_in_dim3A = vector.shape_cast %reduce_sum3A_26 : vector<4096xf32> to vector<1x4096xf32>
    %div3A = arith.constant 1.600000e+01 : f32
    %div3A_27 = vector.broadcast %div3A : f32 to vector<1x4096xf32>
    %div3A_28 = arith.divf %broadcast_in_dim3A, %div3A_27 : vector<1x4096xf32>
    %sub3A = vector.broadcast %div3A_28 : vector<1x4096xf32> to vector<16x4096xf32>
    %sub3A_29 = arith.subf %add3A_25, %sub3A : vector<16x4096xf32>
    %integer_pow3A = arith.mulf %sub3A_29, %sub3A_29 : vector<16x4096xf32>
    %reduce_sum3A_30 = arith.constant dense<0.000000e+00> : vector<4096xf32>
    %reduce_sum3A_31 = vector.multi_reduction <add>, %integer_pow3A, %reduce_sum3A_30 [0] : vector<16x4096xf32> to vector<4096xf32>
    %broadcast_in_dim3A_32 = vector.shape_cast %reduce_sum3A_31 : vector<4096xf32> to vector<1x4096xf32>
    %div3A_33 = arith.constant 1.600000e+01 : f32
    %div3A_34 = vector.broadcast %div3A_33 : f32 to vector<1x4096xf32>
    %div3A_35 = arith.divf %broadcast_in_dim3A_32, %div3A_34 : vector<1x4096xf32>
    %sub3A_36 = vector.broadcast %div3A_28 : vector<1x4096xf32> to vector<16x4096xf32>
    %sub3A_37 = arith.subf %add3A_25, %sub3A_36 : vector<16x4096xf32>
    %add3A_38 = arith.constant 9.99999974E-6 : f32
    %add3A_39 = vector.broadcast %add3A_38 : f32 to vector<1x4096xf32>
    %add3A_40 = arith.addf %div3A_35, %add3A_39 : vector<1x4096xf32>
    %rsqrt3A = math.rsqrt %add3A_40 : vector<1x4096xf32>
    %mul3A = vector.broadcast %rsqrt3A : vector<1x4096xf32> to vector<16x4096xf32>
    %mul3A_41 = arith.mulf %sub3A_37, %mul3A : vector<16x4096xf32>
    %get3A_42 = arith.constant 0 : index
    %get3A_43 = arith.constant 0 : index
    %get3A_44 = vector.load %arg2[%get3A_42, %get3A_43] : memref<16x4096xf32, #tpu.memory_space<vmem>>, vector<16x4096xf32>
    %max3A_45 = arith.constant 0.000000e+00 : f32
    %max3A_46 = vector.broadcast %max3A_45 : f32 to vector<16x4096xf32>
    %max3A_47 = arith.maximumf %mul3A_41, %max3A_46 : vector<16x4096xf32>
    %add3A_48 = arith.addf %get3A_44, %max3A_47 : vector<16x4096xf32>
    %swap3A = arith.constant 0 : index
    %swap3A_49 = arith.constant 0 : index
    %swap3A_50 = vector.load %arg7[%swap3A, %swap3A_49] : memref<16x4096xf32, #tpu.memory_space<vmem>>, vector<16x4096xf32>
    tpu.vector_store %arg7[%swap3A, %swap3A_49], %add3A_48 {strides = array<i32>} : memref<16x4096xf32, #tpu.memory_space<vmem>>, vector<16x4096xf32>,
    return
  }
  func.func @transform_0(%arg0: i32) -> (i32, i32, i32) {
    %c0_i32 = arith.constant 0 : i32
    %c0_i32_0 = arith.constant 0 : i32
    %c0_i32_1 = arith.constant 0 : i32
    return %c0_i32, %arg0, %c0_i32_0 : i32, i32, i32
  }
  func.func @transform_1(%arg0: i32) -> (i32, i32) {
    %add3A = arith.constant 0 : i32
    %add3A_0 = arith.addi %arg0, %add3A : i32
    %c0_i32 = arith.constant 0 : i32
    %c0_i32_1 = arith.constant 0 : i32
    return %c0_i32, %add3A_0 : i32, i32
  }
  func.func @transform_2(%arg0: i32) -> (i32, i32) {
    %c0_i32 = arith.constant 0 : i32
    %c0_i32_0 = arith.constant 0 : i32
    %c0_i32_1 = arith.constant 0 : i32
    return %c0_i32, %c0_i32_0 : i32, i32
  }
  func.func @transform_3(%arg0: i32) -> (i32, i32) {
    %c0_i32 = arith.constant 0 : i32
    %c0_i32_0 = arith.constant 0 : i32
    %c0_i32_1 = arith.constant 0 : i32
    return %c0_i32, %c0_i32_0 : i32, i32
  }
  func.func @transform_4(%arg0: i32) -> (i32, i32) {
    %c0_i32 = arith.constant 0 : i32
    %c0_i32_0 = arith.constant 0 : i32
    %c0_i32_1 = arith.constant 0 : i32
    return %c0_i32, %c0_i32_0 : i32, i32
  }
  func.func @transform_5(%arg0: i32) -> (i32, i32) {
    %c0_i32 = arith.constant 0 : i32
    %c0_i32_0 = arith.constant 0 : i32
    %c0_i32_1 = arith.constant 0 : i32
    return %c0_i32, %c0_i32_0 : i32, i32
  }
  func.func @transform_6(%arg0: i32) -> (i32, i32) {
    %add3A = arith.constant 0 : i32
    %add3A_0 = arith.addi %arg0, %add3A : i32
    %c0_i32 = arith.constant 0 : i32
    %c0_i32_1 = arith.constant 0 : i32
    return %c0_i32, %add3A_0 : i32, i32
  }
}

module attributes {stable_mosaic.version = 14 : i64} {
  func.func @body(%arg0: i32, %arg1: memref<16x32x128xf32, #tpu.memory_space<vmem>>, %arg2: memref<16x4096xf32, #tpu.memory_space<vmem>>, %arg3: memref<128x32xf32, #tpu.memory_space<vmem>>, %arg4: memref<128x1xf32, #tpu.memory_space<vmem>>, %arg5: memref<16x128xf32, #tpu.memory_space<vmem>>, %arg6: memref<16x1xf32, #tpu.memory_space<vmem>>, %arg7: memref<16x800000xf32, #tpu.memory_space<any>>, %arg8: memref<16x4096xf32, #tpu.memory_space<vmem>>) attributes {dimension_semantics = [#tpu.dimension_semantics<arbitrary>], iteration_bounds = array<i64: 50>, scalar_prefetch = 0 : i64, scratch_operands = 0 : i64, tpu.core_type = #tpu.core_type<tc>, window_params = [{transform_indices = @transform_0, window_bounds = array<i64: 16, 32, 128>}, {transform_indices = @transform_1, window_bounds = array<i64: 16, 4096>}, {pipeline_mode = #tpu.pipeline_mode<synchronous>, transform_indices = @transform_2, window_bounds = array<i64: 128, 32>}, {pipeline_mode = #tpu.pipeline_mode<synchronous>, transform_indices = @transform_3, window_bounds = array<i64: 128, 1>}, {pipeline_mode = #tpu.pipeline_mode<synchronous>, transform_indices = @transform_4, window_bounds = array<i64: 16, 128>}, {pipeline_mode = #tpu.pipeline_mode<synchronous>, transform_indices = @transform_5, window_bounds = array<i64: 16, 1>}, {}, {transform_indices = @transform_7, window_bounds = array<i64: 16, 4096>}]} {
    %get3A = arith.constant 0 : index
    %get3A_0 = arith.constant 0 : index
    %get3A_1 = arith.constant 0 : index
    %get3A_2 = vector.load %arg1[%get3A, %get3A_0, %get3A_1] : memref<16x32x128xf32, #tpu.memory_space<vmem>>, vector<16x32x128xf32>
    %reshape3A = vector.shape_cast %get3A_2 : vector<16x32x128xf32> to vector<16x4096xf32>
    %get3A_3 = arith.constant 0 : index
    %get3A_4 = arith.constant 0 : index
    %get3A_5 = vector.load %arg2[%get3A_3, %get3A_4] : memref<16x4096xf32, #tpu.memory_space<vmem>>, vector<16x4096xf32>
    %concatenate3A = tpu.concatenate %reshape3A, %get3A_5 in 0 : vector<16x4096xf32>, vector<16x4096xf32> -> vector<32x4096xf32>
    %get3A_6 = arith.constant 0 : index
    %get3A_7 = arith.constant 0 : index
    %get3A_8 = vector.load %arg3[%get3A_6, %get3A_7] : memref<128x32xf32, #tpu.memory_space<vmem>>, vector<128x32xf32>
    %dot_general3A = arith.constant dense<0.000000e+00> : vector<128x4096xf32>
    %dot_general3A_9 = tpu.matmul %get3A_8, %concatenate3A, %dot_general3A {dimension_numbers = #tpu.dot_dimension_numbers<[1], [0], [0], [1], [0, 0, 1, 1], [], []>, transpose_lhs_hint = false} : vector<128x32xf32>, vector<32x4096xf32>, vector<128x4096xf32> -> vector<128x4096xf32>
    %get3A_10 = arith.constant 0 : index
    %get3A_11 = arith.constant 0 : index
    %get3A_12 = vector.load %arg4[%get3A_10, %get3A_11] : memref<128x1xf32, #tpu.memory_space<vmem>>, vector<128x1xf32>
    %add3A = vector.broadcast %get3A_12 : vector<128x1xf32> to vector<128x4096xf32>
    %add3A_13 = arith.addf %dot_general3A_9, %add3A : vector<128x4096xf32>
    %max3A = arith.constant 0.000000e+00 : f32
    %max3A_14 = vector.broadcast %max3A : f32 to vector<128x4096xf32>
    %max3A_15 = arith.maximumf %add3A_13, %max3A_14 : vector<128x4096xf32>
    %get3A_16 = arith.constant 0 : index
    %get3A_17 = arith.constant 0 : index
    %get3A_18 = vector.load %arg5[%get3A_16, %get3A_17] : memref<16x128xf32, #tpu.memory_space<vmem>>, vector<16x128xf32>
    %dot_general3A_19 = arith.constant dense<0.000000e+00> : vector<16x4096xf32>
    %dot_general3A_20 = tpu.matmul %get3A_18, %max3A_15, %dot_general3A_19 {dimension_numbers = #tpu.dot_dimension_numbers<[1], [0], [0], [1], [0, 0, 1, 1], [], []>, transpose_lhs_hint = false} : vector<16x128xf32>, vector<128x4096xf32>, vector<16x4096xf32> -> vector<16x4096xf32>
    %get3A_21 = arith.constant 0 : index
    %get3A_22 = arith.constant 0 : index
    %get3A_23 = vector.load %arg6[%get3A_21, %get3A_22] : memref<16x1xf32, #tpu.memory_space<vmem>>, vector<16x1xf32>
    %add3A_24 = vector.broadcast %get3A_23 : vector<16x1xf32> to vector<16x4096xf32>
    %add3A_25 = arith.addf %dot_general3A_20, %add3A_24 : vector<16x4096xf32>
    %reduce_sum3A = arith.constant dense<0.000000e+00> : vector<4096xf32>
    %reduce_sum3A_26 = vector.multi_reduction <add>, %add3A_25, %reduce_sum3A [0] : vector<16x4096xf32> to vector<4096xf32>
    %broadcast_in_dim3A = vector.shape_cast %reduce_sum3A_26 : vector<4096xf32> to vector<1x4096xf32>
    %div3A = arith.constant 1.600000e+01 : f32
    %div3A_27 = vector.broadcast %div3A : f32 to vector<1x4096xf32>
    %div3A_28 = arith.divf %broadcast_in_dim3A, %div3A_27 : vector<1x4096xf32>
    %sub3A = vector.broadcast %div3A_28 : vector<1x4096xf32> to vector<16x4096xf32>
    %sub3A_29 = arith.subf %add3A_25, %sub3A : vector<16x4096xf32>
    %integer_pow3A = arith.mulf %sub3A_29, %sub3A_29 : vector<16x4096xf32>
    %reduce_sum3A_30 = arith.constant dense<0.000000e+00> : vector<4096xf32>
    %reduce_sum3A_31 = vector.multi_reduction <add>, %integer_pow3A, %reduce_sum3A_30 [0] : vector<16x4096xf32> to vector<4096xf32>
    %broadcast_in_dim3A_32 = vector.shape_cast %reduce_sum3A_31 : vector<4096xf32> to vector<1x4096xf32>
    %div3A_33 = arith.constant 1.600000e+01 : f32
    %div3A_34 = vector.broadcast %div3A_33 : f32 to vector<1x4096xf32>
    %div3A_35 = arith.divf %broadcast_in_dim3A_32, %div3A_34 : vector<1x4096xf32>
    %sub3A_36 = vector.broadcast %div3A_28 : vector<1x4096xf32> to vector<16x4096xf32>
    %sub3A_37 = arith.subf %add3A_25, %sub3A_36 : vector<16x4096xf32>
    %add3A_38 = arith.constant 9.99999974E-6 : f32
    %add3A_39 = vector.broadcast %add3A_38 : f32 to vector<1x4096xf32>
    %add3A_40 = arith.addf %div3A_35, %add3A_39 : vector<1x4096xf32>
    %rsqrt3A = math.rsqrt %add3A_40 : vector<1x4096xf32>
    %mul3A = vector.broadcast %rsqrt3A : vector<1x4096xf32> to vector<16x4096xf32>
    %mul3A_41 = arith.mulf %sub3A_37, %mul3A : vector<16x4096xf32>
    %get3A_42 = arith.constant 0 : index
    %get3A_43 = arith.constant 0 : index
    %get3A_44 = vector.load %arg2[%get3A_42, %get3A_43] : memref<16x4096xf32, #tpu.memory_space<vmem>>, vector<16x4096xf32>
    %max3A_45 = arith.constant 0.000000e+00 : f32
    %max3A_46 = vector.broadcast %max3A_45 : f32 to vector<16x4096xf32>
    %max3A_47 = arith.maximumf %mul3A_41, %max3A_46 : vector<16x4096xf32>
    %add3A_48 = arith.addf %get3A_44, %max3A_47 : vector<16x4096xf32>
    %swap3A = arith.constant 0 : index
    %swap3A_49 = arith.constant 0 : index
    %swap3A_50 = vector.load %arg8[%swap3A, %swap3A_49] : memref<16x4096xf32, #tpu.memory_space<vmem>>, vector<16x4096xf32>
    tpu.vector_store %arg8[%swap3A, %swap3A_49], %add3A_48 {strides = array<i32>} : memref<16x4096xf32, #tpu.memory_space<vmem>>, vector<16x4096xf32>,
    return
  }
  func.func @transform_0(%arg0: i32) -> (i32, i32, i32) {
    %c0_i32 = arith.constant 0 : i32
    %c0_i32_0 = arith.constant 0 : i32
    %c0_i32_1 = arith.constant 0 : i32
    return %c0_i32, %arg0, %c0_i32_0 : i32, i32, i32
  }
  func.func @transform_1(%arg0: i32) -> (i32, i32) {
    %add3A = arith.constant 50 : i32
    %add3A_0 = arith.addi %arg0, %add3A : i32
    %c0_i32 = arith.constant 0 : i32
    %c0_i32_1 = arith.constant 0 : i32
    return %c0_i32, %add3A_0 : i32, i32
  }
  func.func @transform_2(%arg0: i32) -> (i32, i32) {
    %c0_i32 = arith.constant 0 : i32
    %c0_i32_0 = arith.constant 0 : i32
    %c0_i32_1 = arith.constant 0 : i32
    return %c0_i32, %c0_i32_0 : i32, i32
  }
  func.func @transform_3(%arg0: i32) -> (i32, i32) {
    %c0_i32 = arith.constant 0 : i32
    %c0_i32_0 = arith.constant 0 : i32
    %c0_i32_1 = arith.constant 0 : i32
    return %c0_i32, %c0_i32_0 : i32, i32
  }
  func.func @transform_4(%arg0: i32) -> (i32, i32) {
    %c0_i32 = arith.constant 0 : i32
    %c0_i32_0 = arith.constant 0 : i32
    %c0_i32_1 = arith.constant 0 : i32
    return %c0_i32, %c0_i32_0 : i32, i32
  }
  func.func @transform_5(%arg0: i32) -> (i32, i32) {
    %c0_i32 = arith.constant 0 : i32
    %c0_i32_0 = arith.constant 0 : i32
    %c0_i32_1 = arith.constant 0 : i32
    return %c0_i32, %c0_i32_0 : i32, i32
  }
  func.func @transform_7(%arg0: i32) -> (i32, i32) {
    %add3A = arith.constant 50 : i32
    %add3A_0 = arith.addi %arg0, %add3A : i32
    %c0_i32 = arith.constant 0 : i32
    %c0_i32_1 = arith.constant 0 : i32
    return %c0_i32, %add3A_0 : i32, i32
  }
}

module attributes {stable_mosaic.version = 14 : i64} {
  func.func @body(%arg0: i32, %arg1: memref<16x32x128xf32, #tpu.memory_space<vmem>>, %arg2: memref<16x4096xf32, #tpu.memory_space<vmem>>, %arg3: memref<128x32xf32, #tpu.memory_space<vmem>>, %arg4: memref<128x1xf32, #tpu.memory_space<vmem>>, %arg5: memref<16x128xf32, #tpu.memory_space<vmem>>, %arg6: memref<16x1xf32, #tpu.memory_space<vmem>>, %arg7: memref<16x800000xf32, #tpu.memory_space<any>>, %arg8: memref<16x4096xf32, #tpu.memory_space<vmem>>) attributes {dimension_semantics = [#tpu.dimension_semantics<arbitrary>], iteration_bounds = array<i64: 50>, scalar_prefetch = 0 : i64, scratch_operands = 0 : i64, tpu.core_type = #tpu.core_type<tc>, window_params = [{transform_indices = @transform_0, window_bounds = array<i64: 16, 32, 128>}, {transform_indices = @transform_1, window_bounds = array<i64: 16, 4096>}, {pipeline_mode = #tpu.pipeline_mode<synchronous>, transform_indices = @transform_2, window_bounds = array<i64: 128, 32>}, {pipeline_mode = #tpu.pipeline_mode<synchronous>, transform_indices = @transform_3, window_bounds = array<i64: 128, 1>}, {pipeline_mode = #tpu.pipeline_mode<synchronous>, transform_indices = @transform_4, window_bounds = array<i64: 16, 128>}, {pipeline_mode = #tpu.pipeline_mode<synchronous>, transform_indices = @transform_5, window_bounds = array<i64: 16, 1>}, {}, {transform_indices = @transform_7, window_bounds = array<i64: 16, 4096>}]} {
    %get3A = arith.constant 0 : index
    %get3A_0 = arith.constant 0 : index
    %get3A_1 = arith.constant 0 : index
    %get3A_2 = vector.load %arg1[%get3A, %get3A_0, %get3A_1] : memref<16x32x128xf32, #tpu.memory_space<vmem>>, vector<16x32x128xf32>
    %reshape3A = vector.shape_cast %get3A_2 : vector<16x32x128xf32> to vector<16x4096xf32>
    %get3A_3 = arith.constant 0 : index
    %get3A_4 = arith.constant 0 : index
    %get3A_5 = vector.load %arg2[%get3A_3, %get3A_4] : memref<16x4096xf32, #tpu.memory_space<vmem>>, vector<16x4096xf32>
    %concatenate3A = tpu.concatenate %reshape3A, %get3A_5 in 0 : vector<16x4096xf32>, vector<16x4096xf32> -> vector<32x4096xf32>
    %get3A_6 = arith.constant 0 : index
    %get3A_7 = arith.constant 0 : index
    %get3A_8 = vector.load %arg3[%get3A_6, %get3A_7] : memref<128x32xf32, #tpu.memory_space<vmem>>, vector<128x32xf32>
    %dot_general3A = arith.constant dense<0.000000e+00> : vector<128x4096xf32>
    %dot_general3A_9 = tpu.matmul %get3A_8, %concatenate3A, %dot_general3A {dimension_numbers = #tpu.dot_dimension_numbers<[1], [0], [0], [1], [0, 0, 1, 1], [], []>, transpose_lhs_hint = false} : vector<128x32xf32>, vector<32x4096xf32>, vector<128x4096xf32> -> vector<128x4096xf32>
    %get3A_10 = arith.constant 0 : index
    %get3A_11 = arith.constant 0 : index
    %get3A_12 = vector.load %arg4[%get3A_10, %get3A_11] : memref<128x1xf32, #tpu.memory_space<vmem>>, vector<128x1xf32>
    %add3A = vector.broadcast %get3A_12 : vector<128x1xf32> to vector<128x4096xf32>
    %add3A_13 = arith.addf %dot_general3A_9, %add3A : vector<128x4096xf32>
    %max3A = arith.constant 0.000000e+00 : f32
    %max3A_14 = vector.broadcast %max3A : f32 to vector<128x4096xf32>
    %max3A_15 = arith.maximumf %add3A_13, %max3A_14 : vector<128x4096xf32>
    %get3A_16 = arith.constant 0 : index
    %get3A_17 = arith.constant 0 : index
    %get3A_18 = vector.load %arg5[%get3A_16, %get3A_17] : memref<16x128xf32, #tpu.memory_space<vmem>>, vector<16x128xf32>
    %dot_general3A_19 = arith.constant dense<0.000000e+00> : vector<16x4096xf32>
    %dot_general3A_20 = tpu.matmul %get3A_18, %max3A_15, %dot_general3A_19 {dimension_numbers = #tpu.dot_dimension_numbers<[1], [0], [0], [1], [0, 0, 1, 1], [], []>, transpose_lhs_hint = false} : vector<16x128xf32>, vector<128x4096xf32>, vector<16x4096xf32> -> vector<16x4096xf32>
    %get3A_21 = arith.constant 0 : index
    %get3A_22 = arith.constant 0 : index
    %get3A_23 = vector.load %arg6[%get3A_21, %get3A_22] : memref<16x1xf32, #tpu.memory_space<vmem>>, vector<16x1xf32>
    %add3A_24 = vector.broadcast %get3A_23 : vector<16x1xf32> to vector<16x4096xf32>
    %add3A_25 = arith.addf %dot_general3A_20, %add3A_24 : vector<16x4096xf32>
    %reduce_sum3A = arith.constant dense<0.000000e+00> : vector<4096xf32>
    %reduce_sum3A_26 = vector.multi_reduction <add>, %add3A_25, %reduce_sum3A [0] : vector<16x4096xf32> to vector<4096xf32>
    %broadcast_in_dim3A = vector.shape_cast %reduce_sum3A_26 : vector<4096xf32> to vector<1x4096xf32>
    %div3A = arith.constant 1.600000e+01 : f32
    %div3A_27 = vector.broadcast %div3A : f32 to vector<1x4096xf32>
    %div3A_28 = arith.divf %broadcast_in_dim3A, %div3A_27 : vector<1x4096xf32>
    %sub3A = vector.broadcast %div3A_28 : vector<1x4096xf32> to vector<16x4096xf32>
    %sub3A_29 = arith.subf %add3A_25, %sub3A : vector<16x4096xf32>
    %integer_pow3A = arith.mulf %sub3A_29, %sub3A_29 : vector<16x4096xf32>
    %reduce_sum3A_30 = arith.constant dense<0.000000e+00> : vector<4096xf32>
    %reduce_sum3A_31 = vector.multi_reduction <add>, %integer_pow3A, %reduce_sum3A_30 [0] : vector<16x4096xf32> to vector<4096xf32>
    %broadcast_in_dim3A_32 = vector.shape_cast %reduce_sum3A_31 : vector<4096xf32> to vector<1x4096xf32>
    %div3A_33 = arith.constant 1.600000e+01 : f32
    %div3A_34 = vector.broadcast %div3A_33 : f32 to vector<1x4096xf32>
    %div3A_35 = arith.divf %broadcast_in_dim3A_32, %div3A_34 : vector<1x4096xf32>
    %sub3A_36 = vector.broadcast %div3A_28 : vector<1x4096xf32> to vector<16x4096xf32>
    %sub3A_37 = arith.subf %add3A_25, %sub3A_36 : vector<16x4096xf32>
    %add3A_38 = arith.constant 9.99999974E-6 : f32
    %add3A_39 = vector.broadcast %add3A_38 : f32 to vector<1x4096xf32>
    %add3A_40 = arith.addf %div3A_35, %add3A_39 : vector<1x4096xf32>
    %rsqrt3A = math.rsqrt %add3A_40 : vector<1x4096xf32>
    %mul3A = vector.broadcast %rsqrt3A : vector<1x4096xf32> to vector<16x4096xf32>
    %mul3A_41 = arith.mulf %sub3A_37, %mul3A : vector<16x4096xf32>
    %get3A_42 = arith.constant 0 : index
    %get3A_43 = arith.constant 0 : index
    %get3A_44 = vector.load %arg2[%get3A_42, %get3A_43] : memref<16x4096xf32, #tpu.memory_space<vmem>>, vector<16x4096xf32>
    %max3A_45 = arith.constant 0.000000e+00 : f32
    %max3A_46 = vector.broadcast %max3A_45 : f32 to vector<16x4096xf32>
    %max3A_47 = arith.maximumf %mul3A_41, %max3A_46 : vector<16x4096xf32>
    %add3A_48 = arith.addf %get3A_44, %max3A_47 : vector<16x4096xf32>
    %swap3A = arith.constant 0 : index
    %swap3A_49 = arith.constant 0 : index
    %swap3A_50 = vector.load %arg8[%swap3A, %swap3A_49] : memref<16x4096xf32, #tpu.memory_space<vmem>>, vector<16x4096xf32>
    tpu.vector_store %arg8[%swap3A, %swap3A_49], %add3A_48 {strides = array<i32>} : memref<16x4096xf32, #tpu.memory_space<vmem>>, vector<16x4096xf32>,
    return
  }
  func.func @transform_0(%arg0: i32) -> (i32, i32, i32) {
    %c0_i32 = arith.constant 0 : i32
    %c0_i32_0 = arith.constant 0 : i32
    %c0_i32_1 = arith.constant 0 : i32
    return %c0_i32, %arg0, %c0_i32_0 : i32, i32, i32
  }
  func.func @transform_1(%arg0: i32) -> (i32, i32) {
    %add3A = arith.constant 100 : i32
    %add3A_0 = arith.addi %arg0, %add3A : i32
    %c0_i32 = arith.constant 0 : i32
    %c0_i32_1 = arith.constant 0 : i32
    return %c0_i32, %add3A_0 : i32, i32
  }
  func.func @transform_2(%arg0: i32) -> (i32, i32) {
    %c0_i32 = arith.constant 0 : i32
    %c0_i32_0 = arith.constant 0 : i32
    %c0_i32_1 = arith.constant 0 : i32
    return %c0_i32, %c0_i32_0 : i32, i32
  }
  func.func @transform_3(%arg0: i32) -> (i32, i32) {
    %c0_i32 = arith.constant 0 : i32
    %c0_i32_0 = arith.constant 0 : i32
    %c0_i32_1 = arith.constant 0 : i32
    return %c0_i32, %c0_i32_0 : i32, i32
  }
  func.func @transform_4(%arg0: i32) -> (i32, i32) {
    %c0_i32 = arith.constant 0 : i32
    %c0_i32_0 = arith.constant 0 : i32
    %c0_i32_1 = arith.constant 0 : i32
    return %c0_i32, %c0_i32_0 : i32, i32
  }
  func.func @transform_5(%arg0: i32) -> (i32, i32) {
    %c0_i32 = arith.constant 0 : i32
    %c0_i32_0 = arith.constant 0 : i32
    %c0_i32_1 = arith.constant 0 : i32
    return %c0_i32, %c0_i32_0 : i32, i32
  }
  func.func @transform_7(%arg0: i32) -> (i32, i32) {
    %add3A = arith.constant 100 : i32
    %add3A_0 = arith.addi %arg0, %add3A : i32
    %c0_i32 = arith.constant 0 : i32
    %c0_i32_1 = arith.constant 0 : i32
    return %c0_i32, %add3A_0 : i32, i32
  }
}

module attributes {stable_mosaic.version = 14 : i64} {
  func.func @body(%arg0: i32, %arg1: memref<16x32x128xf32, #tpu.memory_space<vmem>>, %arg2: memref<16x4096xf32, #tpu.memory_space<vmem>>, %arg3: memref<128x32xf32, #tpu.memory_space<vmem>>, %arg4: memref<128x1xf32, #tpu.memory_space<vmem>>, %arg5: memref<16x128xf32, #tpu.memory_space<vmem>>, %arg6: memref<16x1xf32, #tpu.memory_space<vmem>>, %arg7: memref<16x800000xf32, #tpu.memory_space<any>>, %arg8: memref<16x4096xf32, #tpu.memory_space<vmem>>) attributes {dimension_semantics = [#tpu.dimension_semantics<arbitrary>], iteration_bounds = array<i64: 46>, scalar_prefetch = 0 : i64, scratch_operands = 0 : i64, tpu.core_type = #tpu.core_type<tc>, window_params = [{transform_indices = @transform_0, window_bounds = array<i64: 16, 32, 128>}, {transform_indices = @transform_1, window_bounds = array<i64: 16, 4096>}, {pipeline_mode = #tpu.pipeline_mode<synchronous>, transform_indices = @transform_2, window_bounds = array<i64: 128, 32>}, {pipeline_mode = #tpu.pipeline_mode<synchronous>, transform_indices = @transform_3, window_bounds = array<i64: 128, 1>}, {pipeline_mode = #tpu.pipeline_mode<synchronous>, transform_indices = @transform_4, window_bounds = array<i64: 16, 128>}, {pipeline_mode = #tpu.pipeline_mode<synchronous>, transform_indices = @transform_5, window_bounds = array<i64: 16, 1>}, {}, {transform_indices = @transform_7, window_bounds = array<i64: 16, 4096>}]} {
    %get3A = arith.constant 0 : index
    %get3A_0 = arith.constant 0 : index
    %get3A_1 = arith.constant 0 : index
    %get3A_2 = vector.load %arg1[%get3A, %get3A_0, %get3A_1] : memref<16x32x128xf32, #tpu.memory_space<vmem>>, vector<16x32x128xf32>
    %reshape3A = vector.shape_cast %get3A_2 : vector<16x32x128xf32> to vector<16x4096xf32>
    %get3A_3 = arith.constant 0 : index
    %get3A_4 = arith.constant 0 : index
    %get3A_5 = vector.load %arg2[%get3A_3, %get3A_4] : memref<16x4096xf32, #tpu.memory_space<vmem>>, vector<16x4096xf32>
    %concatenate3A = tpu.concatenate %reshape3A, %get3A_5 in 0 : vector<16x4096xf32>, vector<16x4096xf32> -> vector<32x4096xf32>
    %get3A_6 = arith.constant 0 : index
    %get3A_7 = arith.constant 0 : index
    %get3A_8 = vector.load %arg3[%get3A_6, %get3A_7] : memref<128x32xf32, #tpu.memory_space<vmem>>, vector<128x32xf32>
    %dot_general3A = arith.constant dense<0.000000e+00> : vector<128x4096xf32>
    %dot_general3A_9 = tpu.matmul %get3A_8, %concatenate3A, %dot_general3A {dimension_numbers = #tpu.dot_dimension_numbers<[1], [0], [0], [1], [0, 0, 1, 1], [], []>, transpose_lhs_hint = false} : vector<128x32xf32>, vector<32x4096xf32>, vector<128x4096xf32> -> vector<128x4096xf32>
    %get3A_10 = arith.constant 0 : index
    %get3A_11 = arith.constant 0 : index
    %get3A_12 = vector.load %arg4[%get3A_10, %get3A_11] : memref<128x1xf32, #tpu.memory_space<vmem>>, vector<128x1xf32>
    %add3A = vector.broadcast %get3A_12 : vector<128x1xf32> to vector<128x4096xf32>
    %add3A_13 = arith.addf %dot_general3A_9, %add3A : vector<128x4096xf32>
    %max3A = arith.constant 0.000000e+00 : f32
    %max3A_14 = vector.broadcast %max3A : f32 to vector<128x4096xf32>
    %max3A_15 = arith.maximumf %add3A_13, %max3A_14 : vector<128x4096xf32>
    %get3A_16 = arith.constant 0 : index
    %get3A_17 = arith.constant 0 : index
    %get3A_18 = vector.load %arg5[%get3A_16, %get3A_17] : memref<16x128xf32, #tpu.memory_space<vmem>>, vector<16x128xf32>
    %dot_general3A_19 = arith.constant dense<0.000000e+00> : vector<16x4096xf32>
    %dot_general3A_20 = tpu.matmul %get3A_18, %max3A_15, %dot_general3A_19 {dimension_numbers = #tpu.dot_dimension_numbers<[1], [0], [0], [1], [0, 0, 1, 1], [], []>, transpose_lhs_hint = false} : vector<16x128xf32>, vector<128x4096xf32>, vector<16x4096xf32> -> vector<16x4096xf32>
    %get3A_21 = arith.constant 0 : index
    %get3A_22 = arith.constant 0 : index
    %get3A_23 = vector.load %arg6[%get3A_21, %get3A_22] : memref<16x1xf32, #tpu.memory_space<vmem>>, vector<16x1xf32>
    %add3A_24 = vector.broadcast %get3A_23 : vector<16x1xf32> to vector<16x4096xf32>
    %add3A_25 = arith.addf %dot_general3A_20, %add3A_24 : vector<16x4096xf32>
    %reduce_sum3A = arith.constant dense<0.000000e+00> : vector<4096xf32>
    %reduce_sum3A_26 = vector.multi_reduction <add>, %add3A_25, %reduce_sum3A [0] : vector<16x4096xf32> to vector<4096xf32>
    %broadcast_in_dim3A = vector.shape_cast %reduce_sum3A_26 : vector<4096xf32> to vector<1x4096xf32>
    %div3A = arith.constant 1.600000e+01 : f32
    %div3A_27 = vector.broadcast %div3A : f32 to vector<1x4096xf32>
    %div3A_28 = arith.divf %broadcast_in_dim3A, %div3A_27 : vector<1x4096xf32>
    %sub3A = vector.broadcast %div3A_28 : vector<1x4096xf32> to vector<16x4096xf32>
    %sub3A_29 = arith.subf %add3A_25, %sub3A : vector<16x4096xf32>
    %integer_pow3A = arith.mulf %sub3A_29, %sub3A_29 : vector<16x4096xf32>
    %reduce_sum3A_30 = arith.constant dense<0.000000e+00> : vector<4096xf32>
    %reduce_sum3A_31 = vector.multi_reduction <add>, %integer_pow3A, %reduce_sum3A_30 [0] : vector<16x4096xf32> to vector<4096xf32>
    %broadcast_in_dim3A_32 = vector.shape_cast %reduce_sum3A_31 : vector<4096xf32> to vector<1x4096xf32>
    %div3A_33 = arith.constant 1.600000e+01 : f32
    %div3A_34 = vector.broadcast %div3A_33 : f32 to vector<1x4096xf32>
    %div3A_35 = arith.divf %broadcast_in_dim3A_32, %div3A_34 : vector<1x4096xf32>
    %sub3A_36 = vector.broadcast %div3A_28 : vector<1x4096xf32> to vector<16x4096xf32>
    %sub3A_37 = arith.subf %add3A_25, %sub3A_36 : vector<16x4096xf32>
    %add3A_38 = arith.constant 9.99999974E-6 : f32
    %add3A_39 = vector.broadcast %add3A_38 : f32 to vector<1x4096xf32>
    %add3A_40 = arith.addf %div3A_35, %add3A_39 : vector<1x4096xf32>
    %rsqrt3A = math.rsqrt %add3A_40 : vector<1x4096xf32>
    %mul3A = vector.broadcast %rsqrt3A : vector<1x4096xf32> to vector<16x4096xf32>
    %mul3A_41 = arith.mulf %sub3A_37, %mul3A : vector<16x4096xf32>
    %get3A_42 = arith.constant 0 : index
    %get3A_43 = arith.constant 0 : index
    %get3A_44 = vector.load %arg2[%get3A_42, %get3A_43] : memref<16x4096xf32, #tpu.memory_space<vmem>>, vector<16x4096xf32>
    %max3A_45 = arith.constant 0.000000e+00 : f32
    %max3A_46 = vector.broadcast %max3A_45 : f32 to vector<16x4096xf32>
    %max3A_47 = arith.maximumf %mul3A_41, %max3A_46 : vector<16x4096xf32>
    %add3A_48 = arith.addf %get3A_44, %max3A_47 : vector<16x4096xf32>
    %swap3A = arith.constant 0 : index
    %swap3A_49 = arith.constant 0 : index
    %swap3A_50 = vector.load %arg8[%swap3A, %swap3A_49] : memref<16x4096xf32, #tpu.memory_space<vmem>>, vector<16x4096xf32>
    tpu.vector_store %arg8[%swap3A, %swap3A_49], %add3A_48 {strides = array<i32>} : memref<16x4096xf32, #tpu.memory_space<vmem>>, vector<16x4096xf32>,
    return
  }
  func.func @transform_0(%arg0: i32) -> (i32, i32, i32) {
    %c0_i32 = arith.constant 0 : i32
    %c0_i32_0 = arith.constant 0 : i32
    %c0_i32_1 = arith.constant 0 : i32
    return %c0_i32, %arg0, %c0_i32_0 : i32, i32, i32
  }
  func.func @transform_1(%arg0: i32) -> (i32, i32) {
    %add3A = arith.constant 150 : i32
    %add3A_0 = arith.addi %arg0, %add3A : i32
    %c0_i32 = arith.constant 0 : i32
    %c0_i32_1 = arith.constant 0 : i32
    return %c0_i32, %add3A_0 : i32, i32
  }
  func.func @transform_2(%arg0: i32) -> (i32, i32) {
    %c0_i32 = arith.constant 0 : i32
    %c0_i32_0 = arith.constant 0 : i32
    %c0_i32_1 = arith.constant 0 : i32
    return %c0_i32, %c0_i32_0 : i32, i32
  }
  func.func @transform_3(%arg0: i32) -> (i32, i32) {
    %c0_i32 = arith.constant 0 : i32
    %c0_i32_0 = arith.constant 0 : i32
    %c0_i32_1 = arith.constant 0 : i32
    return %c0_i32, %c0_i32_0 : i32, i32
  }
  func.func @transform_4(%arg0: i32) -> (i32, i32) {
    %c0_i32 = arith.constant 0 : i32
    %c0_i32_0 = arith.constant 0 : i32
    %c0_i32_1 = arith.constant 0 : i32
    return %c0_i32, %c0_i32_0 : i32, i32
  }
  func.func @transform_5(%arg0: i32) -> (i32, i32) {
    %c0_i32 = arith.constant 0 : i32
    %c0_i32_0 = arith.constant 0 : i32
    %c0_i32_1 = arith.constant 0 : i32
    return %c0_i32, %c0_i32_0 : i32, i32
  }
  func.func @transform_7(%arg0: i32) -> (i32, i32) {
    %add3A = arith.constant 150 : i32
    %add3A_0 = arith.addi %arg0, %add3A : i32
    %c0_i32 = arith.constant 0 : i32
    %c0_i32_1 = arith.constant 0 : i32
    return %c0_i32, %add3A_0 : i32, i32
  }
}

</mosaic_0001>

<sc_bundles>
// kernel: kernel.10.cloned.1.call-start
scs
__scs_entry_jumppad:
0x0: {  	(pc) =	sbr.rel $0x88, $3  }
0x1: {  	(tag) =	ssettag $0x0;
	lr =	simm.s32 $0x1  }
0x2: {  	[smem:$0x3F96] =	sst lr;
	_ =	strace $0xD0000000  }
0x3: {  	_ = 	snop  }
0x4: {  	_ = 	snop  }
0x5: {  	_ = 	snop  }
0x6: {  	_ = 	snop  }
0x7: {  	_ = 	snop  }
__scs_overlays_trampoline_lowered:
0x8: {  	[smem:$0x3FA5] =	sst s0  }
0x9: {  	[smem:$0x3FA6] =	sst s1  }
0xa: {  	[smem:$0x3FA7] =	sst s2  }
0xb: {  	[smem:$0x3FA8] =	sst s3  }
0xc: {  	[smem:$0x3FA9] =	sst s4  }
0xd: {  	[smem:$0x3FAA] =	sst s5  }
0xe: {  	[smem:$0x3FAB] =	sst s6  }
0xf: {  	[smem:$0x3FAC] =	sst s7  }
0x10: {  	[smem:$0x3FAD] =	sst s8  }
0x11: {  	[smem:$0x3FAE] =	sst s9;
	s0 =	simm.s32 @!p0 $0x0  }
0x12: {  	s1 =	sld [smem:$0x3F94];
	s0 =	simm.s32 @p0 $0x1  }
0x13: {  	[smem:$0x3FAF] =	sst s0;
	s0 =	simm.s32 @!p1 $0x0  }
0x14: {  	s2 =	sld [smem:$0x3F93];
	s0 =	simm.s32 @p1 $0x1  }
0x15: {  	[smem:$0x3FB0] =	sst s0;
	s0 =	simm.s32 @!p2 $0x0  }
0x16: {  	s3 =	sld [smem:$0x3FDB];
	s0 =	simm.s32 @p2 $0x1  }
0x17: {  	s4 =	simm.s32 $0x1BF5;
	[smem:$0x3FB2] =	sst s0  }
0x18: {  	s0 =	sld [smem:$0x3F95];
	_ =	swait.ge [sflag:s4], $0x0  }
0x19: {  	s7 =	sld [smem:$0x3F96]  }
0x1a: {  	s8 =	sadd.s32 $0xFFFFE003, lr  }
0x1b: {  	s9 =	sadd.s32 $0xFFFFFEF7, lr;
	s5 =	simm.s32 $0xFFFFFFFF;
	p2 =	slt.u32 s8, $0xFFFFF086  }
0x1c: {  	p1 =	slt.u32 s9, $0xF7A;
	s5 =	simm.s32 @!p2 $0x0  }
0x1d: {  	s5 =	simm.s32 @p1 $0x1;
	p0 =	seq.s32 s7, s2  }
0x1e: {  	s7 =	smul.u32 @!p0 $0xF7A, s2;
	p2 =	seq.s32 @!p0 s5, $0x0  }
0x1f: {  	s9 =	smul.u32 $0xF7A, s1;
	s8 =	simm.s32 @!p0 $0x1BF5;
	p2 =	por !p2, p0  }
0x20: {  	[sflag:s8] =	ssyncset.s32 @!p0 $0xFFFFF086;
	s6 =	sadd.s32 @!p0 s3, s7;
	s7 =	simm.s32 @!p0 $0x108  }
0x21: {  	s3 =	sadd.s32 s3, s9;
	s6 =	sadd.s32 @!p0 $0x88, s6;
	s7 =	simm.s32 @p2 $0x1082  }
0x22: {  	[simem:s7], [sflag:s8] =	dma.local @!p0 [hbm:s6], $0xF7A  }
0x23: {  	s9 =	sor.u32 $0xD0000000, s2;
	s6 =	simm.s32 $0x108;
	_ =	swait.ge @!p0 [sflag:s8], $0x0  }
0x24: {  	s3 =	sadd.s32 $0x88, s3;
	s6 =	simm.s32 @!p1 $0x1082;
	[sflag:s4] =	ssyncset.s32 $0xFFFFF086  }
0x25: {  	[simem:s6], [sflag:s4] =	dma.local [hbm:s3], $0xF7A  }
0x26: {  	[smem:$0x3F96] =	sst s1;
	(tag) =	ssettag s2;
	_ =	strace s9  }
0x27: {  	s1 =	sld [smem:$0x3FA6]  }
0x28: {  	s2 =	sld [smem:$0x3FA7]  }
0x29: {  	s4 =	sld [smem:$0x3FA9]  }
0x2a: {  	p0 =	seq.s32 s5, $0x0;
	s5 =	sld [smem:$0x3FAA]  }
0x2b: {  	s6 =	sld [smem:$0x3FAB]  }
0x2c: {  	s7 =	sld [smem:$0x3FAC]  }
0x2d: {  	s3 =	simm.s32 $0x108;
	s8 =	sld [smem:$0x3FAD]  }
0x2e: {  	s3 =	simm.s32 @!p0 $0x1082;
	s9 =	sld [smem:$0x3FAE]  }
0x2f: {  	lr =	sadd.s32 s0, s3;
	s0 =	sld [smem:$0x3FA5]  }
0x30: {  	s3 =	sld [smem:$0x3FA8]  }
0x31: {  	[smem:$0x3FB1] =	sst s10  }
0x32: {  	s10 =	sld [smem:$0x3FAF];
	_ =	sdelay $0x3  }
0x33: {  	p0 =	seq.s32 s10, $0x1;
	s10 =	sld [smem:$0x3FB1];
	_ =	sdelay $0x3  }
0x34: {  	[smem:$0x3FB1] =	sst s10  }
0x35: {  	s10 =	sld [smem:$0x3FB0];
	_ =	sdelay $0x3  }
0x36: {  	p1 =	seq.s32 s10, $0x1;
	s10 =	sld [smem:$0x3FB1];
	_ =	sdelay $0x3  }
0x37: {  	[smem:$0x3FB1] =	sst s10  }
0x38: {  	s10 =	sld [smem:$0x3FB2]  }
0x39: {  	_ = 	snop;
	(pc) =	sbr.ind lr, $3  }
0x3a: {  	_ = 	snop  }
0x3b: {  	_ = 	snop  }
0x3c: {  	p2 =	seq.s32 s10, $0x1;
	s10 =	sld [smem:$0x3FB1]  }
0x3d: {  	_ =	shalt  }
0x3e: {  	_ =	shalt  }
0x3f: {  	_ =	shalt  }
0x40: {  	_ =	shalt  }
0x41: {  	_ =	shalt  }
0x42: {  	_ =	shalt  }
0x43: {  	_ =	shalt  }
0x44: {  	_ =	shalt  }
0x45: {  	_ =	shalt  }
0x46: {  	_ =	shalt  }
0x47: {  	_ =	shalt  }
0x48: {  	_ =	shalt  }
0x49: {  	_ =	shalt  }
0x4a: {  	_ =	shalt  }
0x4b: {  	_ =	shalt  }
0x4c: {  	_ =	shalt  }
0x4d: {  	_ =	shalt  }
0x4e: {  	_ =	shalt  }
0x4f: {  	_ =	shalt  }
0x50: {  	_ =	shalt  }
0x51: {  	_ =	shalt  }
0x52: {  	_ =	shalt  }
0x53: {  	_ =	shalt  }
0x54: {  	_ =	shalt  }
0x55: {  	_ =	shalt  }
0x56: {  	_ =	shalt  }
0x57: {  	_ =	shalt  }
0x58: {  	_ =	shalt  }
0x59: {  	_ =	shalt  }
0x5a: {  	_ =	shalt  }
0x5b: {  	_ =	shalt  }
0x5c: {  	_ =	shalt  }
0x5d: {  	_ =	shalt  }
0x5e: {  	_ =	shalt  }
0x5f: {  	_ =	shalt  }
0x60: {  	_ =	shalt  }
0x61: {  	_ =	shalt  }
0x62: {  	_ =	shalt  }
0x63: {  	_ =	shalt  }
0x64: {  	_ =	shalt  }
0x65: {  	_ =	shalt  }
0x66: {  	_ =	shalt  }
0x67: {  	_ =	shalt  }
0x68: {  	_ =	shalt  }
0x69: {  	_ =	shalt  }
0x6a: {  	_ =	shalt  }
0x6b: {  	_ =	shalt  }
0x6c: {  	_ =	shalt  }
0x6d: {  	_ =	shalt  }
0x6e: {  	_ =	shalt  }
0x6f: {  	_ =	shalt  }
0x70: {  	_ =	shalt  }
0x71: {  	_ =	shalt  }
0x72: {  	_ =	shalt  }
0x73: {  	_ =	shalt  }
0x74: {  	_ =	shalt  }
0x75: {  	_ =	shalt  }
0x76: {  	_ =	shalt  }
0x77: {  	_ =	shalt  }
0x78: {  	_ =	shalt  }
0x79: {  	_ =	shalt  }
0x7a: {  	_ =	shalt  }
0x7b: {  	_ =	shalt  }
0x7c: {  	_ =	shalt  }
0x7d: {  	_ =	shalt  }
0x7e: {  	_ =	shalt  }
0x7f: {  	_ =	shalt  }
0x80: {  	_ =	shalt  }
0x81: {  	_ =	shalt  }
0x82: {  	_ =	shalt  }
0x83: {  	_ =	shalt  }
0x84: {  	_ =	shalt  }
0x85: {  	_ =	shalt  }
0x86: {  	_ =	shalt  }
0x87: {  	_ =	shalt  }
.Lfunc_end0:
.L_simem_size_0:
called_computation_lowered:
.L_overlay_start_0:
0x88: {  	s2 =	sld [smem:$0x3FD9]  }
0x89: {  	s3 =	sld [smem:$0x3FFE];
	_ =	sdelay $0x1  }
0x8a: {  	s1 =	srdreg.scid  }
0x8b: {  	s0 =	sand.u32 $0x1, s1  }
0x8c: {  	s17 =	sshll.u32 s0, $0xA;
	s2 =	sadd.s32 s3, s2  }
0x8d: {  	s2 =	sadd.s32 s2, s17  }
0x8e: {  	[smem:$0x3FBD] =	sst s2  }
0x8f: {  	_ = 	snop  }
0x90: {  	s2 =	sld [smem:$0x3FD0];
	(tm) =	ssettm $0x1  }
0x91: {  	s18 =	sld [smem:$0x3FFB];
	_ =	sdelay $0x3  }
0x92: {  	_ =	strace s18  }
0x93: {  	s3 =	sld [smem:$0x3FFC];
	_ =	sdelay $0x3  }
0x94: {  	_ =	strace s3  }
0x95: {  	s3 =	sld [smem:$0x3FFD];
	_ =	sdelay $0x3  }
0x96: {  	_ =	strace s3  }
0x97: {  	_ =	strace $0x8FFFFFFF  }
0x98: {  	s19 =	sld [smem:$0x3FDB];
	_ =	sdelay $0x1  }
0x99: {  	s4 =	simm.s32 $_scs_section_size  }
0x9a: {  	s5 =	simm.s32 $_size__tile_overlayer_lowered;
	s6 =	simm.s32 $_tile_overlayer_lowered  }
0x9b: {  	s22 =	simm.s32 $0x1BFF;
	s21 =	sshll.u32 s6, $0x1;
	s3 =	sadd.s32 s4, s19  }
0x9c: {  	s7 =	simm.s32 $0x0;
	s20 =	sshll.u32 s5, $0x1;
	s5 =	sadd.s32 s21, s3  }
0x9d: {  	[timem:s7], [sflag:s22] =	dma.local [hbm:s5], s20  }
0x9e: {  	_ =	swait.ge [sflag:s22], s20  }
0x9f: {  	s4 =	ssub.s32 $0x0, s20;
	[sflag:s22] =	ssyncset.done $0x0  }
0xa0: {  	[sflag:s22] =	ssyncadd.s32 s4;
	_ =	sdelay $0x1  }
0xa1: {  	s23 =	simm.s32 $0x1B8B  }
0xa2: {  	_ =	swait.ge [sflag:s23], $0x1  }
0xa3: {  	[sflag:s23] =	ssyncset.done $0x0  }
0xa4: {  	s25 =	simm.s32 $0x1B8E;
	s24 =	sld [smem:$0x3FFE];
	[sflag:s23] =	ssyncadd.s32 $0xFFFFFFFF  }
0xa5: {  	s26 =	simm.s32 $execute0_lowered;
	[smem:$0x3FD2] =	sst s25  }
0xa6: {  	s5 =	sshll.u32 s26, $0x1;
	_ =	strace $0x80000046;
	[dreg:$0x1] =	wrdreg $0xFFFFFFFF  }
0xa7: {  	s28 =	simm.s32 $_size_execute0_lowered;
	s3 =	sadd.s32 s3, s5;
	[dreg:$0x0] =	wrdreg $0x0  }
0xa8: {  	s5 =	sshll.u32 s28, $0x1;
	[dreg:$0x2] =	wrdreg s3  }
0xa9: {  	[dreg:$0x3] =	wrdreg s5  }
0xaa: {  	[dreg:$0x4] =	wrdreg $0xC0  }
0xab: {  	_ =	task [dreg:s7], $0x5FFFF  }
0xac: {  	[dreg:$0x1] =	wrdreg $0xFFFFFFFF  }
0xad: {  	[dreg:$0x0] =	wrdreg $0x60  }
0xae: {  	[dreg:$0x2] =	wrdreg s24  }
0xaf: {  	[dreg:$0x3] =	wrdreg s2  }
0xb0: {  	[dreg:$0x4] =	wrdreg $0x138800  }
0xb1: {  	[dreg:$0x5] =	wrdreg $0x9  }
0xb2: {  	_ =	task.clear_ibuf [dreg:s7], $0x6FFFF;
	_ =	strace $0x90000046  }
0xb3: {  	s29 =	simm.s32 $0x9;
	_ =	strace $0x80000048  }
0xb4: {  	_ =	swait.ge [sflag:s29], $0x1  }
0xb5: {  	[sflag:s29] =	ssyncadd.s32 $0xFFFFFFFF  }
0xb6: {  	_ =	strace $0x90000048  }
0xb7: {  	_ =	sfence  }
0xb8: {  	s30 =	sld [smem:$0x0];
	_ =	sdelay $0x2  }
0xb9: {  	s31 =	sshll.u32 s1, $0xD;
	s1 =	sshrl.u32 s1, $0x2  }
0xba: {  	s3 =	sand.u32 $0x4000, s31;
	s1 =	sadd.s32 s1, s30  }
0xbb: {  	s0 =	sor.u32 s3, s0;
	s1 =	sshll.u32 s1, $0x11  }
0xbc: {  	s0 =	sor.u32 s1, s0  }
0xbd: {  	s0 =	sadd.s32 $0x8F2B, s0  }
0xbe: {  	[sflag:s0] =	ssyncadd.remote.s32 $0x1  }
0xbf: {  	_ =	sfence.sel $0xFFFF  }
0xc0: {  	[dreg:$0x0] =	wrdreg $0xFFFFFFFF;
	(pc) =	sbr.abs _section_cstart, $3  }
0xc1: {  	[dreg:$0x1] =	wrdreg $0xFFFFFFFF  }
0xc2: {  	_ =	task.clear_ibuf [dreg:s7], $0x2FFFF;
	_ =	strace $0x9FFFFFFF  }
0xc3: {  	(tm) =	ssettm $0x7FFFFFFF  }
tec
execute0_lowered:
.L_overlay_start_1:
0x0: {  	(tag) =	ssettag $0x1  }
0x1: {  	s0 =	rddreg [dreg:$0x0]  }
0x2: {  	s1 =	rddreg [dreg:$0x1]  }
0x3: {  	s2 =	rddreg [dreg:$0x2];
	s3 =	simm.s32 $0x0  }
0x4: {  	s4 =	srdreg.scid;
	s9 =	stileid.u32;
	s18 =	simm.s32 $0x1  }
0x5: {  	s19 =	simm.s32 $0x320;
	s22 =	simm.s32 $0x960;
	s28 =	simm.s32 $0xD480  }
0x6: {  	s29 =	simm.s32 $0x32000;
	s30 =	simm.s32 $0x4;
	s31 =	simm.s32 $0x10680  }
0x7: {  	s20 =	simm.s32 $0x6;
	s21 =	simm.s32 $0x0;
	[smem:$0x7FF] =	sst s3  }
0x8: {  	s4 =	sand.u32 $0x1, s4;
	s5 =	sshll.u32 s9, $0x1;
	s6 =	sadd.s32 $0x34200, s0  }
0x9: {  	s7 =	sadd.s32 $0x2200, s0;
	p0 =	sne.s32 s9, $0x0;
	s5 =	sor.u32 s4, s5  }
0xa: {  	_ =	strace $0x80000047;
	s4 =	ssub.s32 $0x2, s4;
	s5 =	smul.u32 $0x1900, s5  }
0xb: {  	[dreg:$0x4] =	wrdreg s6;
	s6 =	sadd.s32 $0x1B200, s0;
	s23 =	sshrl.u32 s4, $0x1  }
0xc: {  	s0 =	ssub.s32 s4, s23;
	s23 =	simm.s32 $0x2;
	s24 =	sshrl.u32 s5, $0x3  }
0xd: {  	s8 =	sadd.s32 $0x320, s5;
	s13 =	sadd.s32 $0x640, s5;
	s0 =	smax.u32 s0, $0x1  }
0xe: {  	v0 =	vlaneseq.u32;
	s14 =	sadd.s32 $0x960, s5;
	s10 =	sadd.s32 s6, s24;
	[dreg:$0x9] =	wrdreg s0  }
.Ltmp0:
0xf: {  	v0 =	vmul.u32 $0x320, v0;
	s4 =	sadd.s32 s7, s24;
	[dreg:$0x5] =	wrdreg s10;
	(pc) =	sbr.rel .LBB2_1-.Ltmp0, $4  }
0x10: {  	v1 =	vimm.s32 $0x0;
	vm0 =	vcmask $0x300;
	s25 =	sshrl.u32 s8, $0x3;
	s0 =	sshrl.u32 @!p0 s2, $0x3;
	[dreg:$0x6] =	wrdreg s4  }
0x11: {  	v1 =	vsel vm0, $0x3, v1;
	v2 =	vor.u32 $0x1, v0;
	s24 =	simm.s32 $0x3E80;
	s26 =	sadd.s32 s6, s25;
	[dreg:$0xa] =	wrdreg s0  }
0x12: {  	v3 =	vor.u32 $0x2, v0;
	v4 =	vor.u32 $0x3, v0;
	v5 =	vor.u32 $0x4, v0;
	s4 =	sadd.s32 s7, s25;
	s25 =	simm.s32 $0xA280;
	[dreg:$0x7] =	wrdreg s26  }
0x13: {  	v6 =	vor.u32 $0x5, v0;
	v7 =	vor.u32 $0x6, v0;
	v8 =	vor.u32 $0x7, v0;
	s0 =	simm.s32 $0x5;
	[dreg:$0x8] =	wrdreg s4;
	s26 =	simm.s32 $0x3  }
.LBB2_8:
0x14: {  	_ =	swait.ge [sflag:s0], $0x3200  }
0x15: {  	[sflag:s0] =	ssyncset.done $0x0  }
0x16: {  	[sflag:s0] =	ssyncadd.s32 $0xFFFFCE00  }
0x17: {  	_ =	swait.ge [sflag:s20], $0x3200  }
0x18: {  	s21 =	sadd.s32 $0x1, s21;
	s4 =	rddreg [dreg:$0x9]  }
0x19: {  	p1 =	sne.s32 s21, s4  }
.Ltmp1:
0x1a: {  	_ = 	snop;
	(pc) =	sbr.rel @!p1 .LBB2_9-.Ltmp1, $3  }
0x1b: {  	_ =	sdelay $0x1  }
0x1c: {  	[sflag:s20] =	ssyncset.done $0x0  }
0x1d: {  	[sflag:s20] =	ssyncadd.s32 $0xFFFFCE00  }
.LBB2_1:
0x1e: {  	s9 =	rddreg [dreg:$0x4]  }
0x1f: {  	s4 =	simm.s32 @!p0 $0x1C07;
	s10 =	rddreg [dreg:$0xa]  }
0x20: {  	[spmem:s10], [sflag:s4] =	dma.local @!p0 [hbm:s9], $0x186A0  }
0x21: {  	s4 =	simm.s32 @!p0 $0x7  }
0x22: {  	_ =	swait.ge @!p0 [sflag:s4], $0x186A0  }
0x23: {  	[sflag:s4] =	ssyncset.done @!p0 $0x0  }
0x24: {  	[sflag:s4] =	ssyncadd.s32 @!p0 $0xFFFE7960  }
0x25: {  	[bflag:$0x0] =	sbarrier.arrive $0xFFFF  }
0x26: {  	s9 =	rddreg [dreg:$0x5]  }
0x27: {  	[tilespmem:s3], [sflag:$0x1] =	stream.linear.gather [hbm4b:s9+s3], $0x320, $0x38;
	[tilespmem:$0x1FBD0] =	vst v63  }
0x28: {  	s11 =	simm.s32 $0x640;
	s10 =	rddreg [dreg:$0x6]  }
0x29: {  	[tilespmem:s11], [sflag:$0x1] =	stream.linear.gather [hbm4b:s10+s3], $0x320, $0x38;
	[tilespmem:$0x1FBD0] =	vst v63  }
0x2a: {  	_ =	swait.ge [sflag:s18], $0x320  }
0x2b: {  	[sflag:s18] =	ssyncset.done $0x0  }
0x2c: {  	[sflag:s18] =	ssyncadd.s32 $0xFFFFFCE0  }
0x2d: {  	_ =	swait.ge [sflag:s18], $0x320  }
0x2e: {  	[sflag:s18] =	ssyncset.done $0x0  }
0x2f: {  	s12 =	simm.s32 $0xC80;
	[sflag:s18] =	ssyncadd.s32 $0xFFFFFCE0  }
0x30: {  	[tilespmem:s12], [sflag:$0x3] =	stream.indirect.gather [spmem:s2], $0x10, s3, s19, $0xb8;
	[tilespmem:$0x1FBD0] =	vst v63  }
0x31: {  	s15 =	simm.s32 $0x7080  }
0x32: {  	[tilespmem:s15], [sflag:$0x3] =	stream.indirect.gather [spmem:s2], $0x10, s11, s19, $0xb8;
	[tilespmem:$0x1FBD0] =	vst v63  }
0x33: {  	s16 =	rddreg [dreg:$0x7]  }
0x34: {  	[tilespmem:s19], [sflag:$0x2] =	stream.linear.gather [hbm4b:s16+s3], $0x320, $0x38;
	[tilespmem:$0x1FBD0] =	vst v63  }
0x35: {  	s4 =	simm.s32 $0x0;
	s17 =	rddreg [dreg:$0x8]  }
0x36: {  	[tilespmem:s22], [sflag:$0x2] =	stream.linear.gather [hbm4b:s17+s3], $0x320, $0x38;
	[tilespmem:$0x1FBD0] =	vst v63  }
.LBB2_2:
0x37: {  	_ =	swait.ge [sflag:s23], $0x320  }
0x38: {  	[sflag:s23] =	ssyncset.done $0x0  }
0x39: {  	[sflag:s23] =	ssyncadd.s32 $0xFFFFFCE0  }
0x3a: {  	_ =	swait.ge [sflag:s23], $0x320  }
0x3b: {  	[sflag:s23] =	ssyncset.done $0x0  }
0x3c: {  	[sflag:s23] =	ssyncadd.s32 $0xFFFFFCE0  }
0x3d: {  	[tilespmem:s24], [sflag:$0x4] =	stream.indirect.gather [spmem:s2], $0x10, s19, s19, $0xb8;
	[tilespmem:$0x1FBD0] =	vst v63  }
0x3e: {  	_ = 	snop  }
0x3f: {  	[tilespmem:s25], [sflag:$0x4] =	stream.indirect.gather [spmem:s2], $0x10, s22, s19, $0xb8;
	[tilespmem:$0x1FBD0] =	vst v63  }
0x40: {  	_ =	swait.ge [sflag:s26], $0x3200  }
0x41: {  	[sflag:s26] =	ssyncset.done $0x0  }
0x42: {  	[sflag:s26] =	ssyncadd.s32 $0xFFFFCE00  }
0x43: {  	_ =	swait.ge [sflag:s26], $0x3200  }
0x44: {  	p1 =	seq.s32 s4, $0x0;
	[sflag:s26] =	ssyncset.done $0x0  }
0x45: {  	s9 =	simm.s32 @!p1 $0x5;
	[sflag:s26] =	ssyncadd.s32 $0xFFFFCE00  }
0x46: {  	_ =	swait.ge @!p1 [sflag:s9], $0x3200  }
0x47: {  	s10 =	simm.s32 $0x7;
	[sflag:s9] =	ssyncset.done @!p1 $0x0  }
0x48: {  	v9 =	vmov s10;
	[sflag:s9] =	ssyncadd.s32 @!p1 $0xFFFFCE00;
	s9 =	simm.s32 $0xCC0  }
0x49: {  	s17 =	simm.s32 $0x70C0;
	s12 =	simm.s32 $0x1;
	v9 =	vshrl.u32 v9, $0x3;
	v10 =	vld [tilespmem:s9+$0x30]  }
0x4a: {  	s11 =	simm.s32 $0x0;
	v11 =	vmov s12;
	v9 =	vshll.u32 v9, v1;
	v12 =	vld [tilespmem:s17+$0x30]  }
0x4b: {  	s15 =	simm.s32 $0x2;
	s16 =	simm.s32 $0x3;
	v14 =	vmov s11;
	v11 =	vshrl.u32 v11, $0x3;
	v13 =	vbroadcast v9, $0x0;
	v9 =	vld [tilespmem:s17+$0xFFFFFFC0]  }
0x4c: {  	v15 =	vmov s15;
	v17 =	vmov s16;
	v11 =	vshll.u32 v11, v1;
	v16 =	vld [tilespmem:s9+$0xFFFFFFD0]  }
0x4d: {  	s12 =	simm.s32 $0x5;
	v11 =	vbroadcast v11, $0x0;
	v18 =	vadd.s32 v8, v13;
	v13 =	vshrl.u32 v15, $0x3;
	v19 =	vld [tilespmem:s17+$0xFFFFFFD0]  }
0x4e: {  	v14 =	vshrl.u32 v14, $0x3;
	v22 =	vmov s12;
	v13 =	vshll.u32 v13, v1;
	v20 =	vld [tilespmem:s9+$0xFFFFFFE0]  }
0x4f: {  	s11 =	simm.s32 $0x4;
	v15 =	vshrl.u32 v17, $0x3;
	v11 =	vadd.s32 v2, v11;
	v13 =	vbroadcast v13, $0x0;
	v17 =	vld [tilespmem:s17+$0xFFFFFFE0]  }
0x50: {  	v21 =	vld [tilespmem:s9+$0xFFFFFFF0];
	v12 =	vadd.f32 v12, v10;
	v10 =	vshll.u32 v15, v1;
	v15 =	vmov s11  }
0x51: {  	v23 =	vadd.s32 v3, v13;
	v24 =	vld [tilespmem:s17+$0xFFFFFFF0];
	v10 =	vbroadcast v10, $0x0;
	v15 =	vshrl.u32 v15, $0x3  }
0x52: {  	v13 =	vshll.u32 v14, v1;
	v14 =	vld [tilespmem:s9+$0x0];
	v16 =	vadd.f32 v19, v16;
	v19 =	vshll.u32 v15, v1  }
0x53: {  	s15 =	simm.s32 $0x6;
	v22 =	vshrl.u32 v22, $0x3;
	v15 =	vld [tilespmem:s17+$0x0];
	v10 =	vadd.s32 v4, v10;
	v19 =	vbroadcast v19, $0x0  }
0x54: {  	[tilespmem:v18+s28+$0x0] =	vst.idx.msk $0xffff, v12;
	v18 =	vadd.f32 v17, v20;
	v12 =	vld [tilespmem:s9+$0x10];
	v20 =	vshll.u32 v22, v1;
	v22 =	vmov s15  }
0x55: {  	s16 =	simm.s32 $0x9;
	[tilespmem:v11+s28+$0x0] =	vst.idx.msk $0xffff, v16;
	v17 =	vld [tilespmem:s17+$0x10];
	v20 =	vbroadcast v20, $0x0;
	v22 =	vshrl.u32 v22, $0x3;
	v11 =	vadd.s32 v5, v19  }
0x56: {  	s10 =	simm.s32 $0x8;
	s12 =	simm.s32 $0xF;
	s11 =	simm.s32 $0x10;
	v16 =	vld [tilespmem:s9+$0x20];
	[tilespmem:v23+s28+$0x0] =	vst.idx.msk $0xffff, v18;
	v18 =	vadd.f32 v24, v21;
	v21 =	vshll.u32 v22, v1;
	v19 =	vmov s16  }
.LBB2_3:
0x57: {  	p2 =	slt.u32 s11, $0x318;
	v22 =	vmov s12;
	v20 =	vadd.s32 v6, v20;
	v23 =	vld [tilespmem:s17+$0x20];
	v21 =	vbroadcast v21, $0x0  }
0x58: {  	v13 =	vbroadcast v13, $0x0;
	v22 =	vshrl.u32 v22, $0x3;
	v24 =	vld [tilespmem:s9+$0xFFFFFFC0];
	[tilespmem:v10+s28+$0x0] =	vst.idx.msk $0xffff, v18;
	v10 =	vadd.f32 v15, v14;
	s9 =	sadd.s32 $0x80, s9  }
0x59: {  	s17 =	sadd.s32 $0x80, s17;
	v14 =	vshrl.u32 v19, $0x3;
	v15 =	vld [tilespmem:s9+$0x30];
	v18 =	vshll.u32 v22, v1;
	v19 =	vadd.s32 v7, v21  }
0x5a: {  	s12 =	sadd.s32 $0x2, s10;
	v13 =	vadd.s32 v0, v13;
	v21 =	vld [tilespmem:s17+$0x30];
	v18 =	vbroadcast v18, $0x0;
	[tilespmem:v11+s28+$0x0] =	vst.idx.msk $0xffff, v10;
	v10 =	vadd.f32 v17, v12  }
0x5b: {  	v14 =	vshll.u32 v14, v1;
	v12 =	vmov s10;
	v17 =	vmov s12;
	s12 =	sadd.s32 $0x3, s10;
	v11 =	vld [tilespmem:s17+$0xFFFFFFC0]  }
0x5c: {  	v25 =	vmov s12;
	v22 =	vld [tilespmem:s9+$0xFFFFFFD0];
	v18 =	vadd.s32 v8, v18;
	[tilespmem:v20+s28+$0x0] =	vst.idx.msk $0xffff, v10;
	v10 =	vadd.f32 v23, v16  }
0x5d: {  	v14 =	vbroadcast v14, $0x0;
	v17 =	vshrl.u32 v17, $0x3;
	v16 =	vld [tilespmem:s17+$0xFFFFFFD0];
	v26 =	vadd.f32 v9, v24  }
0x5e: {  	v12 =	vshrl.u32 v12, $0x3;
	v17 =	vshll.u32 v17, v1;
	v23 =	vshrl.u32 v25, $0x3;
	v20 =	vld [tilespmem:s9+$0xFFFFFFE0];
	[tilespmem:v19+s28+$0x0] =	vst.idx.msk $0xffff, v10  }
0x5f: {  	s15 =	sadd.s32 $0x5, s10;
	s12 =	sadd.s32 $0x4, s10;
	v19 =	vadd.s32 v2, v14;
	v10 =	vbroadcast v17, $0x0;
	v24 =	vld [tilespmem:s17+$0xFFFFFFE0];
	v14 =	vadd.f32 v21, v15;
	[tilespmem:v13+s28+$0x0] =	vst.idx.msk $0xffff, v26  }
0x60: {  	v17 =	vmov s15;
	v13 =	vshll.u32 v23, v1;
	v15 =	vmov s12;
	v21 =	vld [tilespmem:s9+$0xFFFFFFF0];
	v9 =	vmovc v11  }
0x61: {  	v23 =	vadd.s32 v3, v10;
	v10 =	vbroadcast v13, $0x0;
	v11 =	vshrl.u32 v15, $0x3;
	v25 =	vld [tilespmem:s17+$0xFFFFFFF0];
	[tilespmem:v18+s28+$0x0] =	vst.idx.msk $0xffff, v14  }
.Ltmp2:
0x62: {  	v13 =	vshll.u32 v12, v1;
	v11 =	vshll.u32 v11, v1;
	v12 =	vadd.f32 v16, v22;
	v14 =	vld [tilespmem:s9+$0x0];
	(pc) =	sbr.rel @p2 .LBB2_3-.Ltmp2, $4  }
0x63: {  	s12 =	sadd.s32 $0x6, s10;
	s10 =	smov.u32 s11;
	v10 =	vadd.s32 v4, v10;
	v11 =	vbroadcast v11, $0x0;
	v16 =	vshrl.u32 v17, $0x3;
	v15 =	vld [tilespmem:s17+$0x0]  }
0x64: {  	v16 =	vshll.u32 v16, v1;
	[tilespmem:v19+s28+$0x0] =	vst.idx.msk $0xffff, v12;
	v18 =	vadd.f32 v24, v20;
	v12 =	vld [tilespmem:s9+$0x10];
	v19 =	vmov s12  }
0x65: {  	s12 =	sadd.s32 $0x1, s11;
	v11 =	vadd.s32 v5, v11;
	v20 =	vbroadcast v16, $0x0;
	v17 =	vld [tilespmem:s17+$0x10];
	v22 =	vshrl.u32 v19, $0x3  }
0x66: {  	s11 =	sadd.s32 $0x8, s11;
	v19 =	vmov s12;
	s12 =	sadd.s32 $0x7, s10;
	[tilespmem:v23+s28+$0x0] =	vst.idx.msk $0xffff, v18;
	v18 =	vadd.f32 v25, v21;
	v16 =	vld [tilespmem:s9+$0x20];
	v21 =	vshll.u32 v22, v1  }
0x67: {  	v22 =	vld [tilespmem:s17+$0x20]  }
0x68: {  	v23 =	vmov s12;
	v24 =	vld [tilespmem:s9+$0xFFFFFFC0];
	s9 =	sadd.s32 $0x80, s9  }
0x69: {  	v20 =	vadd.s32 v6, v20;
	v21 =	vbroadcast v21, $0x0;
	s11 =	sadd.s32 $0x80, s17;
	v13 =	vbroadcast v13, $0x0;
	v25 =	vld [tilespmem:s9+$0x30]  }
0x6a: {  	v19 =	vshrl.u32 v19, $0x3;
	s17 =	sadd.s32 $0x2, s10;
	s15 =	sadd.s32 $0x3, s10;
	v23 =	vshrl.u32 v23, $0x3;
	v14 =	vadd.f32 v15, v14;
	v26 =	vld [tilespmem:s11+$0xFFFFFFC0]  }
0x6b: {  	s16 =	sadd.s32 $0x5, s10;
	v27 =	vld [tilespmem:s9+$0xFFFFFFD0];
	v19 =	vshll.u32 v19, v1;
	v28 =	vmov s17;
	v29 =	vmov s15  }
0x6c: {  	v30 =	vld [tilespmem:s11+$0xFFFFFFD0];
	v33 =	vmov s16;
	v15 =	vshll.u32 v23, v1;
	v21 =	vadd.s32 v7, v21  }
0x6d: {  	v57 =	vld [tilespmem:s9+$0xFFFFFFE0];
	s15 =	sadd.s32 $0x4, s10;
	s17 =	sadd.s32 $0x6, s10;
	v13 =	vadd.s32 v0, v13;
	v19 =	vbroadcast v19, $0x0;
	v29 =	vshrl.u32 v29, $0x3  }
0x6e: {  	v58 =	vld [tilespmem:s11+$0xFFFFFFE0];
	v32 =	vmov s15;
	v62 =	vmov s17;
	v15 =	vbroadcast v15, $0x0  }
0x6f: {  	v31 =	vld [tilespmem:s9+$0xFFFFFFF0];
	[tilespmem:v10+s28+$0x0] =	vst.idx.msk $0xffff, v18;
	v12 =	vadd.f32 v17, v12;
	v17 =	vmov s10;
	v59 =	vshll.u32 v29, v1  }
0x70: {  	v60 =	vld [tilespmem:s11+$0xFFFFFFF0];
	v18 =	vshrl.u32 v32, $0x3;
	[tilespmem:v11+s28+$0x0] =	vst.idx.msk $0xffff, v14;
	v14 =	vshrl.u32 v33, $0x3;
	v17 =	vshrl.u32 v17, $0x3  }
0x71: {  	v34 =	vld [tilespmem:s9+$0x0];
	v19 =	vadd.s32 v2, v19;
	v10 =	vbroadcast v59, $0x0;
	v11 =	vshll.u32 v18, v1  }
0x72: {  	v23 =	vld [tilespmem:s11+$0x30];
	v15 =	vadd.s32 v8, v15;
	v16 =	vadd.f32 v22, v16;
	v22 =	vshrl.u32 v28, $0x3  }
0x73: {  	v18 =	vld [tilespmem:s9+$0x10];
	v9 =	vadd.f32 v9, v24;
	[tilespmem:v20+s28+$0x0] =	vst.idx.msk $0xffff, v12;
	v12 =	vshll.u32 v14, v1;
	v20 =	vshrl.u32 v62, $0x3  }
0x74: {  	v14 =	vld [tilespmem:s11+$0x10];
	v22 =	vshll.u32 v22, v1;
	v10 =	vadd.s32 v4, v10;
	v12 =	vbroadcast v12, $0x0;
	[tilespmem:v21+s28+$0x0] =	vst.idx.msk $0xffff, v16  }
0x75: {  	v20 =	vshll.u32 v20, v1;
	v22 =	vbroadcast v22, $0x0;
	v16 =	vld [tilespmem:s9+$0x20];
	[tilespmem:v13+s28+$0x0] =	vst.idx.msk $0xffff, v9;
	v9 =	vadd.f32 v30, v27  }
0x76: {  	v17 =	vshll.u32 v17, v1;
	v13 =	vld [tilespmem:s11+$0x20];
	v20 =	vbroadcast v20, $0x0;
	v12 =	vadd.s32 v6, v12  }
0x77: {  	v17 =	vbroadcast v17, $0x0;
	v21 =	vld [tilespmem:s9+$0xFFFFFFC0];
	v22 =	vadd.s32 v3, v22;
	[tilespmem:v19+s28+$0x0] =	vst.idx.msk $0xffff, v9;
	v9 =	vadd.f32 v60, v31  }
0x78: {  	v61 =	vld [tilespmem:s11+$0x0];
	v11 =	vbroadcast v11, $0x0;
	v23 =	vadd.f32 v23, v25;
	v19 =	vadd.s32 v7, v20  }
0x79: {  	v17 =	vadd.s32 v0, v17;
	[tilespmem:v10+s28+$0x0] =	vst.idx.msk $0xffff, v9;
	v9 =	vadd.f32 v14, v18  }
0x7a: {  	v11 =	vadd.s32 v5, v11;
	[tilespmem:v15+s28+$0x0] =	vst.idx.msk $0xffff, v23;
	v15 =	vadd.f32 v58, v57  }
0x7b: {  	s17 =	smul.u32 $0x640, s4;
	v10 =	vadd.f32 v13, v16;
	[tilespmem:v12+s28+$0x0] =	vst.idx.msk $0xffff, v9  }
0x7c: {  	v9 =	vadd.f32 v26, v21;
	[tilespmem:v22+s28+$0x0] =	vst.idx.msk $0xffff, v15  }
0x7d: {  	s11 =	sadd.s32 s5, s17;
	v15 =	vadd.f32 v61, v34;
	[tilespmem:v19+s28+$0x0] =	vst.idx.msk $0xffff, v10  }
0x7e: {  	s9 =	sshrl.u32 s11, $0x3;
	[tilespmem:v17+s28+$0x0] =	vst.idx.msk $0xffff, v9  }
0x7f: {  	p2 =	seq.s32 s4, $0x3;
	s9 =	sadd.s32 s1, s9;
	[tilespmem:v11+s28+$0x0] =	vst.idx.msk $0xffff, v15  }
0x80: {  	[hbm4b:s9+s19] =	stream.strided.scatter [tilespmem:s28], [sflag:$0x5], $0x3200, s29, s19, $0x38;
	[tilespmem:$0x1FBD0] =	vst v63  }
0x81: {  	s9 =	sadd.s32 @!p2 s17, s13  }
0x82: {  	s9 =	sshrl.u32 @!p2 s9, $0x3  }
0x83: {  	s11 =	simm.s32 @!p2 $0x0;
	s10 =	sadd.s32 @!p2 s6, s9  }
0x84: {  	[tilespmem:s11], [sflag:$0x1] =	stream.linear.gather @!p2 [hbm4b:s10+s11], $0x320, $0x38;
	[tilespmem:$0x1FBD0] =	vst v63  }
0x85: {  	s9 =	sadd.s32 @!p2 s7, s9;
	s10 =	simm.s32 @!p2 $0x640  }
0x86: {  	[tilespmem:s10], [sflag:$0x1] =	stream.linear.gather @!p2 [hbm4b:s9+s11], $0x320, $0x38;
	[tilespmem:$0x1FBD0] =	vst v63  }
0x87: {  	s9 =	simm.s32 @!p2 $0x1  }
0x88: {  	_ =	swait.ge @!p2 [sflag:s9], $0x320  }
0x89: {  	[sflag:s9] =	ssyncset.done @!p2 $0x0  }
0x8a: {  	[sflag:s9] =	ssyncadd.s32 @!p2 $0xFFFFFCE0  }
0x8b: {  	_ =	swait.ge @!p2 [sflag:s9], $0x320  }
0x8c: {  	[sflag:s9] =	ssyncset.done @!p2 $0x0  }
0x8d: {  	s12 =	simm.s32 @!p2 $0xC80;
	[sflag:s9] =	ssyncadd.s32 @!p2 $0xFFFFFCE0;
	s9 =	simm.s32 @!p2 $0x320  }
0x8e: {  	[tilespmem:s12], [sflag:$0x3] =	stream.indirect.gather @!p2 [spmem:s2], $0x10, s11, s9, $0xb8;
	[tilespmem:$0x1FBD0] =	vst v63  }
0x8f: {  	s11 =	simm.s32 @!p2 $0x7080  }
0x90: {  	[tilespmem:s11], [sflag:$0x3] =	stream.indirect.gather @!p2 [spmem:s2], $0x10, s10, s9, $0xb8;
	[tilespmem:$0x1FBD0] =	vst v63  }
0x91: {  	_ =	swait.ge [sflag:s30], $0x3200  }
0x92: {  	[sflag:s30] =	ssyncset.done $0x0  }
0x93: {  	[sflag:s30] =	ssyncadd.s32 $0xFFFFCE00  }
0x94: {  	_ =	swait.ge [sflag:s30], $0x3200  }
0x95: {  	[sflag:s30] =	ssyncset.done $0x0  }
0x96: {  	s9 =	simm.s32 @!p1 $0x6;
	[sflag:s30] =	ssyncadd.s32 $0xFFFFCE00  }
0x97: {  	_ =	swait.ge @!p1 [sflag:s9], $0x3200  }
0x98: {  	s12 =	simm.s32 $0x7;
	[sflag:s9] =	ssyncset.done @!p1 $0x0  }
0x99: {  	v9 =	vmov s12;
	s10 =	simm.s32 $0x3EC0;
	[sflag:s9] =	ssyncadd.s32 @!p1 $0xFFFFCE00  }
0x9a: {  	s15 =	simm.s32 $0x1;
	v9 =	vshrl.u32 v9, $0x3;
	s9 =	simm.s32 $0xA2C0;
	v10 =	vld [tilespmem:s10+$0x30]  }
0x9b: {  	s16 =	simm.s32 $0x0;
	v11 =	vmov s15;
	v9 =	vshll.u32 v9, v1;
	v12 =	vld [tilespmem:s9+$0x30]  }
0x9c: {  	v14 =	vmov s16;
	s16 =	simm.s32 $0x3;
	s15 =	simm.s32 $0x2;
	v11 =	vshrl.u32 v11, $0x3;
	v13 =	vbroadcast v9, $0x0;
	v9 =	vld [tilespmem:s9+$0xFFFFFFC0]  }
0x9d: {  	v17 =	vmov s16;
	v15 =	vmov s15;
	v11 =	vshll.u32 v11, v1;
	v16 =	vld [tilespmem:s10+$0xFFFFFFD0]  }
0x9e: {  	s16 =	simm.s32 $0x5;
	v11 =	vbroadcast v11, $0x0;
	v18 =	vadd.s32 v8, v13;
	v13 =	vshrl.u32 v15, $0x3;
	v19 =	vld [tilespmem:s9+$0xFFFFFFD0]  }
0x9f: {  	v14 =	vshrl.u32 v14, $0x3;
	v22 =	vmov s16;
	v13 =	vshll.u32 v13, v1;
	v20 =	vld [tilespmem:s10+$0xFFFFFFE0]  }
0xa0: {  	s15 =	simm.s32 $0x4;
	v11 =	vadd.s32 v2, v11;
	v15 =	vshrl.u32 v17, $0x3;
	v13 =	vbroadcast v13, $0x0;
	v17 =	vld [tilespmem:s9+$0xFFFFFFE0]  }
0xa1: {  	v21 =	vld [tilespmem:s10+$0xFFFFFFF0];
	v12 =	vadd.f32 v12, v10;
	v10 =	vshll.u32 v15, v1;
	v15 =	vmov s15  }
0xa2: {  	v23 =	vadd.s32 v3, v13;
	v63 =	vld [tilespmem:s9+$0xFFFFFFF0];
	v10 =	vbroadcast v10, $0x0;
	v15 =	vshrl.u32 v15, $0x3  }
0xa3: {  	v13 =	vshll.u32 v14, v1;
	v14 =	vld [tilespmem:s10+$0x0];
	v16 =	vadd.f32 v19, v16;
	v19 =	vshll.u32 v15, v1  }
0xa4: {  	v22 =	vshrl.u32 v22, $0x3;
	s15 =	simm.s32 $0x6;
	v15 =	vld [tilespmem:s9+$0x0];
	v10 =	vadd.s32 v4, v10;
	v19 =	vbroadcast v19, $0x0  }
0xa5: {  	[tilespmem:v18+s31+$0x0] =	vst.idx.msk $0xffff, v12;
	v18 =	vadd.f32 v17, v20;
	v12 =	vld [tilespmem:s10+$0x10];
	v20 =	vshll.u32 v22, v1;
	v22 =	vmov s15  }
0xa6: {  	s16 =	simm.s32 $0x9;
	[tilespmem:v11+s31+$0x0] =	vst.idx.msk $0xffff, v16;
	v17 =	vld [tilespmem:s9+$0x10];
	v20 =	vbroadcast v20, $0x0;
	v22 =	vshrl.u32 v22, $0x3;
	v11 =	vadd.s32 v5, v19  }
0xa7: {  	s12 =	simm.s32 $0x10;
	s11 =	simm.s32 $0x8;
	s15 =	simm.s32 $0xF;
	v16 =	vld [tilespmem:s10+$0x20];
	[tilespmem:v23+s31+$0x0] =	vst.idx.msk $0xffff, v18;
	v18 =	vadd.f32 v63, v21;
	v21 =	vshll.u32 v22, v1;
	v19 =	vmov s16  }
.LBB2_5:
0xa8: {  	p1 =	slt.u32 s12, $0x318;
	v22 =	vmov s15;
	v20 =	vadd.s32 v6, v20;
	v23 =	vld [tilespmem:s9+$0x20];
	v21 =	vbroadcast v21, $0x0  }
0xa9: {  	v13 =	vbroadcast v13, $0x0;
	v22 =	vshrl.u32 v22, $0x3;
	v24 =	vld [tilespmem:s10+$0xFFFFFFC0];
	[tilespmem:v10+s31+$0x0] =	vst.idx.msk $0xffff, v18;
	v10 =	vadd.f32 v15, v14;
	s10 =	sadd.s32 $0x80, s10  }
0xaa: {  	s9 =	sadd.s32 $0x80, s9;
	v14 =	vshrl.u32 v19, $0x3;
	v15 =	vld [tilespmem:s10+$0x30];
	v18 =	vshll.u32 v22, v1;
	v19 =	vadd.s32 v7, v21  }
0xab: {  	s15 =	sadd.s32 $0x2, s11;
	v13 =	vadd.s32 v0, v13;
	v21 =	vld [tilespmem:s9+$0x30];
	v18 =	vbroadcast v18, $0x0;
	[tilespmem:v11+s31+$0x0] =	vst.idx.msk $0xffff, v10;
	v10 =	vadd.f32 v17, v12  }
0xac: {  	v14 =	vshll.u32 v14, v1;
	v12 =	vmov s11;
	v17 =	vmov s15;
	s15 =	sadd.s32 $0x3, s11;
	v11 =	vld [tilespmem:s9+$0xFFFFFFC0]  }
0xad: {  	v25 =	vmov s15;
	v22 =	vld [tilespmem:s10+$0xFFFFFFD0];
	v18 =	vadd.s32 v8, v18;
	[tilespmem:v20+s31+$0x0] =	vst.idx.msk $0xffff, v10;
	v10 =	vadd.f32 v23, v16  }
0xae: {  	v14 =	vbroadcast v14, $0x0;
	v17 =	vshrl.u32 v17, $0x3;
	v16 =	vld [tilespmem:s9+$0xFFFFFFD0];
	v26 =	vadd.f32 v9, v24  }
0xaf: {  	v12 =	vshrl.u32 v12, $0x3;
	v17 =	vshll.u32 v17, v1;
	v23 =	vshrl.u32 v25, $0x3;
	v20 =	vld [tilespmem:s10+$0xFFFFFFE0];
	[tilespmem:v19+s31+$0x0] =	vst.idx.msk $0xffff, v10  }
0xb0: {  	s16 =	sadd.s32 $0x5, s11;
	s15 =	sadd.s32 $0x4, s11;
	v19 =	vadd.s32 v2, v14;
	v10 =	vbroadcast v17, $0x0;
	v24 =	vld [tilespmem:s9+$0xFFFFFFE0];
	v14 =	vadd.f32 v21, v15;
	[tilespmem:v13+s31+$0x0] =	vst.idx.msk $0xffff, v26  }
0xb1: {  	v17 =	vmov s16;
	v13 =	vshll.u32 v23, v1;
	v15 =	vmov s15;
	v21 =	vld [tilespmem:s10+$0xFFFFFFF0];
	v9 =	vmovc v11  }
0xb2: {  	v23 =	vadd.s32 v3, v10;
	v10 =	vbroadcast v13, $0x0;
	v11 =	vshrl.u32 v15, $0x3;
	v25 =	vld [tilespmem:s9+$0xFFFFFFF0];
	[tilespmem:v18+s31+$0x0] =	vst.idx.msk $0xffff, v14  }
.Ltmp3:
0xb3: {  	v13 =	vshll.u32 v12, v1;
	v11 =	vshll.u32 v11, v1;
	v12 =	vadd.f32 v16, v22;
	v14 =	vld [tilespmem:s10+$0x0];
	(pc) =	sbr.rel @p1 .LBB2_5-.Ltmp3, $4  }
0xb4: {  	s15 =	sadd.s32 $0x6, s11;
	s11 =	smov.u32 s12;
	v10 =	vadd.s32 v4, v10;
	v11 =	vbroadcast v11, $0x0;
	v16 =	vshrl.u32 v17, $0x3;
	v15 =	vld [tilespmem:s9+$0x0]  }
0xb5: {  	v16 =	vshll.u32 v16, v1;
	[tilespmem:v19+s31+$0x0] =	vst.idx.msk $0xffff, v12;
	v18 =	vadd.f32 v24, v20;
	v12 =	vld [tilespmem:s10+$0x10];
	v19 =	vmov s15  }
0xb6: {  	s15 =	sadd.s32 $0x1, s12;
	v11 =	vadd.s32 v5, v11;
	v20 =	vbroadcast v16, $0x0;
	v17 =	vld [tilespmem:s9+$0x10];
	v22 =	vshrl.u32 v19, $0x3  }
0xb7: {  	s12 =	sadd.s32 $0x8, s12;
	v19 =	vmov s15;
	s15 =	sadd.s32 $0x7, s11;
	[tilespmem:v23+s31+$0x0] =	vst.idx.msk $0xffff, v18;
	v18 =	vadd.f32 v25, v21;
	v16 =	vld [tilespmem:s10+$0x20];
	v21 =	vshll.u32 v22, v1  }
0xb8: {  	v22 =	vld [tilespmem:s9+$0x20]  }
0xb9: {  	v23 =	vmov s15;
	v24 =	vld [tilespmem:s10+$0xFFFFFFC0];
	s10 =	sadd.s32 $0x80, s10  }
0xba: {  	v20 =	vadd.s32 v6, v20;
	v21 =	vbroadcast v21, $0x0;
	s9 =	sadd.s32 $0x80, s9;
	v13 =	vbroadcast v13, $0x0;
	v25 =	vld [tilespmem:s10+$0x30]  }
0xbb: {  	v19 =	vshrl.u32 v19, $0x3;
	s12 =	sadd.s32 $0x2, s11;
	v44 =	vmov s11;
	v23 =	vshrl.u32 v23, $0x3;
	v43 =	vld [tilespmem:s9+$0x30]  }
0xbc: {  	s16 =	sadd.s32 $0x3, s11;
	s15 =	sadd.s32 $0x4, s11;
	v14 =	vadd.f32 v15, v14;
	v26 =	vld [tilespmem:s9+$0xFFFFFFC0];
	v19 =	vshll.u32 v19, v1;
	v28 =	vmov s12  }
0xbd: {  	v27 =	vld [tilespmem:s10+$0xFFFFFFD0];
	v29 =	vmov s16;
	v32 =	vmov s15;
	v42 =	vshll.u32 v23, v1  }
0xbe: {  	v30 =	vld [tilespmem:s9+$0xFFFFFFD0];
	s16 =	sadd.s32 $0x5, s11;
	v21 =	vadd.s32 v7, v21;
	v13 =	vadd.s32 v0, v13;
	v45 =	vshrl.u32 v28, $0x3  }
0xbf: {  	v46 =	vld [tilespmem:s10+$0xFFFFFFE0];
	s15 =	sadd.s32 $0x6, s11;
	v19 =	vbroadcast v19, $0x0;
	v29 =	vshrl.u32 v29, $0x3;
	v33 =	vmov s16  }
0xc0: {  	v47 =	vld [tilespmem:s9+$0xFFFFFFE0];
	v50 =	vshrl.u32 v32, $0x3;
	v54 =	vmov s15;
	v15 =	vbroadcast v42, $0x0  }
0xc1: {  	v31 =	vld [tilespmem:s10+$0xFFFFFFF0];
	v12 =	vadd.f32 v17, v12;
	v17 =	vshrl.u32 v44, $0x3;
	v48 =	vshll.u32 v29, v1  }
0xc2: {  	v49 =	vld [tilespmem:s9+$0xFFFFFFF0];
	[tilespmem:v11+s31+$0x0] =	vst.idx.msk $0xffff, v14;
	v11 =	vshll.u32 v50, v1;
	v52 =	vshrl.u32 v33, $0x3;
	v57 =	vshrl.u32 v54, $0x3  }
0xc3: {  	v34 =	vld [tilespmem:s10+$0x0];
	[tilespmem:v10+s31+$0x0] =	vst.idx.msk $0xffff, v18;
	v19 =	vadd.s32 v2, v19;
	v10 =	vbroadcast v48, $0x0;
	v17 =	vshll.u32 v17, v1  }
0xc4: {  	v51 =	vld [tilespmem:s9+$0x0];
	v11 =	vbroadcast v11, $0x0;
	v55 =	vshll.u32 v52, v1;
	v15 =	vadd.s32 v8, v15  }
0xc5: {  	v53 =	vld [tilespmem:s10+$0x10];
	v16 =	vadd.f32 v22, v16;
	v9 =	vadd.f32 v9, v24;
	v22 =	vshll.u32 v45, v1  }
0xc6: {  	v56 =	vld [tilespmem:s9+$0x10];
	[tilespmem:v20+s31+$0x0] =	vst.idx.msk $0xffff, v12;
	v20 =	vshll.u32 v57, v1;
	v22 =	vbroadcast v22, $0x0;
	v10 =	vadd.s32 v4, v10  }
0xc7: {  	v58 =	vld [tilespmem:s10+$0x20];
	v12 =	vbroadcast v55, $0x0;
	v11 =	vadd.s32 v5, v11;
	[tilespmem:v13+s31+$0x0] =	vst.idx.msk $0xffff, v9;
	v9 =	vadd.f32 v30, v27  }
0xc8: {  	v59 =	vld [tilespmem:s9+$0x20];
	v23 =	vadd.f32 v43, v25;
	v20 =	vbroadcast v20, $0x0;
	[tilespmem:v21+s31+$0x0] =	vst.idx.msk $0xffff, v16;
	v22 =	vadd.s32 v3, v22  }
0xc9: {  	v61 =	vld [tilespmem:s10+$0xFFFFFFC0];
	v17 =	vbroadcast v17, $0x0;
	v12 =	vadd.s32 v6, v12;
	[tilespmem:v19+s31+$0x0] =	vst.idx.msk $0xffff, v9;
	v9 =	vadd.f32 v49, v31  }
0xca: {  	v63 =	vadd.f32 v51, v34;
	v62 =	vadd.s32 v7, v20;
	[tilespmem:v15+s31+$0x0] =	vst.idx.msk $0xffff, v23  }
0xcb: {  	v60 =	vadd.f32 v47, v46;
	v17 =	vadd.s32 v0, v17;
	[tilespmem:v10+s31+$0x0] =	vst.idx.msk $0xffff, v9  }
0xcc: {  	v9 =	vadd.f32 v56, v53;
	[tilespmem:v11+s31+$0x0] =	vst.idx.msk $0xffff, v63  }
.Ltmp4:
0xcd: {  	v10 =	vadd.f32 v59, v58;
	[tilespmem:v22+s31+$0x0] =	vst.idx.msk $0xffff, v60;
	(pc) =	sbr.rel @p2 .LBB2_8-.Ltmp4, $4  }
0xce: {  	s16 =	sadd.s32 s17, s8;
	[tilespmem:v12+s31+$0x0] =	vst.idx.msk $0xffff, v9;
	v9 =	vadd.f32 v26, v61  }
0xcf: {  	s9 =	sshrl.u32 s16, $0x3;
	[tilespmem:v62+s31+$0x0] =	vst.idx.msk $0xffff, v10  }
0xd0: {  	s9 =	sadd.s32 s1, s9;
	[tilespmem:v17+s31+$0x0] =	vst.idx.msk $0xffff, v9  }
0xd1: {  	[hbm4b:s9+s19] =	stream.strided.scatter [tilespmem:s31], [sflag:$0x6], $0x3200, s29, s19, $0x38;
	[tilespmem:$0x1FBD0] =	vst v63  }
0xd2: {  	s9 =	sadd.s32 s17, s14  }
.Ltmp5:
0xd3: {  	s9 =	sshrl.u32 s9, $0x3;
	(pc) =	sbr.rel .LBB2_2-.Ltmp5, $4  }
0xd4: {  	s10 =	sadd.s32 s6, s9  }
0xd5: {  	[tilespmem:s19], [sflag:$0x2] =	stream.linear.gather [hbm4b:s10+s3], $0x320, $0x38;
	[tilespmem:$0x1FBD0] =	vst v63  }
0xd6: {  	s4 =	sadd.s32 $0x1, s4;
	s9 =	sadd.s32 s7, s9  }
0xd7: {  	[tilespmem:s22], [sflag:$0x2] =	stream.linear.gather [hbm4b:s9+s3], $0x320, $0x38;
	[tilespmem:$0x1FBD0] =	vst v63  }
.LBB2_9:
0xd8: {  	_ =	sfence.sel $0x180000  }
0xd9: {  	[bflag:$0x0] =	sbarrier.arrive $0xFFFF  }
0xda: {  	_ =	strace $0x90000047  }
0xdb: {  	[bflag:$0x2] =	sbarrier.arrive $0xFFFF  }
0xdc: {  	s0 =	rddreg [dreg:$0x3]  }
0xdd: {  	s0 =	sadd.s32 @!p0 $0x100000, s0  }
0xde: {  	[sflag:s0] =	ssyncadd.tile.s32 @!p0 $0x1;
	_ =	shalt  }
.Lfunc_end2:
_tile_overlayer_lowered:
.L_overlay_start_2:
0xdf: {  	(tag) =	ssettag $0x2  }
0xe0: {  	s0 =	rddreg [dreg:$0x0];
	s2 =	stileid.u32  }
0xe1: {  	s1 =	rddreg [dreg:$0x1];
	p0 =	sne.s32 s2, $0x0  }
0xe2: {  	s3 =	rddreg [dreg:$0x2];
	[bflag:$0x3] =	sbarrier.arrive $0xFFFF;
	s2 =	simm.s32 @!p0 $0x1C07  }
0xe3: {  	[timem:s3], [sflag:s2] =	dma.local @!p0 [hbm:s0], s1  }
0xe4: {  	s0 =	simm.s32 @!p0 $0x7  }
0xe5: {  	_ =	swait.ge @!p0 [sflag:s0], s1  }
0xe6: {  	s1 =	ssub.s32 @!p0 $0x0, s1;
	[sflag:s0] =	ssyncset.done @!p0 $0x0  }
0xe7: {  	[sflag:s0] =	ssyncadd.s32 @!p0 s1  }
0xe8: {  	[bflag:$0x3] =	sbarrier.arrive $0xFFFF  }
0xe9: {  	_ =	shalt  }

// kernel: kernel.13.cloned.1.call-start
scs
__scs_entry_jumppad:
0x0: {  	(pc) =	sbr.rel $0x88, $3  }
0x1: {  	(tag) =	ssettag $0x0;
	lr =	simm.s32 $0x1  }
0x2: {  	[smem:$0x3F96] =	sst lr;
	_ =	strace $0xD0000000  }
0x3: {  	_ = 	snop  }
0x4: {  	_ = 	snop  }
0x5: {  	_ = 	snop  }
0x6: {  	_ = 	snop  }
0x7: {  	_ = 	snop  }
__scs_overlays_trampoline_lowered:
0x8: {  	[smem:$0x3FA5] =	sst s0  }
0x9: {  	[smem:$0x3FA6] =	sst s1  }
0xa: {  	[smem:$0x3FA7] =	sst s2  }
0xb: {  	[smem:$0x3FA8] =	sst s3  }
0xc: {  	[smem:$0x3FA9] =	sst s4  }
0xd: {  	[smem:$0x3FAA] =	sst s5  }
0xe: {  	[smem:$0x3FAB] =	sst s6  }
0xf: {  	[smem:$0x3FAC] =	sst s7  }
0x10: {  	[smem:$0x3FAD] =	sst s8  }
0x11: {  	[smem:$0x3FAE] =	sst s9;
	s0 =	simm.s32 @!p0 $0x0  }
0x12: {  	s1 =	sld [smem:$0x3F94];
	s0 =	simm.s32 @p0 $0x1  }
0x13: {  	[smem:$0x3FAF] =	sst s0;
	s0 =	simm.s32 @!p1 $0x0  }
0x14: {  	s2 =	sld [smem:$0x3F93];
	s0 =	simm.s32 @p1 $0x1  }
0x15: {  	[smem:$0x3FB0] =	sst s0;
	s0 =	simm.s32 @!p2 $0x0  }
0x16: {  	s3 =	sld [smem:$0x3FDB];
	s0 =	simm.s32 @p2 $0x1  }
0x17: {  	s4 =	simm.s32 $0x1BF5;
	[smem:$0x3FB2] =	sst s0  }
0x18: {  	s0 =	sld [smem:$0x3F95];
	_ =	swait.ge [sflag:s4], $0x0  }
0x19: {  	s7 =	sld [smem:$0x3F96]  }
0x1a: {  	s8 =	sadd.s32 $0xFFFFE003, lr  }
0x1b: {  	s9 =	sadd.s32 $0xFFFFFEF7, lr;
	s5 =	simm.s32 $0xFFFFFFFF;
	p2 =	slt.u32 s8, $0xFFFFF086  }
0x1c: {  	p1 =	slt.u32 s9, $0xF7A;
	s5 =	simm.s32 @!p2 $0x0  }
0x1d: {  	s5 =	simm.s32 @p1 $0x1;
	p0 =	seq.s32 s7, s2  }
0x1e: {  	s7 =	smul.u32 @!p0 $0xF7A, s2;
	p2 =	seq.s32 @!p0 s5, $0x0  }
0x1f: {  	s9 =	smul.u32 $0xF7A, s1;
	s8 =	simm.s32 @!p0 $0x1BF5;
	p2 =	por !p2, p0  }
0x20: {  	[sflag:s8] =	ssyncset.s32 @!p0 $0xFFFFF086;
	s6 =	sadd.s32 @!p0 s3, s7;
	s7 =	simm.s32 @!p0 $0x108  }
0x21: {  	s3 =	sadd.s32 s3, s9;
	s6 =	sadd.s32 @!p0 $0x88, s6;
	s7 =	simm.s32 @p2 $0x1082  }
0x22: {  	[simem:s7], [sflag:s8] =	dma.local @!p0 [hbm:s6], $0xF7A  }
0x23: {  	s9 =	sor.u32 $0xD0000000, s2;
	s6 =	simm.s32 $0x108;
	_ =	swait.ge @!p0 [sflag:s8], $0x0  }
0x24: {  	s3 =	sadd.s32 $0x88, s3;
	s6 =	simm.s32 @!p1 $0x1082;
	[sflag:s4] =	ssyncset.s32 $0xFFFFF086  }
0x25: {  	[simem:s6], [sflag:s4] =	dma.local [hbm:s3], $0xF7A  }
0x26: {  	[smem:$0x3F96] =	sst s1;
	(tag) =	ssettag s2;
	_ =	strace s9  }
0x27: {  	s1 =	sld [smem:$0x3FA6]  }
0x28: {  	s2 =	sld [smem:$0x3FA7]  }
0x29: {  	s4 =	sld [smem:$0x3FA9]  }
0x2a: {  	p0 =	seq.s32 s5, $0x0;
	s5 =	sld [smem:$0x3FAA]  }
0x2b: {  	s6 =	sld [smem:$0x3FAB]  }
0x2c: {  	s7 =	sld [smem:$0x3FAC]  }
0x2d: {  	s3 =	simm.s32 $0x108;
	s8 =	sld [smem:$0x3FAD]  }
0x2e: {  	s3 =	simm.s32 @!p0 $0x1082;
	s9 =	sld [smem:$0x3FAE]  }
0x2f: {  	lr =	sadd.s32 s0, s3;
	s0 =	sld [smem:$0x3FA5]  }
0x30: {  	s3 =	sld [smem:$0x3FA8]  }
0x31: {  	[smem:$0x3FB1] =	sst s10  }
0x32: {  	s10 =	sld [smem:$0x3FAF];
	_ =	sdelay $0x3  }
0x33: {  	p0 =	seq.s32 s10, $0x1;
	s10 =	sld [smem:$0x3FB1];
	_ =	sdelay $0x3  }
0x34: {  	[smem:$0x3FB1] =	sst s10  }
0x35: {  	s10 =	sld [smem:$0x3FB0];
	_ =	sdelay $0x3  }
0x36: {  	p1 =	seq.s32 s10, $0x1;
	s10 =	sld [smem:$0x3FB1];
	_ =	sdelay $0x3  }
0x37: {  	[smem:$0x3FB1] =	sst s10  }
0x38: {  	s10 =	sld [smem:$0x3FB2]  }
0x39: {  	_ = 	snop;
	(pc) =	sbr.ind lr, $3  }
0x3a: {  	_ = 	snop  }
0x3b: {  	_ = 	snop  }
0x3c: {  	p2 =	seq.s32 s10, $0x1;
	s10 =	sld [smem:$0x3FB1]  }
0x3d: {  	_ =	shalt  }
0x3e: {  	_ =	shalt  }
0x3f: {  	_ =	shalt  }
0x40: {  	_ =	shalt  }
0x41: {  	_ =	shalt  }
0x42: {  	_ =	shalt  }
0x43: {  	_ =	shalt  }
0x44: {  	_ =	shalt  }
0x45: {  	_ =	shalt  }
0x46: {  	_ =	shalt  }
0x47: {  	_ =	shalt  }
0x48: {  	_ =	shalt  }
0x49: {  	_ =	shalt  }
0x4a: {  	_ =	shalt  }
0x4b: {  	_ =	shalt  }
0x4c: {  	_ =	shalt  }
0x4d: {  	_ =	shalt  }
0x4e: {  	_ =	shalt  }
0x4f: {  	_ =	shalt  }
0x50: {  	_ =	shalt  }
0x51: {  	_ =	shalt  }
0x52: {  	_ =	shalt  }
0x53: {  	_ =	shalt  }
0x54: {  	_ =	shalt  }
0x55: {  	_ =	shalt  }
0x56: {  	_ =	shalt  }
0x57: {  	_ =	shalt  }
0x58: {  	_ =	shalt  }
0x59: {  	_ =	shalt  }
0x5a: {  	_ =	shalt  }
0x5b: {  	_ =	shalt  }
0x5c: {  	_ =	shalt  }
0x5d: {  	_ =	shalt  }
0x5e: {  	_ =	shalt  }
0x5f: {  	_ =	shalt  }
0x60: {  	_ =	shalt  }
0x61: {  	_ =	shalt  }
0x62: {  	_ =	shalt  }
0x63: {  	_ =	shalt  }
0x64: {  	_ =	shalt  }
0x65: {  	_ =	shalt  }
0x66: {  	_ =	shalt  }
0x67: {  	_ =	shalt  }
0x68: {  	_ =	shalt  }
0x69: {  	_ =	shalt  }
0x6a: {  	_ =	shalt  }
0x6b: {  	_ =	shalt  }
0x6c: {  	_ =	shalt  }
0x6d: {  	_ =	shalt  }
0x6e: {  	_ =	shalt  }
0x6f: {  	_ =	shalt  }
0x70: {  	_ =	shalt  }
0x71: {  	_ =	shalt  }
0x72: {  	_ =	shalt  }
0x73: {  	_ =	shalt  }
0x74: {  	_ =	shalt  }
0x75: {  	_ =	shalt  }
0x76: {  	_ =	shalt  }
0x77: {  	_ =	shalt  }
0x78: {  	_ =	shalt  }
0x79: {  	_ =	shalt  }
0x7a: {  	_ =	shalt  }
0x7b: {  	_ =	shalt  }
0x7c: {  	_ =	shalt  }
0x7d: {  	_ =	shalt  }
0x7e: {  	_ =	shalt  }
0x7f: {  	_ =	shalt  }
0x80: {  	_ =	shalt  }
0x81: {  	_ =	shalt  }
0x82: {  	_ =	shalt  }
0x83: {  	_ =	shalt  }
0x84: {  	_ =	shalt  }
0x85: {  	_ =	shalt  }
0x86: {  	_ =	shalt  }
0x87: {  	_ =	shalt  }
.Lfunc_end0:
.L_simem_size_0:
called_computation.1_lowered:
.L_overlay_start_0:
0x88: {  	s2 =	sld [smem:$0x3FD9]  }
0x89: {  	s3 =	sld [smem:$0x3FFE];
	_ =	sdelay $0x1  }
0x8a: {  	s1 =	srdreg.scid  }
0x8b: {  	s0 =	sand.u32 $0x1, s1  }
0x8c: {  	s17 =	sshll.u32 s0, $0xA;
	s2 =	sadd.s32 s3, s2  }
0x8d: {  	s2 =	sadd.s32 s2, s17  }
0x8e: {  	[smem:$0x3FBD] =	sst s2  }
0x8f: {  	_ = 	snop  }
0x90: {  	(tm) =	ssettm $0x1  }
0x91: {  	s18 =	sld [smem:$0x3FFB];
	_ =	sdelay $0x3  }
0x92: {  	_ =	strace s18  }
0x93: {  	s2 =	sld [smem:$0x3FFC];
	_ =	sdelay $0x3  }
0x94: {  	_ =	strace s2  }
0x95: {  	s2 =	sld [smem:$0x3FFD];
	_ =	sdelay $0x3  }
0x96: {  	_ =	strace s2  }
0x97: {  	_ =	strace $0x8FFFFFFF  }
0x98: {  	s19 =	sld [smem:$0x3FDB];
	_ =	sdelay $0x1  }
0x99: {  	s20 =	simm.s32 $_scs_section_size  }
0x9a: {  	s4 =	simm.s32 $_size__tile_overlayer_lowered;
	s5 =	simm.s32 $_tile_overlayer_lowered  }
0x9b: {  	s6 =	simm.s32 $0x1BFF;
	s21 =	sshll.u32 s5, $0x1;
	s3 =	sadd.s32 s20, s19  }
0x9c: {  	s22 =	simm.s32 $0x0;
	s4 =	sshll.u32 s4, $0x1;
	s5 =	sadd.s32 s21, s3  }
0x9d: {  	[timem:s22], [sflag:s6] =	dma.local [hbm:s5], s4  }
0x9e: {  	_ =	swait.ge [sflag:s6], s4  }
0x9f: {  	s4 =	ssub.s32 $0x0, s4;
	[sflag:s6] =	ssyncset.done $0x0  }
0xa0: {  	[sflag:s6] =	ssyncadd.s32 s4;
	_ =	sdelay $0x1  }
0xa1: {  	s23 =	simm.s32 $0x1B8B  }
0xa2: {  	_ =	swait.ge [sflag:s23], $0x1  }
0xa3: {  	[sflag:s23] =	ssyncset.done $0x0  }
0xa4: {  	[sflag:s23] =	ssyncadd.s32 $0xFFFFFFFF  }
0xa5: {  	s4 =	sld [smem:$0x0]  }
0xa6: {  	s5 =	sand.u32 $0xFFFFFFFE, s1  }
0xa7: {  	p0 =	sne.s32 s1, s5  }
0xa8: {  	s5 =	sshll.u32 @p0 s5, $0xE  }
0xa9: {  	s5 =	sadd.s32 @p0 $0x11B8D, s5;
	s6 =	sshll.u32 @p0 s4, $0x11  }
0xaa: {  	s5 =	sor.u32 @p0 s6, s5  }
0xab: {  	[sflag:s5] =	ssyncadd.remote.s32 @p0 $0x1;
	_ =	sdelay $0x1  }
0xac: {  	s5 =	simm.s32 @p0 $0x1B8D  }
0xad: {  	_ =	swait.eq @p0 [sflag:s5], $0x1  }
0xae: {  	[sflag:s5] =	ssyncadd.s32 @p0 $0xFFFFFFFF  }
0xaf: {  	s6 =	sshll.u32 @!p0 s1, $0xE  }
0xb0: {  	s6 =	sor.u32 @!p0 $0x4000, s6;
	s5 =	simm.s32 @!p0 $0x1B8D  }
0xb1: {  	s4 =	sshll.u32 @!p0 s4, $0x11;
	s6 =	sadd.s32 @!p0 $0x11B8D, s6;
	_ =	swait.eq @!p0 [sflag:s5], $0x1  }
0xb2: {  	s4 =	sor.u32 @!p0 s4, s6;
	[sflag:s5] =	ssyncadd.s32 @!p0 $0xFFFFFFFF  }
0xb3: {  	s25 =	simm.s32 $0x1B8E;
	s24 =	sld [smem:$0x3FFE];
	[sflag:s4] =	ssyncadd.remote.s32 @!p0 $0x1  }
0xb4: {  	s26 =	simm.s32 $execute0_lowered;
	[smem:$0x3FD2] =	sst s25  }
0xb5: {  	s5 =	sshll.u32 s26, $0x1;
	_ =	strace $0x80000049;
	[dreg:$0x1] =	wrdreg $0xFFFFFFFF  }
0xb6: {  	s28 =	simm.s32 $_size_execute0_lowered;
	s3 =	sadd.s32 s3, s5;
	[dreg:$0x0] =	wrdreg $0x0  }
0xb7: {  	s5 =	sshll.u32 s28, $0x1;
	[dreg:$0x2] =	wrdreg s3  }
0xb8: {  	[dreg:$0x3] =	wrdreg s5  }
0xb9: {  	[dreg:$0x4] =	wrdreg $0xC0  }
0xba: {  	_ =	task [dreg:s22], $0x5FFFF  }
0xbb: {  	[dreg:$0x1] =	wrdreg $0xFFFFFFFF  }
0xbc: {  	[dreg:$0x0] =	wrdreg $0x60  }
0xbd: {  	[dreg:$0x2] =	wrdreg s24  }
0xbe: {  	[dreg:$0x3] =	wrdreg $0x138800  }
0xbf: {  	[dreg:$0x4] =	wrdreg $0xA  }
0xc0: {  	_ =	task.clear_ibuf [dreg:s22], $0x5FFFF;
	_ =	strace $0x90000049  }
0xc1: {  	s29 =	simm.s32 $0xA;
	_ =	strace $0x8000004B  }
0xc2: {  	_ =	swait.ge [sflag:s29], $0x1  }
0xc3: {  	[sflag:s29] =	ssyncadd.s32 $0xFFFFFFFF  }
0xc4: {  	_ =	strace $0x9000004B  }
0xc5: {  	_ =	sfence  }
0xc6: {  	s30 =	sld [smem:$0x0];
	_ =	sdelay $0x2  }
0xc7: {  	s31 =	sshll.u32 s1, $0xD;
	s1 =	sshrl.u32 s1, $0x2  }
0xc8: {  	s4 =	sand.u32 $0x4000, s31;
	s1 =	sadd.s32 s1, s30  }
0xc9: {  	s0 =	sor.u32 s4, s0;
	s1 =	sshll.u32 s1, $0x11  }
0xca: {  	s0 =	sor.u32 s1, s0  }
0xcb: {  	s0 =	sadd.s32 $0x8F2B, s0  }
0xcc: {  	[sflag:s0] =	ssyncadd.remote.s32 $0x1  }
0xcd: {  	_ =	sfence.sel $0xFFFF  }
0xce: {  	[dreg:$0x0] =	wrdreg $0xFFFFFFFF;
	(pc) =	sbr.abs _section_cstart, $3  }
0xcf: {  	[dreg:$0x1] =	wrdreg $0xFFFFFFFF  }
0xd0: {  	_ =	task.clear_ibuf [dreg:s22], $0x2FFFF;
	_ =	strace $0x9FFFFFFF  }
0xd1: {  	(tm) =	ssettm $0x7FFFFFFF  }
tec
execute0_lowered:
.L_overlay_start_1:
0x0: {  	(tag) =	ssettag $0x1  }
0x1: {  	s0 =	rddreg [dreg:$0x0]  }
0x2: {  	s1 =	rddreg [dreg:$0x1]  }
0x3: {  	s3 =	srdreg.scid;
	s8 =	stileid.u32;
	s2 =	simm.s32 $0x0  }
0x4: {  	s18 =	simm.s32 $0x1;
	s19 =	simm.s32 $0x320;
	s22 =	simm.s32 $0x960  }
0x5: {  	s28 =	simm.s32 $0xD480;
	s29 =	simm.s32 $0x32000;
	s30 =	simm.s32 $0x4  }
0x6: {  	s31 =	simm.s32 $0x10680;
	s20 =	simm.s32 $0x6;
	s21 =	simm.s32 $0x0  }
0x7: {  	s3 =	sand.u32 $0x1, s3;
	s4 =	sshll.u32 s8, $0x1;
	[smem:$0x7FF] =	sst s2  }
0x8: {  	s5 =	sadd.s32 $0x34200, s0;
	s6 =	sadd.s32 $0x2200, s0;
	s7 =	sadd.s32 $0x4CA00, s0  }
0x9: {  	p0 =	sne.s32 s8, $0x0;
	s4 =	sor.u32 s3, s4;
	s3 =	ssub.s32 $0x2, s3  }
0xa: {  	_ =	strace $0x8000004A;
	s4 =	smul.u32 $0x1900, s4;
	s23 =	sshrl.u32 s3, $0x1  }
0xb: {  	[dreg:$0x3] =	wrdreg s5;
	s5 =	sadd.s32 $0x1B200, s0;
	s0 =	ssub.s32 s3, s23  }
0xc: {  	s23 =	simm.s32 $0x2;
	s9 =	sshrl.u32 s4, $0x3;
	s12 =	sadd.s32 $0x32640, s4  }
0xd: {  	s13 =	sadd.s32 $0x320, s4;
	s14 =	sadd.s32 $0x32960, s4;
	s0 =	smax.u32 s0, $0x1  }
0xe: {  	v0 =	vlaneseq.u32;
	s24 =	sadd.s32 $0x6400, s9;
	[dreg:$0x8] =	wrdreg s0;
	s0 =	sshrl.u32 @!p0 s1, $0x3  }
.Ltmp0:
0xf: {  	v0 =	vmul.u32 $0x320, v0;
	s10 =	sadd.s32 s5, s24;
	[dreg:$0x9] =	wrdreg s0;
	(pc) =	sbr.rel .LBB2_1-.Ltmp0, $4  }
0x10: {  	v1 =	vimm.s32 $0x0;
	vm0 =	vcmask $0x300;
	s9 =	sadd.s32 $0x6464, s9;
	s3 =	sadd.s32 s6, s24;
	[dreg:$0x4] =	wrdreg s10  }
0x11: {  	v1 =	vsel vm0, $0x3, v1;
	v2 =	vor.u32 $0x1, v0;
	s25 =	sadd.s32 s5, s9;
	s26 =	sadd.s32 s6, s9;
	[dreg:$0x5] =	wrdreg s3  }
0x12: {  	v3 =	vor.u32 $0x2, v0;
	v4 =	vor.u32 $0x3, v0;
	v5 =	vor.u32 $0x4, v0;
	s24 =	simm.s32 $0x3E80;
	s0 =	simm.s32 $0x5;
	[dreg:$0x6] =	wrdreg s25  }
0x13: {  	v6 =	vor.u32 $0x5, v0;
	v7 =	vor.u32 $0x6, v0;
	v8 =	vor.u32 $0x7, v0;
	[dreg:$0x7] =	wrdreg s26;
	s25 =	simm.s32 $0xA280;
	s26 =	simm.s32 $0x3  }
.LBB2_8:
0x14: {  	_ =	swait.ge [sflag:s0], $0x3200  }
0x15: {  	[sflag:s0] =	ssyncset.done $0x0  }
0x16: {  	[sflag:s0] =	ssyncadd.s32 $0xFFFFCE00  }
0x17: {  	_ =	swait.ge [sflag:s20], $0x3200  }
0x18: {  	s21 =	sadd.s32 $0x1, s21;
	s3 =	rddreg [dreg:$0x8]  }
0x19: {  	p1 =	sne.s32 s21, s3  }
.Ltmp1:
0x1a: {  	_ = 	snop;
	(pc) =	sbr.rel @!p1 .LBB2_9-.Ltmp1, $3  }
0x1b: {  	_ =	sdelay $0x1  }
0x1c: {  	[sflag:s20] =	ssyncset.done $0x0  }
0x1d: {  	[sflag:s20] =	ssyncadd.s32 $0xFFFFCE00  }
.LBB2_1:
0x1e: {  	s8 =	rddreg [dreg:$0x3]  }
0x1f: {  	s3 =	simm.s32 @!p0 $0x1C07;
	s9 =	rddreg [dreg:$0x9]  }
0x20: {  	[spmem:s9], [sflag:s3] =	dma.local @!p0 [hbm:s8], $0x186A0  }
0x21: {  	s3 =	simm.s32 @!p0 $0x7  }
0x22: {  	_ =	swait.ge @!p0 [sflag:s3], $0x186A0  }
0x23: {  	[sflag:s3] =	ssyncset.done @!p0 $0x0  }
0x24: {  	[sflag:s3] =	ssyncadd.s32 @!p0 $0xFFFE7960  }
0x25: {  	[bflag:$0x0] =	sbarrier.arrive $0xFFFF  }
0x26: {  	s8 =	rddreg [dreg:$0x4]  }
0x27: {  	[tilespmem:s2], [sflag:$0x1] =	stream.linear.gather [hbm4b:s8+s2], $0x320, $0x38;
	[tilespmem:$0x1FBD0] =	vst v63  }
0x28: {  	s10 =	simm.s32 $0x640;
	s9 =	rddreg [dreg:$0x5]  }
0x29: {  	[tilespmem:s10], [sflag:$0x1] =	stream.linear.gather [hbm4b:s9+s2], $0x320, $0x38;
	[tilespmem:$0x1FBD0] =	vst v63  }
0x2a: {  	_ =	swait.ge [sflag:s18], $0x320  }
0x2b: {  	[sflag:s18] =	ssyncset.done $0x0  }
0x2c: {  	[sflag:s18] =	ssyncadd.s32 $0xFFFFFCE0  }
0x2d: {  	_ =	swait.ge [sflag:s18], $0x320  }
0x2e: {  	[sflag:s18] =	ssyncset.done $0x0  }
0x2f: {  	s11 =	simm.s32 $0xC80;
	[sflag:s18] =	ssyncadd.s32 $0xFFFFFCE0  }
0x30: {  	[tilespmem:s11], [sflag:$0x3] =	stream.indirect.gather [spmem:s1], $0x10, s2, s19, $0xb8;
	[tilespmem:$0x1FBD0] =	vst v63  }
0x31: {  	s15 =	simm.s32 $0x7080  }
0x32: {  	[tilespmem:s15], [sflag:$0x3] =	stream.indirect.gather [spmem:s1], $0x10, s10, s19, $0xb8;
	[tilespmem:$0x1FBD0] =	vst v63  }
0x33: {  	s16 =	rddreg [dreg:$0x6]  }
0x34: {  	[tilespmem:s19], [sflag:$0x2] =	stream.linear.gather [hbm4b:s16+s2], $0x320, $0x38;
	[tilespmem:$0x1FBD0] =	vst v63  }
0x35: {  	s3 =	simm.s32 $0x0;
	s17 =	rddreg [dreg:$0x7]  }
0x36: {  	[tilespmem:s22], [sflag:$0x2] =	stream.linear.gather [hbm4b:s17+s2], $0x320, $0x38;
	[tilespmem:$0x1FBD0] =	vst v63  }
.LBB2_2:
0x37: {  	_ =	swait.ge [sflag:s23], $0x320  }
0x38: {  	[sflag:s23] =	ssyncset.done $0x0  }
0x39: {  	[sflag:s23] =	ssyncadd.s32 $0xFFFFFCE0  }
0x3a: {  	_ =	swait.ge [sflag:s23], $0x320  }
0x3b: {  	[sflag:s23] =	ssyncset.done $0x0  }
0x3c: {  	[sflag:s23] =	ssyncadd.s32 $0xFFFFFCE0  }
0x3d: {  	[tilespmem:s24], [sflag:$0x4] =	stream.indirect.gather [spmem:s1], $0x10, s19, s19, $0xb8;
	[tilespmem:$0x1FBD0] =	vst v63  }
0x3e: {  	_ = 	snop  }
0x3f: {  	[tilespmem:s25], [sflag:$0x4] =	stream.indirect.gather [spmem:s1], $0x10, s22, s19, $0xb8;
	[tilespmem:$0x1FBD0] =	vst v63  }
0x40: {  	_ =	swait.ge [sflag:s26], $0x3200  }
0x41: {  	[sflag:s26] =	ssyncset.done $0x0  }
0x42: {  	[sflag:s26] =	ssyncadd.s32 $0xFFFFCE00  }
0x43: {  	_ =	swait.ge [sflag:s26], $0x3200  }
0x44: {  	p1 =	seq.s32 s3, $0x0;
	[sflag:s26] =	ssyncset.done $0x0  }
0x45: {  	s8 =	simm.s32 @!p1 $0x5;
	[sflag:s26] =	ssyncadd.s32 $0xFFFFCE00  }
0x46: {  	_ =	swait.ge @!p1 [sflag:s8], $0x3200  }
0x47: {  	s9 =	simm.s32 $0x7;
	[sflag:s8] =	ssyncset.done @!p1 $0x0  }
0x48: {  	v9 =	vmov s9;
	[sflag:s8] =	ssyncadd.s32 @!p1 $0xFFFFCE00;
	s8 =	simm.s32 $0xCC0  }
0x49: {  	s17 =	simm.s32 $0x70C0;
	s11 =	simm.s32 $0x1;
	v9 =	vshrl.u32 v9, $0x3;
	v10 =	vld [tilespmem:s8+$0x30]  }
0x4a: {  	s10 =	simm.s32 $0x0;
	v11 =	vmov s11;
	v9 =	vshll.u32 v9, v1;
	v12 =	vld [tilespmem:s17+$0x30]  }
0x4b: {  	s15 =	simm.s32 $0x2;
	s16 =	simm.s32 $0x3;
	v14 =	vmov s10;
	v11 =	vshrl.u32 v11, $0x3;
	v13 =	vbroadcast v9, $0x0;
	v9 =	vld [tilespmem:s17+$0xFFFFFFC0]  }
0x4c: {  	v15 =	vmov s15;
	v17 =	vmov s16;
	v11 =	vshll.u32 v11, v1;
	v16 =	vld [tilespmem:s8+$0xFFFFFFD0]  }
0x4d: {  	s11 =	simm.s32 $0x5;
	v11 =	vbroadcast v11, $0x0;
	v18 =	vadd.s32 v8, v13;
	v13 =	vshrl.u32 v15, $0x3;
	v19 =	vld [tilespmem:s17+$0xFFFFFFD0]  }
0x4e: {  	v14 =	vshrl.u32 v14, $0x3;
	v22 =	vmov s11;
	v13 =	vshll.u32 v13, v1;
	v20 =	vld [tilespmem:s8+$0xFFFFFFE0]  }
0x4f: {  	s10 =	simm.s32 $0x4;
	v15 =	vshrl.u32 v17, $0x3;
	v11 =	vadd.s32 v2, v11;
	v13 =	vbroadcast v13, $0x0;
	v17 =	vld [tilespmem:s17+$0xFFFFFFE0]  }
0x50: {  	v21 =	vld [tilespmem:s8+$0xFFFFFFF0];
	v12 =	vadd.f32 v12, v10;
	v10 =	vshll.u32 v15, v1;
	v15 =	vmov s10  }
0x51: {  	v23 =	vadd.s32 v3, v13;
	v24 =	vld [tilespmem:s17+$0xFFFFFFF0];
	v10 =	vbroadcast v10, $0x0;
	v15 =	vshrl.u32 v15, $0x3  }
0x52: {  	v13 =	vshll.u32 v14, v1;
	v14 =	vld [tilespmem:s8+$0x0];
	v16 =	vadd.f32 v19, v16;
	v19 =	vshll.u32 v15, v1  }
0x53: {  	s15 =	simm.s32 $0x6;
	v22 =	vshrl.u32 v22, $0x3;
	v15 =	vld [tilespmem:s17+$0x0];
	v10 =	vadd.s32 v4, v10;
	v19 =	vbroadcast v19, $0x0  }
0x54: {  	[tilespmem:v18+s28+$0x0] =	vst.idx.msk $0xffff, v12;
	v18 =	vadd.f32 v17, v20;
	v12 =	vld [tilespmem:s8+$0x10];
	v20 =	vshll.u32 v22, v1;
	v22 =	vmov s15  }
0x55: {  	s16 =	simm.s32 $0x9;
	[tilespmem:v11+s28+$0x0] =	vst.idx.msk $0xffff, v16;
	v17 =	vld [tilespmem:s17+$0x10];
	v20 =	vbroadcast v20, $0x0;
	v22 =	vshrl.u32 v22, $0x3;
	v11 =	vadd.s32 v5, v19  }
0x56: {  	s9 =	simm.s32 $0x8;
	s11 =	simm.s32 $0xF;
	s10 =	simm.s32 $0x10;
	v16 =	vld [tilespmem:s8+$0x20];
	[tilespmem:v23+s28+$0x0] =	vst.idx.msk $0xffff, v18;
	v18 =	vadd.f32 v24, v21;
	v21 =	vshll.u32 v22, v1;
	v19 =	vmov s16  }
.LBB2_3:
0x57: {  	p2 =	slt.u32 s10, $0x318;
	v22 =	vmov s11;
	v20 =	vadd.s32 v6, v20;
	v23 =	vld [tilespmem:s17+$0x20];
	v21 =	vbroadcast v21, $0x0  }
0x58: {  	v13 =	vbroadcast v13, $0x0;
	v22 =	vshrl.u32 v22, $0x3;
	v24 =	vld [tilespmem:s8+$0xFFFFFFC0];
	[tilespmem:v10+s28+$0x0] =	vst.idx.msk $0xffff, v18;
	v10 =	vadd.f32 v15, v14;
	s8 =	sadd.s32 $0x80, s8  }
0x59: {  	s17 =	sadd.s32 $0x80, s17;
	v14 =	vshrl.u32 v19, $0x3;
	v15 =	vld [tilespmem:s8+$0x30];
	v18 =	vshll.u32 v22, v1;
	v19 =	vadd.s32 v7, v21  }
0x5a: {  	s11 =	sadd.s32 $0x2, s9;
	v13 =	vadd.s32 v0, v13;
	v21 =	vld [tilespmem:s17+$0x30];
	v18 =	vbroadcast v18, $0x0;
	[tilespmem:v11+s28+$0x0] =	vst.idx.msk $0xffff, v10;
	v10 =	vadd.f32 v17, v12  }
0x5b: {  	v14 =	vshll.u32 v14, v1;
	v12 =	vmov s9;
	v17 =	vmov s11;
	s11 =	sadd.s32 $0x3, s9;
	v11 =	vld [tilespmem:s17+$0xFFFFFFC0]  }
0x5c: {  	v25 =	vmov s11;
	v22 =	vld [tilespmem:s8+$0xFFFFFFD0];
	v18 =	vadd.s32 v8, v18;
	[tilespmem:v20+s28+$0x0] =	vst.idx.msk $0xffff, v10;
	v10 =	vadd.f32 v23, v16  }
0x5d: {  	v14 =	vbroadcast v14, $0x0;
	v17 =	vshrl.u32 v17, $0x3;
	v16 =	vld [tilespmem:s17+$0xFFFFFFD0];
	v26 =	vadd.f32 v9, v24  }
0x5e: {  	v12 =	vshrl.u32 v12, $0x3;
	v17 =	vshll.u32 v17, v1;
	v23 =	vshrl.u32 v25, $0x3;
	v20 =	vld [tilespmem:s8+$0xFFFFFFE0];
	[tilespmem:v19+s28+$0x0] =	vst.idx.msk $0xffff, v10  }
0x5f: {  	s15 =	sadd.s32 $0x5, s9;
	s11 =	sadd.s32 $0x4, s9;
	v19 =	vadd.s32 v2, v14;
	v10 =	vbroadcast v17, $0x0;
	v24 =	vld [tilespmem:s17+$0xFFFFFFE0];
	v14 =	vadd.f32 v21, v15;
	[tilespmem:v13+s28+$0x0] =	vst.idx.msk $0xffff, v26  }
0x60: {  	v17 =	vmov s15;
	v13 =	vshll.u32 v23, v1;
	v15 =	vmov s11;
	v21 =	vld [tilespmem:s8+$0xFFFFFFF0];
	v9 =	vmovc v11  }
0x61: {  	v23 =	vadd.s32 v3, v10;
	v10 =	vbroadcast v13, $0x0;
	v11 =	vshrl.u32 v15, $0x3;
	v25 =	vld [tilespmem:s17+$0xFFFFFFF0];
	[tilespmem:v18+s28+$0x0] =	vst.idx.msk $0xffff, v14  }
.Ltmp2:
0x62: {  	v13 =	vshll.u32 v12, v1;
	v11 =	vshll.u32 v11, v1;
	v12 =	vadd.f32 v16, v22;
	v14 =	vld [tilespmem:s8+$0x0];
	(pc) =	sbr.rel @p2 .LBB2_3-.Ltmp2, $4  }
0x63: {  	s11 =	sadd.s32 $0x6, s9;
	s9 =	smov.u32 s10;
	v10 =	vadd.s32 v4, v10;
	v11 =	vbroadcast v11, $0x0;
	v16 =	vshrl.u32 v17, $0x3;
	v15 =	vld [tilespmem:s17+$0x0]  }
0x64: {  	v16 =	vshll.u32 v16, v1;
	[tilespmem:v19+s28+$0x0] =	vst.idx.msk $0xffff, v12;
	v18 =	vadd.f32 v24, v20;
	v12 =	vld [tilespmem:s8+$0x10];
	v19 =	vmov s11  }
0x65: {  	s11 =	sadd.s32 $0x1, s10;
	v11 =	vadd.s32 v5, v11;
	v20 =	vbroadcast v16, $0x0;
	v17 =	vld [tilespmem:s17+$0x10];
	v22 =	vshrl.u32 v19, $0x3  }
0x66: {  	s10 =	sadd.s32 $0x8, s10;
	v19 =	vmov s11;
	s11 =	sadd.s32 $0x7, s9;
	[tilespmem:v23+s28+$0x0] =	vst.idx.msk $0xffff, v18;
	v18 =	vadd.f32 v25, v21;
	v16 =	vld [tilespmem:s8+$0x20];
	v21 =	vshll.u32 v22, v1  }
0x67: {  	v22 =	vld [tilespmem:s17+$0x20]  }
0x68: {  	v23 =	vmov s11;
	v24 =	vld [tilespmem:s8+$0xFFFFFFC0];
	s8 =	sadd.s32 $0x80, s8  }
0x69: {  	v20 =	vadd.s32 v6, v20;
	v21 =	vbroadcast v21, $0x0;
	s10 =	sadd.s32 $0x80, s17;
	v13 =	vbroadcast v13, $0x0;
	v25 =	vld [tilespmem:s8+$0x30]  }
0x6a: {  	v19 =	vshrl.u32 v19, $0x3;
	s17 =	sadd.s32 $0x2, s9;
	s15 =	sadd.s32 $0x3, s9;
	v23 =	vshrl.u32 v23, $0x3;
	v14 =	vadd.f32 v15, v14;
	v26 =	vld [tilespmem:s10+$0xFFFFFFC0]  }
0x6b: {  	s16 =	sadd.s32 $0x5, s9;
	v27 =	vld [tilespmem:s8+$0xFFFFFFD0];
	v19 =	vshll.u32 v19, v1;
	v28 =	vmov s17;
	v29 =	vmov s15  }
0x6c: {  	v30 =	vld [tilespmem:s10+$0xFFFFFFD0];
	v33 =	vmov s16;
	v15 =	vshll.u32 v23, v1;
	v21 =	vadd.s32 v7, v21  }
0x6d: {  	v57 =	vld [tilespmem:s8+$0xFFFFFFE0];
	s15 =	sadd.s32 $0x4, s9;
	s17 =	sadd.s32 $0x6, s9;
	v13 =	vadd.s32 v0, v13;
	v19 =	vbroadcast v19, $0x0;
	v29 =	vshrl.u32 v29, $0x3  }
0x6e: {  	v58 =	vld [tilespmem:s10+$0xFFFFFFE0];
	v32 =	vmov s15;
	v62 =	vmov s17;
	v15 =	vbroadcast v15, $0x0  }
0x6f: {  	v31 =	vld [tilespmem:s8+$0xFFFFFFF0];
	[tilespmem:v10+s28+$0x0] =	vst.idx.msk $0xffff, v18;
	v12 =	vadd.f32 v17, v12;
	v17 =	vmov s9;
	v59 =	vshll.u32 v29, v1  }
0x70: {  	v60 =	vld [tilespmem:s10+$0xFFFFFFF0];
	v18 =	vshrl.u32 v32, $0x3;
	[tilespmem:v11+s28+$0x0] =	vst.idx.msk $0xffff, v14;
	v14 =	vshrl.u32 v33, $0x3;
	v17 =	vshrl.u32 v17, $0x3  }
0x71: {  	v34 =	vld [tilespmem:s8+$0x0];
	v19 =	vadd.s32 v2, v19;
	v10 =	vbroadcast v59, $0x0;
	v11 =	vshll.u32 v18, v1  }
0x72: {  	v23 =	vld [tilespmem:s10+$0x30];
	v15 =	vadd.s32 v8, v15;
	v16 =	vadd.f32 v22, v16;
	v22 =	vshrl.u32 v28, $0x3  }
0x73: {  	v18 =	vld [tilespmem:s8+$0x10];
	v9 =	vadd.f32 v9, v24;
	[tilespmem:v20+s28+$0x0] =	vst.idx.msk $0xffff, v12;
	v12 =	vshll.u32 v14, v1;
	v20 =	vshrl.u32 v62, $0x3  }
0x74: {  	v14 =	vld [tilespmem:s10+$0x10];
	v22 =	vshll.u32 v22, v1;
	v10 =	vadd.s32 v4, v10;
	v12 =	vbroadcast v12, $0x0;
	[tilespmem:v21+s28+$0x0] =	vst.idx.msk $0xffff, v16  }
0x75: {  	v20 =	vshll.u32 v20, v1;
	v22 =	vbroadcast v22, $0x0;
	v16 =	vld [tilespmem:s8+$0x20];
	[tilespmem:v13+s28+$0x0] =	vst.idx.msk $0xffff, v9;
	v9 =	vadd.f32 v30, v27  }
0x76: {  	v17 =	vshll.u32 v17, v1;
	v13 =	vld [tilespmem:s10+$0x20];
	v20 =	vbroadcast v20, $0x0;
	v12 =	vadd.s32 v6, v12  }
0x77: {  	v17 =	vbroadcast v17, $0x0;
	v21 =	vld [tilespmem:s8+$0xFFFFFFC0];
	v22 =	vadd.s32 v3, v22;
	[tilespmem:v19+s28+$0x0] =	vst.idx.msk $0xffff, v9;
	v9 =	vadd.f32 v60, v31  }
0x78: {  	v61 =	vld [tilespmem:s10+$0x0];
	v11 =	vbroadcast v11, $0x0;
	v23 =	vadd.f32 v23, v25;
	v19 =	vadd.s32 v7, v20  }
0x79: {  	v17 =	vadd.s32 v0, v17;
	[tilespmem:v10+s28+$0x0] =	vst.idx.msk $0xffff, v9;
	v9 =	vadd.f32 v14, v18  }
0x7a: {  	v11 =	vadd.s32 v5, v11;
	[tilespmem:v15+s28+$0x0] =	vst.idx.msk $0xffff, v23;
	v15 =	vadd.f32 v58, v57  }
0x7b: {  	s17 =	smul.u32 $0x640, s3;
	v10 =	vadd.f32 v13, v16;
	[tilespmem:v12+s28+$0x0] =	vst.idx.msk $0xffff, v9  }
0x7c: {  	v9 =	vadd.f32 v26, v21;
	[tilespmem:v22+s28+$0x0] =	vst.idx.msk $0xffff, v15  }
0x7d: {  	s10 =	sadd.s32 s4, s17;
	v15 =	vadd.f32 v61, v34;
	[tilespmem:v19+s28+$0x0] =	vst.idx.msk $0xffff, v10  }
0x7e: {  	s8 =	sshrl.u32 s10, $0x3;
	[tilespmem:v17+s28+$0x0] =	vst.idx.msk $0xffff, v9  }
0x7f: {  	p2 =	seq.s32 s3, $0x3;
	s8 =	sadd.s32 s7, s8;
	[tilespmem:v11+s28+$0x0] =	vst.idx.msk $0xffff, v15  }
0x80: {  	[hbm4b:s8+s19] =	stream.strided.scatter [tilespmem:s28], [sflag:$0x5], $0x3200, s29, s19, $0x38;
	[tilespmem:$0x1FBD0] =	vst v63  }
0x81: {  	s8 =	sadd.s32 @!p2 s17, s12  }
0x82: {  	s8 =	sshrl.u32 @!p2 s8, $0x3  }
0x83: {  	s10 =	simm.s32 @!p2 $0x0;
	s9 =	sadd.s32 @!p2 s5, s8  }
0x84: {  	[tilespmem:s10], [sflag:$0x1] =	stream.linear.gather @!p2 [hbm4b:s9+s10], $0x320, $0x38;
	[tilespmem:$0x1FBD0] =	vst v63  }
0x85: {  	s8 =	sadd.s32 @!p2 s6, s8;
	s9 =	simm.s32 @!p2 $0x640  }
0x86: {  	[tilespmem:s9], [sflag:$0x1] =	stream.linear.gather @!p2 [hbm4b:s8+s10], $0x320, $0x38;
	[tilespmem:$0x1FBD0] =	vst v63  }
0x87: {  	s8 =	simm.s32 @!p2 $0x1  }
0x88: {  	_ =	swait.ge @!p2 [sflag:s8], $0x320  }
0x89: {  	[sflag:s8] =	ssyncset.done @!p2 $0x0  }
0x8a: {  	[sflag:s8] =	ssyncadd.s32 @!p2 $0xFFFFFCE0  }
0x8b: {  	_ =	swait.ge @!p2 [sflag:s8], $0x320  }
0x8c: {  	[sflag:s8] =	ssyncset.done @!p2 $0x0  }
0x8d: {  	s11 =	simm.s32 @!p2 $0xC80;
	[sflag:s8] =	ssyncadd.s32 @!p2 $0xFFFFFCE0;
	s8 =	simm.s32 @!p2 $0x320  }
0x8e: {  	[tilespmem:s11], [sflag:$0x3] =	stream.indirect.gather @!p2 [spmem:s1], $0x10, s10, s8, $0xb8;
	[tilespmem:$0x1FBD0] =	vst v63  }
0x8f: {  	s10 =	simm.s32 @!p2 $0x7080  }
0x90: {  	[tilespmem:s10], [sflag:$0x3] =	stream.indirect.gather @!p2 [spmem:s1], $0x10, s9, s8, $0xb8;
	[tilespmem:$0x1FBD0] =	vst v63  }
0x91: {  	_ =	swait.ge [sflag:s30], $0x3200  }
0x92: {  	[sflag:s30] =	ssyncset.done $0x0  }
0x93: {  	[sflag:s30] =	ssyncadd.s32 $0xFFFFCE00  }
0x94: {  	_ =	swait.ge [sflag:s30], $0x3200  }
0x95: {  	[sflag:s30] =	ssyncset.done $0x0  }
0x96: {  	s8 =	simm.s32 @!p1 $0x6;
	[sflag:s30] =	ssyncadd.s32 $0xFFFFCE00  }
0x97: {  	_ =	swait.ge @!p1 [sflag:s8], $0x3200  }
0x98: {  	s11 =	simm.s32 $0x7;
	[sflag:s8] =	ssyncset.done @!p1 $0x0  }
0x99: {  	v9 =	vmov s11;
	s9 =	simm.s32 $0x3EC0;
	[sflag:s8] =	ssyncadd.s32 @!p1 $0xFFFFCE00  }
0x9a: {  	s15 =	simm.s32 $0x1;
	v9 =	vshrl.u32 v9, $0x3;
	s8 =	simm.s32 $0xA2C0;
	v10 =	vld [tilespmem:s9+$0x30]  }
0x9b: {  	s16 =	simm.s32 $0x0;
	v11 =	vmov s15;
	v9 =	vshll.u32 v9, v1;
	v12 =	vld [tilespmem:s8+$0x30]  }
0x9c: {  	v14 =	vmov s16;
	s16 =	simm.s32 $0x3;
	s15 =	simm.s32 $0x2;
	v11 =	vshrl.u32 v11, $0x3;
	v13 =	vbroadcast v9, $0x0;
	v9 =	vld [tilespmem:s8+$0xFFFFFFC0]  }
0x9d: {  	v17 =	vmov s16;
	v15 =	vmov s15;
	v11 =	vshll.u32 v11, v1;
	v16 =	vld [tilespmem:s9+$0xFFFFFFD0]  }
0x9e: {  	s16 =	simm.s32 $0x5;
	v11 =	vbroadcast v11, $0x0;
	v18 =	vadd.s32 v8, v13;
	v13 =	vshrl.u32 v15, $0x3;
	v19 =	vld [tilespmem:s8+$0xFFFFFFD0]  }
0x9f: {  	v14 =	vshrl.u32 v14, $0x3;
	v22 =	vmov s16;
	v13 =	vshll.u32 v13, v1;
	v20 =	vld [tilespmem:s9+$0xFFFFFFE0]  }
0xa0: {  	s15 =	simm.s32 $0x4;
	v11 =	vadd.s32 v2, v11;
	v15 =	vshrl.u32 v17, $0x3;
	v13 =	vbroadcast v13, $0x0;
	v17 =	vld [tilespmem:s8+$0xFFFFFFE0]  }
0xa1: {  	v21 =	vld [tilespmem:s9+$0xFFFFFFF0];
	v12 =	vadd.f32 v12, v10;
	v10 =	vshll.u32 v15, v1;
	v15 =	vmov s15  }
0xa2: {  	v23 =	vadd.s32 v3, v13;
	v63 =	vld [tilespmem:s8+$0xFFFFFFF0];
	v10 =	vbroadcast v10, $0x0;
	v15 =	vshrl.u32 v15, $0x3  }
0xa3: {  	v13 =	vshll.u32 v14, v1;
	v14 =	vld [tilespmem:s9+$0x0];
	v16 =	vadd.f32 v19, v16;
	v19 =	vshll.u32 v15, v1  }
0xa4: {  	v22 =	vshrl.u32 v22, $0x3;
	s15 =	simm.s32 $0x6;
	v15 =	vld [tilespmem:s8+$0x0];
	v10 =	vadd.s32 v4, v10;
	v19 =	vbroadcast v19, $0x0  }
0xa5: {  	[tilespmem:v18+s31+$0x0] =	vst.idx.msk $0xffff, v12;
	v18 =	vadd.f32 v17, v20;
	v12 =	vld [tilespmem:s9+$0x10];
	v20 =	vshll.u32 v22, v1;
	v22 =	vmov s15  }
0xa6: {  	s16 =	simm.s32 $0x9;
	[tilespmem:v11+s31+$0x0] =	vst.idx.msk $0xffff, v16;
	v17 =	vld [tilespmem:s8+$0x10];
	v20 =	vbroadcast v20, $0x0;
	v22 =	vshrl.u32 v22, $0x3;
	v11 =	vadd.s32 v5, v19  }
0xa7: {  	s11 =	simm.s32 $0x10;
	s10 =	simm.s32 $0x8;
	s15 =	simm.s32 $0xF;
	v16 =	vld [tilespmem:s9+$0x20];
	[tilespmem:v23+s31+$0x0] =	vst.idx.msk $0xffff, v18;
	v18 =	vadd.f32 v63, v21;
	v21 =	vshll.u32 v22, v1;
	v19 =	vmov s16  }
.LBB2_5:
0xa8: {  	p1 =	slt.u32 s11, $0x318;
	v22 =	vmov s15;
	v20 =	vadd.s32 v6, v20;
	v23 =	vld [tilespmem:s8+$0x20];
	v21 =	vbroadcast v21, $0x0  }
0xa9: {  	v13 =	vbroadcast v13, $0x0;
	v22 =	vshrl.u32 v22, $0x3;
	v24 =	vld [tilespmem:s9+$0xFFFFFFC0];
	[tilespmem:v10+s31+$0x0] =	vst.idx.msk $0xffff, v18;
	v10 =	vadd.f32 v15, v14;
	s9 =	sadd.s32 $0x80, s9  }
0xaa: {  	s8 =	sadd.s32 $0x80, s8;
	v14 =	vshrl.u32 v19, $0x3;
	v15 =	vld [tilespmem:s9+$0x30];
	v18 =	vshll.u32 v22, v1;
	v19 =	vadd.s32 v7, v21  }
0xab: {  	s15 =	sadd.s32 $0x2, s10;
	v13 =	vadd.s32 v0, v13;
	v21 =	vld [tilespmem:s8+$0x30];
	v18 =	vbroadcast v18, $0x0;
	[tilespmem:v11+s31+$0x0] =	vst.idx.msk $0xffff, v10;
	v10 =	vadd.f32 v17, v12  }
0xac: {  	v14 =	vshll.u32 v14, v1;
	v12 =	vmov s10;
	v17 =	vmov s15;
	s15 =	sadd.s32 $0x3, s10;
	v11 =	vld [tilespmem:s8+$0xFFFFFFC0]  }
0xad: {  	v25 =	vmov s15;
	v22 =	vld [tilespmem:s9+$0xFFFFFFD0];
	v18 =	vadd.s32 v8, v18;
	[tilespmem:v20+s31+$0x0] =	vst.idx.msk $0xffff, v10;
	v10 =	vadd.f32 v23, v16  }
0xae: {  	v14 =	vbroadcast v14, $0x0;
	v17 =	vshrl.u32 v17, $0x3;
	v16 =	vld [tilespmem:s8+$0xFFFFFFD0];
	v26 =	vadd.f32 v9, v24  }
0xaf: {  	v12 =	vshrl.u32 v12, $0x3;
	v17 =	vshll.u32 v17, v1;
	v23 =	vshrl.u32 v25, $0x3;
	v20 =	vld [tilespmem:s9+$0xFFFFFFE0];
	[tilespmem:v19+s31+$0x0] =	vst.idx.msk $0xffff, v10  }
0xb0: {  	s16 =	sadd.s32 $0x5, s10;
	s15 =	sadd.s32 $0x4, s10;
	v19 =	vadd.s32 v2, v14;
	v10 =	vbroadcast v17, $0x0;
	v24 =	vld [tilespmem:s8+$0xFFFFFFE0];
	v14 =	vadd.f32 v21, v15;
	[tilespmem:v13+s31+$0x0] =	vst.idx.msk $0xffff, v26  }
0xb1: {  	v17 =	vmov s16;
	v13 =	vshll.u32 v23, v1;
	v15 =	vmov s15;
	v21 =	vld [tilespmem:s9+$0xFFFFFFF0];
	v9 =	vmovc v11  }
0xb2: {  	v23 =	vadd.s32 v3, v10;
	v10 =	vbroadcast v13, $0x0;
	v11 =	vshrl.u32 v15, $0x3;
	v25 =	vld [tilespmem:s8+$0xFFFFFFF0];
	[tilespmem:v18+s31+$0x0] =	vst.idx.msk $0xffff, v14  }
.Ltmp3:
0xb3: {  	v13 =	vshll.u32 v12, v1;
	v11 =	vshll.u32 v11, v1;
	v12 =	vadd.f32 v16, v22;
	v14 =	vld [tilespmem:s9+$0x0];
	(pc) =	sbr.rel @p1 .LBB2_5-.Ltmp3, $4  }
0xb4: {  	s15 =	sadd.s32 $0x6, s10;
	s10 =	smov.u32 s11;
	v10 =	vadd.s32 v4, v10;
	v11 =	vbroadcast v11, $0x0;
	v16 =	vshrl.u32 v17, $0x3;
	v15 =	vld [tilespmem:s8+$0x0]  }
0xb5: {  	v16 =	vshll.u32 v16, v1;
	[tilespmem:v19+s31+$0x0] =	vst.idx.msk $0xffff, v12;
	v18 =	vadd.f32 v24, v20;
	v12 =	vld [tilespmem:s9+$0x10];
	v19 =	vmov s15  }
0xb6: {  	s15 =	sadd.s32 $0x1, s11;
	v11 =	vadd.s32 v5, v11;
	v20 =	vbroadcast v16, $0x0;
	v17 =	vld [tilespmem:s8+$0x10];
	v22 =	vshrl.u32 v19, $0x3  }
0xb7: {  	s11 =	sadd.s32 $0x8, s11;
	v19 =	vmov s15;
	s15 =	sadd.s32 $0x7, s10;
	[tilespmem:v23+s31+$0x0] =	vst.idx.msk $0xffff, v18;
	v18 =	vadd.f32 v25, v21;
	v16 =	vld [tilespmem:s9+$0x20];
	v21 =	vshll.u32 v22, v1  }
0xb8: {  	v22 =	vld [tilespmem:s8+$0x20]  }
0xb9: {  	v23 =	vmov s15;
	v24 =	vld [tilespmem:s9+$0xFFFFFFC0];
	s9 =	sadd.s32 $0x80, s9  }
0xba: {  	v20 =	vadd.s32 v6, v20;
	v21 =	vbroadcast v21, $0x0;
	s8 =	sadd.s32 $0x80, s8;
	v13 =	vbroadcast v13, $0x0;
	v25 =	vld [tilespmem:s9+$0x30]  }
0xbb: {  	v19 =	vshrl.u32 v19, $0x3;
	s11 =	sadd.s32 $0x2, s10;
	v44 =	vmov s10;
	v23 =	vshrl.u32 v23, $0x3;
	v43 =	vld [tilespmem:s8+$0x30]  }
0xbc: {  	s16 =	sadd.s32 $0x3, s10;
	s15 =	sadd.s32 $0x4, s10;
	v14 =	vadd.f32 v15, v14;
	v26 =	vld [tilespmem:s8+$0xFFFFFFC0];
	v19 =	vshll.u32 v19, v1;
	v28 =	vmov s11  }
0xbd: {  	v27 =	vld [tilespmem:s9+$0xFFFFFFD0];
	v29 =	vmov s16;
	v32 =	vmov s15;
	v42 =	vshll.u32 v23, v1  }
0xbe: {  	v30 =	vld [tilespmem:s8+$0xFFFFFFD0];
	s16 =	sadd.s32 $0x5, s10;
	v21 =	vadd.s32 v7, v21;
	v13 =	vadd.s32 v0, v13;
	v45 =	vshrl.u32 v28, $0x3  }
0xbf: {  	v46 =	vld [tilespmem:s9+$0xFFFFFFE0];
	s15 =	sadd.s32 $0x6, s10;
	v19 =	vbroadcast v19, $0x0;
	v29 =	vshrl.u32 v29, $0x3;
	v33 =	vmov s16  }
0xc0: {  	v47 =	vld [tilespmem:s8+$0xFFFFFFE0];
	v50 =	vshrl.u32 v32, $0x3;
	v54 =	vmov s15;
	v15 =	vbroadcast v42, $0x0  }
0xc1: {  	v31 =	vld [tilespmem:s9+$0xFFFFFFF0];
	v12 =	vadd.f32 v17, v12;
	v17 =	vshrl.u32 v44, $0x3;
	v48 =	vshll.u32 v29, v1  }
0xc2: {  	v49 =	vld [tilespmem:s8+$0xFFFFFFF0];
	[tilespmem:v11+s31+$0x0] =	vst.idx.msk $0xffff, v14;
	v11 =	vshll.u32 v50, v1;
	v52 =	vshrl.u32 v33, $0x3;
	v57 =	vshrl.u32 v54, $0x3  }
0xc3: {  	v34 =	vld [tilespmem:s9+$0x0];
	[tilespmem:v10+s31+$0x0] =	vst.idx.msk $0xffff, v18;
	v19 =	vadd.s32 v2, v19;
	v10 =	vbroadcast v48, $0x0;
	v17 =	vshll.u32 v17, v1  }
0xc4: {  	v51 =	vld [tilespmem:s8+$0x0];
	v11 =	vbroadcast v11, $0x0;
	v55 =	vshll.u32 v52, v1;
	v15 =	vadd.s32 v8, v15  }
0xc5: {  	v53 =	vld [tilespmem:s9+$0x10];
	v16 =	vadd.f32 v22, v16;
	v9 =	vadd.f32 v9, v24;
	v22 =	vshll.u32 v45, v1  }
0xc6: {  	v56 =	vld [tilespmem:s8+$0x10];
	[tilespmem:v20+s31+$0x0] =	vst.idx.msk $0xffff, v12;
	v20 =	vshll.u32 v57, v1;
	v22 =	vbroadcast v22, $0x0;
	v10 =	vadd.s32 v4, v10  }
0xc7: {  	v58 =	vld [tilespmem:s9+$0x20];
	v12 =	vbroadcast v55, $0x0;
	v11 =	vadd.s32 v5, v11;
	[tilespmem:v13+s31+$0x0] =	vst.idx.msk $0xffff, v9;
	v9 =	vadd.f32 v30, v27  }
0xc8: {  	v59 =	vld [tilespmem:s8+$0x20];
	v23 =	vadd.f32 v43, v25;
	v20 =	vbroadcast v20, $0x0;
	[tilespmem:v21+s31+$0x0] =	vst.idx.msk $0xffff, v16;
	v22 =	vadd.s32 v3, v22  }
0xc9: {  	v61 =	vld [tilespmem:s9+$0xFFFFFFC0];
	v17 =	vbroadcast v17, $0x0;
	v12 =	vadd.s32 v6, v12;
	[tilespmem:v19+s31+$0x0] =	vst.idx.msk $0xffff, v9;
	v9 =	vadd.f32 v49, v31  }
0xca: {  	v63 =	vadd.f32 v51, v34;
	v62 =	vadd.s32 v7, v20;
	[tilespmem:v15+s31+$0x0] =	vst.idx.msk $0xffff, v23  }
0xcb: {  	v60 =	vadd.f32 v47, v46;
	v17 =	vadd.s32 v0, v17;
	[tilespmem:v10+s31+$0x0] =	vst.idx.msk $0xffff, v9  }
0xcc: {  	v9 =	vadd.f32 v56, v53;
	[tilespmem:v11+s31+$0x0] =	vst.idx.msk $0xffff, v63  }
.Ltmp4:
0xcd: {  	v10 =	vadd.f32 v59, v58;
	[tilespmem:v22+s31+$0x0] =	vst.idx.msk $0xffff, v60;
	(pc) =	sbr.rel @p2 .LBB2_8-.Ltmp4, $4  }
0xce: {  	s16 =	sadd.s32 s17, s13;
	[tilespmem:v12+s31+$0x0] =	vst.idx.msk $0xffff, v9;
	v9 =	vadd.f32 v26, v61  }
0xcf: {  	s8 =	sshrl.u32 s16, $0x3;
	[tilespmem:v62+s31+$0x0] =	vst.idx.msk $0xffff, v10  }
0xd0: {  	s8 =	sadd.s32 s7, s8;
	[tilespmem:v17+s31+$0x0] =	vst.idx.msk $0xffff, v9  }
0xd1: {  	[hbm4b:s8+s19] =	stream.strided.scatter [tilespmem:s31], [sflag:$0x6], $0x3200, s29, s19, $0x38;
	[tilespmem:$0x1FBD0] =	vst v63  }
0xd2: {  	s8 =	sadd.s32 s17, s14  }
.Ltmp5:
0xd3: {  	s8 =	sshrl.u32 s8, $0x3;
	(pc) =	sbr.rel .LBB2_2-.Ltmp5, $4  }
0xd4: {  	s9 =	sadd.s32 s5, s8  }
0xd5: {  	[tilespmem:s19], [sflag:$0x2] =	stream.linear.gather [hbm4b:s9+s2], $0x320, $0x38;
	[tilespmem:$0x1FBD0] =	vst v63  }
0xd6: {  	s3 =	sadd.s32 $0x1, s3;
	s8 =	sadd.s32 s6, s8  }
0xd7: {  	[tilespmem:s22], [sflag:$0x2] =	stream.linear.gather [hbm4b:s8+s2], $0x320, $0x38;
	[tilespmem:$0x1FBD0] =	vst v63  }
.LBB2_9:
0xd8: {  	_ =	sfence.sel $0x180000  }
0xd9: {  	[bflag:$0x0] =	sbarrier.arrive $0xFFFF  }
0xda: {  	_ =	strace $0x9000004A  }
0xdb: {  	[bflag:$0x2] =	sbarrier.arrive $0xFFFF  }
0xdc: {  	s0 =	rddreg [dreg:$0x2]  }
0xdd: {  	s0 =	sadd.s32 @!p0 $0x100000, s0  }
0xde: {  	[sflag:s0] =	ssyncadd.tile.s32 @!p0 $0x1;
	_ =	shalt  }
.Lfunc_end2:
_tile_overlayer_lowered:
.L_overlay_start_2:
0xdf: {  	(tag) =	ssettag $0x2  }
0xe0: {  	s0 =	rddreg [dreg:$0x0];
	s2 =	stileid.u32  }
0xe1: {  	s1 =	rddreg [dreg:$0x1];
	p0 =	sne.s32 s2, $0x0  }
0xe2: {  	s3 =	rddreg [dreg:$0x2];
	[bflag:$0x3] =	sbarrier.arrive $0xFFFF;
	s2 =	simm.s32 @!p0 $0x1C07  }
0xe3: {  	[timem:s3], [sflag:s2] =	dma.local @!p0 [hbm:s0], s1  }
0xe4: {  	s0 =	simm.s32 @!p0 $0x7  }
0xe5: {  	_ =	swait.ge @!p0 [sflag:s0], s1  }
0xe6: {  	s1 =	ssub.s32 @!p0 $0x0, s1;
	[sflag:s0] =	ssyncset.done @!p0 $0x0  }
0xe7: {  	[sflag:s0] =	ssyncadd.s32 @!p0 s1  }
0xe8: {  	[bflag:$0x3] =	sbarrier.arrive $0xFFFF  }
0xe9: {  	_ =	shalt  }

// kernel: kernel.16.cloned.1.call-start
scs
__scs_entry_jumppad:
0x0: {  	(pc) =	sbr.rel $0x88, $3  }
0x1: {  	(tag) =	ssettag $0x0;
	lr =	simm.s32 $0x1  }
0x2: {  	[smem:$0x3F96] =	sst lr;
	_ =	strace $0xD0000000  }
0x3: {  	_ = 	snop  }
0x4: {  	_ = 	snop  }
0x5: {  	_ = 	snop  }
0x6: {  	_ = 	snop  }
0x7: {  	_ = 	snop  }
__scs_overlays_trampoline_lowered:
0x8: {  	[smem:$0x3FA5] =	sst s0  }
0x9: {  	[smem:$0x3FA6] =	sst s1  }
0xa: {  	[smem:$0x3FA7] =	sst s2  }
0xb: {  	[smem:$0x3FA8] =	sst s3  }
0xc: {  	[smem:$0x3FA9] =	sst s4  }
0xd: {  	[smem:$0x3FAA] =	sst s5  }
0xe: {  	[smem:$0x3FAB] =	sst s6  }
0xf: {  	[smem:$0x3FAC] =	sst s7  }
0x10: {  	[smem:$0x3FAD] =	sst s8  }
0x11: {  	[smem:$0x3FAE] =	sst s9;
	s0 =	simm.s32 @!p0 $0x0  }
0x12: {  	s1 =	sld [smem:$0x3F94];
	s0 =	simm.s32 @p0 $0x1  }
0x13: {  	[smem:$0x3FAF] =	sst s0;
	s0 =	simm.s32 @!p1 $0x0  }
0x14: {  	s2 =	sld [smem:$0x3F93];
	s0 =	simm.s32 @p1 $0x1  }
0x15: {  	[smem:$0x3FB0] =	sst s0;
	s0 =	simm.s32 @!p2 $0x0  }
0x16: {  	s3 =	sld [smem:$0x3FDB];
	s0 =	simm.s32 @p2 $0x1  }
0x17: {  	s4 =	simm.s32 $0x1BF5;
	[smem:$0x3FB2] =	sst s0  }
0x18: {  	s0 =	sld [smem:$0x3F95];
	_ =	swait.ge [sflag:s4], $0x0  }
0x19: {  	s7 =	sld [smem:$0x3F96]  }
0x1a: {  	s8 =	sadd.s32 $0xFFFFE003, lr  }
0x1b: {  	s9 =	sadd.s32 $0xFFFFFEF7, lr;
	s5 =	simm.s32 $0xFFFFFFFF;
	p2 =	slt.u32 s8, $0xFFFFF086  }
0x1c: {  	p1 =	slt.u32 s9, $0xF7A;
	s5 =	simm.s32 @!p2 $0x0  }
0x1d: {  	s5 =	simm.s32 @p1 $0x1;
	p0 =	seq.s32 s7, s2  }
0x1e: {  	s7 =	smul.u32 @!p0 $0xF7A, s2;
	p2 =	seq.s32 @!p0 s5, $0x0  }
0x1f: {  	s9 =	smul.u32 $0xF7A, s1;
	s8 =	simm.s32 @!p0 $0x1BF5;
	p2 =	por !p2, p0  }
0x20: {  	[sflag:s8] =	ssyncset.s32 @!p0 $0xFFFFF086;
	s6 =	sadd.s32 @!p0 s3, s7;
	s7 =	simm.s32 @!p0 $0x108  }
0x21: {  	s3 =	sadd.s32 s3, s9;
	s6 =	sadd.s32 @!p0 $0x88, s6;
	s7 =	simm.s32 @p2 $0x1082  }
0x22: {  	[simem:s7], [sflag:s8] =	dma.local @!p0 [hbm:s6], $0xF7A  }
0x23: {  	s9 =	sor.u32 $0xD0000000, s2;
	s6 =	simm.s32 $0x108;
	_ =	swait.ge @!p0 [sflag:s8], $0x0  }
0x24: {  	s3 =	sadd.s32 $0x88, s3;
	s6 =	simm.s32 @!p1 $0x1082;
	[sflag:s4] =	ssyncset.s32 $0xFFFFF086  }
0x25: {  	[simem:s6], [sflag:s4] =	dma.local [hbm:s3], $0xF7A  }
0x26: {  	[smem:$0x3F96] =	sst s1;
	(tag) =	ssettag s2;
	_ =	strace s9  }
0x27: {  	s1 =	sld [smem:$0x3FA6]  }
0x28: {  	s2 =	sld [smem:$0x3FA7]  }
0x29: {  	s4 =	sld [smem:$0x3FA9]  }
0x2a: {  	p0 =	seq.s32 s5, $0x0;
	s5 =	sld [smem:$0x3FAA]  }
0x2b: {  	s6 =	sld [smem:$0x3FAB]  }
0x2c: {  	s7 =	sld [smem:$0x3FAC]  }
0x2d: {  	s3 =	simm.s32 $0x108;
	s8 =	sld [smem:$0x3FAD]  }
0x2e: {  	s3 =	simm.s32 @!p0 $0x1082;
	s9 =	sld [smem:$0x3FAE]  }
0x2f: {  	lr =	sadd.s32 s0, s3;
	s0 =	sld [smem:$0x3FA5]  }
0x30: {  	s3 =	sld [smem:$0x3FA8]  }
0x31: {  	[smem:$0x3FB1] =	sst s10  }
0x32: {  	s10 =	sld [smem:$0x3FAF];
	_ =	sdelay $0x3  }
0x33: {  	p0 =	seq.s32 s10, $0x1;
	s10 =	sld [smem:$0x3FB1];
	_ =	sdelay $0x3  }
0x34: {  	[smem:$0x3FB1] =	sst s10  }
0x35: {  	s10 =	sld [smem:$0x3FB0];
	_ =	sdelay $0x3  }
0x36: {  	p1 =	seq.s32 s10, $0x1;
	s10 =	sld [smem:$0x3FB1];
	_ =	sdelay $0x3  }
0x37: {  	[smem:$0x3FB1] =	sst s10  }
0x38: {  	s10 =	sld [smem:$0x3FB2]  }
0x39: {  	_ = 	snop;
	(pc) =	sbr.ind lr, $3  }
0x3a: {  	_ = 	snop  }
0x3b: {  	_ = 	snop  }
0x3c: {  	p2 =	seq.s32 s10, $0x1;
	s10 =	sld [smem:$0x3FB1]  }
0x3d: {  	_ =	shalt  }
0x3e: {  	_ =	shalt  }
0x3f: {  	_ =	shalt  }
0x40: {  	_ =	shalt  }
0x41: {  	_ =	shalt  }
0x42: {  	_ =	shalt  }
0x43: {  	_ =	shalt  }
0x44: {  	_ =	shalt  }
0x45: {  	_ =	shalt  }
0x46: {  	_ =	shalt  }
0x47: {  	_ =	shalt  }
0x48: {  	_ =	shalt  }
0x49: {  	_ =	shalt  }
0x4a: {  	_ =	shalt  }
0x4b: {  	_ =	shalt  }
0x4c: {  	_ =	shalt  }
0x4d: {  	_ =	shalt  }
0x4e: {  	_ =	shalt  }
0x4f: {  	_ =	shalt  }
0x50: {  	_ =	shalt  }
0x51: {  	_ =	shalt  }
0x52: {  	_ =	shalt  }
0x53: {  	_ =	shalt  }
0x54: {  	_ =	shalt  }
0x55: {  	_ =	shalt  }
0x56: {  	_ =	shalt  }
0x57: {  	_ =	shalt  }
0x58: {  	_ =	shalt  }
0x59: {  	_ =	shalt  }
0x5a: {  	_ =	shalt  }
0x5b: {  	_ =	shalt  }
0x5c: {  	_ =	shalt  }
0x5d: {  	_ =	shalt  }
0x5e: {  	_ =	shalt  }
0x5f: {  	_ =	shalt  }
0x60: {  	_ =	shalt  }
0x61: {  	_ =	shalt  }
0x62: {  	_ =	shalt  }
0x63: {  	_ =	shalt  }
0x64: {  	_ =	shalt  }
0x65: {  	_ =	shalt  }
0x66: {  	_ =	shalt  }
0x67: {  	_ =	shalt  }
0x68: {  	_ =	shalt  }
0x69: {  	_ =	shalt  }
0x6a: {  	_ =	shalt  }
0x6b: {  	_ =	shalt  }
0x6c: {  	_ =	shalt  }
0x6d: {  	_ =	shalt  }
0x6e: {  	_ =	shalt  }
0x6f: {  	_ =	shalt  }
0x70: {  	_ =	shalt  }
0x71: {  	_ =	shalt  }
0x72: {  	_ =	shalt  }
0x73: {  	_ =	shalt  }
0x74: {  	_ =	shalt  }
0x75: {  	_ =	shalt  }
0x76: {  	_ =	shalt  }
0x77: {  	_ =	shalt  }
0x78: {  	_ =	shalt  }
0x79: {  	_ =	shalt  }
0x7a: {  	_ =	shalt  }
0x7b: {  	_ =	shalt  }
0x7c: {  	_ =	shalt  }
0x7d: {  	_ =	shalt  }
0x7e: {  	_ =	shalt  }
0x7f: {  	_ =	shalt  }
0x80: {  	_ =	shalt  }
0x81: {  	_ =	shalt  }
0x82: {  	_ =	shalt  }
0x83: {  	_ =	shalt  }
0x84: {  	_ =	shalt  }
0x85: {  	_ =	shalt  }
0x86: {  	_ =	shalt  }
0x87: {  	_ =	shalt  }
.Lfunc_end0:
.L_simem_size_0:
called_computation.2_lowered:
.L_overlay_start_0:
0x88: {  	s2 =	sld [smem:$0x3FD9]  }
0x89: {  	s3 =	sld [smem:$0x3FFE];
	_ =	sdelay $0x1  }
0x8a: {  	s1 =	srdreg.scid  }
0x8b: {  	s0 =	sand.u32 $0x1, s1  }
0x8c: {  	s17 =	sshll.u32 s0, $0xA;
	s2 =	sadd.s32 s3, s2  }
0x8d: {  	s2 =	sadd.s32 s2, s17  }
0x8e: {  	[smem:$0x3FBD] =	sst s2  }
0x8f: {  	_ = 	snop  }
0x90: {  	(tm) =	ssettm $0x1  }
0x91: {  	s18 =	sld [smem:$0x3FFB];
	_ =	sdelay $0x3  }
0x92: {  	_ =	strace s18  }
0x93: {  	s2 =	sld [smem:$0x3FFC];
	_ =	sdelay $0x3  }
0x94: {  	_ =	strace s2  }
0x95: {  	s2 =	sld [smem:$0x3FFD];
	_ =	sdelay $0x3  }
0x96: {  	_ =	strace s2  }
0x97: {  	_ =	strace $0x8FFFFFFF  }
0x98: {  	s19 =	sld [smem:$0x3FDB];
	_ =	sdelay $0x1  }
0x99: {  	s20 =	simm.s32 $_scs_section_size  }
0x9a: {  	s4 =	simm.s32 $_size__tile_overlayer_lowered;
	s5 =	simm.s32 $_tile_overlayer_lowered  }
0x9b: {  	s6 =	simm.s32 $0x1BFF;
	s21 =	sshll.u32 s5, $0x1;
	s3 =	sadd.s32 s20, s19  }
0x9c: {  	s22 =	simm.s32 $0x0;
	s4 =	sshll.u32 s4, $0x1;
	s5 =	sadd.s32 s21, s3  }
0x9d: {  	[timem:s22], [sflag:s6] =	dma.local [hbm:s5], s4  }
0x9e: {  	_ =	swait.ge [sflag:s6], s4  }
0x9f: {  	s4 =	ssub.s32 $0x0, s4;
	[sflag:s6] =	ssyncset.done $0x0  }
0xa0: {  	[sflag:s6] =	ssyncadd.s32 s4;
	_ =	sdelay $0x1  }
0xa1: {  	s23 =	simm.s32 $0x1B8B  }
0xa2: {  	_ =	swait.ge [sflag:s23], $0x1  }
0xa3: {  	[sflag:s23] =	ssyncset.done $0x0  }
0xa4: {  	[sflag:s23] =	ssyncadd.s32 $0xFFFFFFFF  }
0xa5: {  	s4 =	sld [smem:$0x0]  }
0xa6: {  	s5 =	sand.u32 $0xFFFFFFFE, s1  }
0xa7: {  	p0 =	sne.s32 s1, s5  }
0xa8: {  	s5 =	sshll.u32 @p0 s5, $0xE  }
0xa9: {  	s5 =	sadd.s32 @p0 $0x11B8D, s5;
	s6 =	sshll.u32 @p0 s4, $0x11  }
0xaa: {  	s5 =	sor.u32 @p0 s6, s5  }
0xab: {  	[sflag:s5] =	ssyncadd.remote.s32 @p0 $0x1;
	_ =	sdelay $0x1  }
0xac: {  	s5 =	simm.s32 @p0 $0x1B8D  }
0xad: {  	_ =	swait.eq @p0 [sflag:s5], $0x1  }
0xae: {  	[sflag:s5] =	ssyncadd.s32 @p0 $0xFFFFFFFF  }
0xaf: {  	s6 =	sshll.u32 @!p0 s1, $0xE  }
0xb0: {  	s6 =	sor.u32 @!p0 $0x4000, s6;
	s5 =	simm.s32 @!p0 $0x1B8D  }
0xb1: {  	s4 =	sshll.u32 @!p0 s4, $0x11;
	s6 =	sadd.s32 @!p0 $0x11B8D, s6;
	_ =	swait.eq @!p0 [sflag:s5], $0x1  }
0xb2: {  	s4 =	sor.u32 @!p0 s4, s6;
	[sflag:s5] =	ssyncadd.s32 @!p0 $0xFFFFFFFF  }
0xb3: {  	s25 =	simm.s32 $0x1B8E;
	s24 =	sld [smem:$0x3FFE];
	[sflag:s4] =	ssyncadd.remote.s32 @!p0 $0x1  }
0xb4: {  	s26 =	simm.s32 $execute0_lowered;
	[smem:$0x3FD2] =	sst s25  }
0xb5: {  	s5 =	sshll.u32 s26, $0x1;
	_ =	strace $0x8000004C;
	[dreg:$0x1] =	wrdreg $0xFFFFFFFF  }
0xb6: {  	s28 =	simm.s32 $_size_execute0_lowered;
	s3 =	sadd.s32 s3, s5;
	[dreg:$0x0] =	wrdreg $0x0  }
0xb7: {  	s5 =	sshll.u32 s28, $0x1;
	[dreg:$0x2] =	wrdreg s3  }
0xb8: {  	[dreg:$0x3] =	wrdreg s5  }
0xb9: {  	[dreg:$0x4] =	wrdreg $0xC0  }
0xba: {  	_ =	task [dreg:s22], $0x5FFFF  }
0xbb: {  	[dreg:$0x1] =	wrdreg $0xFFFFFFFF  }
0xbc: {  	[dreg:$0x0] =	wrdreg $0x60  }
0xbd: {  	[dreg:$0x2] =	wrdreg s24  }
0xbe: {  	[dreg:$0x3] =	wrdreg $0x138800  }
0xbf: {  	[dreg:$0x4] =	wrdreg $0xB  }
0xc0: {  	_ =	task.clear_ibuf [dreg:s22], $0x5FFFF;
	_ =	strace $0x9000004C  }
0xc1: {  	s29 =	simm.s32 $0xB;
	_ =	strace $0x8000004E  }
0xc2: {  	_ =	swait.ge [sflag:s29], $0x1  }
0xc3: {  	[sflag:s29] =	ssyncadd.s32 $0xFFFFFFFF  }
0xc4: {  	_ =	strace $0x9000004E  }
0xc5: {  	_ =	sfence  }
0xc6: {  	s30 =	sld [smem:$0x0];
	_ =	sdelay $0x2  }
0xc7: {  	s31 =	sshll.u32 s1, $0xD;
	s1 =	sshrl.u32 s1, $0x2  }
0xc8: {  	s4 =	sand.u32 $0x4000, s31;
	s1 =	sadd.s32 s1, s30  }
0xc9: {  	s0 =	sor.u32 s4, s0;
	s1 =	sshll.u32 s1, $0x11  }
0xca: {  	s0 =	sor.u32 s1, s0  }
0xcb: {  	s0 =	sadd.s32 $0x8F2B, s0  }
0xcc: {  	[sflag:s0] =	ssyncadd.remote.s32 $0x1  }
0xcd: {  	_ =	sfence.sel $0xFFFF  }
0xce: {  	[dreg:$0x0] =	wrdreg $0xFFFFFFFF;
	(pc) =	sbr.abs _section_cstart, $3  }
0xcf: {  	[dreg:$0x1] =	wrdreg $0xFFFFFFFF  }
0xd0: {  	_ =	task.clear_ibuf [dreg:s22], $0x2FFFF;
	_ =	strace $0x9FFFFFFF  }
0xd1: {  	(tm) =	ssettm $0x7FFFFFFF  }
tec
execute0_lowered:
.L_overlay_start_1:
0x0: {  	(tag) =	ssettag $0x1  }
0x1: {  	s0 =	rddreg [dreg:$0x0]  }
0x2: {  	s1 =	rddreg [dreg:$0x1]  }
0x3: {  	s3 =	srdreg.scid;
	s8 =	stileid.u32;
	s2 =	simm.s32 $0x0  }
0x4: {  	s18 =	simm.s32 $0x1;
	s19 =	simm.s32 $0x320;
	s22 =	simm.s32 $0x960  }
0x5: {  	s28 =	simm.s32 $0xD480;
	s29 =	simm.s32 $0x32000;
	s30 =	simm.s32 $0x4  }
0x6: {  	s31 =	simm.s32 $0x10680;
	s20 =	simm.s32 $0x6;
	s21 =	simm.s32 $0x0  }
0x7: {  	s3 =	sand.u32 $0x1, s3;
	s4 =	sshll.u32 s8, $0x1;
	[smem:$0x7FF] =	sst s2  }
0x8: {  	s5 =	sadd.s32 $0x34200, s0;
	s6 =	sadd.s32 $0x2200, s0;
	s7 =	sadd.s32 $0xB0A00, s0  }
0x9: {  	p0 =	sne.s32 s8, $0x0;
	s4 =	sor.u32 s3, s4;
	s3 =	ssub.s32 $0x2, s3  }
0xa: {  	_ =	strace $0x8000004D;
	s4 =	smul.u32 $0x1900, s4;
	s23 =	sshrl.u32 s3, $0x1  }
0xb: {  	[dreg:$0x3] =	wrdreg s5;
	s5 =	sadd.s32 $0x1B200, s0;
	s0 =	ssub.s32 s3, s23  }
0xc: {  	s23 =	simm.s32 $0x2;
	s9 =	sshrl.u32 s4, $0x3;
	s12 =	sadd.s32 $0x64640, s4  }
0xd: {  	s13 =	sadd.s32 $0x320, s4;
	s14 =	sadd.s32 $0x64960, s4;
	s0 =	smax.u32 s0, $0x1  }
0xe: {  	v0 =	vlaneseq.u32;
	s24 =	sadd.s32 $0xC800, s9;
	[dreg:$0x8] =	wrdreg s0;
	s0 =	sshrl.u32 @!p0 s1, $0x3  }
.Ltmp0:
0xf: {  	v0 =	vmul.u32 $0x320, v0;
	s10 =	sadd.s32 s5, s24;
	[dreg:$0x9] =	wrdreg s0;
	(pc) =	sbr.rel .LBB2_1-.Ltmp0, $4  }
0x10: {  	v1 =	vimm.s32 $0x0;
	vm0 =	vcmask $0x300;
	s9 =	sadd.s32 $0xC864, s9;
	s3 =	sadd.s32 s6, s24;
	[dreg:$0x4] =	wrdreg s10  }
0x11: {  	v1 =	vsel vm0, $0x3, v1;
	v2 =	vor.u32 $0x1, v0;
	s25 =	sadd.s32 s5, s9;
	s26 =	sadd.s32 s6, s9;
	[dreg:$0x5] =	wrdreg s3  }
0x12: {  	v3 =	vor.u32 $0x2, v0;
	v4 =	vor.u32 $0x3, v0;
	v5 =	vor.u32 $0x4, v0;
	s24 =	simm.s32 $0x3E80;
	s0 =	simm.s32 $0x5;
	[dreg:$0x6] =	wrdreg s25  }
0x13: {  	v6 =	vor.u32 $0x5, v0;
	v7 =	vor.u32 $0x6, v0;
	v8 =	vor.u32 $0x7, v0;
	[dreg:$0x7] =	wrdreg s26;
	s25 =	simm.s32 $0xA280;
	s26 =	simm.s32 $0x3  }
.LBB2_8:
0x14: {  	_ =	swait.ge [sflag:s0], $0x3200  }
0x15: {  	[sflag:s0] =	ssyncset.done $0x0  }
0x16: {  	[sflag:s0] =	ssyncadd.s32 $0xFFFFCE00  }
0x17: {  	_ =	swait.ge [sflag:s20], $0x3200  }
0x18: {  	s21 =	sadd.s32 $0x1, s21;
	s3 =	rddreg [dreg:$0x8]  }
0x19: {  	p1 =	sne.s32 s21, s3  }
.Ltmp1:
0x1a: {  	_ = 	snop;
	(pc) =	sbr.rel @!p1 .LBB2_9-.Ltmp1, $3  }
0x1b: {  	_ =	sdelay $0x1  }
0x1c: {  	[sflag:s20] =	ssyncset.done $0x0  }
0x1d: {  	[sflag:s20] =	ssyncadd.s32 $0xFFFFCE00  }
.LBB2_1:
0x1e: {  	s8 =	rddreg [dreg:$0x3]  }
0x1f: {  	s3 =	simm.s32 @!p0 $0x1C07;
	s9 =	rddreg [dreg:$0x9]  }
0x20: {  	[spmem:s9], [sflag:s3] =	dma.local @!p0 [hbm:s8], $0x186A0  }
0x21: {  	s3 =	simm.s32 @!p0 $0x7  }
0x22: {  	_ =	swait.ge @!p0 [sflag:s3], $0x186A0  }
0x23: {  	[sflag:s3] =	ssyncset.done @!p0 $0x0  }
0x24: {  	[sflag:s3] =	ssyncadd.s32 @!p0 $0xFFFE7960  }
0x25: {  	[bflag:$0x0] =	sbarrier.arrive $0xFFFF  }
0x26: {  	s8 =	rddreg [dreg:$0x4]  }
0x27: {  	[tilespmem:s2], [sflag:$0x1] =	stream.linear.gather [hbm4b:s8+s2], $0x320, $0x38;
	[tilespmem:$0x1FBD0] =	vst v63  }
0x28: {  	s10 =	simm.s32 $0x640;
	s9 =	rddreg [dreg:$0x5]  }
0x29: {  	[tilespmem:s10], [sflag:$0x1] =	stream.linear.gather [hbm4b:s9+s2], $0x320, $0x38;
	[tilespmem:$0x1FBD0] =	vst v63  }
0x2a: {  	_ =	swait.ge [sflag:s18], $0x320  }
0x2b: {  	[sflag:s18] =	ssyncset.done $0x0  }
0x2c: {  	[sflag:s18] =	ssyncadd.s32 $0xFFFFFCE0  }
0x2d: {  	_ =	swait.ge [sflag:s18], $0x320  }
0x2e: {  	[sflag:s18] =	ssyncset.done $0x0  }
0x2f: {  	s11 =	simm.s32 $0xC80;
	[sflag:s18] =	ssyncadd.s32 $0xFFFFFCE0  }
0x30: {  	[tilespmem:s11], [sflag:$0x3] =	stream.indirect.gather [spmem:s1], $0x10, s2, s19, $0xb8;
	[tilespmem:$0x1FBD0] =	vst v63  }
0x31: {  	s15 =	simm.s32 $0x7080  }
0x32: {  	[tilespmem:s15], [sflag:$0x3] =	stream.indirect.gather [spmem:s1], $0x10, s10, s19, $0xb8;
	[tilespmem:$0x1FBD0] =	vst v63  }
0x33: {  	s16 =	rddreg [dreg:$0x6]  }
0x34: {  	[tilespmem:s19], [sflag:$0x2] =	stream.linear.gather [hbm4b:s16+s2], $0x320, $0x38;
	[tilespmem:$0x1FBD0] =	vst v63  }
0x35: {  	s3 =	simm.s32 $0x0;
	s17 =	rddreg [dreg:$0x7]  }
0x36: {  	[tilespmem:s22], [sflag:$0x2] =	stream.linear.gather [hbm4b:s17+s2], $0x320, $0x38;
	[tilespmem:$0x1FBD0] =	vst v63  }
.LBB2_2:
0x37: {  	_ =	swait.ge [sflag:s23], $0x320  }
0x38: {  	[sflag:s23] =	ssyncset.done $0x0  }
0x39: {  	[sflag:s23] =	ssyncadd.s32 $0xFFFFFCE0  }
0x3a: {  	_ =	swait.ge [sflag:s23], $0x320  }
0x3b: {  	[sflag:s23] =	ssyncset.done $0x0  }
0x3c: {  	[sflag:s23] =	ssyncadd.s32 $0xFFFFFCE0  }
0x3d: {  	[tilespmem:s24], [sflag:$0x4] =	stream.indirect.gather [spmem:s1], $0x10, s19, s19, $0xb8;
	[tilespmem:$0x1FBD0] =	vst v63  }
0x3e: {  	_ = 	snop  }
0x3f: {  	[tilespmem:s25], [sflag:$0x4] =	stream.indirect.gather [spmem:s1], $0x10, s22, s19, $0xb8;
	[tilespmem:$0x1FBD0] =	vst v63  }
0x40: {  	_ =	swait.ge [sflag:s26], $0x3200  }
0x41: {  	[sflag:s26] =	ssyncset.done $0x0  }
0x42: {  	[sflag:s26] =	ssyncadd.s32 $0xFFFFCE00  }
0x43: {  	_ =	swait.ge [sflag:s26], $0x3200  }
0x44: {  	p1 =	seq.s32 s3, $0x0;
	[sflag:s26] =	ssyncset.done $0x0  }
0x45: {  	s8 =	simm.s32 @!p1 $0x5;
	[sflag:s26] =	ssyncadd.s32 $0xFFFFCE00  }
0x46: {  	_ =	swait.ge @!p1 [sflag:s8], $0x3200  }
0x47: {  	s9 =	simm.s32 $0x7;
	[sflag:s8] =	ssyncset.done @!p1 $0x0  }
0x48: {  	v9 =	vmov s9;
	[sflag:s8] =	ssyncadd.s32 @!p1 $0xFFFFCE00;
	s8 =	simm.s32 $0xCC0  }
0x49: {  	s17 =	simm.s32 $0x70C0;
	s11 =	simm.s32 $0x1;
	v9 =	vshrl.u32 v9, $0x3;
	v10 =	vld [tilespmem:s8+$0x30]  }
0x4a: {  	s10 =	simm.s32 $0x0;
	v11 =	vmov s11;
	v9 =	vshll.u32 v9, v1;
	v12 =	vld [tilespmem:s17+$0x30]  }
0x4b: {  	s15 =	simm.s32 $0x2;
	s16 =	simm.s32 $0x3;
	v14 =	vmov s10;
	v11 =	vshrl.u32 v11, $0x3;
	v13 =	vbroadcast v9, $0x0;
	v9 =	vld [tilespmem:s17+$0xFFFFFFC0]  }
0x4c: {  	v15 =	vmov s15;
	v17 =	vmov s16;
	v11 =	vshll.u32 v11, v1;
	v16 =	vld [tilespmem:s8+$0xFFFFFFD0]  }
0x4d: {  	s11 =	simm.s32 $0x5;
	v11 =	vbroadcast v11, $0x0;
	v18 =	vadd.s32 v8, v13;
	v13 =	vshrl.u32 v15, $0x3;
	v19 =	vld [tilespmem:s17+$0xFFFFFFD0]  }
0x4e: {  	v14 =	vshrl.u32 v14, $0x3;
	v22 =	vmov s11;
	v13 =	vshll.u32 v13, v1;
	v20 =	vld [tilespmem:s8+$0xFFFFFFE0]  }
0x4f: {  	s10 =	simm.s32 $0x4;
	v15 =	vshrl.u32 v17, $0x3;
	v11 =	vadd.s32 v2, v11;
	v13 =	vbroadcast v13, $0x0;
	v17 =	vld [tilespmem:s17+$0xFFFFFFE0]  }
0x50: {  	v21 =	vld [tilespmem:s8+$0xFFFFFFF0];
	v12 =	vadd.f32 v12, v10;
	v10 =	vshll.u32 v15, v1;
	v15 =	vmov s10  }
0x51: {  	v23 =	vadd.s32 v3, v13;
	v24 =	vld [tilespmem:s17+$0xFFFFFFF0];
	v10 =	vbroadcast v10, $0x0;
	v15 =	vshrl.u32 v15, $0x3  }
0x52: {  	v13 =	vshll.u32 v14, v1;
	v14 =	vld [tilespmem:s8+$0x0];
	v16 =	vadd.f32 v19, v16;
	v19 =	vshll.u32 v15, v1  }
0x53: {  	s15 =	simm.s32 $0x6;
	v22 =	vshrl.u32 v22, $0x3;
	v15 =	vld [tilespmem:s17+$0x0];
	v10 =	vadd.s32 v4, v10;
	v19 =	vbroadcast v19, $0x0  }
0x54: {  	[tilespmem:v18+s28+$0x0] =	vst.idx.msk $0xffff, v12;
	v18 =	vadd.f32 v17, v20;
	v12 =	vld [tilespmem:s8+$0x10];
	v20 =	vshll.u32 v22, v1;
	v22 =	vmov s15  }
0x55: {  	s16 =	simm.s32 $0x9;
	[tilespmem:v11+s28+$0x0] =	vst.idx.msk $0xffff, v16;
	v17 =	vld [tilespmem:s17+$0x10];
	v20 =	vbroadcast v20, $0x0;
	v22 =	vshrl.u32 v22, $0x3;
	v11 =	vadd.s32 v5, v19  }
0x56: {  	s9 =	simm.s32 $0x8;
	s11 =	simm.s32 $0xF;
	s10 =	simm.s32 $0x10;
	v16 =	vld [tilespmem:s8+$0x20];
	[tilespmem:v23+s28+$0x0] =	vst.idx.msk $0xffff, v18;
	v18 =	vadd.f32 v24, v21;
	v21 =	vshll.u32 v22, v1;
	v19 =	vmov s16  }
.LBB2_3:
0x57: {  	p2 =	slt.u32 s10, $0x318;
	v22 =	vmov s11;
	v20 =	vadd.s32 v6, v20;
	v23 =	vld [tilespmem:s17+$0x20];
	v21 =	vbroadcast v21, $0x0  }
0x58: {  	v13 =	vbroadcast v13, $0x0;
	v22 =	vshrl.u32 v22, $0x3;
	v24 =	vld [tilespmem:s8+$0xFFFFFFC0];
	[tilespmem:v10+s28+$0x0] =	vst.idx.msk $0xffff, v18;
	v10 =	vadd.f32 v15, v14;
	s8 =	sadd.s32 $0x80, s8  }
0x59: {  	s17 =	sadd.s32 $0x80, s17;
	v14 =	vshrl.u32 v19, $0x3;
	v15 =	vld [tilespmem:s8+$0x30];
	v18 =	vshll.u32 v22, v1;
	v19 =	vadd.s32 v7, v21  }
0x5a: {  	s11 =	sadd.s32 $0x2, s9;
	v13 =	vadd.s32 v0, v13;
	v21 =	vld [tilespmem:s17+$0x30];
	v18 =	vbroadcast v18, $0x0;
	[tilespmem:v11+s28+$0x0] =	vst.idx.msk $0xffff, v10;
	v10 =	vadd.f32 v17, v12  }
0x5b: {  	v14 =	vshll.u32 v14, v1;
	v12 =	vmov s9;
	v17 =	vmov s11;
	s11 =	sadd.s32 $0x3, s9;
	v11 =	vld [tilespmem:s17+$0xFFFFFFC0]  }
0x5c: {  	v25 =	vmov s11;
	v22 =	vld [tilespmem:s8+$0xFFFFFFD0];
	v18 =	vadd.s32 v8, v18;
	[tilespmem:v20+s28+$0x0] =	vst.idx.msk $0xffff, v10;
	v10 =	vadd.f32 v23, v16  }
0x5d: {  	v14 =	vbroadcast v14, $0x0;
	v17 =	vshrl.u32 v17, $0x3;
	v16 =	vld [tilespmem:s17+$0xFFFFFFD0];
	v26 =	vadd.f32 v9, v24  }
0x5e: {  	v12 =	vshrl.u32 v12, $0x3;
	v17 =	vshll.u32 v17, v1;
	v23 =	vshrl.u32 v25, $0x3;
	v20 =	vld [tilespmem:s8+$0xFFFFFFE0];
	[tilespmem:v19+s28+$0x0] =	vst.idx.msk $0xffff, v10  }
0x5f: {  	s15 =	sadd.s32 $0x5, s9;
	s11 =	sadd.s32 $0x4, s9;
	v19 =	vadd.s32 v2, v14;
	v10 =	vbroadcast v17, $0x0;
	v24 =	vld [tilespmem:s17+$0xFFFFFFE0];
	v14 =	vadd.f32 v21, v15;
	[tilespmem:v13+s28+$0x0] =	vst.idx.msk $0xffff, v26  }
0x60: {  	v17 =	vmov s15;
	v13 =	vshll.u32 v23, v1;
	v15 =	vmov s11;
	v21 =	vld [tilespmem:s8+$0xFFFFFFF0];
	v9 =	vmovc v11  }
0x61: {  	v23 =	vadd.s32 v3, v10;
	v10 =	vbroadcast v13, $0x0;
	v11 =	vshrl.u32 v15, $0x3;
	v25 =	vld [tilespmem:s17+$0xFFFFFFF0];
	[tilespmem:v18+s28+$0x0] =	vst.idx.msk $0xffff, v14  }
.Ltmp2:
0x62: {  	v13 =	vshll.u32 v12, v1;
	v11 =	vshll.u32 v11, v1;
	v12 =	vadd.f32 v16, v22;
	v14 =	vld [tilespmem:s8+$0x0];
	(pc) =	sbr.rel @p2 .LBB2_3-.Ltmp2, $4  }
0x63: {  	s11 =	sadd.s32 $0x6, s9;
	s9 =	smov.u32 s10;
	v10 =	vadd.s32 v4, v10;
	v11 =	vbroadcast v11, $0x0;
	v16 =	vshrl.u32 v17, $0x3;
	v15 =	vld [tilespmem:s17+$0x0]  }
0x64: {  	v16 =	vshll.u32 v16, v1;
	[tilespmem:v19+s28+$0x0] =	vst.idx.msk $0xffff, v12;
	v18 =	vadd.f32 v24, v20;
	v12 =	vld [tilespmem:s8+$0x10];
	v19 =	vmov s11  }
0x65: {  	s11 =	sadd.s32 $0x1, s10;
	v11 =	vadd.s32 v5, v11;
	v20 =	vbroadcast v16, $0x0;
	v17 =	vld [tilespmem:s17+$0x10];
	v22 =	vshrl.u32 v19, $0x3  }
0x66: {  	s10 =	sadd.s32 $0x8, s10;
	v19 =	vmov s11;
	s11 =	sadd.s32 $0x7, s9;
	[tilespmem:v23+s28+$0x0] =	vst.idx.msk $0xffff, v18;
	v18 =	vadd.f32 v25, v21;
	v16 =	vld [tilespmem:s8+$0x20];
	v21 =	vshll.u32 v22, v1  }
0x67: {  	v22 =	vld [tilespmem:s17+$0x20]  }
0x68: {  	v23 =	vmov s11;
	v24 =	vld [tilespmem:s8+$0xFFFFFFC0];
	s8 =	sadd.s32 $0x80, s8  }
0x69: {  	v20 =	vadd.s32 v6, v20;
	v21 =	vbroadcast v21, $0x0;
	s10 =	sadd.s32 $0x80, s17;
	v13 =	vbroadcast v13, $0x0;
	v25 =	vld [tilespmem:s8+$0x30]  }
0x6a: {  	v19 =	vshrl.u32 v19, $0x3;
	s17 =	sadd.s32 $0x2, s9;
	s15 =	sadd.s32 $0x3, s9;
	v23 =	vshrl.u32 v23, $0x3;
	v14 =	vadd.f32 v15, v14;
	v26 =	vld [tilespmem:s10+$0xFFFFFFC0]  }
0x6b: {  	s16 =	sadd.s32 $0x5, s9;
	v27 =	vld [tilespmem:s8+$0xFFFFFFD0];
	v19 =	vshll.u32 v19, v1;
	v28 =	vmov s17;
	v29 =	vmov s15  }
0x6c: {  	v30 =	vld [tilespmem:s10+$0xFFFFFFD0];
	v33 =	vmov s16;
	v15 =	vshll.u32 v23, v1;
	v21 =	vadd.s32 v7, v21  }
0x6d: {  	v57 =	vld [tilespmem:s8+$0xFFFFFFE0];
	s15 =	sadd.s32 $0x4, s9;
	s17 =	sadd.s32 $0x6, s9;
	v13 =	vadd.s32 v0, v13;
	v19 =	vbroadcast v19, $0x0;
	v29 =	vshrl.u32 v29, $0x3  }
0x6e: {  	v58 =	vld [tilespmem:s10+$0xFFFFFFE0];
	v32 =	vmov s15;
	v62 =	vmov s17;
	v15 =	vbroadcast v15, $0x0  }
0x6f: {  	v31 =	vld [tilespmem:s8+$0xFFFFFFF0];
	[tilespmem:v10+s28+$0x0] =	vst.idx.msk $0xffff, v18;
	v12 =	vadd.f32 v17, v12;
	v17 =	vmov s9;
	v59 =	vshll.u32 v29, v1  }
0x70: {  	v60 =	vld [tilespmem:s10+$0xFFFFFFF0];
	v18 =	vshrl.u32 v32, $0x3;
	[tilespmem:v11+s28+$0x0] =	vst.idx.msk $0xffff, v14;
	v14 =	vshrl.u32 v33, $0x3;
	v17 =	vshrl.u32 v17, $0x3  }
0x71: {  	v34 =	vld [tilespmem:s8+$0x0];
	v19 =	vadd.s32 v2, v19;
	v10 =	vbroadcast v59, $0x0;
	v11 =	vshll.u32 v18, v1  }
0x72: {  	v23 =	vld [tilespmem:s10+$0x30];
	v15 =	vadd.s32 v8, v15;
	v16 =	vadd.f32 v22, v16;
	v22 =	vshrl.u32 v28, $0x3  }
0x73: {  	v18 =	vld [tilespmem:s8+$0x10];
	v9 =	vadd.f32 v9, v24;
	[tilespmem:v20+s28+$0x0] =	vst.idx.msk $0xffff, v12;
	v12 =	vshll.u32 v14, v1;
	v20 =	vshrl.u32 v62, $0x3  }
0x74: {  	v14 =	vld [tilespmem:s10+$0x10];
	v22 =	vshll.u32 v22, v1;
	v10 =	vadd.s32 v4, v10;
	v12 =	vbroadcast v12, $0x0;
	[tilespmem:v21+s28+$0x0] =	vst.idx.msk $0xffff, v16  }
0x75: {  	v20 =	vshll.u32 v20, v1;
	v22 =	vbroadcast v22, $0x0;
	v16 =	vld [tilespmem:s8+$0x20];
	[tilespmem:v13+s28+$0x0] =	vst.idx.msk $0xffff, v9;
	v9 =	vadd.f32 v30, v27  }
0x76: {  	v17 =	vshll.u32 v17, v1;
	v13 =	vld [tilespmem:s10+$0x20];
	v20 =	vbroadcast v20, $0x0;
	v12 =	vadd.s32 v6, v12  }
0x77: {  	v17 =	vbroadcast v17, $0x0;
	v21 =	vld [tilespmem:s8+$0xFFFFFFC0];
	v22 =	vadd.s32 v3, v22;
	[tilespmem:v19+s28+$0x0] =	vst.idx.msk $0xffff, v9;
	v9 =	vadd.f32 v60, v31  }
0x78: {  	v61 =	vld [tilespmem:s10+$0x0];
	v11 =	vbroadcast v11, $0x0;
	v23 =	vadd.f32 v23, v25;
	v19 =	vadd.s32 v7, v20  }
0x79: {  	v17 =	vadd.s32 v0, v17;
	[tilespmem:v10+s28+$0x0] =	vst.idx.msk $0xffff, v9;
	v9 =	vadd.f32 v14, v18  }
0x7a: {  	v11 =	vadd.s32 v5, v11;
	[tilespmem:v15+s28+$0x0] =	vst.idx.msk $0xffff, v23;
	v15 =	vadd.f32 v58, v57  }
0x7b: {  	s17 =	smul.u32 $0x640, s3;
	v10 =	vadd.f32 v13, v16;
	[tilespmem:v12+s28+$0x0] =	vst.idx.msk $0xffff, v9  }
0x7c: {  	v9 =	vadd.f32 v26, v21;
	[tilespmem:v22+s28+$0x0] =	vst.idx.msk $0xffff, v15  }
0x7d: {  	s10 =	sadd.s32 s4, s17;
	v15 =	vadd.f32 v61, v34;
	[tilespmem:v19+s28+$0x0] =	vst.idx.msk $0xffff, v10  }
0x7e: {  	s8 =	sshrl.u32 s10, $0x3;
	[tilespmem:v17+s28+$0x0] =	vst.idx.msk $0xffff, v9  }
0x7f: {  	p2 =	seq.s32 s3, $0x3;
	s8 =	sadd.s32 s7, s8;
	[tilespmem:v11+s28+$0x0] =	vst.idx.msk $0xffff, v15  }
0x80: {  	[hbm4b:s8+s19] =	stream.strided.scatter [tilespmem:s28], [sflag:$0x5], $0x3200, s29, s19, $0x38;
	[tilespmem:$0x1FBD0] =	vst v63  }
0x81: {  	s8 =	sadd.s32 @!p2 s17, s12  }
0x82: {  	s8 =	sshrl.u32 @!p2 s8, $0x3  }
0x83: {  	s10 =	simm.s32 @!p2 $0x0;
	s9 =	sadd.s32 @!p2 s5, s8  }
0x84: {  	[tilespmem:s10], [sflag:$0x1] =	stream.linear.gather @!p2 [hbm4b:s9+s10], $0x320, $0x38;
	[tilespmem:$0x1FBD0] =	vst v63  }
0x85: {  	s8 =	sadd.s32 @!p2 s6, s8;
	s9 =	simm.s32 @!p2 $0x640  }
0x86: {  	[tilespmem:s9], [sflag:$0x1] =	stream.linear.gather @!p2 [hbm4b:s8+s10], $0x320, $0x38;
	[tilespmem:$0x1FBD0] =	vst v63  }
0x87: {  	s8 =	simm.s32 @!p2 $0x1  }
0x88: {  	_ =	swait.ge @!p2 [sflag:s8], $0x320  }
0x89: {  	[sflag:s8] =	ssyncset.done @!p2 $0x0  }
0x8a: {  	[sflag:s8] =	ssyncadd.s32 @!p2 $0xFFFFFCE0  }
0x8b: {  	_ =	swait.ge @!p2 [sflag:s8], $0x320  }
0x8c: {  	[sflag:s8] =	ssyncset.done @!p2 $0x0  }
0x8d: {  	s11 =	simm.s32 @!p2 $0xC80;
	[sflag:s8] =	ssyncadd.s32 @!p2 $0xFFFFFCE0;
	s8 =	simm.s32 @!p2 $0x320  }
0x8e: {  	[tilespmem:s11], [sflag:$0x3] =	stream.indirect.gather @!p2 [spmem:s1], $0x10, s10, s8, $0xb8;
	[tilespmem:$0x1FBD0] =	vst v63  }
0x8f: {  	s10 =	simm.s32 @!p2 $0x7080  }
0x90: {  	[tilespmem:s10], [sflag:$0x3] =	stream.indirect.gather @!p2 [spmem:s1], $0x10, s9, s8, $0xb8;
	[tilespmem:$0x1FBD0] =	vst v63  }
0x91: {  	_ =	swait.ge [sflag:s30], $0x3200  }
0x92: {  	[sflag:s30] =	ssyncset.done $0x0  }
0x93: {  	[sflag:s30] =	ssyncadd.s32 $0xFFFFCE00  }
0x94: {  	_ =	swait.ge [sflag:s30], $0x3200  }
0x95: {  	[sflag:s30] =	ssyncset.done $0x0  }
0x96: {  	s8 =	simm.s32 @!p1 $0x6;
	[sflag:s30] =	ssyncadd.s32 $0xFFFFCE00  }
0x97: {  	_ =	swait.ge @!p1 [sflag:s8], $0x3200  }
0x98: {  	s11 =	simm.s32 $0x7;
	[sflag:s8] =	ssyncset.done @!p1 $0x0  }
0x99: {  	v9 =	vmov s11;
	s9 =	simm.s32 $0x3EC0;
	[sflag:s8] =	ssyncadd.s32 @!p1 $0xFFFFCE00  }
0x9a: {  	s15 =	simm.s32 $0x1;
	v9 =	vshrl.u32 v9, $0x3;
	s8 =	simm.s32 $0xA2C0;
	v10 =	vld [tilespmem:s9+$0x30]  }
0x9b: {  	s16 =	simm.s32 $0x0;
	v11 =	vmov s15;
	v9 =	vshll.u32 v9, v1;
	v12 =	vld [tilespmem:s8+$0x30]  }
0x9c: {  	v14 =	vmov s16;
	s16 =	simm.s32 $0x3;
	s15 =	simm.s32 $0x2;
	v11 =	vshrl.u32 v11, $0x3;
	v13 =	vbroadcast v9, $0x0;
	v9 =	vld [tilespmem:s8+$0xFFFFFFC0]  }
0x9d: {  	v17 =	vmov s16;
	v15 =	vmov s15;
	v11 =	vshll.u32 v11, v1;
	v16 =	vld [tilespmem:s9+$0xFFFFFFD0]  }
0x9e: {  	s16 =	simm.s32 $0x5;
	v11 =	vbroadcast v11, $0x0;
	v18 =	vadd.s32 v8, v13;
	v13 =	vshrl.u32 v15, $0x3;
	v19 =	vld [tilespmem:s8+$0xFFFFFFD0]  }
0x9f: {  	v14 =	vshrl.u32 v14, $0x3;
	v22 =	vmov s16;
	v13 =	vshll.u32 v13, v1;
	v20 =	vld [tilespmem:s9+$0xFFFFFFE0]  }
0xa0: {  	s15 =	simm.s32 $0x4;
	v11 =	vadd.s32 v2, v11;
	v15 =	vshrl.u32 v17, $0x3;
	v13 =	vbroadcast v13, $0x0;
	v17 =	vld [tilespmem:s8+$0xFFFFFFE0]  }
0xa1: {  	v21 =	vld [tilespmem:s9+$0xFFFFFFF0];
	v12 =	vadd.f32 v12, v10;
	v10 =	vshll.u32 v15, v1;
	v15 =	vmov s15  }
0xa2: {  	v23 =	vadd.s32 v3, v13;
	v63 =	vld [tilespmem:s8+$0xFFFFFFF0];
	v10 =	vbroadcast v10, $0x0;
	v15 =	vshrl.u32 v15, $0x3  }
0xa3: {  	v13 =	vshll.u32 v14, v1;
	v14 =	vld [tilespmem:s9+$0x0];
	v16 =	vadd.f32 v19, v16;
	v19 =	vshll.u32 v15, v1  }
0xa4: {  	v22 =	vshrl.u32 v22, $0x3;
	s15 =	simm.s32 $0x6;
	v15 =	vld [tilespmem:s8+$0x0];
	v10 =	vadd.s32 v4, v10;
	v19 =	vbroadcast v19, $0x0  }
0xa5: {  	[tilespmem:v18+s31+$0x0] =	vst.idx.msk $0xffff, v12;
	v18 =	vadd.f32 v17, v20;
	v12 =	vld [tilespmem:s9+$0x10];
	v20 =	vshll.u32 v22, v1;
	v22 =	vmov s15  }
0xa6: {  	s16 =	simm.s32 $0x9;
	[tilespmem:v11+s31+$0x0] =	vst.idx.msk $0xffff, v16;
	v17 =	vld [tilespmem:s8+$0x10];
	v20 =	vbroadcast v20, $0x0;
	v22 =	vshrl.u32 v22, $0x3;
	v11 =	vadd.s32 v5, v19  }
0xa7: {  	s11 =	simm.s32 $0x10;
	s10 =	simm.s32 $0x8;
	s15 =	simm.s32 $0xF;
	v16 =	vld [tilespmem:s9+$0x20];
	[tilespmem:v23+s31+$0x0] =	vst.idx.msk $0xffff, v18;
	v18 =	vadd.f32 v63, v21;
	v21 =	vshll.u32 v22, v1;
	v19 =	vmov s16  }
.LBB2_5:
0xa8: {  	p1 =	slt.u32 s11, $0x318;
	v22 =	vmov s15;
	v20 =	vadd.s32 v6, v20;
	v23 =	vld [tilespmem:s8+$0x20];
	v21 =	vbroadcast v21, $0x0  }
0xa9: {  	v13 =	vbroadcast v13, $0x0;
	v22 =	vshrl.u32 v22, $0x3;
	v24 =	vld [tilespmem:s9+$0xFFFFFFC0];
	[tilespmem:v10+s31+$0x0] =	vst.idx.msk $0xffff, v18;
	v10 =	vadd.f32 v15, v14;
	s9 =	sadd.s32 $0x80, s9  }
0xaa: {  	s8 =	sadd.s32 $0x80, s8;
	v14 =	vshrl.u32 v19, $0x3;
	v15 =	vld [tilespmem:s9+$0x30];
	v18 =	vshll.u32 v22, v1;
	v19 =	vadd.s32 v7, v21  }
0xab: {  	s15 =	sadd.s32 $0x2, s10;
	v13 =	vadd.s32 v0, v13;
	v21 =	vld [tilespmem:s8+$0x30];
	v18 =	vbroadcast v18, $0x0;
	[tilespmem:v11+s31+$0x0] =	vst.idx.msk $0xffff, v10;
	v10 =	vadd.f32 v17, v12  }
0xac: {  	v14 =	vshll.u32 v14, v1;
	v12 =	vmov s10;
	v17 =	vmov s15;
	s15 =	sadd.s32 $0x3, s10;
	v11 =	vld [tilespmem:s8+$0xFFFFFFC0]  }
0xad: {  	v25 =	vmov s15;
	v22 =	vld [tilespmem:s9+$0xFFFFFFD0];
	v18 =	vadd.s32 v8, v18;
	[tilespmem:v20+s31+$0x0] =	vst.idx.msk $0xffff, v10;
	v10 =	vadd.f32 v23, v16  }
0xae: {  	v14 =	vbroadcast v14, $0x0;
	v17 =	vshrl.u32 v17, $0x3;
	v16 =	vld [tilespmem:s8+$0xFFFFFFD0];
	v26 =	vadd.f32 v9, v24  }
0xaf: {  	v12 =	vshrl.u32 v12, $0x3;
	v17 =	vshll.u32 v17, v1;
	v23 =	vshrl.u32 v25, $0x3;
	v20 =	vld [tilespmem:s9+$0xFFFFFFE0];
	[tilespmem:v19+s31+$0x0] =	vst.idx.msk $0xffff, v10  }
0xb0: {  	s16 =	sadd.s32 $0x5, s10;
	s15 =	sadd.s32 $0x4, s10;
	v19 =	vadd.s32 v2, v14;
	v10 =	vbroadcast v17, $0x0;
	v24 =	vld [tilespmem:s8+$0xFFFFFFE0];
	v14 =	vadd.f32 v21, v15;
	[tilespmem:v13+s31+$0x0] =	vst.idx.msk $0xffff, v26  }
0xb1: {  	v17 =	vmov s16;
	v13 =	vshll.u32 v23, v1;
	v15 =	vmov s15;
	v21 =	vld [tilespmem:s9+$0xFFFFFFF0];
	v9 =	vmovc v11  }
0xb2: {  	v23 =	vadd.s32 v3, v10;
	v10 =	vbroadcast v13, $0x0;
	v11 =	vshrl.u32 v15, $0x3;
	v25 =	vld [tilespmem:s8+$0xFFFFFFF0];
	[tilespmem:v18+s31+$0x0] =	vst.idx.msk $0xffff, v14  }
.Ltmp3:
0xb3: {  	v13 =	vshll.u32 v12, v1;
	v11 =	vshll.u32 v11, v1;
	v12 =	vadd.f32 v16, v22;
	v14 =	vld [tilespmem:s9+$0x0];
	(pc) =	sbr.rel @p1 .LBB2_5-.Ltmp3, $4  }
0xb4: {  	s15 =	sadd.s32 $0x6, s10;
	s10 =	smov.u32 s11;
	v10 =	vadd.s32 v4, v10;
	v11 =	vbroadcast v11, $0x0;
	v16 =	vshrl.u32 v17, $0x3;
	v15 =	vld [tilespmem:s8+$0x0]  }
0xb5: {  	v16 =	vshll.u32 v16, v1;
	[tilespmem:v19+s31+$0x0] =	vst.idx.msk $0xffff, v12;
	v18 =	vadd.f32 v24, v20;
	v12 =	vld [tilespmem:s9+$0x10];
	v19 =	vmov s15  }
0xb6: {  	s15 =	sadd.s32 $0x1, s11;
	v11 =	vadd.s32 v5, v11;
	v20 =	vbroadcast v16, $0x0;
	v17 =	vld [tilespmem:s8+$0x10];
	v22 =	vshrl.u32 v19, $0x3  }
0xb7: {  	s11 =	sadd.s32 $0x8, s11;
	v19 =	vmov s15;
	s15 =	sadd.s32 $0x7, s10;
	[tilespmem:v23+s31+$0x0] =	vst.idx.msk $0xffff, v18;
	v18 =	vadd.f32 v25, v21;
	v16 =	vld [tilespmem:s9+$0x20];
	v21 =	vshll.u32 v22, v1  }
0xb8: {  	v22 =	vld [tilespmem:s8+$0x20]  }
0xb9: {  	v23 =	vmov s15;
	v24 =	vld [tilespmem:s9+$0xFFFFFFC0];
	s9 =	sadd.s32 $0x80, s9  }
0xba: {  	v20 =	vadd.s32 v6, v20;
	v21 =	vbroadcast v21, $0x0;
	s8 =	sadd.s32 $0x80, s8;
	v13 =	vbroadcast v13, $0x0;
	v25 =	vld [tilespmem:s9+$0x30]  }
0xbb: {  	v19 =	vshrl.u32 v19, $0x3;
	s11 =	sadd.s32 $0x2, s10;
	v44 =	vmov s10;
	v23 =	vshrl.u32 v23, $0x3;
	v43 =	vld [tilespmem:s8+$0x30]  }
0xbc: {  	s16 =	sadd.s32 $0x3, s10;
	s15 =	sadd.s32 $0x4, s10;
	v14 =	vadd.f32 v15, v14;
	v26 =	vld [tilespmem:s8+$0xFFFFFFC0];
	v19 =	vshll.u32 v19, v1;
	v28 =	vmov s11  }
0xbd: {  	v27 =	vld [tilespmem:s9+$0xFFFFFFD0];
	v29 =	vmov s16;
	v32 =	vmov s15;
	v42 =	vshll.u32 v23, v1  }
0xbe: {  	v30 =	vld [tilespmem:s8+$0xFFFFFFD0];
	s16 =	sadd.s32 $0x5, s10;
	v21 =	vadd.s32 v7, v21;
	v13 =	vadd.s32 v0, v13;
	v45 =	vshrl.u32 v28, $0x3  }
0xbf: {  	v46 =	vld [tilespmem:s9+$0xFFFFFFE0];
	s15 =	sadd.s32 $0x6, s10;
	v19 =	vbroadcast v19, $0x0;
	v29 =	vshrl.u32 v29, $0x3;
	v33 =	vmov s16  }
0xc0: {  	v47 =	vld [tilespmem:s8+$0xFFFFFFE0];
	v50 =	vshrl.u32 v32, $0x3;
	v54 =	vmov s15;
	v15 =	vbroadcast v42, $0x0  }
0xc1: {  	v31 =	vld [tilespmem:s9+$0xFFFFFFF0];
	v12 =	vadd.f32 v17, v12;
	v17 =	vshrl.u32 v44, $0x3;
	v48 =	vshll.u32 v29, v1  }
0xc2: {  	v49 =	vld [tilespmem:s8+$0xFFFFFFF0];
	[tilespmem:v11+s31+$0x0] =	vst.idx.msk $0xffff, v14;
	v11 =	vshll.u32 v50, v1;
	v52 =	vshrl.u32 v33, $0x3;
	v57 =	vshrl.u32 v54, $0x3  }
0xc3: {  	v34 =	vld [tilespmem:s9+$0x0];
	[tilespmem:v10+s31+$0x0] =	vst.idx.msk $0xffff, v18;
	v19 =	vadd.s32 v2, v19;
	v10 =	vbroadcast v48, $0x0;
	v17 =	vshll.u32 v17, v1  }
0xc4: {  	v51 =	vld [tilespmem:s8+$0x0];
	v11 =	vbroadcast v11, $0x0;
	v55 =	vshll.u32 v52, v1;
	v15 =	vadd.s32 v8, v15  }
0xc5: {  	v53 =	vld [tilespmem:s9+$0x10];
	v16 =	vadd.f32 v22, v16;
	v9 =	vadd.f32 v9, v24;
	v22 =	vshll.u32 v45, v1  }
0xc6: {  	v56 =	vld [tilespmem:s8+$0x10];
	[tilespmem:v20+s31+$0x0] =	vst.idx.msk $0xffff, v12;
	v20 =	vshll.u32 v57, v1;
	v22 =	vbroadcast v22, $0x0;
	v10 =	vadd.s32 v4, v10  }
0xc7: {  	v58 =	vld [tilespmem:s9+$0x20];
	v12 =	vbroadcast v55, $0x0;
	v11 =	vadd.s32 v5, v11;
	[tilespmem:v13+s31+$0x0] =	vst.idx.msk $0xffff, v9;
	v9 =	vadd.f32 v30, v27  }
0xc8: {  	v59 =	vld [tilespmem:s8+$0x20];
	v23 =	vadd.f32 v43, v25;
	v20 =	vbroadcast v20, $0x0;
	[tilespmem:v21+s31+$0x0] =	vst.idx.msk $0xffff, v16;
	v22 =	vadd.s32 v3, v22  }
0xc9: {  	v61 =	vld [tilespmem:s9+$0xFFFFFFC0];
	v17 =	vbroadcast v17, $0x0;
	v12 =	vadd.s32 v6, v12;
	[tilespmem:v19+s31+$0x0] =	vst.idx.msk $0xffff, v9;
	v9 =	vadd.f32 v49, v31  }
0xca: {  	v63 =	vadd.f32 v51, v34;
	v62 =	vadd.s32 v7, v20;
	[tilespmem:v15+s31+$0x0] =	vst.idx.msk $0xffff, v23  }
0xcb: {  	v60 =	vadd.f32 v47, v46;
	v17 =	vadd.s32 v0, v17;
	[tilespmem:v10+s31+$0x0] =	vst.idx.msk $0xffff, v9  }
0xcc: {  	v9 =	vadd.f32 v56, v53;
	[tilespmem:v11+s31+$0x0] =	vst.idx.msk $0xffff, v63  }
.Ltmp4:
0xcd: {  	v10 =	vadd.f32 v59, v58;
	[tilespmem:v22+s31+$0x0] =	vst.idx.msk $0xffff, v60;
	(pc) =	sbr.rel @p2 .LBB2_8-.Ltmp4, $4  }
0xce: {  	s16 =	sadd.s32 s17, s13;
	[tilespmem:v12+s31+$0x0] =	vst.idx.msk $0xffff, v9;
	v9 =	vadd.f32 v26, v61  }
0xcf: {  	s8 =	sshrl.u32 s16, $0x3;
	[tilespmem:v62+s31+$0x0] =	vst.idx.msk $0xffff, v10  }
0xd0: {  	s8 =	sadd.s32 s7, s8;
	[tilespmem:v17+s31+$0x0] =	vst.idx.msk $0xffff, v9  }
0xd1: {  	[hbm4b:s8+s19] =	stream.strided.scatter [tilespmem:s31], [sflag:$0x6], $0x3200, s29, s19, $0x38;
	[tilespmem:$0x1FBD0] =	vst v63  }
0xd2: {  	s8 =	sadd.s32 s17, s14  }
.Ltmp5:
0xd3: {  	s8 =	sshrl.u32 s8, $0x3;
	(pc) =	sbr.rel .LBB2_2-.Ltmp5, $4  }
0xd4: {  	s9 =	sadd.s32 s5, s8  }
0xd5: {  	[tilespmem:s19], [sflag:$0x2] =	stream.linear.gather [hbm4b:s9+s2], $0x320, $0x38;
	[tilespmem:$0x1FBD0] =	vst v63  }
0xd6: {  	s3 =	sadd.s32 $0x1, s3;
	s8 =	sadd.s32 s6, s8  }
0xd7: {  	[tilespmem:s22], [sflag:$0x2] =	stream.linear.gather [hbm4b:s8+s2], $0x320, $0x38;
	[tilespmem:$0x1FBD0] =	vst v63  }
.LBB2_9:
0xd8: {  	_ =	sfence.sel $0x180000  }
0xd9: {  	[bflag:$0x0] =	sbarrier.arrive $0xFFFF  }
0xda: {  	_ =	strace $0x9000004D  }
0xdb: {  	[bflag:$0x2] =	sbarrier.arrive $0xFFFF  }
0xdc: {  	s0 =	rddreg [dreg:$0x2]  }
0xdd: {  	s0 =	sadd.s32 @!p0 $0x100000, s0  }
0xde: {  	[sflag:s0] =	ssyncadd.tile.s32 @!p0 $0x1;
	_ =	shalt  }
.Lfunc_end2:
_tile_overlayer_lowered:
.L_overlay_start_2:
0xdf: {  	(tag) =	ssettag $0x2  }
0xe0: {  	s0 =	rddreg [dreg:$0x0];
	s2 =	stileid.u32  }
0xe1: {  	s1 =	rddreg [dreg:$0x1];
	p0 =	sne.s32 s2, $0x0  }
0xe2: {  	s3 =	rddreg [dreg:$0x2];
	[bflag:$0x3] =	sbarrier.arrive $0xFFFF;
	s2 =	simm.s32 @!p0 $0x1C07  }
0xe3: {  	[timem:s3], [sflag:s2] =	dma.local @!p0 [hbm:s0], s1  }
0xe4: {  	s0 =	simm.s32 @!p0 $0x7  }
0xe5: {  	_ =	swait.ge @!p0 [sflag:s0], s1  }
0xe6: {  	s1 =	ssub.s32 @!p0 $0x0, s1;
	[sflag:s0] =	ssyncset.done @!p0 $0x0  }
0xe7: {  	[sflag:s0] =	ssyncadd.s32 @!p0 s1  }
0xe8: {  	[bflag:$0x3] =	sbarrier.arrive $0xFFFF  }
0xe9: {  	_ =	shalt  }

// kernel: kernel.19.cloned.1.call-start
scs
__scs_entry_jumppad:
0x0: {  	(pc) =	sbr.rel $0x88, $3  }
0x1: {  	(tag) =	ssettag $0x0;
	lr =	simm.s32 $0x1  }
0x2: {  	[smem:$0x3F96] =	sst lr;
	_ =	strace $0xD0000000  }
0x3: {  	_ = 	snop  }
0x4: {  	_ = 	snop  }
0x5: {  	_ = 	snop  }
0x6: {  	_ = 	snop  }
0x7: {  	_ = 	snop  }
__scs_overlays_trampoline_lowered:
0x8: {  	[smem:$0x3FA5] =	sst s0  }
0x9: {  	[smem:$0x3FA6] =	sst s1  }
0xa: {  	[smem:$0x3FA7] =	sst s2  }
0xb: {  	[smem:$0x3FA8] =	sst s3  }
0xc: {  	[smem:$0x3FA9] =	sst s4  }
0xd: {  	[smem:$0x3FAA] =	sst s5  }
0xe: {  	[smem:$0x3FAB] =	sst s6  }
0xf: {  	[smem:$0x3FAC] =	sst s7  }
0x10: {  	[smem:$0x3FAD] =	sst s8  }
0x11: {  	[smem:$0x3FAE] =	sst s9;
	s0 =	simm.s32 @!p0 $0x0  }
0x12: {  	s1 =	sld [smem:$0x3F94];
	s0 =	simm.s32 @p0 $0x1  }
0x13: {  	[smem:$0x3FAF] =	sst s0;
	s0 =	simm.s32 @!p1 $0x0  }
0x14: {  	s2 =	sld [smem:$0x3F93];
	s0 =	simm.s32 @p1 $0x1  }
0x15: {  	[smem:$0x3FB0] =	sst s0;
	s0 =	simm.s32 @!p2 $0x0  }
0x16: {  	s3 =	sld [smem:$0x3FDB];
	s0 =	simm.s32 @p2 $0x1  }
0x17: {  	s4 =	simm.s32 $0x1BF5;
	[smem:$0x3FB2] =	sst s0  }
0x18: {  	s0 =	sld [smem:$0x3F95];
	_ =	swait.ge [sflag:s4], $0x0  }
0x19: {  	s7 =	sld [smem:$0x3F96]  }
0x1a: {  	s8 =	sadd.s32 $0xFFFFE003, lr  }
0x1b: {  	s9 =	sadd.s32 $0xFFFFFEF7, lr;
	s5 =	simm.s32 $0xFFFFFFFF;
	p2 =	slt.u32 s8, $0xFFFFF086  }
0x1c: {  	p1 =	slt.u32 s9, $0xF7A;
	s5 =	simm.s32 @!p2 $0x0  }
0x1d: {  	s5 =	simm.s32 @p1 $0x1;
	p0 =	seq.s32 s7, s2  }
0x1e: {  	s7 =	smul.u32 @!p0 $0xF7A, s2;
	p2 =	seq.s32 @!p0 s5, $0x0  }
0x1f: {  	s9 =	smul.u32 $0xF7A, s1;
	s8 =	simm.s32 @!p0 $0x1BF5;
	p2 =	por !p2, p0  }
0x20: {  	[sflag:s8] =	ssyncset.s32 @!p0 $0xFFFFF086;
	s6 =	sadd.s32 @!p0 s3, s7;
	s7 =	simm.s32 @!p0 $0x108  }
0x21: {  	s3 =	sadd.s32 s3, s9;
	s6 =	sadd.s32 @!p0 $0x88, s6;
	s7 =	simm.s32 @p2 $0x1082  }
0x22: {  	[simem:s7], [sflag:s8] =	dma.local @!p0 [hbm:s6], $0xF7A  }
0x23: {  	s9 =	sor.u32 $0xD0000000, s2;
	s6 =	simm.s32 $0x108;
	_ =	swait.ge @!p0 [sflag:s8], $0x0  }
0x24: {  	s3 =	sadd.s32 $0x88, s3;
	s6 =	simm.s32 @!p1 $0x1082;
	[sflag:s4] =	ssyncset.s32 $0xFFFFF086  }
0x25: {  	[simem:s6], [sflag:s4] =	dma.local [hbm:s3], $0xF7A  }
0x26: {  	[smem:$0x3F96] =	sst s1;
	(tag) =	ssettag s2;
	_ =	strace s9  }
0x27: {  	s1 =	sld [smem:$0x3FA6]  }
0x28: {  	s2 =	sld [smem:$0x3FA7]  }
0x29: {  	s4 =	sld [smem:$0x3FA9]  }
0x2a: {  	p0 =	seq.s32 s5, $0x0;
	s5 =	sld [smem:$0x3FAA]  }
0x2b: {  	s6 =	sld [smem:$0x3FAB]  }
0x2c: {  	s7 =	sld [smem:$0x3FAC]  }
0x2d: {  	s3 =	simm.s32 $0x108;
	s8 =	sld [smem:$0x3FAD]  }
0x2e: {  	s3 =	simm.s32 @!p0 $0x1082;
	s9 =	sld [smem:$0x3FAE]  }
0x2f: {  	lr =	sadd.s32 s0, s3;
	s0 =	sld [smem:$0x3FA5]  }
0x30: {  	s3 =	sld [smem:$0x3FA8]  }
0x31: {  	[smem:$0x3FB1] =	sst s10  }
0x32: {  	s10 =	sld [smem:$0x3FAF];
	_ =	sdelay $0x3  }
0x33: {  	p0 =	seq.s32 s10, $0x1;
	s10 =	sld [smem:$0x3FB1];
	_ =	sdelay $0x3  }
0x34: {  	[smem:$0x3FB1] =	sst s10  }
0x35: {  	s10 =	sld [smem:$0x3FB0];
	_ =	sdelay $0x3  }
0x36: {  	p1 =	seq.s32 s10, $0x1;
	s10 =	sld [smem:$0x3FB1];
	_ =	sdelay $0x3  }
0x37: {  	[smem:$0x3FB1] =	sst s10  }
0x38: {  	s10 =	sld [smem:$0x3FB2]  }
0x39: {  	_ = 	snop;
	(pc) =	sbr.ind lr, $3  }
0x3a: {  	_ = 	snop  }
0x3b: {  	_ = 	snop  }
0x3c: {  	p2 =	seq.s32 s10, $0x1;
	s10 =	sld [smem:$0x3FB1]  }
0x3d: {  	_ =	shalt  }
0x3e: {  	_ =	shalt  }
0x3f: {  	_ =	shalt  }
0x40: {  	_ =	shalt  }
0x41: {  	_ =	shalt  }
0x42: {  	_ =	shalt  }
0x43: {  	_ =	shalt  }
0x44: {  	_ =	shalt  }
0x45: {  	_ =	shalt  }
0x46: {  	_ =	shalt  }
0x47: {  	_ =	shalt  }
0x48: {  	_ =	shalt  }
0x49: {  	_ =	shalt  }
0x4a: {  	_ =	shalt  }
0x4b: {  	_ =	shalt  }
0x4c: {  	_ =	shalt  }
0x4d: {  	_ =	shalt  }
0x4e: {  	_ =	shalt  }
0x4f: {  	_ =	shalt  }
0x50: {  	_ =	shalt  }
0x51: {  	_ =	shalt  }
0x52: {  	_ =	shalt  }
0x53: {  	_ =	shalt  }
0x54: {  	_ =	shalt  }
0x55: {  	_ =	shalt  }
0x56: {  	_ =	shalt  }
0x57: {  	_ =	shalt  }
0x58: {  	_ =	shalt  }
0x59: {  	_ =	shalt  }
0x5a: {  	_ =	shalt  }
0x5b: {  	_ =	shalt  }
0x5c: {  	_ =	shalt  }
0x5d: {  	_ =	shalt  }
0x5e: {  	_ =	shalt  }
0x5f: {  	_ =	shalt  }
0x60: {  	_ =	shalt  }
0x61: {  	_ =	shalt  }
0x62: {  	_ =	shalt  }
0x63: {  	_ =	shalt  }
0x64: {  	_ =	shalt  }
0x65: {  	_ =	shalt  }
0x66: {  	_ =	shalt  }
0x67: {  	_ =	shalt  }
0x68: {  	_ =	shalt  }
0x69: {  	_ =	shalt  }
0x6a: {  	_ =	shalt  }
0x6b: {  	_ =	shalt  }
0x6c: {  	_ =	shalt  }
0x6d: {  	_ =	shalt  }
0x6e: {  	_ =	shalt  }
0x6f: {  	_ =	shalt  }
0x70: {  	_ =	shalt  }
0x71: {  	_ =	shalt  }
0x72: {  	_ =	shalt  }
0x73: {  	_ =	shalt  }
0x74: {  	_ =	shalt  }
0x75: {  	_ =	shalt  }
0x76: {  	_ =	shalt  }
0x77: {  	_ =	shalt  }
0x78: {  	_ =	shalt  }
0x79: {  	_ =	shalt  }
0x7a: {  	_ =	shalt  }
0x7b: {  	_ =	shalt  }
0x7c: {  	_ =	shalt  }
0x7d: {  	_ =	shalt  }
0x7e: {  	_ =	shalt  }
0x7f: {  	_ =	shalt  }
0x80: {  	_ =	shalt  }
0x81: {  	_ =	shalt  }
0x82: {  	_ =	shalt  }
0x83: {  	_ =	shalt  }
0x84: {  	_ =	shalt  }
0x85: {  	_ =	shalt  }
0x86: {  	_ =	shalt  }
0x87: {  	_ =	shalt  }
.Lfunc_end0:
.L_simem_size_0:
called_computation.3_lowered:
.L_overlay_start_0:
0x88: {  	s2 =	sld [smem:$0x3FD9]  }
0x89: {  	s3 =	sld [smem:$0x3FFE];
	_ =	sdelay $0x1  }
0x8a: {  	s1 =	srdreg.scid  }
0x8b: {  	s0 =	sand.u32 $0x1, s1  }
0x8c: {  	s17 =	sshll.u32 s0, $0xA;
	s2 =	sadd.s32 s3, s2  }
0x8d: {  	s2 =	sadd.s32 s2, s17  }
0x8e: {  	[smem:$0x3FBD] =	sst s2  }
0x8f: {  	_ = 	snop  }
0x90: {  	(tm) =	ssettm $0x1  }
0x91: {  	s18 =	sld [smem:$0x3FFB];
	_ =	sdelay $0x3  }
0x92: {  	_ =	strace s18  }
0x93: {  	s2 =	sld [smem:$0x3FFC];
	_ =	sdelay $0x3  }
0x94: {  	_ =	strace s2  }
0x95: {  	s2 =	sld [smem:$0x3FFD];
	_ =	sdelay $0x3  }
0x96: {  	_ =	strace s2  }
0x97: {  	_ =	strace $0x8FFFFFFF  }
0x98: {  	s19 =	sld [smem:$0x3FDB];
	_ =	sdelay $0x1  }
0x99: {  	s20 =	simm.s32 $_scs_section_size  }
0x9a: {  	s4 =	simm.s32 $_size__tile_overlayer_lowered;
	s5 =	simm.s32 $_tile_overlayer_lowered  }
0x9b: {  	s6 =	simm.s32 $0x1BFF;
	s21 =	sshll.u32 s5, $0x1;
	s3 =	sadd.s32 s20, s19  }
0x9c: {  	s22 =	simm.s32 $0x0;
	s4 =	sshll.u32 s4, $0x1;
	s5 =	sadd.s32 s21, s3  }
0x9d: {  	[timem:s22], [sflag:s6] =	dma.local [hbm:s5], s4  }
0x9e: {  	_ =	swait.ge [sflag:s6], s4  }
0x9f: {  	s4 =	ssub.s32 $0x0, s4;
	[sflag:s6] =	ssyncset.done $0x0  }
0xa0: {  	[sflag:s6] =	ssyncadd.s32 s4;
	_ =	sdelay $0x1  }
0xa1: {  	s23 =	simm.s32 $0x1B8B  }
0xa2: {  	_ =	swait.ge [sflag:s23], $0x1  }
0xa3: {  	[sflag:s23] =	ssyncset.done $0x0  }
0xa4: {  	[sflag:s23] =	ssyncadd.s32 $0xFFFFFFFF  }
0xa5: {  	s4 =	sld [smem:$0x0]  }
0xa6: {  	s5 =	sand.u32 $0xFFFFFFFE, s1  }
0xa7: {  	p0 =	sne.s32 s1, s5  }
0xa8: {  	s5 =	sshll.u32 @p0 s5, $0xE  }
0xa9: {  	s5 =	sadd.s32 @p0 $0x11B8D, s5;
	s6 =	sshll.u32 @p0 s4, $0x11  }
0xaa: {  	s5 =	sor.u32 @p0 s6, s5  }
0xab: {  	[sflag:s5] =	ssyncadd.remote.s32 @p0 $0x1;
	_ =	sdelay $0x1  }
0xac: {  	s5 =	simm.s32 @p0 $0x1B8D  }
0xad: {  	_ =	swait.eq @p0 [sflag:s5], $0x1  }
0xae: {  	[sflag:s5] =	ssyncadd.s32 @p0 $0xFFFFFFFF  }
0xaf: {  	s6 =	sshll.u32 @!p0 s1, $0xE  }
0xb0: {  	s6 =	sor.u32 @!p0 $0x4000, s6;
	s5 =	simm.s32 @!p0 $0x1B8D  }
0xb1: {  	s4 =	sshll.u32 @!p0 s4, $0x11;
	s6 =	sadd.s32 @!p0 $0x11B8D, s6;
	_ =	swait.eq @!p0 [sflag:s5], $0x1  }
0xb2: {  	s4 =	sor.u32 @!p0 s4, s6;
	[sflag:s5] =	ssyncadd.s32 @!p0 $0xFFFFFFFF  }
0xb3: {  	s25 =	simm.s32 $0x1B8E;
	s24 =	sld [smem:$0x3FFE];
	[sflag:s4] =	ssyncadd.remote.s32 @!p0 $0x1  }
0xb4: {  	s26 =	simm.s32 $execute0_lowered;
	[smem:$0x3FD2] =	sst s25  }
0xb5: {  	s5 =	sshll.u32 s26, $0x1;
	_ =	strace $0x8000004F;
	[dreg:$0x1] =	wrdreg $0xFFFFFFFF  }
0xb6: {  	s28 =	simm.s32 $_size_execute0_lowered;
	s3 =	sadd.s32 s3, s5;
	[dreg:$0x0] =	wrdreg $0x0  }
0xb7: {  	s5 =	sshll.u32 s28, $0x1;
	[dreg:$0x2] =	wrdreg s3  }
0xb8: {  	[dreg:$0x3] =	wrdreg s5  }
0xb9: {  	[dreg:$0x4] =	wrdreg $0xC0  }
0xba: {  	_ =	task [dreg:s22], $0x5FFFF  }
0xbb: {  	[dreg:$0x1] =	wrdreg $0xFFFFFFFF  }
0xbc: {  	[dreg:$0x0] =	wrdreg $0x60  }
0xbd: {  	[dreg:$0x2] =	wrdreg s24  }
0xbe: {  	[dreg:$0x3] =	wrdreg $0x138800  }
0xbf: {  	[dreg:$0x4] =	wrdreg $0xC  }
0xc0: {  	_ =	task.clear_ibuf [dreg:s22], $0x5FFFF;
	_ =	strace $0x9000004F  }
0xc1: {  	s29 =	simm.s32 $0xC;
	_ =	strace $0x80000051  }
0xc2: {  	_ =	swait.ge [sflag:s29], $0x1  }
0xc3: {  	[sflag:s29] =	ssyncadd.s32 $0xFFFFFFFF  }
0xc4: {  	_ =	strace $0x90000051  }
0xc5: {  	_ =	sfence  }
0xc6: {  	s30 =	sld [smem:$0x0];
	_ =	sdelay $0x2  }
0xc7: {  	s31 =	sshll.u32 s1, $0xD;
	s1 =	sshrl.u32 s1, $0x2  }
0xc8: {  	s4 =	sand.u32 $0x4000, s31;
	s1 =	sadd.s32 s1, s30  }
0xc9: {  	s0 =	sor.u32 s4, s0;
	s1 =	sshll.u32 s1, $0x11  }
0xca: {  	s0 =	sor.u32 s1, s0  }
0xcb: {  	s0 =	sadd.s32 $0x8F2B, s0  }
0xcc: {  	[sflag:s0] =	ssyncadd.remote.s32 $0x1  }
0xcd: {  	_ =	sfence.sel $0xFFFF  }
0xce: {  	[dreg:$0x0] =	wrdreg $0xFFFFFFFF;
	(pc) =	sbr.abs _section_cstart, $3  }
0xcf: {  	[dreg:$0x1] =	wrdreg $0xFFFFFFFF  }
0xd0: {  	_ =	task.clear_ibuf [dreg:s22], $0x2FFFF;
	_ =	strace $0x9FFFFFFF  }
0xd1: {  	(tm) =	ssettm $0x7FFFFFFF  }
tec
execute0_lowered:
.L_overlay_start_1:
0x0: {  	(tag) =	ssettag $0x1  }
0x1: {  	s0 =	rddreg [dreg:$0x0]  }
0x2: {  	s1 =	rddreg [dreg:$0x1]  }
0x3: {  	s3 =	srdreg.scid;
	s8 =	stileid.u32;
	s2 =	simm.s32 $0x0  }
0x4: {  	s18 =	simm.s32 $0x1;
	s19 =	simm.s32 $0x320;
	s22 =	simm.s32 $0x960  }
0x5: {  	s28 =	simm.s32 $0xD480;
	s29 =	simm.s32 $0x32000;
	s30 =	simm.s32 $0x4  }
0x6: {  	s31 =	simm.s32 $0x10680;
	s20 =	simm.s32 $0x6;
	s21 =	simm.s32 $0x0  }
0x7: {  	s3 =	sand.u32 $0x1, s3;
	s4 =	sshll.u32 s8, $0x1;
	[smem:$0x7FF] =	sst s2  }
0x8: {  	s5 =	sadd.s32 $0x34200, s0;
	s6 =	sadd.s32 $0x2200, s0;
	s7 =	sadd.s32 $0x114A00, s0  }
0x9: {  	p0 =	sne.s32 s8, $0x0;
	s4 =	sor.u32 s3, s4;
	s3 =	ssub.s32 $0x2, s3  }
0xa: {  	_ =	strace $0x80000050;
	s4 =	smul.u32 $0x1900, s4;
	s23 =	sshrl.u32 s3, $0x1  }
0xb: {  	[dreg:$0x3] =	wrdreg s5;
	s5 =	sadd.s32 $0x1B200, s0;
	s0 =	ssub.s32 s3, s23  }
0xc: {  	s23 =	simm.s32 $0x2;
	s9 =	sshrl.u32 s4, $0x3;
	s12 =	sadd.s32 $0x96640, s4  }
0xd: {  	s13 =	sadd.s32 $0x320, s4;
	s14 =	sadd.s32 $0x96960, s4;
	s0 =	smax.u32 s0, $0x1  }
0xe: {  	v0 =	vlaneseq.u32;
	s24 =	sadd.s32 $0x12C00, s9;
	[dreg:$0x8] =	wrdreg s0;
	s0 =	sshrl.u32 @!p0 s1, $0x3  }
.Ltmp0:
0xf: {  	v0 =	vmul.u32 $0x320, v0;
	s10 =	sadd.s32 s5, s24;
	[dreg:$0x9] =	wrdreg s0;
	(pc) =	sbr.rel .LBB2_1-.Ltmp0, $4  }
0x10: {  	v1 =	vimm.s32 $0x0;
	vm0 =	vcmask $0x300;
	s9 =	sadd.s32 $0x12C64, s9;
	s3 =	sadd.s32 s6, s24;
	[dreg:$0x4] =	wrdreg s10  }
0x11: {  	v1 =	vsel vm0, $0x3, v1;
	v2 =	vor.u32 $0x1, v0;
	s25 =	sadd.s32 s5, s9;
	s26 =	sadd.s32 s6, s9;
	[dreg:$0x5] =	wrdreg s3  }
0x12: {  	v3 =	vor.u32 $0x2, v0;
	v4 =	vor.u32 $0x3, v0;
	v5 =	vor.u32 $0x4, v0;
	s24 =	simm.s32 $0x3E80;
	s0 =	simm.s32 $0x5;
	[dreg:$0x6] =	wrdreg s25  }
0x13: {  	v6 =	vor.u32 $0x5, v0;
	v7 =	vor.u32 $0x6, v0;
	v8 =	vor.u32 $0x7, v0;
	[dreg:$0x7] =	wrdreg s26;
	s25 =	simm.s32 $0xA280;
	s26 =	simm.s32 $0x3  }
.LBB2_8:
0x14: {  	_ =	swait.ge [sflag:s0], $0x3200  }
0x15: {  	[sflag:s0] =	ssyncset.done $0x0  }
0x16: {  	[sflag:s0] =	ssyncadd.s32 $0xFFFFCE00  }
0x17: {  	_ =	swait.ge [sflag:s20], $0x3200  }
0x18: {  	s21 =	sadd.s32 $0x1, s21;
	s3 =	rddreg [dreg:$0x8]  }
0x19: {  	p1 =	sne.s32 s21, s3  }
.Ltmp1:
0x1a: {  	_ = 	snop;
	(pc) =	sbr.rel @!p1 .LBB2_9-.Ltmp1, $3  }
0x1b: {  	_ =	sdelay $0x1  }
0x1c: {  	[sflag:s20] =	ssyncset.done $0x0  }
0x1d: {  	[sflag:s20] =	ssyncadd.s32 $0xFFFFCE00  }
.LBB2_1:
0x1e: {  	s8 =	rddreg [dreg:$0x3]  }
0x1f: {  	s3 =	simm.s32 @!p0 $0x1C07;
	s9 =	rddreg [dreg:$0x9]  }
0x20: {  	[spmem:s9], [sflag:s3] =	dma.local @!p0 [hbm:s8], $0x186A0  }
0x21: {  	s3 =	simm.s32 @!p0 $0x7  }
0x22: {  	_ =	swait.ge @!p0 [sflag:s3], $0x186A0  }
0x23: {  	[sflag:s3] =	ssyncset.done @!p0 $0x0  }
0x24: {  	[sflag:s3] =	ssyncadd.s32 @!p0 $0xFFFE7960  }
0x25: {  	[bflag:$0x0] =	sbarrier.arrive $0xFFFF  }
0x26: {  	s8 =	rddreg [dreg:$0x4]  }
0x27: {  	[tilespmem:s2], [sflag:$0x1] =	stream.linear.gather [hbm4b:s8+s2], $0x320, $0x38;
	[tilespmem:$0x1FBD0] =	vst v63  }
0x28: {  	s10 =	simm.s32 $0x640;
	s9 =	rddreg [dreg:$0x5]  }
0x29: {  	[tilespmem:s10], [sflag:$0x1] =	stream.linear.gather [hbm4b:s9+s2], $0x320, $0x38;
	[tilespmem:$0x1FBD0] =	vst v63  }
0x2a: {  	_ =	swait.ge [sflag:s18], $0x320  }
0x2b: {  	[sflag:s18] =	ssyncset.done $0x0  }
0x2c: {  	[sflag:s18] =	ssyncadd.s32 $0xFFFFFCE0  }
0x2d: {  	_ =	swait.ge [sflag:s18], $0x320  }
0x2e: {  	[sflag:s18] =	ssyncset.done $0x0  }
0x2f: {  	s11 =	simm.s32 $0xC80;
	[sflag:s18] =	ssyncadd.s32 $0xFFFFFCE0  }
0x30: {  	[tilespmem:s11], [sflag:$0x3] =	stream.indirect.gather [spmem:s1], $0x10, s2, s19, $0xb8;
	[tilespmem:$0x1FBD0] =	vst v63  }
0x31: {  	s15 =	simm.s32 $0x7080  }
0x32: {  	[tilespmem:s15], [sflag:$0x3] =	stream.indirect.gather [spmem:s1], $0x10, s10, s19, $0xb8;
	[tilespmem:$0x1FBD0] =	vst v63  }
0x33: {  	s16 =	rddreg [dreg:$0x6]  }
0x34: {  	[tilespmem:s19], [sflag:$0x2] =	stream.linear.gather [hbm4b:s16+s2], $0x320, $0x38;
	[tilespmem:$0x1FBD0] =	vst v63  }
0x35: {  	s3 =	simm.s32 $0x0;
	s17 =	rddreg [dreg:$0x7]  }
0x36: {  	[tilespmem:s22], [sflag:$0x2] =	stream.linear.gather [hbm4b:s17+s2], $0x320, $0x38;
	[tilespmem:$0x1FBD0] =	vst v63  }
.LBB2_2:
0x37: {  	_ =	swait.ge [sflag:s23], $0x320  }
0x38: {  	[sflag:s23] =	ssyncset.done $0x0  }
0x39: {  	[sflag:s23] =	ssyncadd.s32 $0xFFFFFCE0  }
0x3a: {  	_ =	swait.ge [sflag:s23], $0x320  }
0x3b: {  	[sflag:s23] =	ssyncset.done $0x0  }
0x3c: {  	[sflag:s23] =	ssyncadd.s32 $0xFFFFFCE0  }
0x3d: {  	[tilespmem:s24], [sflag:$0x4] =	stream.indirect.gather [spmem:s1], $0x10, s19, s19, $0xb8;
	[tilespmem:$0x1FBD0] =	vst v63  }
0x3e: {  	_ = 	snop  }
0x3f: {  	[tilespmem:s25], [sflag:$0x4] =	stream.indirect.gather [spmem:s1], $0x10, s22, s19, $0xb8;
	[tilespmem:$0x1FBD0] =	vst v63  }
0x40: {  	_ =	swait.ge [sflag:s26], $0x3200  }
0x41: {  	[sflag:s26] =	ssyncset.done $0x0  }
0x42: {  	[sflag:s26] =	ssyncadd.s32 $0xFFFFCE00  }
0x43: {  	_ =	swait.ge [sflag:s26], $0x3200  }
0x44: {  	p1 =	seq.s32 s3, $0x0;
	[sflag:s26] =	ssyncset.done $0x0  }
0x45: {  	s8 =	simm.s32 @!p1 $0x5;
	[sflag:s26] =	ssyncadd.s32 $0xFFFFCE00  }
0x46: {  	_ =	swait.ge @!p1 [sflag:s8], $0x3200  }
0x47: {  	s9 =	simm.s32 $0x7;
	[sflag:s8] =	ssyncset.done @!p1 $0x0  }
0x48: {  	v9 =	vmov s9;
	[sflag:s8] =	ssyncadd.s32 @!p1 $0xFFFFCE00;
	s8 =	simm.s32 $0xCC0  }
0x49: {  	s17 =	simm.s32 $0x70C0;
	s11 =	simm.s32 $0x1;
	v9 =	vshrl.u32 v9, $0x3;
	v10 =	vld [tilespmem:s8+$0x30]  }
0x4a: {  	s10 =	simm.s32 $0x0;
	v11 =	vmov s11;
	v9 =	vshll.u32 v9, v1;
	v12 =	vld [tilespmem:s17+$0x30]  }
0x4b: {  	s15 =	simm.s32 $0x2;
	s16 =	simm.s32 $0x3;
	v14 =	vmov s10;
	v11 =	vshrl.u32 v11, $0x3;
	v13 =	vbroadcast v9, $0x0;
	v9 =	vld [tilespmem:s17+$0xFFFFFFC0]  }
0x4c: {  	v15 =	vmov s15;
	v17 =	vmov s16;
	v11 =	vshll.u32 v11, v1;
	v16 =	vld [tilespmem:s8+$0xFFFFFFD0]  }
0x4d: {  	s11 =	simm.s32 $0x5;
	v11 =	vbroadcast v11, $0x0;
	v18 =	vadd.s32 v8, v13;
	v13 =	vshrl.u32 v15, $0x3;
	v19 =	vld [tilespmem:s17+$0xFFFFFFD0]  }
0x4e: {  	v14 =	vshrl.u32 v14, $0x3;
	v22 =	vmov s11;
	v13 =	vshll.u32 v13, v1;
	v20 =	vld [tilespmem:s8+$0xFFFFFFE0]  }
0x4f: {  	s10 =	simm.s32 $0x4;
	v15 =	vshrl.u32 v17, $0x3;
	v11 =	vadd.s32 v2, v11;
	v13 =	vbroadcast v13, $0x0;
	v17 =	vld [tilespmem:s17+$0xFFFFFFE0]  }
0x50: {  	v21 =	vld [tilespmem:s8+$0xFFFFFFF0];
	v12 =	vadd.f32 v12, v10;
	v10 =	vshll.u32 v15, v1;
	v15 =	vmov s10  }
0x51: {  	v23 =	vadd.s32 v3, v13;
	v24 =	vld [tilespmem:s17+$0xFFFFFFF0];
	v10 =	vbroadcast v10, $0x0;
	v15 =	vshrl.u32 v15, $0x3  }
0x52: {  	v13 =	vshll.u32 v14, v1;
	v14 =	vld [tilespmem:s8+$0x0];
	v16 =	vadd.f32 v19, v16;
	v19 =	vshll.u32 v15, v1  }
0x53: {  	s15 =	simm.s32 $0x6;
	v22 =	vshrl.u32 v22, $0x3;
	v15 =	vld [tilespmem:s17+$0x0];
	v10 =	vadd.s32 v4, v10;
	v19 =	vbroadcast v19, $0x0  }
0x54: {  	[tilespmem:v18+s28+$0x0] =	vst.idx.msk $0xffff, v12;
	v18 =	vadd.f32 v17, v20;
	v12 =	vld [tilespmem:s8+$0x10];
	v20 =	vshll.u32 v22, v1;
	v22 =	vmov s15  }
0x55: {  	s16 =	simm.s32 $0x9;
	[tilespmem:v11+s28+$0x0] =	vst.idx.msk $0xffff, v16;
	v17 =	vld [tilespmem:s17+$0x10];
	v20 =	vbroadcast v20, $0x0;
	v22 =	vshrl.u32 v22, $0x3;
	v11 =	vadd.s32 v5, v19  }
0x56: {  	s9 =	simm.s32 $0x8;
	s11 =	simm.s32 $0xF;
	s10 =	simm.s32 $0x10;
	v16 =	vld [tilespmem:s8+$0x20];
	[tilespmem:v23+s28+$0x0] =	vst.idx.msk $0xffff, v18;
	v18 =	vadd.f32 v24, v21;
	v21 =	vshll.u32 v22, v1;
	v19 =	vmov s16  }
.LBB2_3:
0x57: {  	p2 =	slt.u32 s10, $0x318;
	v22 =	vmov s11;
	v20 =	vadd.s32 v6, v20;
	v23 =	vld [tilespmem:s17+$0x20];
	v21 =	vbroadcast v21, $0x0  }
0x58: {  	v13 =	vbroadcast v13, $0x0;
	v22 =	vshrl.u32 v22, $0x3;
	v24 =	vld [tilespmem:s8+$0xFFFFFFC0];
	[tilespmem:v10+s28+$0x0] =	vst.idx.msk $0xffff, v18;
	v10 =	vadd.f32 v15, v14;
	s8 =	sadd.s32 $0x80, s8  }
0x59: {  	s17 =	sadd.s32 $0x80, s17;
	v14 =	vshrl.u32 v19, $0x3;
	v15 =	vld [tilespmem:s8+$0x30];
	v18 =	vshll.u32 v22, v1;
	v19 =	vadd.s32 v7, v21  }
0x5a: {  	s11 =	sadd.s32 $0x2, s9;
	v13 =	vadd.s32 v0, v13;
	v21 =	vld [tilespmem:s17+$0x30];
	v18 =	vbroadcast v18, $0x0;
	[tilespmem:v11+s28+$0x0] =	vst.idx.msk $0xffff, v10;
	v10 =	vadd.f32 v17, v12  }
0x5b: {  	v14 =	vshll.u32 v14, v1;
	v12 =	vmov s9;
	v17 =	vmov s11;
	s11 =	sadd.s32 $0x3, s9;
	v11 =	vld [tilespmem:s17+$0xFFFFFFC0]  }
0x5c: {  	v25 =	vmov s11;
	v22 =	vld [tilespmem:s8+$0xFFFFFFD0];
	v18 =	vadd.s32 v8, v18;
	[tilespmem:v20+s28+$0x0] =	vst.idx.msk $0xffff, v10;
	v10 =	vadd.f32 v23, v16  }
0x5d: {  	v14 =	vbroadcast v14, $0x0;
	v17 =	vshrl.u32 v17, $0x3;
	v16 =	vld [tilespmem:s17+$0xFFFFFFD0];
	v26 =	vadd.f32 v9, v24  }
0x5e: {  	v12 =	vshrl.u32 v12, $0x3;
	v17 =	vshll.u32 v17, v1;
	v23 =	vshrl.u32 v25, $0x3;
	v20 =	vld [tilespmem:s8+$0xFFFFFFE0];
	[tilespmem:v19+s28+$0x0] =	vst.idx.msk $0xffff, v10  }
0x5f: {  	s15 =	sadd.s32 $0x5, s9;
	s11 =	sadd.s32 $0x4, s9;
	v19 =	vadd.s32 v2, v14;
	v10 =	vbroadcast v17, $0x0;
	v24 =	vld [tilespmem:s17+$0xFFFFFFE0];
	v14 =	vadd.f32 v21, v15;
	[tilespmem:v13+s28+$0x0] =	vst.idx.msk $0xffff, v26  }
0x60: {  	v17 =	vmov s15;
	v13 =	vshll.u32 v23, v1;
	v15 =	vmov s11;
	v21 =	vld [tilespmem:s8+$0xFFFFFFF0];
	v9 =	vmovc v11  }
0x61: {  	v23 =	vadd.s32 v3, v10;
	v10 =	vbroadcast v13, $0x0;
	v11 =	vshrl.u32 v15, $0x3;
	v25 =	vld [tilespmem:s17+$0xFFFFFFF0];
	[tilespmem:v18+s28+$0x0] =	vst.idx.msk $0xffff, v14  }
.Ltmp2:
0x62: {  	v13 =	vshll.u32 v12, v1;
	v11 =	vshll.u32 v11, v1;
	v12 =	vadd.f32 v16, v22;
	v14 =	vld [tilespmem:s8+$0x0];
	(pc) =	sbr.rel @p2 .LBB2_3-.Ltmp2, $4  }
0x63: {  	s11 =	sadd.s32 $0x6, s9;
	s9 =	smov.u32 s10;
	v10 =	vadd.s32 v4, v10;
	v11 =	vbroadcast v11, $0x0;
	v16 =	vshrl.u32 v17, $0x3;
	v15 =	vld [tilespmem:s17+$0x0]  }
0x64: {  	v16 =	vshll.u32 v16, v1;
	[tilespmem:v19+s28+$0x0] =	vst.idx.msk $0xffff, v12;
	v18 =	vadd.f32 v24, v20;
	v12 =	vld [tilespmem:s8+$0x10];
	v19 =	vmov s11  }
0x65: {  	s11 =	sadd.s32 $0x1, s10;
	v11 =	vadd.s32 v5, v11;
	v20 =	vbroadcast v16, $0x0;
	v17 =	vld [tilespmem:s17+$0x10];
	v22 =	vshrl.u32 v19, $0x3  }
0x66: {  	s10 =	sadd.s32 $0x8, s10;
	v19 =	vmov s11;
	s11 =	sadd.s32 $0x7, s9;
	[tilespmem:v23+s28+$0x0] =	vst.idx.msk $0xffff, v18;
	v18 =	vadd.f32 v25, v21;
	v16 =	vld [tilespmem:s8+$0x20];
	v21 =	vshll.u32 v22, v1  }
0x67: {  	v22 =	vld [tilespmem:s17+$0x20]  }
0x68: {  	v23 =	vmov s11;
	v24 =	vld [tilespmem:s8+$0xFFFFFFC0];
	s8 =	sadd.s32 $0x80, s8  }
0x69: {  	v20 =	vadd.s32 v6, v20;
	v21 =	vbroadcast v21, $0x0;
	s10 =	sadd.s32 $0x80, s17;
	v13 =	vbroadcast v13, $0x0;
	v25 =	vld [tilespmem:s8+$0x30]  }
0x6a: {  	v19 =	vshrl.u32 v19, $0x3;
	s17 =	sadd.s32 $0x2, s9;
	s15 =	sadd.s32 $0x3, s9;
	v23 =	vshrl.u32 v23, $0x3;
	v14 =	vadd.f32 v15, v14;
	v26 =	vld [tilespmem:s10+$0xFFFFFFC0]  }
0x6b: {  	s16 =	sadd.s32 $0x5, s9;
	v27 =	vld [tilespmem:s8+$0xFFFFFFD0];
	v19 =	vshll.u32 v19, v1;
	v28 =	vmov s17;
	v29 =	vmov s15  }
0x6c: {  	v30 =	vld [tilespmem:s10+$0xFFFFFFD0];
	v33 =	vmov s16;
	v15 =	vshll.u32 v23, v1;
	v21 =	vadd.s32 v7, v21  }
0x6d: {  	v57 =	vld [tilespmem:s8+$0xFFFFFFE0];
	s15 =	sadd.s32 $0x4, s9;
	s17 =	sadd.s32 $0x6, s9;
	v13 =	vadd.s32 v0, v13;
	v19 =	vbroadcast v19, $0x0;
	v29 =	vshrl.u32 v29, $0x3  }
0x6e: {  	v58 =	vld [tilespmem:s10+$0xFFFFFFE0];
	v32 =	vmov s15;
	v62 =	vmov s17;
	v15 =	vbroadcast v15, $0x0  }
0x6f: {  	v31 =	vld [tilespmem:s8+$0xFFFFFFF0];
	[tilespmem:v10+s28+$0x0] =	vst.idx.msk $0xffff, v18;
	v12 =	vadd.f32 v17, v12;
	v17 =	vmov s9;
	v59 =	vshll.u32 v29, v1  }
0x70: {  	v60 =	vld [tilespmem:s10+$0xFFFFFFF0];
	v18 =	vshrl.u32 v32, $0x3;
	[tilespmem:v11+s28+$0x0] =	vst.idx.msk $0xffff, v14;
	v14 =	vshrl.u32 v33, $0x3;
	v17 =	vshrl.u32 v17, $0x3  }
0x71: {  	v34 =	vld [tilespmem:s8+$0x0];
	v19 =	vadd.s32 v2, v19;
	v10 =	vbroadcast v59, $0x0;
	v11 =	vshll.u32 v18, v1  }
0x72: {  	v23 =	vld [tilespmem:s10+$0x30];
	v15 =	vadd.s32 v8, v15;
	v16 =	vadd.f32 v22, v16;
	v22 =	vshrl.u32 v28, $0x3  }
0x73: {  	v18 =	vld [tilespmem:s8+$0x10];
	v9 =	vadd.f32 v9, v24;
	[tilespmem:v20+s28+$0x0] =	vst.idx.msk $0xffff, v12;
	v12 =	vshll.u32 v14, v1;
	v20 =	vshrl.u32 v62, $0x3  }
0x74: {  	v14 =	vld [tilespmem:s10+$0x10];
	v22 =	vshll.u32 v22, v1;
	v10 =	vadd.s32 v4, v10;
	v12 =	vbroadcast v12, $0x0;
	[tilespmem:v21+s28+$0x0] =	vst.idx.msk $0xffff, v16  }
0x75: {  	v20 =	vshll.u32 v20, v1;
	v22 =	vbroadcast v22, $0x0;
	v16 =	vld [tilespmem:s8+$0x20];
	[tilespmem:v13+s28+$0x0] =	vst.idx.msk $0xffff, v9;
	v9 =	vadd.f32 v30, v27  }
0x76: {  	v17 =	vshll.u32 v17, v1;
	v13 =	vld [tilespmem:s10+$0x20];
	v20 =	vbroadcast v20, $0x0;
	v12 =	vadd.s32 v6, v12  }
0x77: {  	v17 =	vbroadcast v17, $0x0;
	v21 =	vld [tilespmem:s8+$0xFFFFFFC0];
	v22 =	vadd.s32 v3, v22;
	[tilespmem:v19+s28+$0x0] =	vst.idx.msk $0xffff, v9;
	v9 =	vadd.f32 v60, v31  }
0x78: {  	v61 =	vld [tilespmem:s10+$0x0];
	v11 =	vbroadcast v11, $0x0;
	v23 =	vadd.f32 v23, v25;
	v19 =	vadd.s32 v7, v20  }
0x79: {  	v17 =	vadd.s32 v0, v17;
	[tilespmem:v10+s28+$0x0] =	vst.idx.msk $0xffff, v9;
	v9 =	vadd.f32 v14, v18  }
0x7a: {  	v11 =	vadd.s32 v5, v11;
	[tilespmem:v15+s28+$0x0] =	vst.idx.msk $0xffff, v23;
	v15 =	vadd.f32 v58, v57  }
0x7b: {  	s17 =	smul.u32 $0x640, s3;
	v10 =	vadd.f32 v13, v16;
	[tilespmem:v12+s28+$0x0] =	vst.idx.msk $0xffff, v9  }
0x7c: {  	v9 =	vadd.f32 v26, v21;
	[tilespmem:v22+s28+$0x0] =	vst.idx.msk $0xffff, v15  }
0x7d: {  	s10 =	sadd.s32 s4, s17;
	v15 =	vadd.f32 v61, v34;
	[tilespmem:v19+s28+$0x0] =	vst.idx.msk $0xffff, v10  }
0x7e: {  	s8 =	sshrl.u32 s10, $0x3;
	[tilespmem:v17+s28+$0x0] =	vst.idx.msk $0xffff, v9  }
0x7f: {  	p2 =	seq.s32 s3, $0x3;
	s8 =	sadd.s32 s7, s8;
	[tilespmem:v11+s28+$0x0] =	vst.idx.msk $0xffff, v15  }
0x80: {  	[hbm4b:s8+s19] =	stream.strided.scatter [tilespmem:s28], [sflag:$0x5], $0x3200, s29, s19, $0x38;
	[tilespmem:$0x1FBD0] =	vst v63  }
0x81: {  	s8 =	sadd.s32 @!p2 s17, s12  }
0x82: {  	s8 =	sshrl.u32 @!p2 s8, $0x3  }
0x83: {  	s10 =	simm.s32 @!p2 $0x0;
	s9 =	sadd.s32 @!p2 s5, s8  }
0x84: {  	[tilespmem:s10], [sflag:$0x1] =	stream.linear.gather @!p2 [hbm4b:s9+s10], $0x320, $0x38;
	[tilespmem:$0x1FBD0] =	vst v63  }
0x85: {  	s8 =	sadd.s32 @!p2 s6, s8;
	s9 =	simm.s32 @!p2 $0x640  }
0x86: {  	[tilespmem:s9], [sflag:$0x1] =	stream.linear.gather @!p2 [hbm4b:s8+s10], $0x320, $0x38;
	[tilespmem:$0x1FBD0] =	vst v63  }
0x87: {  	s8 =	simm.s32 @!p2 $0x1  }
0x88: {  	_ =	swait.ge @!p2 [sflag:s8], $0x320  }
0x89: {  	[sflag:s8] =	ssyncset.done @!p2 $0x0  }
0x8a: {  	[sflag:s8] =	ssyncadd.s32 @!p2 $0xFFFFFCE0  }
0x8b: {  	_ =	swait.ge @!p2 [sflag:s8], $0x320  }
0x8c: {  	[sflag:s8] =	ssyncset.done @!p2 $0x0  }
0x8d: {  	s11 =	simm.s32 @!p2 $0xC80;
	[sflag:s8] =	ssyncadd.s32 @!p2 $0xFFFFFCE0;
	s8 =	simm.s32 @!p2 $0x320  }
0x8e: {  	[tilespmem:s11], [sflag:$0x3] =	stream.indirect.gather @!p2 [spmem:s1], $0x10, s10, s8, $0xb8;
	[tilespmem:$0x1FBD0] =	vst v63  }
0x8f: {  	s10 =	simm.s32 @!p2 $0x7080  }
0x90: {  	[tilespmem:s10], [sflag:$0x3] =	stream.indirect.gather @!p2 [spmem:s1], $0x10, s9, s8, $0xb8;
	[tilespmem:$0x1FBD0] =	vst v63  }
0x91: {  	_ =	swait.ge [sflag:s30], $0x3200  }
0x92: {  	[sflag:s30] =	ssyncset.done $0x0  }
0x93: {  	[sflag:s30] =	ssyncadd.s32 $0xFFFFCE00  }
0x94: {  	_ =	swait.ge [sflag:s30], $0x3200  }
0x95: {  	[sflag:s30] =	ssyncset.done $0x0  }
0x96: {  	s8 =	simm.s32 @!p1 $0x6;
	[sflag:s30] =	ssyncadd.s32 $0xFFFFCE00  }
0x97: {  	_ =	swait.ge @!p1 [sflag:s8], $0x3200  }
0x98: {  	s11 =	simm.s32 $0x7;
	[sflag:s8] =	ssyncset.done @!p1 $0x0  }
0x99: {  	v9 =	vmov s11;
	s9 =	simm.s32 $0x3EC0;
	[sflag:s8] =	ssyncadd.s32 @!p1 $0xFFFFCE00  }
0x9a: {  	s15 =	simm.s32 $0x1;
	v9 =	vshrl.u32 v9, $0x3;
	s8 =	simm.s32 $0xA2C0;
	v10 =	vld [tilespmem:s9+$0x30]  }
0x9b: {  	s16 =	simm.s32 $0x0;
	v11 =	vmov s15;
	v9 =	vshll.u32 v9, v1;
	v12 =	vld [tilespmem:s8+$0x30]  }
0x9c: {  	v14 =	vmov s16;
	s16 =	simm.s32 $0x3;
	s15 =	simm.s32 $0x2;
	v11 =	vshrl.u32 v11, $0x3;
	v13 =	vbroadcast v9, $0x0;
	v9 =	vld [tilespmem:s8+$0xFFFFFFC0]  }
0x9d: {  	v17 =	vmov s16;
	v15 =	vmov s15;
	v11 =	vshll.u32 v11, v1;
	v16 =	vld [tilespmem:s9+$0xFFFFFFD0]  }
0x9e: {  	s16 =	simm.s32 $0x5;
	v11 =	vbroadcast v11, $0x0;
	v18 =	vadd.s32 v8, v13;
	v13 =	vshrl.u32 v15, $0x3;
	v19 =	vld [tilespmem:s8+$0xFFFFFFD0]  }
0x9f: {  	v14 =	vshrl.u32 v14, $0x3;
	v22 =	vmov s16;
	v13 =	vshll.u32 v13, v1;
	v20 =	vld [tilespmem:s9+$0xFFFFFFE0]  }
0xa0: {  	s15 =	simm.s32 $0x4;
	v11 =	vadd.s32 v2, v11;
	v15 =	vshrl.u32 v17, $0x3;
	v13 =	vbroadcast v13, $0x0;
	v17 =	vld [tilespmem:s8+$0xFFFFFFE0]  }
0xa1: {  	v21 =	vld [tilespmem:s9+$0xFFFFFFF0];
	v12 =	vadd.f32 v12, v10;
	v10 =	vshll.u32 v15, v1;
	v15 =	vmov s15  }
0xa2: {  	v23 =	vadd.s32 v3, v13;
	v63 =	vld [tilespmem:s8+$0xFFFFFFF0];
	v10 =	vbroadcast v10, $0x0;
	v15 =	vshrl.u32 v15, $0x3  }
0xa3: {  	v13 =	vshll.u32 v14, v1;
	v14 =	vld [tilespmem:s9+$0x0];
	v16 =	vadd.f32 v19, v16;
	v19 =	vshll.u32 v15, v1  }
0xa4: {  	v22 =	vshrl.u32 v22, $0x3;
	s15 =	simm.s32 $0x6;
	v15 =	vld [tilespmem:s8+$0x0];
	v10 =	vadd.s32 v4, v10;
	v19 =	vbroadcast v19, $0x0  }
0xa5: {  	[tilespmem:v18+s31+$0x0] =	vst.idx.msk $0xffff, v12;
	v18 =	vadd.f32 v17, v20;
	v12 =	vld [tilespmem:s9+$0x10];
	v20 =	vshll.u32 v22, v1;
	v22 =	vmov s15  }
0xa6: {  	s16 =	simm.s32 $0x9;
	[tilespmem:v11+s31+$0x0] =	vst.idx.msk $0xffff, v16;
	v17 =	vld [tilespmem:s8+$0x10];
	v20 =	vbroadcast v20, $0x0;
	v22 =	vshrl.u32 v22, $0x3;
	v11 =	vadd.s32 v5, v19  }
0xa7: {  	s11 =	simm.s32 $0x10;
	s10 =	simm.s32 $0x8;
	s15 =	simm.s32 $0xF;
	v16 =	vld [tilespmem:s9+$0x20];
	[tilespmem:v23+s31+$0x0] =	vst.idx.msk $0xffff, v18;
	v18 =	vadd.f32 v63, v21;
	v21 =	vshll.u32 v22, v1;
	v19 =	vmov s16  }
.LBB2_5:
0xa8: {  	p1 =	slt.u32 s11, $0x318;
	v22 =	vmov s15;
	v20 =	vadd.s32 v6, v20;
	v23 =	vld [tilespmem:s8+$0x20];
	v21 =	vbroadcast v21, $0x0  }
0xa9: {  	v13 =	vbroadcast v13, $0x0;
	v22 =	vshrl.u32 v22, $0x3;
	v24 =	vld [tilespmem:s9+$0xFFFFFFC0];
	[tilespmem:v10+s31+$0x0] =	vst.idx.msk $0xffff, v18;
	v10 =	vadd.f32 v15, v14;
	s9 =	sadd.s32 $0x80, s9  }
0xaa: {  	s8 =	sadd.s32 $0x80, s8;
	v14 =	vshrl.u32 v19, $0x3;
	v15 =	vld [tilespmem:s9+$0x30];
	v18 =	vshll.u32 v22, v1;
	v19 =	vadd.s32 v7, v21  }
0xab: {  	s15 =	sadd.s32 $0x2, s10;
	v13 =	vadd.s32 v0, v13;
	v21 =	vld [tilespmem:s8+$0x30];
	v18 =	vbroadcast v18, $0x0;
	[tilespmem:v11+s31+$0x0] =	vst.idx.msk $0xffff, v10;
	v10 =	vadd.f32 v17, v12  }
0xac: {  	v14 =	vshll.u32 v14, v1;
	v12 =	vmov s10;
	v17 =	vmov s15;
	s15 =	sadd.s32 $0x3, s10;
	v11 =	vld [tilespmem:s8+$0xFFFFFFC0]  }
0xad: {  	v25 =	vmov s15;
	v22 =	vld [tilespmem:s9+$0xFFFFFFD0];
	v18 =	vadd.s32 v8, v18;
	[tilespmem:v20+s31+$0x0] =	vst.idx.msk $0xffff, v10;
	v10 =	vadd.f32 v23, v16  }
0xae: {  	v14 =	vbroadcast v14, $0x0;
	v17 =	vshrl.u32 v17, $0x3;
	v16 =	vld [tilespmem:s8+$0xFFFFFFD0];
	v26 =	vadd.f32 v9, v24  }
0xaf: {  	v12 =	vshrl.u32 v12, $0x3;
	v17 =	vshll.u32 v17, v1;
	v23 =	vshrl.u32 v25, $0x3;
	v20 =	vld [tilespmem:s9+$0xFFFFFFE0];
	[tilespmem:v19+s31+$0x0] =	vst.idx.msk $0xffff, v10  }
0xb0: {  	s16 =	sadd.s32 $0x5, s10;
	s15 =	sadd.s32 $0x4, s10;
	v19 =	vadd.s32 v2, v14;
	v10 =	vbroadcast v17, $0x0;
	v24 =	vld [tilespmem:s8+$0xFFFFFFE0];
	v14 =	vadd.f32 v21, v15;
	[tilespmem:v13+s31+$0x0] =	vst.idx.msk $0xffff, v26  }
0xb1: {  	v17 =	vmov s16;
	v13 =	vshll.u32 v23, v1;
	v15 =	vmov s15;
	v21 =	vld [tilespmem:s9+$0xFFFFFFF0];
	v9 =	vmovc v11  }
0xb2: {  	v23 =	vadd.s32 v3, v10;
	v10 =	vbroadcast v13, $0x0;
	v11 =	vshrl.u32 v15, $0x3;
	v25 =	vld [tilespmem:s8+$0xFFFFFFF0];
	[tilespmem:v18+s31+$0x0] =	vst.idx.msk $0xffff, v14  }
.Ltmp3:
0xb3: {  	v13 =	vshll.u32 v12, v1;
	v11 =	vshll.u32 v11, v1;
	v12 =	vadd.f32 v16, v22;
	v14 =	vld [tilespmem:s9+$0x0];
	(pc) =	sbr.rel @p1 .LBB2_5-.Ltmp3, $4  }
0xb4: {  	s15 =	sadd.s32 $0x6, s10;
	s10 =	smov.u32 s11;
	v10 =	vadd.s32 v4, v10;
	v11 =	vbroadcast v11, $0x0;
	v16 =	vshrl.u32 v17, $0x3;
	v15 =	vld [tilespmem:s8+$0x0]  }
0xb5: {  	v16 =	vshll.u32 v16, v1;
	[tilespmem:v19+s31+$0x0] =	vst.idx.msk $0xffff, v12;
	v18 =	vadd.f32 v24, v20;
	v12 =	vld [tilespmem:s9+$0x10];
	v19 =	vmov s15  }
0xb6: {  	s15 =	sadd.s32 $0x1, s11;
	v11 =	vadd.s32 v5, v11;
	v20 =	vbroadcast v16, $0x0;
	v17 =	vld [tilespmem:s8+$0x10];
	v22 =	vshrl.u32 v19, $0x3  }
0xb7: {  	s11 =	sadd.s32 $0x8, s11;
	v19 =	vmov s15;
	s15 =	sadd.s32 $0x7, s10;
	[tilespmem:v23+s31+$0x0] =	vst.idx.msk $0xffff, v18;
	v18 =	vadd.f32 v25, v21;
	v16 =	vld [tilespmem:s9+$0x20];
	v21 =	vshll.u32 v22, v1  }
0xb8: {  	v22 =	vld [tilespmem:s8+$0x20]  }
0xb9: {  	v23 =	vmov s15;
	v24 =	vld [tilespmem:s9+$0xFFFFFFC0];
	s9 =	sadd.s32 $0x80, s9  }
0xba: {  	v20 =	vadd.s32 v6, v20;
	v21 =	vbroadcast v21, $0x0;
	s8 =	sadd.s32 $0x80, s8;
	v13 =	vbroadcast v13, $0x0;
	v25 =	vld [tilespmem:s9+$0x30]  }
0xbb: {  	v19 =	vshrl.u32 v19, $0x3;
	s11 =	sadd.s32 $0x2, s10;
	v44 =	vmov s10;
	v23 =	vshrl.u32 v23, $0x3;
	v43 =	vld [tilespmem:s8+$0x30]  }
0xbc: {  	s16 =	sadd.s32 $0x3, s10;
	s15 =	sadd.s32 $0x4, s10;
	v14 =	vadd.f32 v15, v14;
	v26 =	vld [tilespmem:s8+$0xFFFFFFC0];
	v19 =	vshll.u32 v19, v1;
	v28 =	vmov s11  }
0xbd: {  	v27 =	vld [tilespmem:s9+$0xFFFFFFD0];
	v29 =	vmov s16;
	v32 =	vmov s15;
	v42 =	vshll.u32 v23, v1  }
0xbe: {  	v30 =	vld [tilespmem:s8+$0xFFFFFFD0];
	s16 =	sadd.s32 $0x5, s10;
	v21 =	vadd.s32 v7, v21;
	v13 =	vadd.s32 v0, v13;
	v45 =	vshrl.u32 v28, $0x3  }
0xbf: {  	v46 =	vld [tilespmem:s9+$0xFFFFFFE0];
	s15 =	sadd.s32 $0x6, s10;
	v19 =	vbroadcast v19, $0x0;
	v29 =	vshrl.u32 v29, $0x3;
	v33 =	vmov s16  }
0xc0: {  	v47 =	vld [tilespmem:s8+$0xFFFFFFE0];
	v50 =	vshrl.u32 v32, $0x3;
	v54 =	vmov s15;
	v15 =	vbroadcast v42, $0x0  }
0xc1: {  	v31 =	vld [tilespmem:s9+$0xFFFFFFF0];
	v12 =	vadd.f32 v17, v12;
	v17 =	vshrl.u32 v44, $0x3;
	v48 =	vshll.u32 v29, v1  }
0xc2: {  	v49 =	vld [tilespmem:s8+$0xFFFFFFF0];
	[tilespmem:v11+s31+$0x0] =	vst.idx.msk $0xffff, v14;
	v11 =	vshll.u32 v50, v1;
	v52 =	vshrl.u32 v33, $0x3;
	v57 =	vshrl.u32 v54, $0x3  }
0xc3: {  	v34 =	vld [tilespmem:s9+$0x0];
	[tilespmem:v10+s31+$0x0] =	vst.idx.msk $0xffff, v18;
	v19 =	vadd.s32 v2, v19;
	v10 =	vbroadcast v48, $0x0;
	v17 =	vshll.u32 v17, v1  }
0xc4: {  	v51 =	vld [tilespmem:s8+$0x0];
	v11 =	vbroadcast v11, $0x0;
	v55 =	vshll.u32 v52, v1;
	v15 =	vadd.s32 v8, v15  }
0xc5: {  	v53 =	vld [tilespmem:s9+$0x10];
	v16 =	vadd.f32 v22, v16;
	v9 =	vadd.f32 v9, v24;
	v22 =	vshll.u32 v45, v1  }
0xc6: {  	v56 =	vld [tilespmem:s8+$0x10];
	[tilespmem:v20+s31+$0x0] =	vst.idx.msk $0xffff, v12;
	v20 =	vshll.u32 v57, v1;
	v22 =	vbroadcast v22, $0x0;
	v10 =	vadd.s32 v4, v10  }
0xc7: {  	v58 =	vld [tilespmem:s9+$0x20];
	v12 =	vbroadcast v55, $0x0;
	v11 =	vadd.s32 v5, v11;
	[tilespmem:v13+s31+$0x0] =	vst.idx.msk $0xffff, v9;
	v9 =	vadd.f32 v30, v27  }
0xc8: {  	v59 =	vld [tilespmem:s8+$0x20];
	v23 =	vadd.f32 v43, v25;
	v20 =	vbroadcast v20, $0x0;
	[tilespmem:v21+s31+$0x0] =	vst.idx.msk $0xffff, v16;
	v22 =	vadd.s32 v3, v22  }
0xc9: {  	v61 =	vld [tilespmem:s9+$0xFFFFFFC0];
	v17 =	vbroadcast v17, $0x0;
	v12 =	vadd.s32 v6, v12;
	[tilespmem:v19+s31+$0x0] =	vst.idx.msk $0xffff, v9;
	v9 =	vadd.f32 v49, v31  }
0xca: {  	v63 =	vadd.f32 v51, v34;
	v62 =	vadd.s32 v7, v20;
	[tilespmem:v15+s31+$0x0] =	vst.idx.msk $0xffff, v23  }
0xcb: {  	v60 =	vadd.f32 v47, v46;
	v17 =	vadd.s32 v0, v17;
	[tilespmem:v10+s31+$0x0] =	vst.idx.msk $0xffff, v9  }
0xcc: {  	v9 =	vadd.f32 v56, v53;
	[tilespmem:v11+s31+$0x0] =	vst.idx.msk $0xffff, v63  }
.Ltmp4:
0xcd: {  	v10 =	vadd.f32 v59, v58;
	[tilespmem:v22+s31+$0x0] =	vst.idx.msk $0xffff, v60;
	(pc) =	sbr.rel @p2 .LBB2_8-.Ltmp4, $4  }
0xce: {  	s16 =	sadd.s32 s17, s13;
	[tilespmem:v12+s31+$0x0] =	vst.idx.msk $0xffff, v9;
	v9 =	vadd.f32 v26, v61  }
0xcf: {  	s8 =	sshrl.u32 s16, $0x3;
	[tilespmem:v62+s31+$0x0] =	vst.idx.msk $0xffff, v10  }
0xd0: {  	s8 =	sadd.s32 s7, s8;
	[tilespmem:v17+s31+$0x0] =	vst.idx.msk $0xffff, v9  }
0xd1: {  	[hbm4b:s8+s19] =	stream.strided.scatter [tilespmem:s31], [sflag:$0x6], $0x3200, s29, s19, $0x38;
	[tilespmem:$0x1FBD0] =	vst v63  }
0xd2: {  	s8 =	sadd.s32 s17, s14  }
.Ltmp5:
0xd3: {  	s8 =	sshrl.u32 s8, $0x3;
	(pc) =	sbr.rel .LBB2_2-.Ltmp5, $4  }
0xd4: {  	s9 =	sadd.s32 s5, s8  }
0xd5: {  	[tilespmem:s19], [sflag:$0x2] =	stream.linear.gather [hbm4b:s9+s2], $0x320, $0x38;
	[tilespmem:$0x1FBD0] =	vst v63  }
0xd6: {  	s3 =	sadd.s32 $0x1, s3;
	s8 =	sadd.s32 s6, s8  }
0xd7: {  	[tilespmem:s22], [sflag:$0x2] =	stream.linear.gather [hbm4b:s8+s2], $0x320, $0x38;
	[tilespmem:$0x1FBD0] =	vst v63  }
.LBB2_9:
0xd8: {  	_ =	sfence.sel $0x180000  }
0xd9: {  	[bflag:$0x0] =	sbarrier.arrive $0xFFFF  }
0xda: {  	_ =	strace $0x90000050  }
0xdb: {  	[bflag:$0x2] =	sbarrier.arrive $0xFFFF  }
0xdc: {  	s0 =	rddreg [dreg:$0x2]  }
0xdd: {  	s0 =	sadd.s32 @!p0 $0x100000, s0  }
0xde: {  	[sflag:s0] =	ssyncadd.tile.s32 @!p0 $0x1;
	_ =	shalt  }
.Lfunc_end2:
_tile_overlayer_lowered:
.L_overlay_start_2:
0xdf: {  	(tag) =	ssettag $0x2  }
0xe0: {  	s0 =	rddreg [dreg:$0x0];
	s2 =	stileid.u32  }
0xe1: {  	s1 =	rddreg [dreg:$0x1];
	p0 =	sne.s32 s2, $0x0  }
0xe2: {  	s3 =	rddreg [dreg:$0x2];
	[bflag:$0x3] =	sbarrier.arrive $0xFFFF;
	s2 =	simm.s32 @!p0 $0x1C07  }
0xe3: {  	[timem:s3], [sflag:s2] =	dma.local @!p0 [hbm:s0], s1  }
0xe4: {  	s0 =	simm.s32 @!p0 $0x7  }
0xe5: {  	_ =	swait.ge @!p0 [sflag:s0], s1  }
0xe6: {  	s1 =	ssub.s32 @!p0 $0x0, s1;
	[sflag:s0] =	ssyncset.done @!p0 $0x0  }
0xe7: {  	[sflag:s0] =	ssyncadd.s32 @!p0 s1  }
0xe8: {  	[bflag:$0x3] =	sbarrier.arrive $0xFFFF  }
0xe9: {  	_ =	shalt  }

</sc_bundles>
